<compile_context>
chip_gen: v7x
topology: tpu7x:2x2x1
jax: 0.10.2.dev20260603
libtpu: 0.0.44.dev20260713+nightly
codegen_flags: <defaults>
</compile_context>

<pallas_src>
import functools

import jax
import jax.numpy as jnp
import numpy as np
from jax import lax
from jax.experimental import pallas as pl
from jax.experimental.pallas import tpu as pltpu
from jax.experimental.pallas import tpu_sc as plsc

N = 10000
NP = 10240
E = 160000
EP = 163840
TN = 512
GRID = NP // TN
NEG = 0.2
NC, NS = 2, 16

_PAIRS = [(g, hv) for g in range(4) for hv in range(4)]


def _signs() -> np.ndarray:
    s = np.ones((4, 128), np.float32)
    for t in range(4):
        if t & 1:
            s[t, 0] = s[t, 2] = -1.0
        if t & 2:
            s[t, 1] = s[t, 3] = -1.0
    return s


def _h_blocks_sub(x_ref, wt_ref, wb_ref, pairs):
    xs = [x_ref[v] for v in range(4)]
    zt, zb = {}, {}
    hs = []
    for (g, hv) in pairs:
        kt = (hv, g ^ hv)
        if kt not in zt:
            zt[kt] = jnp.dot(xs[kt[0]], wt_ref[kt[1]],
                             preferred_element_type=jnp.float32)
        kb = (g ^ hv, hv)
        if kb not in zb:
            zb[kb] = jnp.dot(xs[kb[0]], wb_ref[kb[1]],
                             preferred_element_type=jnp.float32)
        hs.append(zt[kt] + zb[kb])
    return hs


def _mk_ab_half(H):
    pairs = [_PAIRS[8 * H + k] for k in range(8)]

    def _ab_body(x_ref, wt_ref, wb_ref, att_ref, pay_ref, p_ref, q_ref):
        hs = _h_blocks_sub(x_ref, wt_ref, wb_ref, pairs)
        att_s = att_ref[0]
        att_d = att_ref[1]
        for k in range(8):
            ai = jnp.where(hs[k] > 0, hs[k], NEG * hs[k])
            pk = jnp.exp(jnp.sum(ai * att_s[None, :], axis=1))
            p_ref[k, :] = pk
            q_ref[k, :] = jnp.exp(jnp.sum(ai * att_d[None, :], axis=1))
            pay_ref[k] = pk[:, None] * hs[k]

    return _ab_body


def _combine_half_body(agg_ref, pay_ref, qs_ref, bias_ref, out_ref):
    for gl in range(2):
        acc = None
        for hv in range(4):
            k = gl * 4 + hv
            c = qs_ref[k][:, None] * (agg_ref[k] + pay_ref[k])
            acc = c if acc is None else acc + c
        out_ref[gl] = acc + bias_ref[0][None, :]


_MESH = plsc.VectorSubcoreMesh(core_axis_name="c", subcore_axis_name="s",
                               num_cores=NC, num_subcores=NS)


def _pipeline(pay_hbm, acc, sidx, didx, st0, st1, semg0, semg1, sems0, sems1,
              nch):
    stages = (st0, st1)
    semg = (semg0, semg1)
    sems = (sems0, sems1)

    def body(j, b, issue):
        pltpu.make_async_copy(pay_hbm.at[sidx.at[j]], stages[b],
                              semg[b]).wait()
        pltpu.sync_copy(stages[b], acc.at[didx.at[j]], add=True)
        if issue:
            pltpu.async_copy(pay_hbm.at[sidx.at[j + 2]], stages[b], semg[b])

    pltpu.async_copy(pay_hbm.at[sidx.at[0]], st0, semg0)
    pltpu.async_copy(pay_hbm.at[sidx.at[1]], st1, semg1)

    @pl.loop(0, (nch - 2) // 2)
    def _main(o):
        for b in range(2):
            body(o * 2 + b, b, True)

    for b in range(2):
        body(nch - 2 + b, b, False)


def _zero_acc_slice(acc, st0, w):
    zv = jnp.zeros((16,), jnp.float32)

    @pl.loop(0, 128)
    def _zt(i):
        for cc in range(8):
            st0[i, pl.ds(cc * 16, 16)] = zv

    @pl.loop(0, 5)
    def _za(k):
        pltpu.sync_copy(st0, acc.at[pl.ds(w * 640 + k * 128, 128)])


_SCRATCH_F32 = [
    pltpu.VMEM_SHARED((NP, 128), jnp.float32),
    pltpu.VMEM((40, 128), jnp.int32),
    pltpu.VMEM((40, 128), jnp.int32),
    pltpu.VMEM((128, 128), jnp.float32),
    pltpu.VMEM((128, 128), jnp.float32),
    pltpu.SemaphoreType.DMA,
    pltpu.SemaphoreType.DMA,
    pltpu.SemaphoreType.DMA,
    pltpu.SemaphoreType.DMA,
]


@functools.partial(
    pl.kernel,
    out_type=jax.ShapeDtypeStruct((8, NP, 128), jnp.float32),
    mesh=_MESH,
    scratch_types=_SCRATCH_F32,
)
def _agg_call(src_hbm, dst_hbm, pay_hbm, out_hbm,
              acc, sidx, didx, st0, st1, semg0, semg1, sems0, sems1):
    c = lax.axis_index("c")
    w = lax.axis_index("s")

    @pl.loop(0, 4)
    def _pairs(l):
        t = l * 2 + c
        _zero_acc_slice(acc, st0, w)
        plsc.subcore_barrier()
        for ph in range(2):
            row0 = w * 80 + ph * 40
            pltpu.sync_copy(src_hbm.at[t, pl.ds(row0, 40)], sidx)
            pltpu.sync_copy(dst_hbm.at[pl.ds(row0, 40)], didx)
            _pipeline(pay_hbm, acc, sidx, didx, st0, st1,
                      semg0, semg1, sems0, sems1, 40)
        plsc.subcore_barrier()

        @pl.loop(0, 5)
        def _wo(k):
            pltpu.sync_copy(acc.at[pl.ds(w * 640 + k * 128, 128)], st0)
            pltpu.sync_copy(st0, out_hbm.at[t, pl.ds(w * 640 + k * 128, 128)])

        plsc.subcore_barrier()


@functools.partial(
    pl.kernel,
    out_type=jax.ShapeDtypeStruct((NC, NP, 128), jnp.float32),
    mesh=_MESH,
    scratch_types=_SCRATCH_F32,
)
def _aggp_call(srcp_hbm, dst_hbm, payp_hbm, outp_hbm,
               acc, sidx, didx, st0, st1, semg0, semg1, sems0, sems1):
    c = lax.axis_index("c")
    w = lax.axis_index("s")
    _zero_acc_slice(acc, st0, w)
    plsc.subcore_barrier()
    prow = (c * NS + w) * 40
    pltpu.sync_copy(srcp_hbm.at[pl.ds(prow, 40)], sidx)
    pltpu.sync_copy(dst_hbm.at[pl.ds(prow, 40)], didx)
    _pipeline(payp_hbm, acc, sidx, didx, st0, st1,
              semg0, semg1, sems0, sems1, 40)
    plsc.subcore_barrier()

    @pl.loop(0, 5)
    def _wo(k):
        pltpu.sync_copy(acc.at[pl.ds(w * 640 + k * 128, 128)], st0)
        pltpu.sync_copy(st0, outp_hbm.at[c, pl.ds(w * 640 + k * 128, 128)])


def kernel(x, edge_index, W, att, bias):
    f32 = jnp.float32
    signs = jnp.asarray(_signs())
    Wt = signs[:, :, None] * W[None, :128, :]
    Wb = signs[:, :, None] * W[None, 128:, :]
    att_sd = att.reshape(2, 128).astype(f32)

    xp = jnp.pad(x[0].astype(f32), ((0, 0), (0, NP - N), (0, 0)))

    x_spec = pl.BlockSpec((4, TN, 128), lambda i: (0, i, 0))
    w_spec = pl.BlockSpec((4, 128, 128), lambda i: (0, 0, 0))
    att_spec = pl.BlockSpec((2, 128), lambda i: (0, 0))
    p8_spec = pl.BlockSpec((8, TN), lambda i: (0, i))
    pay_spec = pl.BlockSpec((8, TN, 128), lambda i: (0, i, 0))
    pays, ps, qs_ = [], [], []
    for H in range(2):
        payh, ph, qh = pl.pallas_call(
            _mk_ab_half(H),
            grid=(GRID,),
            in_specs=[x_spec, w_spec, w_spec, att_spec],
            out_specs=[pay_spec, p8_spec, p8_spec],
            out_shape=[jax.ShapeDtypeStruct((8, NP, 128), f32),
                       jax.ShapeDtypeStruct((8, NP), f32),
                       jax.ShapeDtypeStruct((8, NP), f32)],
        )(xp, Wt, Wb, att_sd)
        pays.append(payh)
        ps.append(ph)
        qs_.append(qh)
    p = jnp.concatenate(ps, axis=0)
    q = jnp.concatenate(qs_, axis=0)

    pay_p = jnp.pad(p.T, ((0, 0), (0, 112)))

    src = edge_index[0].astype(jnp.int32)
    dst = edge_index[1].astype(jnp.int32)
    npad = EP - E
    ar = jnp.arange(npad, dtype=jnp.int32)
    pad_src = (ar * 37) % N
    pad_dst = N + (ar % (NP - N))
    src_pad = jnp.concatenate([src, pad_src])
    dst_pad = jnp.concatenate([dst, pad_dst])
    dst_idx = dst_pad.reshape(1280, 128)
    offs = (jnp.arange(8, dtype=jnp.int32) * NP)[:, None]
    src_idx_8 = (src_pad[None, :] + offs).reshape(8, 1280, 128)
    src_idx_p = src_pad.reshape(1280, 128)

    aggp2 = _aggp_call(src_idx_p, dst_idx, pay_p)
    aggp = (aggp2[0] + aggp2[1])[:, :16].T
    Z = jnp.sum(q[:, :N] * (aggp[:, :N] + p[:, :N]), axis=1)
    qs = q / (4.0 * Z[:, None])

    bias_spec = pl.BlockSpec((1, 128), lambda i: (0, 0))
    out_spec = pl.BlockSpec((2, TN, 128), lambda i: (0, i, 0))
    bias2 = bias.reshape(1, 128).astype(f32)
    outs = []
    for H in range(2):
        payh = pays[H]
        aggh = _agg_call(src_idx_8, dst_idx, payh.reshape(8 * NP, 128))
        outs.append(pl.pallas_call(
            _combine_half_body,
            grid=(GRID,),
            in_specs=[pay_spec, pay_spec, p8_spec, bias_spec],
            out_specs=out_spec,
            out_shape=jax.ShapeDtypeStruct((2, NP, 128), f32),
        )(aggh, payh, qs[8 * H:8 * H + 8], bias2))

    outp = jnp.concatenate(outs, axis=0)
    return outp[None, :, :N, :]

# --- scband reference (transcript-rebuilt; emitter-appended) ---
"""Pipeline reference for scband-d2-group-convolution-layer-54322746360397 (READ-ONLY COPY).

The authoritative reference and input builder live on the scoring server;
editing this copy changes nothing except your own understanding.
"""

import jax, jax.numpy as jnp
import numpy as np

IN_FEATURES = 128
OUT_FEATURES = 128
HEADS = 1
NEG_SLOPE = 0.2
EQ_IDX = (0, 1, 2, 3)
N_NODES = 10000
N_EDGES = 160000
B = 1


def _align_sign(from_view, to_view):
    # D2 group: view ids {0:id, 1:h, 2:v, 3:hv}; composition/inverse via XOR.
    # Aligning features from `from_view` to `to_view` applies element t = from ^ to,
    # which flips sign of equivariant coords: bit0 -> (x, vx) = EQ_IDX[0], EQ_IDX[2];
    # bit1 -> (y, vy) = EQ_IDX[1], EQ_IDX[3]. Invariant features untouched.
    t = from_view ^ to_view
    sign = np.ones((IN_FEATURES,), dtype=np.float32)
    if t & 1:
        sign[EQ_IDX[0]] = -1.0
        sign[EQ_IDX[2]] = -1.0
    if t & 2:
        sign[EQ_IDX[1]] = -1.0
        sign[EQ_IDX[3]] = -1.0
    return jnp.asarray(sign)


def _shared_gnn(xcat, edge_index, W, att):
    # SharedGATv2Layer forward (bias=False inside group conv).
    Bv, N, _ = xcat.shape
    h = xcat @ W                                  # [B, N, heads*out]
    h = h.reshape(Bv, N, HEADS, OUT_FEATURES)
    loop = jnp.arange(N, dtype=edge_index.dtype)  # add self loops
    src = jnp.concatenate([edge_index[0], loop])
    dst = jnp.concatenate([edge_index[1], loop])
    h_src = h[:, src]                             # gather [B, E', heads, out]
    h_dst = h[:, dst]
    h_cat = jnp.concatenate([h_src, h_dst], axis=-1)
    att_input = jax.nn.leaky_relu(h_cat, negative_slope=NEG_SLOPE)
    att_scores = (att * att_input).sum(axis=-1)   # [B, E', heads]
    # NOTE: source code applies softmax over the full edge dimension (dim=1), not per-dst.
    att_weights = jax.nn.softmax(att_scores, axis=1)
    weighted = h_src * att_weights[..., None]
    out = jnp.zeros_like(h).at[:, dst].add(weighted)  # scatter-add == per-edge loop in torch
    return out.reshape(Bv, N, HEADS * OUT_FEATURES)


def setup_inputs(seed: int = 0) -> dict:
    key = jax.random.key(seed)
    k1, k2, k3, k4 = jax.random.split(key, 4)
    x = jax.random.normal(k1, (B, 4, N_NODES, IN_FEATURES), dtype=jnp.float32)
    edge_index = jax.random.randint(k2, (2, N_EDGES), 0, N_NODES, dtype=jnp.int32)
    # SharedGATv2 params: W: Linear(2*in -> heads*out, no bias), att: [1, heads, 2*out]
    W = jax.random.normal(k3, (2 * IN_FEATURES, HEADS * OUT_FEATURES), dtype=jnp.float32) * (1.0 / np.sqrt(2 * IN_FEATURES))
    att = jax.random.normal(k4, (1, HEADS, 2 * OUT_FEATURES), dtype=jnp.float32) * 0.1
    bias = jnp.zeros((OUT_FEATURES,), dtype=jnp.float32)  # outer layer bias, init 0
    return {"x": x, "edge_index": edge_index, "W": W, "att": att, "bias": bias}


def reference(x, edge_index, W, att, bias):
    # D2GroupConvolutionLayer forward: H_g = (1/|G|) sum_h g_G(H_h || H_{g^-1 h})
    Bv, V, N, _ = x.shape
    outs = []
    for g in range(4):
        acc = jnp.zeros((Bv, N, HEADS * OUT_FEATURES), dtype=x.dtype)
        for hv in range(4):
            gih = g ^ hv  # g^{-1} h; every D2 element is its own inverse
            hf = x[:, hv] * _align_sign(hv, g)
            gf = x[:, gih] * _align_sign(gih, g)
            cat = jnp.concatenate([hf, gf], axis=-1)
            acc = acc + _shared_gnn(cat, edge_index, W, att)
        outs.append(acc / 4.0)
    out = jnp.stack(outs, axis=1)  # [B, 4, N, out_features]
    return out + bias

if __name__ == "__main__":
    import jax
    _d = setup_inputs()
    print(jax.jit(kernel)(*tuple(_d.values())))

</pallas_src>

<mosaic_0001>
#map = affine_map<(d0, d1) -> (0, 0, 0)>
#map1 = affine_map<(d0, d1) -> (0, 0)>
module attributes {stable_mosaic.version = 14 : i64} {
  func.func @_agg_call(%arg0: i32, %arg1: i32, %arg2: memref<8x1280x128xi32, #tpu.memory_space<hbm>>, %arg3: memref<1280x128xi32, #tpu.memory_space<hbm>>, %arg4: memref<81920x128xf32, #tpu.memory_space<hbm>>, %arg5: memref<8x10240x128xf32, #tpu.memory_space<hbm>>, %arg6: memref<10240x128xf32, #tpu.memory_space<vmem_shared>>, %arg7: memref<40x128xi32, #tpu.memory_space<vmem>>, %arg8: memref<40x128xi32, #tpu.memory_space<vmem>>, %arg9: memref<128x128xf32, #tpu.memory_space<vmem>>, %arg10: memref<128x128xf32, #tpu.memory_space<vmem>>, %arg11: memref<!tpu.dma_semaphore, #tpu.memory_space<semaphore_mem>>, %arg12: memref<!tpu.dma_semaphore, #tpu.memory_space<semaphore_mem>>, %arg13: memref<!tpu.dma_semaphore, #tpu.memory_space<semaphore_mem>>, %arg14: memref<!tpu.dma_semaphore, #tpu.memory_space<semaphore_mem>>) attributes {dimension_semantics = [#tpu.dimension_semantics<core_parallel>, #tpu.dimension_semantics<subcore_parallel>], iteration_bounds = array<i64: 2, 16>, scalar_prefetch = 0 : i64, scratch_operands = 9 : i64, tpu.core_type = #tpu.core_type<sc_vector_subcore>, window_params = [{transform_indices = #map}, {transform_indices = #map1}, {transform_indices = #map1}, {transform_indices = #map}]} {
    %scan3A = arith.constant 0 : i32
    %scan3A_0 = arith.constant 4 : i32
    %scan3A_1 = arith.addi %scan3A, %scan3A_0 : i32
    %scan3A_2 = arith.constant 1 : i32
    scf.for %scan3A_4 = %scan3A to %scan3A_1 step %scan3A_2  : i32 {
      %mul3A = arith.constant 1 : i32
      %mul3A_5 = arith.muli %scan3A_4, %mul3A : i32
      %add3A = arith.constant 0 : i32
      %add3A_6 = arith.addi %add3A, %mul3A_5 : i32
      %mul3A_7 = arith.constant 2 : i32
      %mul3A_8 = arith.muli %add3A_6, %mul3A_7 : i32
      %add3A_9 = arith.addi %mul3A_8, %arg0 : i32
      %broadcast_in_dim3A = arith.constant 0.000000e+00 : f32
      %broadcast_in_dim3A_10 = vector.broadcast %broadcast_in_dim3A : f32 to vector<16xf32>
      %scan3A_11 = arith.constant 0 : i32
      %scan3A_12 = arith.constant 128 : i32
      %scan3A_13 = arith.addi %scan3A_11, %scan3A_12 : i32
      %scan3A_14 = arith.constant 1 : i32
      scf.for %scan3A_103 = %scan3A_11 to %scan3A_13 step %scan3A_14  : i32 {
        %mul3A_104 = arith.constant 1 : i32
        %mul3A_105 = arith.muli %scan3A_103, %mul3A_104 : i32
        %add3A_106 = arith.constant 0 : i32
        %add3A_107 = arith.addi %add3A_106, %mul3A_105 : i32
        %swap3A = arith.index_cast %add3A_107 : i32 to index
        %swap3A_108 = arith.constant 0 : index
        %swap3A_109 = tpu.vector_load %arg9[%swap3A, %swap3A_108] {strides = array<i32>} : memref<128x128xf32, #tpu.memory_space<vmem>>, vector<1x16xf32>,
        %swap3A_110 = vector.shape_cast %swap3A_109 : vector<1x16xf32> to vector<16xf32>
        %swap3A_111 = vector.shape_cast %broadcast_in_dim3A_10 : vector<16xf32> to vector<1x16xf32>
        tpu.vector_store %arg9[%swap3A, %swap3A_108], %swap3A_111 {strides = array<i32>} : memref<128x128xf32, #tpu.memory_space<vmem>>, vector<1x16xf32>,
        %swap3A_112 = arith.index_cast %add3A_107 : i32 to index
        %swap3A_113 = arith.constant 16 : index
        %swap3A_114 = tpu.vector_load %arg9[%swap3A_112, %swap3A_113] {strides = array<i32>} : memref<128x128xf32, #tpu.memory_space<vmem>>, vector<1x16xf32>,
        %swap3A_115 = vector.shape_cast %swap3A_114 : vector<1x16xf32> to vector<16xf32>
        %swap3A_116 = vector.shape_cast %broadcast_in_dim3A_10 : vector<16xf32> to vector<1x16xf32>
        tpu.vector_store %arg9[%swap3A_112, %swap3A_113], %swap3A_116 {strides = array<i32>} : memref<128x128xf32, #tpu.memory_space<vmem>>, vector<1x16xf32>,
        %swap3A_117 = arith.index_cast %add3A_107 : i32 to index
        %swap3A_118 = arith.constant 32 : index
        %swap3A_119 = tpu.vector_load %arg9[%swap3A_117, %swap3A_118] {strides = array<i32>} : memref<128x128xf32, #tpu.memory_space<vmem>>, vector<1x16xf32>,
        %swap3A_120 = vector.shape_cast %swap3A_119 : vector<1x16xf32> to vector<16xf32>
        %swap3A_121 = vector.shape_cast %broadcast_in_dim3A_10 : vector<16xf32> to vector<1x16xf32>
        tpu.vector_store %arg9[%swap3A_117, %swap3A_118], %swap3A_121 {strides = array<i32>} : memref<128x128xf32, #tpu.memory_space<vmem>>, vector<1x16xf32>,
        %swap3A_122 = arith.index_cast %add3A_107 : i32 to index
        %swap3A_123 = arith.constant 48 : index
        %swap3A_124 = tpu.vector_load %arg9[%swap3A_122, %swap3A_123] {strides = array<i32>} : memref<128x128xf32, #tpu.memory_space<vmem>>, vector<1x16xf32>,
        %swap3A_125 = vector.shape_cast %swap3A_124 : vector<1x16xf32> to vector<16xf32>
        %swap3A_126 = vector.shape_cast %broadcast_in_dim3A_10 : vector<16xf32> to vector<1x16xf32>
        tpu.vector_store %arg9[%swap3A_122, %swap3A_123], %swap3A_126 {strides = array<i32>} : memref<128x128xf32, #tpu.memory_space<vmem>>, vector<1x16xf32>,
        %swap3A_127 = arith.index_cast %add3A_107 : i32 to index
        %swap3A_128 = arith.constant 64 : index
        %swap3A_129 = tpu.vector_load %arg9[%swap3A_127, %swap3A_128] {strides = array<i32>} : memref<128x128xf32, #tpu.memory_space<vmem>>, vector<1x16xf32>,
        %swap3A_130 = vector.shape_cast %swap3A_129 : vector<1x16xf32> to vector<16xf32>
        %swap3A_131 = vector.shape_cast %broadcast_in_dim3A_10 : vector<16xf32> to vector<1x16xf32>
        tpu.vector_store %arg9[%swap3A_127, %swap3A_128], %swap3A_131 {strides = array<i32>} : memref<128x128xf32, #tpu.memory_space<vmem>>, vector<1x16xf32>,
        %swap3A_132 = arith.index_cast %add3A_107 : i32 to index
        %swap3A_133 = arith.constant 80 : index
        %swap3A_134 = tpu.vector_load %arg9[%swap3A_132, %swap3A_133] {strides = array<i32>} : memref<128x128xf32, #tpu.memory_space<vmem>>, vector<1x16xf32>,
        %swap3A_135 = vector.shape_cast %swap3A_134 : vector<1x16xf32> to vector<16xf32>
        %swap3A_136 = vector.shape_cast %broadcast_in_dim3A_10 : vector<16xf32> to vector<1x16xf32>
        tpu.vector_store %arg9[%swap3A_132, %swap3A_133], %swap3A_136 {strides = array<i32>} : memref<128x128xf32, #tpu.memory_space<vmem>>, vector<1x16xf32>,
        %swap3A_137 = arith.index_cast %add3A_107 : i32 to index
        %swap3A_138 = arith.constant 96 : index
        %swap3A_139 = tpu.vector_load %arg9[%swap3A_137, %swap3A_138] {strides = array<i32>} : memref<128x128xf32, #tpu.memory_space<vmem>>, vector<1x16xf32>,
        %swap3A_140 = vector.shape_cast %swap3A_139 : vector<1x16xf32> to vector<16xf32>
        %swap3A_141 = vector.shape_cast %broadcast_in_dim3A_10 : vector<16xf32> to vector<1x16xf32>
        tpu.vector_store %arg9[%swap3A_137, %swap3A_138], %swap3A_141 {strides = array<i32>} : memref<128x128xf32, #tpu.memory_space<vmem>>, vector<1x16xf32>,
        %swap3A_142 = arith.index_cast %add3A_107 : i32 to index
        %swap3A_143 = arith.constant 112 : index
        %swap3A_144 = tpu.vector_load %arg9[%swap3A_142, %swap3A_143] {strides = array<i32>} : memref<128x128xf32, #tpu.memory_space<vmem>>, vector<1x16xf32>,
        %swap3A_145 = vector.shape_cast %swap3A_144 : vector<1x16xf32> to vector<16xf32>
        %swap3A_146 = vector.shape_cast %broadcast_in_dim3A_10 : vector<16xf32> to vector<1x16xf32>
        tpu.vector_store %arg9[%swap3A_142, %swap3A_143], %swap3A_146 {strides = array<i32>} : memref<128x128xf32, #tpu.memory_space<vmem>>, vector<1x16xf32>,
      }
      %scan3A_15 = arith.constant 128 : i32
      %scan3A_16 = arith.constant 0 : i32
      %scan3A_17 = arith.constant 5 : i32
      %scan3A_18 = arith.addi %scan3A_16, %scan3A_17 : i32
      %scan3A_19 = arith.constant 1 : i32
      scf.for %scan3A_103 = %scan3A_16 to %scan3A_18 step %scan3A_19  : i32 {
        %mul3A_104 = arith.constant 1 : i32
        %mul3A_105 = arith.muli %scan3A_103, %mul3A_104 : i32
        %add3A_106 = arith.constant 0 : i32
        %add3A_107 = arith.addi %add3A_106, %mul3A_105 : i32
        %mul3A_108 = arith.constant 640 : i32
        %mul3A_109 = arith.muli %arg1, %mul3A_108 : i32
        %mul3A_110 = arith.constant 128 : i32
        %mul3A_111 = arith.muli %add3A_107, %mul3A_110 : i32
        %add3A_112 = arith.addi %mul3A_109, %mul3A_111 : i32
        "tpu.region"() ({
          %run_scoped3A_113 = tpu.sem_alloc : memref<!tpu.dma_semaphore, #tpu.memory_space<semaphore_mem>>
          %dma_start3A_114 = arith.constant 0 : i32
          %dma_start3A_115 = tpu.memref_slice %arg6[%add3A_112, %dma_start3A_114] : memref<10240x128xf32, #tpu.memory_space<vmem_shared>> -> memref<128x128xf32, #tpu.memory_space<vmem_shared>>
          %dma_start3A_116 = arith.constant 0 : i32
          %dma_start3A_117 = tpu.memref_slice %arg6[%add3A_112, %dma_start3A_116] : memref<10240x128xf32, #tpu.memory_space<vmem_shared>> -> memref<128x128xf32, #tpu.memory_space<vmem_shared>>
          tpu.enqueue_dma source(%arg9 : memref<128x128xf32, #tpu.memory_space<vmem>>) target(%dma_start3A_117 : memref<128x128xf32, #tpu.memory_space<vmem_shared>>) target_semaphore(%run_scoped3A_113 : memref<!tpu.dma_semaphore, #tpu.memory_space<semaphore_mem>>)
          %dma_wait3A_118 = arith.constant 0 : i32
          %dma_wait3A_119 = tpu.memref_slice %arg6[%add3A_112, %dma_wait3A_118] : memref<10240x128xf32, #tpu.memory_space<vmem_shared>> -> memref<128x128xf32, #tpu.memory_space<vmem_shared>>
          %dma_wait3A_120 = arith.constant 0 : i32
          %dma_wait3A_121 = tpu.memref_slice %arg6[%add3A_112, %dma_wait3A_120] : memref<10240x128xf32, #tpu.memory_space<vmem_shared>> -> memref<128x128xf32, #tpu.memory_space<vmem_shared>>
          tpu.wait_dma2 semaphore(%run_scoped3A_113 : memref<!tpu.dma_semaphore, #tpu.memory_space<semaphore_mem>>) src(%arg9 : memref<128x128xf32, #tpu.memory_space<vmem>>) dst(%dma_wait3A_121 : memref<128x128xf32, #tpu.memory_space<vmem_shared>>)
          tpu.yield
        }) : () -> ()
      }
      %scan3A_20 = arith.constant 5 : i32
      %barrier3A = arith.constant 0 : index
      tpu.barrier barrier_id(%barrier3A)
      %mul3A_21 = arith.constant 80 : i32
      %mul3A_22 = arith.muli %arg1, %mul3A_21 : i32
      %add3A_23 = arith.constant 0 : i32
      %add3A_24 = arith.addi %mul3A_22, %add3A_23 : i32
      "tpu.region"() ({
        %run_scoped3A_103 = tpu.sem_alloc : memref<!tpu.dma_semaphore, #tpu.memory_space<semaphore_mem>>
        %dma_start3A_104 = arith.constant 0 : i32
        %dma_start3A_105 = tpu.memref_slice %arg2[%add3A_9, %add3A_24, %dma_start3A_104] : memref<8x1280x128xi32, #tpu.memory_space<hbm>> -> memref<1x40x128xi32, #tpu.memory_space<hbm>>
        %dma_start3A_106 = tpu.memref_squeeze %dma_start3A_105 : memref<1x40x128xi32, #tpu.memory_space<hbm>> -> memref<40x128xi32, #tpu.memory_space<hbm>>
        %dma_start3A_107 = arith.constant 0 : i32
        %dma_start3A_108 = tpu.memref_slice %arg2[%add3A_9, %add3A_24, %dma_start3A_107] : memref<8x1280x128xi32, #tpu.memory_space<hbm>> -> memref<1x40x128xi32, #tpu.memory_space<hbm>>
        %dma_start3A_109 = tpu.memref_squeeze %dma_start3A_108 : memref<1x40x128xi32, #tpu.memory_space<hbm>> -> memref<40x128xi32, #tpu.memory_space<hbm>>
        tpu.enqueue_dma source(%dma_start3A_109 : memref<40x128xi32, #tpu.memory_space<hbm>>) target(%arg7 : memref<40x128xi32, #tpu.memory_space<vmem>>) target_semaphore(%run_scoped3A_103 : memref<!tpu.dma_semaphore, #tpu.memory_space<semaphore_mem>>)
        %dma_wait3A_110 = arith.constant 0 : i32
        %dma_wait3A_111 = tpu.memref_slice %arg2[%add3A_9, %add3A_24, %dma_wait3A_110] : memref<8x1280x128xi32, #tpu.memory_space<hbm>> -> memref<1x40x128xi32, #tpu.memory_space<hbm>>
        %dma_wait3A_112 = tpu.memref_squeeze %dma_wait3A_111 : memref<1x40x128xi32, #tpu.memory_space<hbm>> -> memref<40x128xi32, #tpu.memory_space<hbm>>
        %dma_wait3A_113 = arith.constant 0 : i32
        %dma_wait3A_114 = tpu.memref_slice %arg2[%add3A_9, %add3A_24, %dma_wait3A_113] : memref<8x1280x128xi32, #tpu.memory_space<hbm>> -> memref<1x40x128xi32, #tpu.memory_space<hbm>>
        %dma_wait3A_115 = tpu.memref_squeeze %dma_wait3A_114 : memref<1x40x128xi32, #tpu.memory_space<hbm>> -> memref<40x128xi32, #tpu.memory_space<hbm>>
        tpu.wait_dma2 semaphore(%run_scoped3A_103 : memref<!tpu.dma_semaphore, #tpu.memory_space<semaphore_mem>>) src(%dma_wait3A_115 : memref<40x128xi32, #tpu.memory_space<hbm>>) dst(%arg7 : memref<40x128xi32, #tpu.memory_space<vmem>>)
        tpu.yield
      }) : () -> ()
      "tpu.region"() ({
        %run_scoped3A_103 = tpu.sem_alloc : memref<!tpu.dma_semaphore, #tpu.memory_space<semaphore_mem>>
        %dma_start3A_104 = arith.constant 0 : i32
        %dma_start3A_105 = tpu.memref_slice %arg3[%add3A_24, %dma_start3A_104] : memref<1280x128xi32, #tpu.memory_space<hbm>> -> memref<40x128xi32, #tpu.memory_space<hbm>>
        %dma_start3A_106 = arith.constant 0 : i32
        %dma_start3A_107 = tpu.memref_slice %arg3[%add3A_24, %dma_start3A_106] : memref<1280x128xi32, #tpu.memory_space<hbm>> -> memref<40x128xi32, #tpu.memory_space<hbm>>
        tpu.enqueue_dma source(%dma_start3A_107 : memref<40x128xi32, #tpu.memory_space<hbm>>) target(%arg8 : memref<40x128xi32, #tpu.memory_space<vmem>>) target_semaphore(%run_scoped3A_103 : memref<!tpu.dma_semaphore, #tpu.memory_space<semaphore_mem>>)
        %dma_wait3A_108 = arith.constant 0 : i32
        %dma_wait3A_109 = tpu.memref_slice %arg3[%add3A_24, %dma_wait3A_108] : memref<1280x128xi32, #tpu.memory_space<hbm>> -> memref<40x128xi32, #tpu.memory_space<hbm>>
        %dma_wait3A_110 = arith.constant 0 : i32
        %dma_wait3A_111 = tpu.memref_slice %arg3[%add3A_24, %dma_wait3A_110] : memref<1280x128xi32, #tpu.memory_space<hbm>> -> memref<40x128xi32, #tpu.memory_space<hbm>>
        tpu.wait_dma2 semaphore(%run_scoped3A_103 : memref<!tpu.dma_semaphore, #tpu.memory_space<semaphore_mem>>) src(%dma_wait3A_111 : memref<40x128xi32, #tpu.memory_space<hbm>>) dst(%arg8 : memref<40x128xi32, #tpu.memory_space<vmem>>)
        tpu.yield
      }) : () -> ()
      %dma_start3A = arith.constant 0 : i32
      %dma_start3A_25 = arith.constant 0 : i32
      %dma_start3A_26 = tpu.memref_slice %arg7[%dma_start3A, %dma_start3A_25] : memref<40x128xi32, #tpu.memory_space<vmem>> -> memref<1x128xi32, #tpu.memory_space<vmem>>
      %dma_start3A_27 = tpu.memref_squeeze %dma_start3A_26 : memref<1x128xi32, #tpu.memory_space<vmem>> -> memref<128xi32, #tpu.memory_space<vmem>>
      %dma_start3A_28 = arith.constant 0 : i32
      %dma_start3A_29 = arith.constant 0 : i32
      %dma_start3A_30 = tpu.memref_slice %arg4[%dma_start3A_28, %dma_start3A_29] : memref<81920x128xf32, #tpu.memory_space<hbm>> -> memref<81920x128xf32, #tpu.memory_space<hbm>>
      tpu.enqueue_indirect_dma source(%dma_start3A_30 : memref<81920x128xf32, #tpu.memory_space<hbm>>) target(%arg9 : memref<128x128xf32, #tpu.memory_space<vmem>>) offsets(%dma_start3A_27 : memref<128xi32, #tpu.memory_space<vmem>>) semaphore(%arg11 : memref<!tpu.dma_semaphore, #tpu.memory_space<semaphore_mem>>)
      %dma_start3A_31 = arith.constant 1 : i32
      %dma_start3A_32 = arith.constant 0 : i32
      %dma_start3A_33 = tpu.memref_slice %arg7[%dma_start3A_31, %dma_start3A_32] : memref<40x128xi32, #tpu.memory_space<vmem>> -> memref<1x128xi32, #tpu.memory_space<vmem>>
      %dma_start3A_34 = tpu.memref_squeeze %dma_start3A_33 : memref<1x128xi32, #tpu.memory_space<vmem>> -> memref<128xi32, #tpu.memory_space<vmem>>
      %dma_start3A_35 = arith.constant 0 : i32
      %dma_start3A_36 = arith.constant 0 : i32
      %dma_start3A_37 = tpu.memref_slice %arg4[%dma_start3A_35, %dma_start3A_36] : memref<81920x128xf32, #tpu.memory_space<hbm>> -> memref<81920x128xf32, #tpu.memory_space<hbm>>
      tpu.enqueue_indirect_dma source(%dma_start3A_37 : memref<81920x128xf32, #tpu.memory_space<hbm>>) target(%arg10 : memref<128x128xf32, #tpu.memory_space<vmem>>) offsets(%dma_start3A_34 : memref<128xi32, #tpu.memory_space<vmem>>) semaphore(%arg12 : memref<!tpu.dma_semaphore, #tpu.memory_space<semaphore_mem>>)
      %scan3A_38 = arith.constant 0 : i32
      %scan3A_39 = arith.constant 19 : i32
      %scan3A_40 = arith.addi %scan3A_38, %scan3A_39 : i32
      %scan3A_41 = arith.constant 1 : i32
      scf.for %scan3A_103 = %scan3A_38 to %scan3A_40 step %scan3A_41  : i32 {
        %mul3A_104 = arith.constant 1 : i32
        %mul3A_105 = arith.muli %scan3A_103, %mul3A_104 : i32
        %add3A_106 = arith.constant 0 : i32
        %add3A_107 = arith.addi %add3A_106, %mul3A_105 : i32
        %mul3A_108 = arith.constant 2 : i32
        %mul3A_109 = arith.muli %add3A_107, %mul3A_108 : i32
        %add3A_110 = arith.constant 0 : i32
        %add3A_111 = arith.addi %mul3A_109, %add3A_110 : i32
        %dma_wait3A_112 = arith.constant 0 : i32
        %dma_wait3A_113 = tpu.memref_slice %arg7[%add3A_111, %dma_wait3A_112] : memref<40x128xi32, #tpu.memory_space<vmem>> -> memref<1x128xi32, #tpu.memory_space<vmem>>
        %dma_wait3A_114 = tpu.memref_squeeze %dma_wait3A_113 : memref<1x128xi32, #tpu.memory_space<vmem>> -> memref<128xi32, #tpu.memory_space<vmem>>
        %dma_wait3A_115 = arith.constant 0 : i32
        %dma_wait3A_116 = arith.constant 0 : i32
        %dma_wait3A_117 = tpu.memref_slice %arg4[%dma_wait3A_115, %dma_wait3A_116] : memref<81920x128xf32, #tpu.memory_space<hbm>> -> memref<81920x128xf32, #tpu.memory_space<hbm>>
        tpu.wait_indirect_dma semaphore(%arg11 : memref<!tpu.dma_semaphore, #tpu.memory_space<semaphore_mem>>) src(%dma_wait3A_117 : memref<81920x128xf32, #tpu.memory_space<hbm>>) dst(%arg9 : memref<128x128xf32, #tpu.memory_space<vmem>>)
        "tpu.region"() ({
          %run_scoped3A_144 = tpu.sem_alloc : memref<!tpu.dma_semaphore, #tpu.memory_space<semaphore_mem>>
          %dma_start3A_145 = arith.constant 0 : i32
          %dma_start3A_146 = tpu.memref_slice %arg8[%add3A_111, %dma_start3A_145] : memref<40x128xi32, #tpu.memory_space<vmem>> -> memref<1x128xi32, #tpu.memory_space<vmem>>
          %dma_start3A_147 = tpu.memref_squeeze %dma_start3A_146 : memref<1x128xi32, #tpu.memory_space<vmem>> -> memref<128xi32, #tpu.memory_space<vmem>>
          %dma_start3A_148 = arith.constant 0 : i32
          %dma_start3A_149 = arith.constant 0 : i32
          %dma_start3A_150 = tpu.memref_slice %arg6[%dma_start3A_148, %dma_start3A_149] : memref<10240x128xf32, #tpu.memory_space<vmem_shared>> -> memref<10240x128xf32, #tpu.memory_space<vmem_shared>>
          tpu.enqueue_indirect_dma source(%arg9 : memref<128x128xf32, #tpu.memory_space<vmem>>) target(%dma_start3A_150 : memref<10240x128xf32, #tpu.memory_space<vmem_shared>>) offsets(%dma_start3A_147 : memref<128xi32, #tpu.memory_space<vmem>>) semaphore(%run_scoped3A_144 : memref<!tpu.dma_semaphore, #tpu.memory_space<semaphore_mem>>) {add = true}
          %dma_wait3A_151 = arith.constant 0 : i32
          %dma_wait3A_152 = tpu.memref_slice %arg8[%add3A_111, %dma_wait3A_151] : memref<40x128xi32, #tpu.memory_space<vmem>> -> memref<1x128xi32, #tpu.memory_space<vmem>>
          %dma_wait3A_153 = tpu.memref_squeeze %dma_wait3A_152 : memref<1x128xi32, #tpu.memory_space<vmem>> -> memref<128xi32, #tpu.memory_space<vmem>>
          %dma_wait3A_154 = arith.constant 0 : i32
          %dma_wait3A_155 = arith.constant 0 : i32
          %dma_wait3A_156 = tpu.memref_slice %arg6[%dma_wait3A_154, %dma_wait3A_155] : memref<10240x128xf32, #tpu.memory_space<vmem_shared>> -> memref<10240x128xf32, #tpu.memory_space<vmem_shared>>
          tpu.wait_indirect_dma semaphore(%run_scoped3A_144 : memref<!tpu.dma_semaphore, #tpu.memory_space<semaphore_mem>>) src(%arg9 : memref<128x128xf32, #tpu.memory_space<vmem>>) dst(%dma_wait3A_156 : memref<10240x128xf32, #tpu.memory_space<vmem_shared>>)
          tpu.yield
        }) : () -> ()
        %add3A_118 = arith.constant 2 : i32
        %add3A_119 = arith.addi %add3A_111, %add3A_118 : i32
        %dma_start3A_120 = arith.constant 0 : i32
        %dma_start3A_121 = tpu.memref_slice %arg7[%add3A_119, %dma_start3A_120] : memref<40x128xi32, #tpu.memory_space<vmem>> -> memref<1x128xi32, #tpu.memory_space<vmem>>
        %dma_start3A_122 = tpu.memref_squeeze %dma_start3A_121 : memref<1x128xi32, #tpu.memory_space<vmem>> -> memref<128xi32, #tpu.memory_space<vmem>>
        %dma_start3A_123 = arith.constant 0 : i32
        %dma_start3A_124 = arith.constant 0 : i32
        %dma_start3A_125 = tpu.memref_slice %arg4[%dma_start3A_123, %dma_start3A_124] : memref<81920x128xf32, #tpu.memory_space<hbm>> -> memref<81920x128xf32, #tpu.memory_space<hbm>>
        tpu.enqueue_indirect_dma source(%dma_start3A_125 : memref<81920x128xf32, #tpu.memory_space<hbm>>) target(%arg9 : memref<128x128xf32, #tpu.memory_space<vmem>>) offsets(%dma_start3A_122 : memref<128xi32, #tpu.memory_space<vmem>>) semaphore(%arg11 : memref<!tpu.dma_semaphore, #tpu.memory_space<semaphore_mem>>)
        %mul3A_126 = arith.constant 2 : i32
        %mul3A_127 = arith.muli %add3A_107, %mul3A_126 : i32
        %add3A_128 = arith.constant 1 : i32
        %add3A_129 = arith.addi %mul3A_127, %add3A_128 : i32
        %dma_wait3A_130 = arith.constant 0 : i32
        %dma_wait3A_131 = tpu.memref_slice %arg7[%add3A_129, %dma_wait3A_130] : memref<40x128xi32, #tpu.memory_space<vmem>> -> memref<1x128xi32, #tpu.memory_space<vmem>>
        %dma_wait3A_132 = tpu.memref_squeeze %dma_wait3A_131 : memref<1x128xi32, #tpu.memory_space<vmem>> -> memref<128xi32, #tpu.memory_space<vmem>>
        %dma_wait3A_133 = arith.constant 0 : i32
        %dma_wait3A_134 = arith.constant 0 : i32
        %dma_wait3A_135 = tpu.memref_slice %arg4[%dma_wait3A_133, %dma_wait3A_134] : memref<81920x128xf32, #tpu.memory_space<hbm>> -> memref<81920x128xf32, #tpu.memory_space<hbm>>
        tpu.wait_indirect_dma semaphore(%arg12 : memref<!tpu.dma_semaphore, #tpu.memory_space<semaphore_mem>>) src(%dma_wait3A_135 : memref<81920x128xf32, #tpu.memory_space<hbm>>) dst(%arg10 : memref<128x128xf32, #tpu.memory_space<vmem>>)
        "tpu.region"() ({
          %run_scoped3A_144 = tpu.sem_alloc : memref<!tpu.dma_semaphore, #tpu.memory_space<semaphore_mem>>
          %dma_start3A_145 = arith.constant 0 : i32
          %dma_start3A_146 = tpu.memref_slice %arg8[%add3A_129, %dma_start3A_145] : memref<40x128xi32, #tpu.memory_space<vmem>> -> memref<1x128xi32, #tpu.memory_space<vmem>>
          %dma_start3A_147 = tpu.memref_squeeze %dma_start3A_146 : memref<1x128xi32, #tpu.memory_space<vmem>> -> memref<128xi32, #tpu.memory_space<vmem>>
          %dma_start3A_148 = arith.constant 0 : i32
          %dma_start3A_149 = arith.constant 0 : i32
          %dma_start3A_150 = tpu.memref_slice %arg6[%dma_start3A_148, %dma_start3A_149] : memref<10240x128xf32, #tpu.memory_space<vmem_shared>> -> memref<10240x128xf32, #tpu.memory_space<vmem_shared>>
          tpu.enqueue_indirect_dma source(%arg10 : memref<128x128xf32, #tpu.memory_space<vmem>>) target(%dma_start3A_150 : memref<10240x128xf32, #tpu.memory_space<vmem_shared>>) offsets(%dma_start3A_147 : memref<128xi32, #tpu.memory_space<vmem>>) semaphore(%run_scoped3A_144 : memref<!tpu.dma_semaphore, #tpu.memory_space<semaphore_mem>>) {add = true}
          %dma_wait3A_151 = arith.constant 0 : i32
          %dma_wait3A_152 = tpu.memref_slice %arg8[%add3A_129, %dma_wait3A_151] : memref<40x128xi32, #tpu.memory_space<vmem>> -> memref<1x128xi32, #tpu.memory_space<vmem>>
          %dma_wait3A_153 = tpu.memref_squeeze %dma_wait3A_152 : memref<1x128xi32, #tpu.memory_space<vmem>> -> memref<128xi32, #tpu.memory_space<vmem>>
          %dma_wait3A_154 = arith.constant 0 : i32
          %dma_wait3A_155 = arith.constant 0 : i32
          %dma_wait3A_156 = tpu.memref_slice %arg6[%dma_wait3A_154, %dma_wait3A_155] : memref<10240x128xf32, #tpu.memory_space<vmem_shared>> -> memref<10240x128xf32, #tpu.memory_space<vmem_shared>>
          tpu.wait_indirect_dma semaphore(%run_scoped3A_144 : memref<!tpu.dma_semaphore, #tpu.memory_space<semaphore_mem>>) src(%arg10 : memref<128x128xf32, #tpu.memory_space<vmem>>) dst(%dma_wait3A_156 : memref<10240x128xf32, #tpu.memory_space<vmem_shared>>)
          tpu.yield
        }) : () -> ()
        %add3A_136 = arith.constant 2 : i32
        %add3A_137 = arith.addi %add3A_129, %add3A_136 : i32
        %dma_start3A_138 = arith.constant 0 : i32
        %dma_start3A_139 = tpu.memref_slice %arg7[%add3A_137, %dma_start3A_138] : memref<40x128xi32, #tpu.memory_space<vmem>> -> memref<1x128xi32, #tpu.memory_space<vmem>>
        %dma_start3A_140 = tpu.memref_squeeze %dma_start3A_139 : memref<1x128xi32, #tpu.memory_space<vmem>> -> memref<128xi32, #tpu.memory_space<vmem>>
        %dma_start3A_141 = arith.constant 0 : i32
        %dma_start3A_142 = arith.constant 0 : i32
        %dma_start3A_143 = tpu.memref_slice %arg4[%dma_start3A_141, %dma_start3A_142] : memref<81920x128xf32, #tpu.memory_space<hbm>> -> memref<81920x128xf32, #tpu.memory_space<hbm>>
        tpu.enqueue_indirect_dma source(%dma_start3A_143 : memref<81920x128xf32, #tpu.memory_space<hbm>>) target(%arg10 : memref<128x128xf32, #tpu.memory_space<vmem>>) offsets(%dma_start3A_140 : memref<128xi32, #tpu.memory_space<vmem>>) semaphore(%arg12 : memref<!tpu.dma_semaphore, #tpu.memory_space<semaphore_mem>>)
      }
      %scan3A_42 = arith.constant 19 : i32
      %dma_wait3A = arith.constant 38 : i32
      %dma_wait3A_43 = arith.constant 0 : i32
      %dma_wait3A_44 = tpu.memref_slice %arg7[%dma_wait3A, %dma_wait3A_43] : memref<40x128xi32, #tpu.memory_space<vmem>> -> memref<1x128xi32, #tpu.memory_space<vmem>>
      %dma_wait3A_45 = tpu.memref_squeeze %dma_wait3A_44 : memref<1x128xi32, #tpu.memory_space<vmem>> -> memref<128xi32, #tpu.memory_space<vmem>>
      %dma_wait3A_46 = arith.constant 0 : i32
      %dma_wait3A_47 = arith.constant 0 : i32
      %dma_wait3A_48 = tpu.memref_slice %arg4[%dma_wait3A_46, %dma_wait3A_47] : memref<81920x128xf32, #tpu.memory_space<hbm>> -> memref<81920x128xf32, #tpu.memory_space<hbm>>
      tpu.wait_indirect_dma semaphore(%arg11 : memref<!tpu.dma_semaphore, #tpu.memory_space<semaphore_mem>>) src(%dma_wait3A_48 : memref<81920x128xf32, #tpu.memory_space<hbm>>) dst(%arg9 : memref<128x128xf32, #tpu.memory_space<vmem>>)
      %run_scoped3A = arith.constant 38 : i32
      "tpu.region"() ({
        %run_scoped3A_103 = tpu.sem_alloc : memref<!tpu.dma_semaphore, #tpu.memory_space<semaphore_mem>>
        %dma_start3A_104 = arith.constant 0 : i32
        %dma_start3A_105 = tpu.memref_slice %arg8[%run_scoped3A, %dma_start3A_104] : memref<40x128xi32, #tpu.memory_space<vmem>> -> memref<1x128xi32, #tpu.memory_space<vmem>>
        %dma_start3A_106 = tpu.memref_squeeze %dma_start3A_105 : memref<1x128xi32, #tpu.memory_space<vmem>> -> memref<128xi32, #tpu.memory_space<vmem>>
        %dma_start3A_107 = arith.constant 0 : i32
        %dma_start3A_108 = arith.constant 0 : i32
        %dma_start3A_109 = tpu.memref_slice %arg6[%dma_start3A_107, %dma_start3A_108] : memref<10240x128xf32, #tpu.memory_space<vmem_shared>> -> memref<10240x128xf32, #tpu.memory_space<vmem_shared>>
        tpu.enqueue_indirect_dma source(%arg9 : memref<128x128xf32, #tpu.memory_space<vmem>>) target(%dma_start3A_109 : memref<10240x128xf32, #tpu.memory_space<vmem_shared>>) offsets(%dma_start3A_106 : memref<128xi32, #tpu.memory_space<vmem>>) semaphore(%run_scoped3A_103 : memref<!tpu.dma_semaphore, #tpu.memory_space<semaphore_mem>>) {add = true}
        %dma_wait3A_110 = arith.constant 0 : i32
        %dma_wait3A_111 = tpu.memref_slice %arg8[%run_scoped3A, %dma_wait3A_110] : memref<40x128xi32, #tpu.memory_space<vmem>> -> memref<1x128xi32, #tpu.memory_space<vmem>>
        %dma_wait3A_112 = tpu.memref_squeeze %dma_wait3A_111 : memref<1x128xi32, #tpu.memory_space<vmem>> -> memref<128xi32, #tpu.memory_space<vmem>>
        %dma_wait3A_113 = arith.constant 0 : i32
        %dma_wait3A_114 = arith.constant 0 : i32
        %dma_wait3A_115 = tpu.memref_slice %arg6[%dma_wait3A_113, %dma_wait3A_114] : memref<10240x128xf32, #tpu.memory_space<vmem_shared>> -> memref<10240x128xf32, #tpu.memory_space<vmem_shared>>
        tpu.wait_indirect_dma semaphore(%run_scoped3A_103 : memref<!tpu.dma_semaphore, #tpu.memory_space<semaphore_mem>>) src(%arg9 : memref<128x128xf32, #tpu.memory_space<vmem>>) dst(%dma_wait3A_115 : memref<10240x128xf32, #tpu.memory_space<vmem_shared>>)
        tpu.yield
      }) : () -> ()
      %dma_wait3A_49 = arith.constant 39 : i32
      %dma_wait3A_50 = arith.constant 0 : i32
      %dma_wait3A_51 = tpu.memref_slice %arg7[%dma_wait3A_49, %dma_wait3A_50] : memref<40x128xi32, #tpu.memory_space<vmem>> -> memref<1x128xi32, #tpu.memory_space<vmem>>
      %dma_wait3A_52 = tpu.memref_squeeze %dma_wait3A_51 : memref<1x128xi32, #tpu.memory_space<vmem>> -> memref<128xi32, #tpu.memory_space<vmem>>
      %dma_wait3A_53 = arith.constant 0 : i32
      %dma_wait3A_54 = arith.constant 0 : i32
      %dma_wait3A_55 = tpu.memref_slice %arg4[%dma_wait3A_53, %dma_wait3A_54] : memref<81920x128xf32, #tpu.memory_space<hbm>> -> memref<81920x128xf32, #tpu.memory_space<hbm>>
      tpu.wait_indirect_dma semaphore(%arg12 : memref<!tpu.dma_semaphore, #tpu.memory_space<semaphore_mem>>) src(%dma_wait3A_55 : memref<81920x128xf32, #tpu.memory_space<hbm>>) dst(%arg10 : memref<128x128xf32, #tpu.memory_space<vmem>>)
      %run_scoped3A_56 = arith.constant 39 : i32
      "tpu.region"() ({
        %run_scoped3A_103 = tpu.sem_alloc : memref<!tpu.dma_semaphore, #tpu.memory_space<semaphore_mem>>
        %dma_start3A_104 = arith.constant 0 : i32
        %dma_start3A_105 = tpu.memref_slice %arg8[%run_scoped3A_56, %dma_start3A_104] : memref<40x128xi32, #tpu.memory_space<vmem>> -> memref<1x128xi32, #tpu.memory_space<vmem>>
        %dma_start3A_106 = tpu.memref_squeeze %dma_start3A_105 : memref<1x128xi32, #tpu.memory_space<vmem>> -> memref<128xi32, #tpu.memory_space<vmem>>
        %dma_start3A_107 = arith.constant 0 : i32
        %dma_start3A_108 = arith.constant 0 : i32
        %dma_start3A_109 = tpu.memref_slice %arg6[%dma_start3A_107, %dma_start3A_108] : memref<10240x128xf32, #tpu.memory_space<vmem_shared>> -> memref<10240x128xf32, #tpu.memory_space<vmem_shared>>
        tpu.enqueue_indirect_dma source(%arg10 : memref<128x128xf32, #tpu.memory_space<vmem>>) target(%dma_start3A_109 : memref<10240x128xf32, #tpu.memory_space<vmem_shared>>) offsets(%dma_start3A_106 : memref<128xi32, #tpu.memory_space<vmem>>) semaphore(%run_scoped3A_103 : memref<!tpu.dma_semaphore, #tpu.memory_space<semaphore_mem>>) {add = true}
        %dma_wait3A_110 = arith.constant 0 : i32
        %dma_wait3A_111 = tpu.memref_slice %arg8[%run_scoped3A_56, %dma_wait3A_110] : memref<40x128xi32, #tpu.memory_space<vmem>> -> memref<1x128xi32, #tpu.memory_space<vmem>>
        %dma_wait3A_112 = tpu.memref_squeeze %dma_wait3A_111 : memref<1x128xi32, #tpu.memory_space<vmem>> -> memref<128xi32, #tpu.memory_space<vmem>>
        %dma_wait3A_113 = arith.constant 0 : i32
        %dma_wait3A_114 = arith.constant 0 : i32
        %dma_wait3A_115 = tpu.memref_slice %arg6[%dma_wait3A_113, %dma_wait3A_114] : memref<10240x128xf32, #tpu.memory_space<vmem_shared>> -> memref<10240x128xf32, #tpu.memory_space<vmem_shared>>
        tpu.wait_indirect_dma semaphore(%run_scoped3A_103 : memref<!tpu.dma_semaphore, #tpu.memory_space<semaphore_mem>>) src(%arg10 : memref<128x128xf32, #tpu.memory_space<vmem>>) dst(%dma_wait3A_115 : memref<10240x128xf32, #tpu.memory_space<vmem_shared>>)
        tpu.yield
      }) : () -> ()
      %mul3A_57 = arith.constant 80 : i32
      %mul3A_58 = arith.muli %arg1, %mul3A_57 : i32
      %add3A_59 = arith.constant 40 : i32
      %add3A_60 = arith.addi %mul3A_58, %add3A_59 : i32
      "tpu.region"() ({
        %run_scoped3A_103 = tpu.sem_alloc : memref<!tpu.dma_semaphore, #tpu.memory_space<semaphore_mem>>
        %dma_start3A_104 = arith.constant 0 : i32
        %dma_start3A_105 = tpu.memref_slice %arg2[%add3A_9, %add3A_60, %dma_start3A_104] : memref<8x1280x128xi32, #tpu.memory_space<hbm>> -> memref<1x40x128xi32, #tpu.memory_space<hbm>>
        %dma_start3A_106 = tpu.memref_squeeze %dma_start3A_105 : memref<1x40x128xi32, #tpu.memory_space<hbm>> -> memref<40x128xi32, #tpu.memory_space<hbm>>
        %dma_start3A_107 = arith.constant 0 : i32
        %dma_start3A_108 = tpu.memref_slice %arg2[%add3A_9, %add3A_60, %dma_start3A_107] : memref<8x1280x128xi32, #tpu.memory_space<hbm>> -> memref<1x40x128xi32, #tpu.memory_space<hbm>>
        %dma_start3A_109 = tpu.memref_squeeze %dma_start3A_108 : memref<1x40x128xi32, #tpu.memory_space<hbm>> -> memref<40x128xi32, #tpu.memory_space<hbm>>
        tpu.enqueue_dma source(%dma_start3A_109 : memref<40x128xi32, #tpu.memory_space<hbm>>) target(%arg7 : memref<40x128xi32, #tpu.memory_space<vmem>>) target_semaphore(%run_scoped3A_103 : memref<!tpu.dma_semaphore, #tpu.memory_space<semaphore_mem>>)
        %dma_wait3A_110 = arith.constant 0 : i32
        %dma_wait3A_111 = tpu.memref_slice %arg2[%add3A_9, %add3A_60, %dma_wait3A_110] : memref<8x1280x128xi32, #tpu.memory_space<hbm>> -> memref<1x40x128xi32, #tpu.memory_space<hbm>>
        %dma_wait3A_112 = tpu.memref_squeeze %dma_wait3A_111 : memref<1x40x128xi32, #tpu.memory_space<hbm>> -> memref<40x128xi32, #tpu.memory_space<hbm>>
        %dma_wait3A_113 = arith.constant 0 : i32
        %dma_wait3A_114 = tpu.memref_slice %arg2[%add3A_9, %add3A_60, %dma_wait3A_113] : memref<8x1280x128xi32, #tpu.memory_space<hbm>> -> memref<1x40x128xi32, #tpu.memory_space<hbm>>
        %dma_wait3A_115 = tpu.memref_squeeze %dma_wait3A_114 : memref<1x40x128xi32, #tpu.memory_space<hbm>> -> memref<40x128xi32, #tpu.memory_space<hbm>>
        tpu.wait_dma2 semaphore(%run_scoped3A_103 : memref<!tpu.dma_semaphore, #tpu.memory_space<semaphore_mem>>) src(%dma_wait3A_115 : memref<40x128xi32, #tpu.memory_space<hbm>>) dst(%arg7 : memref<40x128xi32, #tpu.memory_space<vmem>>)
        tpu.yield
      }) : () -> ()
      "tpu.region"() ({
        %run_scoped3A_103 = tpu.sem_alloc : memref<!tpu.dma_semaphore, #tpu.memory_space<semaphore_mem>>
        %dma_start3A_104 = arith.constant 0 : i32
        %dma_start3A_105 = tpu.memref_slice %arg3[%add3A_60, %dma_start3A_104] : memref<1280x128xi32, #tpu.memory_space<hbm>> -> memref<40x128xi32, #tpu.memory_space<hbm>>
        %dma_start3A_106 = arith.constant 0 : i32
        %dma_start3A_107 = tpu.memref_slice %arg3[%add3A_60, %dma_start3A_106] : memref<1280x128xi32, #tpu.memory_space<hbm>> -> memref<40x128xi32, #tpu.memory_space<hbm>>
        tpu.enqueue_dma source(%dma_start3A_107 : memref<40x128xi32, #tpu.memory_space<hbm>>) target(%arg8 : memref<40x128xi32, #tpu.memory_space<vmem>>) target_semaphore(%run_scoped3A_103 : memref<!tpu.dma_semaphore, #tpu.memory_space<semaphore_mem>>)
        %dma_wait3A_108 = arith.constant 0 : i32
        %dma_wait3A_109 = tpu.memref_slice %arg3[%add3A_60, %dma_wait3A_108] : memref<1280x128xi32, #tpu.memory_space<hbm>> -> memref<40x128xi32, #tpu.memory_space<hbm>>
        %dma_wait3A_110 = arith.constant 0 : i32
        %dma_wait3A_111 = tpu.memref_slice %arg3[%add3A_60, %dma_wait3A_110] : memref<1280x128xi32, #tpu.memory_space<hbm>> -> memref<40x128xi32, #tpu.memory_space<hbm>>
        tpu.wait_dma2 semaphore(%run_scoped3A_103 : memref<!tpu.dma_semaphore, #tpu.memory_space<semaphore_mem>>) src(%dma_wait3A_111 : memref<40x128xi32, #tpu.memory_space<hbm>>) dst(%arg8 : memref<40x128xi32, #tpu.memory_space<vmem>>)
        tpu.yield
      }) : () -> ()
      %dma_start3A_61 = arith.constant 0 : i32
      %dma_start3A_62 = arith.constant 0 : i32
      %dma_start3A_63 = tpu.memref_slice %arg7[%dma_start3A_61, %dma_start3A_62] : memref<40x128xi32, #tpu.memory_space<vmem>> -> memref<1x128xi32, #tpu.memory_space<vmem>>
      %dma_start3A_64 = tpu.memref_squeeze %dma_start3A_63 : memref<1x128xi32, #tpu.memory_space<vmem>> -> memref<128xi32, #tpu.memory_space<vmem>>
      %dma_start3A_65 = arith.constant 0 : i32
      %dma_start3A_66 = arith.constant 0 : i32
      %dma_start3A_67 = tpu.memref_slice %arg4[%dma_start3A_65, %dma_start3A_66] : memref<81920x128xf32, #tpu.memory_space<hbm>> -> memref<81920x128xf32, #tpu.memory_space<hbm>>
      tpu.enqueue_indirect_dma source(%dma_start3A_67 : memref<81920x128xf32, #tpu.memory_space<hbm>>) target(%arg9 : memref<128x128xf32, #tpu.memory_space<vmem>>) offsets(%dma_start3A_64 : memref<128xi32, #tpu.memory_space<vmem>>) semaphore(%arg11 : memref<!tpu.dma_semaphore, #tpu.memory_space<semaphore_mem>>)
      %dma_start3A_68 = arith.constant 1 : i32
      %dma_start3A_69 = arith.constant 0 : i32
      %dma_start3A_70 = tpu.memref_slice %arg7[%dma_start3A_68, %dma_start3A_69] : memref<40x128xi32, #tpu.memory_space<vmem>> -> memref<1x128xi32, #tpu.memory_space<vmem>>
      %dma_start3A_71 = tpu.memref_squeeze %dma_start3A_70 : memref<1x128xi32, #tpu.memory_space<vmem>> -> memref<128xi32, #tpu.memory_space<vmem>>
      %dma_start3A_72 = arith.constant 0 : i32
      %dma_start3A_73 = arith.constant 0 : i32
      %dma_start3A_74 = tpu.memref_slice %arg4[%dma_start3A_72, %dma_start3A_73] : memref<81920x128xf32, #tpu.memory_space<hbm>> -> memref<81920x128xf32, #tpu.memory_space<hbm>>
      tpu.enqueue_indirect_dma source(%dma_start3A_74 : memref<81920x128xf32, #tpu.memory_space<hbm>>) target(%arg10 : memref<128x128xf32, #tpu.memory_space<vmem>>) offsets(%dma_start3A_71 : memref<128xi32, #tpu.memory_space<vmem>>) semaphore(%arg12 : memref<!tpu.dma_semaphore, #tpu.memory_space<semaphore_mem>>)
      %scan3A_75 = arith.constant 0 : i32
      %scan3A_76 = arith.constant 19 : i32
      %scan3A_77 = arith.addi %scan3A_75, %scan3A_76 : i32
      %scan3A_78 = arith.constant 1 : i32
      scf.for %scan3A_103 = %scan3A_75 to %scan3A_77 step %scan3A_78  : i32 {
        %mul3A_104 = arith.constant 1 : i32
        %mul3A_105 = arith.muli %scan3A_103, %mul3A_104 : i32
        %add3A_106 = arith.constant 0 : i32
        %add3A_107 = arith.addi %add3A_106, %mul3A_105 : i32
        %mul3A_108 = arith.constant 2 : i32
        %mul3A_109 = arith.muli %add3A_107, %mul3A_108 : i32
        %add3A_110 = arith.constant 0 : i32
        %add3A_111 = arith.addi %mul3A_109, %add3A_110 : i32
        %dma_wait3A_112 = arith.constant 0 : i32
        %dma_wait3A_113 = tpu.memref_slice %arg7[%add3A_111, %dma_wait3A_112] : memref<40x128xi32, #tpu.memory_space<vmem>> -> memref<1x128xi32, #tpu.memory_space<vmem>>
        %dma_wait3A_114 = tpu.memref_squeeze %dma_wait3A_113 : memref<1x128xi32, #tpu.memory_space<vmem>> -> memref<128xi32, #tpu.memory_space<vmem>>
        %dma_wait3A_115 = arith.constant 0 : i32
        %dma_wait3A_116 = arith.constant 0 : i32
        %dma_wait3A_117 = tpu.memref_slice %arg4[%dma_wait3A_115, %dma_wait3A_116] : memref<81920x128xf32, #tpu.memory_space<hbm>> -> memref<81920x128xf32, #tpu.memory_space<hbm>>
        tpu.wait_indirect_dma semaphore(%arg11 : memref<!tpu.dma_semaphore, #tpu.memory_space<semaphore_mem>>) src(%dma_wait3A_117 : memref<81920x128xf32, #tpu.memory_space<hbm>>) dst(%arg9 : memref<128x128xf32, #tpu.memory_space<vmem>>)
        "tpu.region"() ({
          %run_scoped3A_144 = tpu.sem_alloc : memref<!tpu.dma_semaphore, #tpu.memory_space<semaphore_mem>>
          %dma_start3A_145 = arith.constant 0 : i32
          %dma_start3A_146 = tpu.memref_slice %arg8[%add3A_111, %dma_start3A_145] : memref<40x128xi32, #tpu.memory_space<vmem>> -> memref<1x128xi32, #tpu.memory_space<vmem>>
          %dma_start3A_147 = tpu.memref_squeeze %dma_start3A_146 : memref<1x128xi32, #tpu.memory_space<vmem>> -> memref<128xi32, #tpu.memory_space<vmem>>
          %dma_start3A_148 = arith.constant 0 : i32
          %dma_start3A_149 = arith.constant 0 : i32
          %dma_start3A_150 = tpu.memref_slice %arg6[%dma_start3A_148, %dma_start3A_149] : memref<10240x128xf32, #tpu.memory_space<vmem_shared>> -> memref<10240x128xf32, #tpu.memory_space<vmem_shared>>
          tpu.enqueue_indirect_dma source(%arg9 : memref<128x128xf32, #tpu.memory_space<vmem>>) target(%dma_start3A_150 : memref<10240x128xf32, #tpu.memory_space<vmem_shared>>) offsets(%dma_start3A_147 : memref<128xi32, #tpu.memory_space<vmem>>) semaphore(%run_scoped3A_144 : memref<!tpu.dma_semaphore, #tpu.memory_space<semaphore_mem>>) {add = true}
          %dma_wait3A_151 = arith.constant 0 : i32
          %dma_wait3A_152 = tpu.memref_slice %arg8[%add3A_111, %dma_wait3A_151] : memref<40x128xi32, #tpu.memory_space<vmem>> -> memref<1x128xi32, #tpu.memory_space<vmem>>
          %dma_wait3A_153 = tpu.memref_squeeze %dma_wait3A_152 : memref<1x128xi32, #tpu.memory_space<vmem>> -> memref<128xi32, #tpu.memory_space<vmem>>
          %dma_wait3A_154 = arith.constant 0 : i32
          %dma_wait3A_155 = arith.constant 0 : i32
          %dma_wait3A_156 = tpu.memref_slice %arg6[%dma_wait3A_154, %dma_wait3A_155] : memref<10240x128xf32, #tpu.memory_space<vmem_shared>> -> memref<10240x128xf32, #tpu.memory_space<vmem_shared>>
          tpu.wait_indirect_dma semaphore(%run_scoped3A_144 : memref<!tpu.dma_semaphore, #tpu.memory_space<semaphore_mem>>) src(%arg9 : memref<128x128xf32, #tpu.memory_space<vmem>>) dst(%dma_wait3A_156 : memref<10240x128xf32, #tpu.memory_space<vmem_shared>>)
          tpu.yield
        }) : () -> ()
        %add3A_118 = arith.constant 2 : i32
        %add3A_119 = arith.addi %add3A_111, %add3A_118 : i32
        %dma_start3A_120 = arith.constant 0 : i32
        %dma_start3A_121 = tpu.memref_slice %arg7[%add3A_119, %dma_start3A_120] : memref<40x128xi32, #tpu.memory_space<vmem>> -> memref<1x128xi32, #tpu.memory_space<vmem>>
        %dma_start3A_122 = tpu.memref_squeeze %dma_start3A_121 : memref<1x128xi32, #tpu.memory_space<vmem>> -> memref<128xi32, #tpu.memory_space<vmem>>
        %dma_start3A_123 = arith.constant 0 : i32
        %dma_start3A_124 = arith.constant 0 : i32
        %dma_start3A_125 = tpu.memref_slice %arg4[%dma_start3A_123, %dma_start3A_124] : memref<81920x128xf32, #tpu.memory_space<hbm>> -> memref<81920x128xf32, #tpu.memory_space<hbm>>
        tpu.enqueue_indirect_dma source(%dma_start3A_125 : memref<81920x128xf32, #tpu.memory_space<hbm>>) target(%arg9 : memref<128x128xf32, #tpu.memory_space<vmem>>) offsets(%dma_start3A_122 : memref<128xi32, #tpu.memory_space<vmem>>) semaphore(%arg11 : memref<!tpu.dma_semaphore, #tpu.memory_space<semaphore_mem>>)
        %mul3A_126 = arith.constant 2 : i32
        %mul3A_127 = arith.muli %add3A_107, %mul3A_126 : i32
        %add3A_128 = arith.constant 1 : i32
        %add3A_129 = arith.addi %mul3A_127, %add3A_128 : i32
        %dma_wait3A_130 = arith.constant 0 : i32
        %dma_wait3A_131 = tpu.memref_slice %arg7[%add3A_129, %dma_wait3A_130] : memref<40x128xi32, #tpu.memory_space<vmem>> -> memref<1x128xi32, #tpu.memory_space<vmem>>
        %dma_wait3A_132 = tpu.memref_squeeze %dma_wait3A_131 : memref<1x128xi32, #tpu.memory_space<vmem>> -> memref<128xi32, #tpu.memory_space<vmem>>
        %dma_wait3A_133 = arith.constant 0 : i32
        %dma_wait3A_134 = arith.constant 0 : i32
        %dma_wait3A_135 = tpu.memref_slice %arg4[%dma_wait3A_133, %dma_wait3A_134] : memref<81920x128xf32, #tpu.memory_space<hbm>> -> memref<81920x128xf32, #tpu.memory_space<hbm>>
        tpu.wait_indirect_dma semaphore(%arg12 : memref<!tpu.dma_semaphore, #tpu.memory_space<semaphore_mem>>) src(%dma_wait3A_135 : memref<81920x128xf32, #tpu.memory_space<hbm>>) dst(%arg10 : memref<128x128xf32, #tpu.memory_space<vmem>>)
        "tpu.region"() ({
          %run_scoped3A_144 = tpu.sem_alloc : memref<!tpu.dma_semaphore, #tpu.memory_space<semaphore_mem>>
          %dma_start3A_145 = arith.constant 0 : i32
          %dma_start3A_146 = tpu.memref_slice %arg8[%add3A_129, %dma_start3A_145] : memref<40x128xi32, #tpu.memory_space<vmem>> -> memref<1x128xi32, #tpu.memory_space<vmem>>
          %dma_start3A_147 = tpu.memref_squeeze %dma_start3A_146 : memref<1x128xi32, #tpu.memory_space<vmem>> -> memref<128xi32, #tpu.memory_space<vmem>>
          %dma_start3A_148 = arith.constant 0 : i32
          %dma_start3A_149 = arith.constant 0 : i32
          %dma_start3A_150 = tpu.memref_slice %arg6[%dma_start3A_148, %dma_start3A_149] : memref<10240x128xf32, #tpu.memory_space<vmem_shared>> -> memref<10240x128xf32, #tpu.memory_space<vmem_shared>>
          tpu.enqueue_indirect_dma source(%arg10 : memref<128x128xf32, #tpu.memory_space<vmem>>) target(%dma_start3A_150 : memref<10240x128xf32, #tpu.memory_space<vmem_shared>>) offsets(%dma_start3A_147 : memref<128xi32, #tpu.memory_space<vmem>>) semaphore(%run_scoped3A_144 : memref<!tpu.dma_semaphore, #tpu.memory_space<semaphore_mem>>) {add = true}
          %dma_wait3A_151 = arith.constant 0 : i32
          %dma_wait3A_152 = tpu.memref_slice %arg8[%add3A_129, %dma_wait3A_151] : memref<40x128xi32, #tpu.memory_space<vmem>> -> memref<1x128xi32, #tpu.memory_space<vmem>>
          %dma_wait3A_153 = tpu.memref_squeeze %dma_wait3A_152 : memref<1x128xi32, #tpu.memory_space<vmem>> -> memref<128xi32, #tpu.memory_space<vmem>>
          %dma_wait3A_154 = arith.constant 0 : i32
          %dma_wait3A_155 = arith.constant 0 : i32
          %dma_wait3A_156 = tpu.memref_slice %arg6[%dma_wait3A_154, %dma_wait3A_155] : memref<10240x128xf32, #tpu.memory_space<vmem_shared>> -> memref<10240x128xf32, #tpu.memory_space<vmem_shared>>
          tpu.wait_indirect_dma semaphore(%run_scoped3A_144 : memref<!tpu.dma_semaphore, #tpu.memory_space<semaphore_mem>>) src(%arg10 : memref<128x128xf32, #tpu.memory_space<vmem>>) dst(%dma_wait3A_156 : memref<10240x128xf32, #tpu.memory_space<vmem_shared>>)
          tpu.yield
        }) : () -> ()
        %add3A_136 = arith.constant 2 : i32
        %add3A_137 = arith.addi %add3A_129, %add3A_136 : i32
        %dma_start3A_138 = arith.constant 0 : i32
        %dma_start3A_139 = tpu.memref_slice %arg7[%add3A_137, %dma_start3A_138] : memref<40x128xi32, #tpu.memory_space<vmem>> -> memref<1x128xi32, #tpu.memory_space<vmem>>
        %dma_start3A_140 = tpu.memref_squeeze %dma_start3A_139 : memref<1x128xi32, #tpu.memory_space<vmem>> -> memref<128xi32, #tpu.memory_space<vmem>>
        %dma_start3A_141 = arith.constant 0 : i32
        %dma_start3A_142 = arith.constant 0 : i32
        %dma_start3A_143 = tpu.memref_slice %arg4[%dma_start3A_141, %dma_start3A_142] : memref<81920x128xf32, #tpu.memory_space<hbm>> -> memref<81920x128xf32, #tpu.memory_space<hbm>>
        tpu.enqueue_indirect_dma source(%dma_start3A_143 : memref<81920x128xf32, #tpu.memory_space<hbm>>) target(%arg10 : memref<128x128xf32, #tpu.memory_space<vmem>>) offsets(%dma_start3A_140 : memref<128xi32, #tpu.memory_space<vmem>>) semaphore(%arg12 : memref<!tpu.dma_semaphore, #tpu.memory_space<semaphore_mem>>)
      }
      %scan3A_79 = arith.constant 19 : i32
      %dma_wait3A_80 = arith.constant 38 : i32
      %dma_wait3A_81 = arith.constant 0 : i32
      %dma_wait3A_82 = tpu.memref_slice %arg7[%dma_wait3A_80, %dma_wait3A_81] : memref<40x128xi32, #tpu.memory_space<vmem>> -> memref<1x128xi32, #tpu.memory_space<vmem>>
      %dma_wait3A_83 = tpu.memref_squeeze %dma_wait3A_82 : memref<1x128xi32, #tpu.memory_space<vmem>> -> memref<128xi32, #tpu.memory_space<vmem>>
      %dma_wait3A_84 = arith.constant 0 : i32
      %dma_wait3A_85 = arith.constant 0 : i32
      %dma_wait3A_86 = tpu.memref_slice %arg4[%dma_wait3A_84, %dma_wait3A_85] : memref<81920x128xf32, #tpu.memory_space<hbm>> -> memref<81920x128xf32, #tpu.memory_space<hbm>>
      tpu.wait_indirect_dma semaphore(%arg11 : memref<!tpu.dma_semaphore, #tpu.memory_space<semaphore_mem>>) src(%dma_wait3A_86 : memref<81920x128xf32, #tpu.memory_space<hbm>>) dst(%arg9 : memref<128x128xf32, #tpu.memory_space<vmem>>)
      %run_scoped3A_87 = arith.constant 38 : i32
      "tpu.region"() ({
        %run_scoped3A_103 = tpu.sem_alloc : memref<!tpu.dma_semaphore, #tpu.memory_space<semaphore_mem>>
        %dma_start3A_104 = arith.constant 0 : i32
        %dma_start3A_105 = tpu.memref_slice %arg8[%run_scoped3A_87, %dma_start3A_104] : memref<40x128xi32, #tpu.memory_space<vmem>> -> memref<1x128xi32, #tpu.memory_space<vmem>>
        %dma_start3A_106 = tpu.memref_squeeze %dma_start3A_105 : memref<1x128xi32, #tpu.memory_space<vmem>> -> memref<128xi32, #tpu.memory_space<vmem>>
        %dma_start3A_107 = arith.constant 0 : i32
        %dma_start3A_108 = arith.constant 0 : i32
        %dma_start3A_109 = tpu.memref_slice %arg6[%dma_start3A_107, %dma_start3A_108] : memref<10240x128xf32, #tpu.memory_space<vmem_shared>> -> memref<10240x128xf32, #tpu.memory_space<vmem_shared>>
        tpu.enqueue_indirect_dma source(%arg9 : memref<128x128xf32, #tpu.memory_space<vmem>>) target(%dma_start3A_109 : memref<10240x128xf32, #tpu.memory_space<vmem_shared>>) offsets(%dma_start3A_106 : memref<128xi32, #tpu.memory_space<vmem>>) semaphore(%run_scoped3A_103 : memref<!tpu.dma_semaphore, #tpu.memory_space<semaphore_mem>>) {add = true}
        %dma_wait3A_110 = arith.constant 0 : i32
        %dma_wait3A_111 = tpu.memref_slice %arg8[%run_scoped3A_87, %dma_wait3A_110] : memref<40x128xi32, #tpu.memory_space<vmem>> -> memref<1x128xi32, #tpu.memory_space<vmem>>
        %dma_wait3A_112 = tpu.memref_squeeze %dma_wait3A_111 : memref<1x128xi32, #tpu.memory_space<vmem>> -> memref<128xi32, #tpu.memory_space<vmem>>
        %dma_wait3A_113 = arith.constant 0 : i32
        %dma_wait3A_114 = arith.constant 0 : i32
        %dma_wait3A_115 = tpu.memref_slice %arg6[%dma_wait3A_113, %dma_wait3A_114] : memref<10240x128xf32, #tpu.memory_space<vmem_shared>> -> memref<10240x128xf32, #tpu.memory_space<vmem_shared>>
        tpu.wait_indirect_dma semaphore(%run_scoped3A_103 : memref<!tpu.dma_semaphore, #tpu.memory_space<semaphore_mem>>) src(%arg9 : memref<128x128xf32, #tpu.memory_space<vmem>>) dst(%dma_wait3A_115 : memref<10240x128xf32, #tpu.memory_space<vmem_shared>>)
        tpu.yield
      }) : () -> ()
      %dma_wait3A_88 = arith.constant 39 : i32
      %dma_wait3A_89 = arith.constant 0 : i32
      %dma_wait3A_90 = tpu.memref_slice %arg7[%dma_wait3A_88, %dma_wait3A_89] : memref<40x128xi32, #tpu.memory_space<vmem>> -> memref<1x128xi32, #tpu.memory_space<vmem>>
      %dma_wait3A_91 = tpu.memref_squeeze %dma_wait3A_90 : memref<1x128xi32, #tpu.memory_space<vmem>> -> memref<128xi32, #tpu.memory_space<vmem>>
      %dma_wait3A_92 = arith.constant 0 : i32
      %dma_wait3A_93 = arith.constant 0 : i32
      %dma_wait3A_94 = tpu.memref_slice %arg4[%dma_wait3A_92, %dma_wait3A_93] : memref<81920x128xf32, #tpu.memory_space<hbm>> -> memref<81920x128xf32, #tpu.memory_space<hbm>>
      tpu.wait_indirect_dma semaphore(%arg12 : memref<!tpu.dma_semaphore, #tpu.memory_space<semaphore_mem>>) src(%dma_wait3A_94 : memref<81920x128xf32, #tpu.memory_space<hbm>>) dst(%arg10 : memref<128x128xf32, #tpu.memory_space<vmem>>)
      %run_scoped3A_95 = arith.constant 39 : i32
      "tpu.region"() ({
        %run_scoped3A_103 = tpu.sem_alloc : memref<!tpu.dma_semaphore, #tpu.memory_space<semaphore_mem>>
        %dma_start3A_104 = arith.constant 0 : i32
        %dma_start3A_105 = tpu.memref_slice %arg8[%run_scoped3A_95, %dma_start3A_104] : memref<40x128xi32, #tpu.memory_space<vmem>> -> memref<1x128xi32, #tpu.memory_space<vmem>>
        %dma_start3A_106 = tpu.memref_squeeze %dma_start3A_105 : memref<1x128xi32, #tpu.memory_space<vmem>> -> memref<128xi32, #tpu.memory_space<vmem>>
        %dma_start3A_107 = arith.constant 0 : i32
        %dma_start3A_108 = arith.constant 0 : i32
        %dma_start3A_109 = tpu.memref_slice %arg6[%dma_start3A_107, %dma_start3A_108] : memref<10240x128xf32, #tpu.memory_space<vmem_shared>> -> memref<10240x128xf32, #tpu.memory_space<vmem_shared>>
        tpu.enqueue_indirect_dma source(%arg10 : memref<128x128xf32, #tpu.memory_space<vmem>>) target(%dma_start3A_109 : memref<10240x128xf32, #tpu.memory_space<vmem_shared>>) offsets(%dma_start3A_106 : memref<128xi32, #tpu.memory_space<vmem>>) semaphore(%run_scoped3A_103 : memref<!tpu.dma_semaphore, #tpu.memory_space<semaphore_mem>>) {add = true}
        %dma_wait3A_110 = arith.constant 0 : i32
        %dma_wait3A_111 = tpu.memref_slice %arg8[%run_scoped3A_95, %dma_wait3A_110] : memref<40x128xi32, #tpu.memory_space<vmem>> -> memref<1x128xi32, #tpu.memory_space<vmem>>
        %dma_wait3A_112 = tpu.memref_squeeze %dma_wait3A_111 : memref<1x128xi32, #tpu.memory_space<vmem>> -> memref<128xi32, #tpu.memory_space<vmem>>
        %dma_wait3A_113 = arith.constant 0 : i32
        %dma_wait3A_114 = arith.constant 0 : i32
        %dma_wait3A_115 = tpu.memref_slice %arg6[%dma_wait3A_113, %dma_wait3A_114] : memref<10240x128xf32, #tpu.memory_space<vmem_shared>> -> memref<10240x128xf32, #tpu.memory_space<vmem_shared>>
        tpu.wait_indirect_dma semaphore(%run_scoped3A_103 : memref<!tpu.dma_semaphore, #tpu.memory_space<semaphore_mem>>) src(%arg10 : memref<128x128xf32, #tpu.memory_space<vmem>>) dst(%dma_wait3A_115 : memref<10240x128xf32, #tpu.memory_space<vmem_shared>>)
        tpu.yield
      }) : () -> ()
      %barrier3A_96 = arith.constant 0 : index
      tpu.barrier barrier_id(%barrier3A_96)
      %scan3A_97 = arith.constant 0 : i32
      %scan3A_98 = arith.constant 5 : i32
      %scan3A_99 = arith.addi %scan3A_97, %scan3A_98 : i32
      %scan3A_100 = arith.constant 1 : i32
      scf.for %scan3A_103 = %scan3A_97 to %scan3A_99 step %scan3A_100  : i32 {
        %mul3A_104 = arith.constant 1 : i32
        %mul3A_105 = arith.muli %scan3A_103, %mul3A_104 : i32
        %add3A_106 = arith.constant 0 : i32
        %add3A_107 = arith.addi %add3A_106, %mul3A_105 : i32
        %mul3A_108 = arith.constant 640 : i32
        %mul3A_109 = arith.muli %arg1, %mul3A_108 : i32
        %mul3A_110 = arith.constant 128 : i32
        %mul3A_111 = arith.muli %add3A_107, %mul3A_110 : i32
        %add3A_112 = arith.addi %mul3A_109, %mul3A_111 : i32
        "tpu.region"() ({
          %run_scoped3A_118 = tpu.sem_alloc : memref<!tpu.dma_semaphore, #tpu.memory_space<semaphore_mem>>
          %dma_start3A_119 = arith.constant 0 : i32
          %dma_start3A_120 = tpu.memref_slice %arg6[%add3A_112, %dma_start3A_119] : memref<10240x128xf32, #tpu.memory_space<vmem_shared>> -> memref<128x128xf32, #tpu.memory_space<vmem_shared>>
          %dma_start3A_121 = arith.constant 0 : i32
          %dma_start3A_122 = tpu.memref_slice %arg6[%add3A_112, %dma_start3A_121] : memref<10240x128xf32, #tpu.memory_space<vmem_shared>> -> memref<128x128xf32, #tpu.memory_space<vmem_shared>>
          tpu.enqueue_dma source(%dma_start3A_122 : memref<128x128xf32, #tpu.memory_space<vmem_shared>>) target(%arg9 : memref<128x128xf32, #tpu.memory_space<vmem>>) target_semaphore(%run_scoped3A_118 : memref<!tpu.dma_semaphore, #tpu.memory_space<semaphore_mem>>)
          %dma_wait3A_123 = arith.constant 0 : i32
          %dma_wait3A_124 = tpu.memref_slice %arg6[%add3A_112, %dma_wait3A_123] : memref<10240x128xf32, #tpu.memory_space<vmem_shared>> -> memref<128x128xf32, #tpu.memory_space<vmem_shared>>
          %dma_wait3A_125 = arith.constant 0 : i32
          %dma_wait3A_126 = tpu.memref_slice %arg6[%add3A_112, %dma_wait3A_125] : memref<10240x128xf32, #tpu.memory_space<vmem_shared>> -> memref<128x128xf32, #tpu.memory_space<vmem_shared>>
          tpu.wait_dma2 semaphore(%run_scoped3A_118 : memref<!tpu.dma_semaphore, #tpu.memory_space<semaphore_mem>>) src(%dma_wait3A_126 : memref<128x128xf32, #tpu.memory_space<vmem_shared>>) dst(%arg9 : memref<128x128xf32, #tpu.memory_space<vmem>>)
          tpu.yield
        }) : () -> ()
        %mul3A_113 = arith.constant 640 : i32
        %mul3A_114 = arith.muli %arg1, %mul3A_113 : i32
        %mul3A_115 = arith.constant 128 : i32
        %mul3A_116 = arith.muli %add3A_107, %mul3A_115 : i32
        %add3A_117 = arith.addi %mul3A_114, %mul3A_116 : i32
        "tpu.region"() ({
          %run_scoped3A_118 = tpu.sem_alloc : memref<!tpu.dma_semaphore, #tpu.memory_space<semaphore_mem>>
          %dma_start3A_119 = arith.constant 0 : i32
          %dma_start3A_120 = tpu.memref_slice %arg5[%add3A_9, %add3A_117, %dma_start3A_119] : memref<8x10240x128xf32, #tpu.memory_space<hbm>> -> memref<1x128x128xf32, #tpu.memory_space<hbm>>
          %dma_start3A_121 = tpu.memref_squeeze %dma_start3A_120 : memref<1x128x128xf32, #tpu.memory_space<hbm>> -> memref<128x128xf32, #tpu.memory_space<hbm>>
          %dma_start3A_122 = arith.constant 0 : i32
          %dma_start3A_123 = tpu.memref_slice %arg5[%add3A_9, %add3A_117, %dma_start3A_122] : memref<8x10240x128xf32, #tpu.memory_space<hbm>> -> memref<1x128x128xf32, #tpu.memory_space<hbm>>
          %dma_start3A_124 = tpu.memref_squeeze %dma_start3A_123 : memref<1x128x128xf32, #tpu.memory_space<hbm>> -> memref<128x128xf32, #tpu.memory_space<hbm>>
          tpu.enqueue_dma source(%arg9 : memref<128x128xf32, #tpu.memory_space<vmem>>) target(%dma_start3A_124 : memref<128x128xf32, #tpu.memory_space<hbm>>) target_semaphore(%run_scoped3A_118 : memref<!tpu.dma_semaphore, #tpu.memory_space<semaphore_mem>>)
          %dma_wait3A_125 = arith.constant 0 : i32
          %dma_wait3A_126 = tpu.memref_slice %arg5[%add3A_9, %add3A_117, %dma_wait3A_125] : memref<8x10240x128xf32, #tpu.memory_space<hbm>> -> memref<1x128x128xf32, #tpu.memory_space<hbm>>
          %dma_wait3A_127 = tpu.memref_squeeze %dma_wait3A_126 : memref<1x128x128xf32, #tpu.memory_space<hbm>> -> memref<128x128xf32, #tpu.memory_space<hbm>>
          %dma_wait3A_128 = arith.constant 0 : i32
          %dma_wait3A_129 = tpu.memref_slice %arg5[%add3A_9, %add3A_117, %dma_wait3A_128] : memref<8x10240x128xf32, #tpu.memory_space<hbm>> -> memref<1x128x128xf32, #tpu.memory_space<hbm>>
          %dma_wait3A_130 = tpu.memref_squeeze %dma_wait3A_129 : memref<1x128x128xf32, #tpu.memory_space<hbm>> -> memref<128x128xf32, #tpu.memory_space<hbm>>
          tpu.wait_dma2 semaphore(%run_scoped3A_118 : memref<!tpu.dma_semaphore, #tpu.memory_space<semaphore_mem>>) src(%arg9 : memref<128x128xf32, #tpu.memory_space<vmem>>) dst(%dma_wait3A_130 : memref<128x128xf32, #tpu.memory_space<hbm>>)
          tpu.yield
        }) : () -> ()
      }
      %scan3A_101 = arith.constant 5 : i32
      %barrier3A_102 = arith.constant 0 : index
      tpu.barrier barrier_id(%barrier3A_102)
    }
    %scan3A_3 = arith.constant 4 : i32
    return
  }
}

#map = affine_map<(d0, d1) -> (0, 0)>
#map1 = affine_map<(d0, d1) -> (0, 0, 0)>
module attributes {stable_mosaic.version = 14 : i64} {
  func.func @_aggp_call(%arg0: i32, %arg1: i32, %arg2: memref<1280x128xi32, #tpu.memory_space<hbm>>, %arg3: memref<1280x128xi32, #tpu.memory_space<hbm>>, %arg4: memref<10240x128xf32, #tpu.memory_space<hbm>>, %arg5: memref<2x10240x128xf32, #tpu.memory_space<hbm>>, %arg6: memref<10240x128xf32, #tpu.memory_space<vmem_shared>>, %arg7: memref<40x128xi32, #tpu.memory_space<vmem>>, %arg8: memref<40x128xi32, #tpu.memory_space<vmem>>, %arg9: memref<128x128xf32, #tpu.memory_space<vmem>>, %arg10: memref<128x128xf32, #tpu.memory_space<vmem>>, %arg11: memref<!tpu.dma_semaphore, #tpu.memory_space<semaphore_mem>>, %arg12: memref<!tpu.dma_semaphore, #tpu.memory_space<semaphore_mem>>, %arg13: memref<!tpu.dma_semaphore, #tpu.memory_space<semaphore_mem>>, %arg14: memref<!tpu.dma_semaphore, #tpu.memory_space<semaphore_mem>>) attributes {dimension_semantics = [#tpu.dimension_semantics<core_parallel>, #tpu.dimension_semantics<subcore_parallel>], iteration_bounds = array<i64: 2, 16>, scalar_prefetch = 0 : i64, scratch_operands = 9 : i64, tpu.core_type = #tpu.core_type<sc_vector_subcore>, window_params = [{transform_indices = #map}, {transform_indices = #map}, {transform_indices = #map}, {transform_indices = #map1}]} {
    %broadcast_in_dim3A = arith.constant 0.000000e+00 : f32
    %broadcast_in_dim3A_0 = vector.broadcast %broadcast_in_dim3A : f32 to vector<16xf32>
    %scan3A = arith.constant 0 : i32
    %scan3A_1 = arith.constant 128 : i32
    %scan3A_2 = arith.addi %scan3A, %scan3A_1 : i32
    %scan3A_3 = arith.constant 1 : i32
    scf.for %scan3A_51 = %scan3A to %scan3A_2 step %scan3A_3  : i32 {
      %mul3A_52 = arith.constant 1 : i32
      %mul3A_53 = arith.muli %scan3A_51, %mul3A_52 : i32
      %add3A_54 = arith.constant 0 : i32
      %add3A_55 = arith.addi %add3A_54, %mul3A_53 : i32
      %swap3A = arith.index_cast %add3A_55 : i32 to index
      %swap3A_56 = arith.constant 0 : index
      %swap3A_57 = tpu.vector_load %arg9[%swap3A, %swap3A_56] {strides = array<i32>} : memref<128x128xf32, #tpu.memory_space<vmem>>, vector<1x16xf32>,
      %swap3A_58 = vector.shape_cast %swap3A_57 : vector<1x16xf32> to vector<16xf32>
      %swap3A_59 = vector.shape_cast %broadcast_in_dim3A_0 : vector<16xf32> to vector<1x16xf32>
      tpu.vector_store %arg9[%swap3A, %swap3A_56], %swap3A_59 {strides = array<i32>} : memref<128x128xf32, #tpu.memory_space<vmem>>, vector<1x16xf32>,
      %swap3A_60 = arith.index_cast %add3A_55 : i32 to index
      %swap3A_61 = arith.constant 16 : index
      %swap3A_62 = tpu.vector_load %arg9[%swap3A_60, %swap3A_61] {strides = array<i32>} : memref<128x128xf32, #tpu.memory_space<vmem>>, vector<1x16xf32>,
      %swap3A_63 = vector.shape_cast %swap3A_62 : vector<1x16xf32> to vector<16xf32>
      %swap3A_64 = vector.shape_cast %broadcast_in_dim3A_0 : vector<16xf32> to vector<1x16xf32>
      tpu.vector_store %arg9[%swap3A_60, %swap3A_61], %swap3A_64 {strides = array<i32>} : memref<128x128xf32, #tpu.memory_space<vmem>>, vector<1x16xf32>,
      %swap3A_65 = arith.index_cast %add3A_55 : i32 to index
      %swap3A_66 = arith.constant 32 : index
      %swap3A_67 = tpu.vector_load %arg9[%swap3A_65, %swap3A_66] {strides = array<i32>} : memref<128x128xf32, #tpu.memory_space<vmem>>, vector<1x16xf32>,
      %swap3A_68 = vector.shape_cast %swap3A_67 : vector<1x16xf32> to vector<16xf32>
      %swap3A_69 = vector.shape_cast %broadcast_in_dim3A_0 : vector<16xf32> to vector<1x16xf32>
      tpu.vector_store %arg9[%swap3A_65, %swap3A_66], %swap3A_69 {strides = array<i32>} : memref<128x128xf32, #tpu.memory_space<vmem>>, vector<1x16xf32>,
      %swap3A_70 = arith.index_cast %add3A_55 : i32 to index
      %swap3A_71 = arith.constant 48 : index
      %swap3A_72 = tpu.vector_load %arg9[%swap3A_70, %swap3A_71] {strides = array<i32>} : memref<128x128xf32, #tpu.memory_space<vmem>>, vector<1x16xf32>,
      %swap3A_73 = vector.shape_cast %swap3A_72 : vector<1x16xf32> to vector<16xf32>
      %swap3A_74 = vector.shape_cast %broadcast_in_dim3A_0 : vector<16xf32> to vector<1x16xf32>
      tpu.vector_store %arg9[%swap3A_70, %swap3A_71], %swap3A_74 {strides = array<i32>} : memref<128x128xf32, #tpu.memory_space<vmem>>, vector<1x16xf32>,
      %swap3A_75 = arith.index_cast %add3A_55 : i32 to index
      %swap3A_76 = arith.constant 64 : index
      %swap3A_77 = tpu.vector_load %arg9[%swap3A_75, %swap3A_76] {strides = array<i32>} : memref<128x128xf32, #tpu.memory_space<vmem>>, vector<1x16xf32>,
      %swap3A_78 = vector.shape_cast %swap3A_77 : vector<1x16xf32> to vector<16xf32>
      %swap3A_79 = vector.shape_cast %broadcast_in_dim3A_0 : vector<16xf32> to vector<1x16xf32>
      tpu.vector_store %arg9[%swap3A_75, %swap3A_76], %swap3A_79 {strides = array<i32>} : memref<128x128xf32, #tpu.memory_space<vmem>>, vector<1x16xf32>,
      %swap3A_80 = arith.index_cast %add3A_55 : i32 to index
      %swap3A_81 = arith.constant 80 : index
      %swap3A_82 = tpu.vector_load %arg9[%swap3A_80, %swap3A_81] {strides = array<i32>} : memref<128x128xf32, #tpu.memory_space<vmem>>, vector<1x16xf32>,
      %swap3A_83 = vector.shape_cast %swap3A_82 : vector<1x16xf32> to vector<16xf32>
      %swap3A_84 = vector.shape_cast %broadcast_in_dim3A_0 : vector<16xf32> to vector<1x16xf32>
      tpu.vector_store %arg9[%swap3A_80, %swap3A_81], %swap3A_84 {strides = array<i32>} : memref<128x128xf32, #tpu.memory_space<vmem>>, vector<1x16xf32>,
      %swap3A_85 = arith.index_cast %add3A_55 : i32 to index
      %swap3A_86 = arith.constant 96 : index
      %swap3A_87 = tpu.vector_load %arg9[%swap3A_85, %swap3A_86] {strides = array<i32>} : memref<128x128xf32, #tpu.memory_space<vmem>>, vector<1x16xf32>,
      %swap3A_88 = vector.shape_cast %swap3A_87 : vector<1x16xf32> to vector<16xf32>
      %swap3A_89 = vector.shape_cast %broadcast_in_dim3A_0 : vector<16xf32> to vector<1x16xf32>
      tpu.vector_store %arg9[%swap3A_85, %swap3A_86], %swap3A_89 {strides = array<i32>} : memref<128x128xf32, #tpu.memory_space<vmem>>, vector<1x16xf32>,
      %swap3A_90 = arith.index_cast %add3A_55 : i32 to index
      %swap3A_91 = arith.constant 112 : index
      %swap3A_92 = tpu.vector_load %arg9[%swap3A_90, %swap3A_91] {strides = array<i32>} : memref<128x128xf32, #tpu.memory_space<vmem>>, vector<1x16xf32>,
      %swap3A_93 = vector.shape_cast %swap3A_92 : vector<1x16xf32> to vector<16xf32>
      %swap3A_94 = vector.shape_cast %broadcast_in_dim3A_0 : vector<16xf32> to vector<1x16xf32>
      tpu.vector_store %arg9[%swap3A_90, %swap3A_91], %swap3A_94 {strides = array<i32>} : memref<128x128xf32, #tpu.memory_space<vmem>>, vector<1x16xf32>,
    }
    %scan3A_4 = arith.constant 128 : i32
    %scan3A_5 = arith.constant 0 : i32
    %scan3A_6 = arith.constant 5 : i32
    %scan3A_7 = arith.addi %scan3A_5, %scan3A_6 : i32
    %scan3A_8 = arith.constant 1 : i32
    scf.for %scan3A_51 = %scan3A_5 to %scan3A_7 step %scan3A_8  : i32 {
      %mul3A_52 = arith.constant 1 : i32
      %mul3A_53 = arith.muli %scan3A_51, %mul3A_52 : i32
      %add3A_54 = arith.constant 0 : i32
      %add3A_55 = arith.addi %add3A_54, %mul3A_53 : i32
      %mul3A_56 = arith.constant 640 : i32
      %mul3A_57 = arith.muli %arg1, %mul3A_56 : i32
      %mul3A_58 = arith.constant 128 : i32
      %mul3A_59 = arith.muli %add3A_55, %mul3A_58 : i32
      %add3A_60 = arith.addi %mul3A_57, %mul3A_59 : i32
      "tpu.region"() ({
        %run_scoped3A_61 = tpu.sem_alloc : memref<!tpu.dma_semaphore, #tpu.memory_space<semaphore_mem>>
        %dma_start3A_62 = arith.constant 0 : i32
        %dma_start3A_63 = tpu.memref_slice %arg6[%add3A_60, %dma_start3A_62] : memref<10240x128xf32, #tpu.memory_space<vmem_shared>> -> memref<128x128xf32, #tpu.memory_space<vmem_shared>>
        %dma_start3A_64 = arith.constant 0 : i32
        %dma_start3A_65 = tpu.memref_slice %arg6[%add3A_60, %dma_start3A_64] : memref<10240x128xf32, #tpu.memory_space<vmem_shared>> -> memref<128x128xf32, #tpu.memory_space<vmem_shared>>
        tpu.enqueue_dma source(%arg9 : memref<128x128xf32, #tpu.memory_space<vmem>>) target(%dma_start3A_65 : memref<128x128xf32, #tpu.memory_space<vmem_shared>>) target_semaphore(%run_scoped3A_61 : memref<!tpu.dma_semaphore, #tpu.memory_space<semaphore_mem>>)
        %dma_wait3A_66 = arith.constant 0 : i32
        %dma_wait3A_67 = tpu.memref_slice %arg6[%add3A_60, %dma_wait3A_66] : memref<10240x128xf32, #tpu.memory_space<vmem_shared>> -> memref<128x128xf32, #tpu.memory_space<vmem_shared>>
        %dma_wait3A_68 = arith.constant 0 : i32
        %dma_wait3A_69 = tpu.memref_slice %arg6[%add3A_60, %dma_wait3A_68] : memref<10240x128xf32, #tpu.memory_space<vmem_shared>> -> memref<128x128xf32, #tpu.memory_space<vmem_shared>>
        tpu.wait_dma2 semaphore(%run_scoped3A_61 : memref<!tpu.dma_semaphore, #tpu.memory_space<semaphore_mem>>) src(%arg9 : memref<128x128xf32, #tpu.memory_space<vmem>>) dst(%dma_wait3A_69 : memref<128x128xf32, #tpu.memory_space<vmem_shared>>)
        tpu.yield
      }) : () -> ()
    }
    %scan3A_9 = arith.constant 5 : i32
    %barrier3A = arith.constant 0 : index
    tpu.barrier barrier_id(%barrier3A)
    %mul3A = arith.constant 16 : i32
    %mul3A_10 = arith.muli %arg0, %mul3A : i32
    %add3A = arith.addi %mul3A_10, %arg1 : i32
    %mul3A_11 = arith.constant 40 : i32
    %mul3A_12 = arith.muli %add3A, %mul3A_11 : i32
    "tpu.region"() ({
      %run_scoped3A_51 = tpu.sem_alloc : memref<!tpu.dma_semaphore, #tpu.memory_space<semaphore_mem>>
      %dma_start3A_52 = arith.constant 0 : i32
      %dma_start3A_53 = tpu.memref_slice %arg2[%mul3A_12, %dma_start3A_52] : memref<1280x128xi32, #tpu.memory_space<hbm>> -> memref<40x128xi32, #tpu.memory_space<hbm>>
      %dma_start3A_54 = arith.constant 0 : i32
      %dma_start3A_55 = tpu.memref_slice %arg2[%mul3A_12, %dma_start3A_54] : memref<1280x128xi32, #tpu.memory_space<hbm>> -> memref<40x128xi32, #tpu.memory_space<hbm>>
      tpu.enqueue_dma source(%dma_start3A_55 : memref<40x128xi32, #tpu.memory_space<hbm>>) target(%arg7 : memref<40x128xi32, #tpu.memory_space<vmem>>) target_semaphore(%run_scoped3A_51 : memref<!tpu.dma_semaphore, #tpu.memory_space<semaphore_mem>>)
      %dma_wait3A_56 = arith.constant 0 : i32
      %dma_wait3A_57 = tpu.memref_slice %arg2[%mul3A_12, %dma_wait3A_56] : memref<1280x128xi32, #tpu.memory_space<hbm>> -> memref<40x128xi32, #tpu.memory_space<hbm>>
      %dma_wait3A_58 = arith.constant 0 : i32
      %dma_wait3A_59 = tpu.memref_slice %arg2[%mul3A_12, %dma_wait3A_58] : memref<1280x128xi32, #tpu.memory_space<hbm>> -> memref<40x128xi32, #tpu.memory_space<hbm>>
      tpu.wait_dma2 semaphore(%run_scoped3A_51 : memref<!tpu.dma_semaphore, #tpu.memory_space<semaphore_mem>>) src(%dma_wait3A_59 : memref<40x128xi32, #tpu.memory_space<hbm>>) dst(%arg7 : memref<40x128xi32, #tpu.memory_space<vmem>>)
      tpu.yield
    }) : () -> ()
    "tpu.region"() ({
      %run_scoped3A_51 = tpu.sem_alloc : memref<!tpu.dma_semaphore, #tpu.memory_space<semaphore_mem>>
      %dma_start3A_52 = arith.constant 0 : i32
      %dma_start3A_53 = tpu.memref_slice %arg3[%mul3A_12, %dma_start3A_52] : memref<1280x128xi32, #tpu.memory_space<hbm>> -> memref<40x128xi32, #tpu.memory_space<hbm>>
      %dma_start3A_54 = arith.constant 0 : i32
      %dma_start3A_55 = tpu.memref_slice %arg3[%mul3A_12, %dma_start3A_54] : memref<1280x128xi32, #tpu.memory_space<hbm>> -> memref<40x128xi32, #tpu.memory_space<hbm>>
      tpu.enqueue_dma source(%dma_start3A_55 : memref<40x128xi32, #tpu.memory_space<hbm>>) target(%arg8 : memref<40x128xi32, #tpu.memory_space<vmem>>) target_semaphore(%run_scoped3A_51 : memref<!tpu.dma_semaphore, #tpu.memory_space<semaphore_mem>>)
      %dma_wait3A_56 = arith.constant 0 : i32
      %dma_wait3A_57 = tpu.memref_slice %arg3[%mul3A_12, %dma_wait3A_56] : memref<1280x128xi32, #tpu.memory_space<hbm>> -> memref<40x128xi32, #tpu.memory_space<hbm>>
      %dma_wait3A_58 = arith.constant 0 : i32
      %dma_wait3A_59 = tpu.memref_slice %arg3[%mul3A_12, %dma_wait3A_58] : memref<1280x128xi32, #tpu.memory_space<hbm>> -> memref<40x128xi32, #tpu.memory_space<hbm>>
      tpu.wait_dma2 semaphore(%run_scoped3A_51 : memref<!tpu.dma_semaphore, #tpu.memory_space<semaphore_mem>>) src(%dma_wait3A_59 : memref<40x128xi32, #tpu.memory_space<hbm>>) dst(%arg8 : memref<40x128xi32, #tpu.memory_space<vmem>>)
      tpu.yield
    }) : () -> ()
    %dma_start3A = arith.constant 0 : i32
    %dma_start3A_13 = arith.constant 0 : i32
    %dma_start3A_14 = tpu.memref_slice %arg7[%dma_start3A, %dma_start3A_13] : memref<40x128xi32, #tpu.memory_space<vmem>> -> memref<1x128xi32, #tpu.memory_space<vmem>>
    %dma_start3A_15 = tpu.memref_squeeze %dma_start3A_14 : memref<1x128xi32, #tpu.memory_space<vmem>> -> memref<128xi32, #tpu.memory_space<vmem>>
    %dma_start3A_16 = arith.constant 0 : i32
    %dma_start3A_17 = arith.constant 0 : i32
    %dma_start3A_18 = tpu.memref_slice %arg4[%dma_start3A_16, %dma_start3A_17] : memref<10240x128xf32, #tpu.memory_space<hbm>> -> memref<10240x128xf32, #tpu.memory_space<hbm>>
    tpu.enqueue_indirect_dma source(%dma_start3A_18 : memref<10240x128xf32, #tpu.memory_space<hbm>>) target(%arg9 : memref<128x128xf32, #tpu.memory_space<vmem>>) offsets(%dma_start3A_15 : memref<128xi32, #tpu.memory_space<vmem>>) semaphore(%arg11 : memref<!tpu.dma_semaphore, #tpu.memory_space<semaphore_mem>>)
    %dma_start3A_19 = arith.constant 1 : i32
    %dma_start3A_20 = arith.constant 0 : i32
    %dma_start3A_21 = tpu.memref_slice %arg7[%dma_start3A_19, %dma_start3A_20] : memref<40x128xi32, #tpu.memory_space<vmem>> -> memref<1x128xi32, #tpu.memory_space<vmem>>
    %dma_start3A_22 = tpu.memref_squeeze %dma_start3A_21 : memref<1x128xi32, #tpu.memory_space<vmem>> -> memref<128xi32, #tpu.memory_space<vmem>>
    %dma_start3A_23 = arith.constant 0 : i32
    %dma_start3A_24 = arith.constant 0 : i32
    %dma_start3A_25 = tpu.memref_slice %arg4[%dma_start3A_23, %dma_start3A_24] : memref<10240x128xf32, #tpu.memory_space<hbm>> -> memref<10240x128xf32, #tpu.memory_space<hbm>>
    tpu.enqueue_indirect_dma source(%dma_start3A_25 : memref<10240x128xf32, #tpu.memory_space<hbm>>) target(%arg10 : memref<128x128xf32, #tpu.memory_space<vmem>>) offsets(%dma_start3A_22 : memref<128xi32, #tpu.memory_space<vmem>>) semaphore(%arg12 : memref<!tpu.dma_semaphore, #tpu.memory_space<semaphore_mem>>)
    %scan3A_26 = arith.constant 0 : i32
    %scan3A_27 = arith.constant 19 : i32
    %scan3A_28 = arith.addi %scan3A_26, %scan3A_27 : i32
    %scan3A_29 = arith.constant 1 : i32
    scf.for %scan3A_51 = %scan3A_26 to %scan3A_28 step %scan3A_29  : i32 {
      %mul3A_52 = arith.constant 1 : i32
      %mul3A_53 = arith.muli %scan3A_51, %mul3A_52 : i32
      %add3A_54 = arith.constant 0 : i32
      %add3A_55 = arith.addi %add3A_54, %mul3A_53 : i32
      %mul3A_56 = arith.constant 2 : i32
      %mul3A_57 = arith.muli %add3A_55, %mul3A_56 : i32
      %add3A_58 = arith.constant 0 : i32
      %add3A_59 = arith.addi %mul3A_57, %add3A_58 : i32
      %dma_wait3A_60 = arith.constant 0 : i32
      %dma_wait3A_61 = tpu.memref_slice %arg7[%add3A_59, %dma_wait3A_60] : memref<40x128xi32, #tpu.memory_space<vmem>> -> memref<1x128xi32, #tpu.memory_space<vmem>>
      %dma_wait3A_62 = tpu.memref_squeeze %dma_wait3A_61 : memref<1x128xi32, #tpu.memory_space<vmem>> -> memref<128xi32, #tpu.memory_space<vmem>>
      %dma_wait3A_63 = arith.constant 0 : i32
      %dma_wait3A_64 = arith.constant 0 : i32
      %dma_wait3A_65 = tpu.memref_slice %arg4[%dma_wait3A_63, %dma_wait3A_64] : memref<10240x128xf32, #tpu.memory_space<hbm>> -> memref<10240x128xf32, #tpu.memory_space<hbm>>
      tpu.wait_indirect_dma semaphore(%arg11 : memref<!tpu.dma_semaphore, #tpu.memory_space<semaphore_mem>>) src(%dma_wait3A_65 : memref<10240x128xf32, #tpu.memory_space<hbm>>) dst(%arg9 : memref<128x128xf32, #tpu.memory_space<vmem>>)
      "tpu.region"() ({
        %run_scoped3A_92 = tpu.sem_alloc : memref<!tpu.dma_semaphore, #tpu.memory_space<semaphore_mem>>
        %dma_start3A_93 = arith.constant 0 : i32
        %dma_start3A_94 = tpu.memref_slice %arg8[%add3A_59, %dma_start3A_93] : memref<40x128xi32, #tpu.memory_space<vmem>> -> memref<1x128xi32, #tpu.memory_space<vmem>>
        %dma_start3A_95 = tpu.memref_squeeze %dma_start3A_94 : memref<1x128xi32, #tpu.memory_space<vmem>> -> memref<128xi32, #tpu.memory_space<vmem>>
        %dma_start3A_96 = arith.constant 0 : i32
        %dma_start3A_97 = arith.constant 0 : i32
        %dma_start3A_98 = tpu.memref_slice %arg6[%dma_start3A_96, %dma_start3A_97] : memref<10240x128xf32, #tpu.memory_space<vmem_shared>> -> memref<10240x128xf32, #tpu.memory_space<vmem_shared>>
        tpu.enqueue_indirect_dma source(%arg9 : memref<128x128xf32, #tpu.memory_space<vmem>>) target(%dma_start3A_98 : memref<10240x128xf32, #tpu.memory_space<vmem_shared>>) offsets(%dma_start3A_95 : memref<128xi32, #tpu.memory_space<vmem>>) semaphore(%run_scoped3A_92 : memref<!tpu.dma_semaphore, #tpu.memory_space<semaphore_mem>>) {add = true}
        %dma_wait3A_99 = arith.constant 0 : i32
        %dma_wait3A_100 = tpu.memref_slice %arg8[%add3A_59, %dma_wait3A_99] : memref<40x128xi32, #tpu.memory_space<vmem>> -> memref<1x128xi32, #tpu.memory_space<vmem>>
        %dma_wait3A_101 = tpu.memref_squeeze %dma_wait3A_100 : memref<1x128xi32, #tpu.memory_space<vmem>> -> memref<128xi32, #tpu.memory_space<vmem>>
        %dma_wait3A_102 = arith.constant 0 : i32
        %dma_wait3A_103 = arith.constant 0 : i32
        %dma_wait3A_104 = tpu.memref_slice %arg6[%dma_wait3A_102, %dma_wait3A_103] : memref<10240x128xf32, #tpu.memory_space<vmem_shared>> -> memref<10240x128xf32, #tpu.memory_space<vmem_shared>>
        tpu.wait_indirect_dma semaphore(%run_scoped3A_92 : memref<!tpu.dma_semaphore, #tpu.memory_space<semaphore_mem>>) src(%arg9 : memref<128x128xf32, #tpu.memory_space<vmem>>) dst(%dma_wait3A_104 : memref<10240x128xf32, #tpu.memory_space<vmem_shared>>)
        tpu.yield
      }) : () -> ()
      %add3A_66 = arith.constant 2 : i32
      %add3A_67 = arith.addi %add3A_59, %add3A_66 : i32
      %dma_start3A_68 = arith.constant 0 : i32
      %dma_start3A_69 = tpu.memref_slice %arg7[%add3A_67, %dma_start3A_68] : memref<40x128xi32, #tpu.memory_space<vmem>> -> memref<1x128xi32, #tpu.memory_space<vmem>>
      %dma_start3A_70 = tpu.memref_squeeze %dma_start3A_69 : memref<1x128xi32, #tpu.memory_space<vmem>> -> memref<128xi32, #tpu.memory_space<vmem>>
      %dma_start3A_71 = arith.constant 0 : i32
      %dma_start3A_72 = arith.constant 0 : i32
      %dma_start3A_73 = tpu.memref_slice %arg4[%dma_start3A_71, %dma_start3A_72] : memref<10240x128xf32, #tpu.memory_space<hbm>> -> memref<10240x128xf32, #tpu.memory_space<hbm>>
      tpu.enqueue_indirect_dma source(%dma_start3A_73 : memref<10240x128xf32, #tpu.memory_space<hbm>>) target(%arg9 : memref<128x128xf32, #tpu.memory_space<vmem>>) offsets(%dma_start3A_70 : memref<128xi32, #tpu.memory_space<vmem>>) semaphore(%arg11 : memref<!tpu.dma_semaphore, #tpu.memory_space<semaphore_mem>>)
      %mul3A_74 = arith.constant 2 : i32
      %mul3A_75 = arith.muli %add3A_55, %mul3A_74 : i32
      %add3A_76 = arith.constant 1 : i32
      %add3A_77 = arith.addi %mul3A_75, %add3A_76 : i32
      %dma_wait3A_78 = arith.constant 0 : i32
      %dma_wait3A_79 = tpu.memref_slice %arg7[%add3A_77, %dma_wait3A_78] : memref<40x128xi32, #tpu.memory_space<vmem>> -> memref<1x128xi32, #tpu.memory_space<vmem>>
      %dma_wait3A_80 = tpu.memref_squeeze %dma_wait3A_79 : memref<1x128xi32, #tpu.memory_space<vmem>> -> memref<128xi32, #tpu.memory_space<vmem>>
      %dma_wait3A_81 = arith.constant 0 : i32
      %dma_wait3A_82 = arith.constant 0 : i32
      %dma_wait3A_83 = tpu.memref_slice %arg4[%dma_wait3A_81, %dma_wait3A_82] : memref<10240x128xf32, #tpu.memory_space<hbm>> -> memref<10240x128xf32, #tpu.memory_space<hbm>>
      tpu.wait_indirect_dma semaphore(%arg12 : memref<!tpu.dma_semaphore, #tpu.memory_space<semaphore_mem>>) src(%dma_wait3A_83 : memref<10240x128xf32, #tpu.memory_space<hbm>>) dst(%arg10 : memref<128x128xf32, #tpu.memory_space<vmem>>)
      "tpu.region"() ({
        %run_scoped3A_92 = tpu.sem_alloc : memref<!tpu.dma_semaphore, #tpu.memory_space<semaphore_mem>>
        %dma_start3A_93 = arith.constant 0 : i32
        %dma_start3A_94 = tpu.memref_slice %arg8[%add3A_77, %dma_start3A_93] : memref<40x128xi32, #tpu.memory_space<vmem>> -> memref<1x128xi32, #tpu.memory_space<vmem>>
        %dma_start3A_95 = tpu.memref_squeeze %dma_start3A_94 : memref<1x128xi32, #tpu.memory_space<vmem>> -> memref<128xi32, #tpu.memory_space<vmem>>
        %dma_start3A_96 = arith.constant 0 : i32
        %dma_start3A_97 = arith.constant 0 : i32
        %dma_start3A_98 = tpu.memref_slice %arg6[%dma_start3A_96, %dma_start3A_97] : memref<10240x128xf32, #tpu.memory_space<vmem_shared>> -> memref<10240x128xf32, #tpu.memory_space<vmem_shared>>
        tpu.enqueue_indirect_dma source(%arg10 : memref<128x128xf32, #tpu.memory_space<vmem>>) target(%dma_start3A_98 : memref<10240x128xf32, #tpu.memory_space<vmem_shared>>) offsets(%dma_start3A_95 : memref<128xi32, #tpu.memory_space<vmem>>) semaphore(%run_scoped3A_92 : memref<!tpu.dma_semaphore, #tpu.memory_space<semaphore_mem>>) {add = true}
        %dma_wait3A_99 = arith.constant 0 : i32
        %dma_wait3A_100 = tpu.memref_slice %arg8[%add3A_77, %dma_wait3A_99] : memref<40x128xi32, #tpu.memory_space<vmem>> -> memref<1x128xi32, #tpu.memory_space<vmem>>
        %dma_wait3A_101 = tpu.memref_squeeze %dma_wait3A_100 : memref<1x128xi32, #tpu.memory_space<vmem>> -> memref<128xi32, #tpu.memory_space<vmem>>
        %dma_wait3A_102 = arith.constant 0 : i32
        %dma_wait3A_103 = arith.constant 0 : i32
        %dma_wait3A_104 = tpu.memref_slice %arg6[%dma_wait3A_102, %dma_wait3A_103] : memref<10240x128xf32, #tpu.memory_space<vmem_shared>> -> memref<10240x128xf32, #tpu.memory_space<vmem_shared>>
        tpu.wait_indirect_dma semaphore(%run_scoped3A_92 : memref<!tpu.dma_semaphore, #tpu.memory_space<semaphore_mem>>) src(%arg10 : memref<128x128xf32, #tpu.memory_space<vmem>>) dst(%dma_wait3A_104 : memref<10240x128xf32, #tpu.memory_space<vmem_shared>>)
        tpu.yield
      }) : () -> ()
      %add3A_84 = arith.constant 2 : i32
      %add3A_85 = arith.addi %add3A_77, %add3A_84 : i32
      %dma_start3A_86 = arith.constant 0 : i32
      %dma_start3A_87 = tpu.memref_slice %arg7[%add3A_85, %dma_start3A_86] : memref<40x128xi32, #tpu.memory_space<vmem>> -> memref<1x128xi32, #tpu.memory_space<vmem>>
      %dma_start3A_88 = tpu.memref_squeeze %dma_start3A_87 : memref<1x128xi32, #tpu.memory_space<vmem>> -> memref<128xi32, #tpu.memory_space<vmem>>
      %dma_start3A_89 = arith.constant 0 : i32
      %dma_start3A_90 = arith.constant 0 : i32
      %dma_start3A_91 = tpu.memref_slice %arg4[%dma_start3A_89, %dma_start3A_90] : memref<10240x128xf32, #tpu.memory_space<hbm>> -> memref<10240x128xf32, #tpu.memory_space<hbm>>
      tpu.enqueue_indirect_dma source(%dma_start3A_91 : memref<10240x128xf32, #tpu.memory_space<hbm>>) target(%arg10 : memref<128x128xf32, #tpu.memory_space<vmem>>) offsets(%dma_start3A_88 : memref<128xi32, #tpu.memory_space<vmem>>) semaphore(%arg12 : memref<!tpu.dma_semaphore, #tpu.memory_space<semaphore_mem>>)
    }
    %scan3A_30 = arith.constant 19 : i32
    %dma_wait3A = arith.constant 38 : i32
    %dma_wait3A_31 = arith.constant 0 : i32
    %dma_wait3A_32 = tpu.memref_slice %arg7[%dma_wait3A, %dma_wait3A_31] : memref<40x128xi32, #tpu.memory_space<vmem>> -> memref<1x128xi32, #tpu.memory_space<vmem>>
    %dma_wait3A_33 = tpu.memref_squeeze %dma_wait3A_32 : memref<1x128xi32, #tpu.memory_space<vmem>> -> memref<128xi32, #tpu.memory_space<vmem>>
    %dma_wait3A_34 = arith.constant 0 : i32
    %dma_wait3A_35 = arith.constant 0 : i32
    %dma_wait3A_36 = tpu.memref_slice %arg4[%dma_wait3A_34, %dma_wait3A_35] : memref<10240x128xf32, #tpu.memory_space<hbm>> -> memref<10240x128xf32, #tpu.memory_space<hbm>>
    tpu.wait_indirect_dma semaphore(%arg11 : memref<!tpu.dma_semaphore, #tpu.memory_space<semaphore_mem>>) src(%dma_wait3A_36 : memref<10240x128xf32, #tpu.memory_space<hbm>>) dst(%arg9 : memref<128x128xf32, #tpu.memory_space<vmem>>)
    %run_scoped3A = arith.constant 38 : i32
    "tpu.region"() ({
      %run_scoped3A_51 = tpu.sem_alloc : memref<!tpu.dma_semaphore, #tpu.memory_space<semaphore_mem>>
      %dma_start3A_52 = arith.constant 0 : i32
      %dma_start3A_53 = tpu.memref_slice %arg8[%run_scoped3A, %dma_start3A_52] : memref<40x128xi32, #tpu.memory_space<vmem>> -> memref<1x128xi32, #tpu.memory_space<vmem>>
      %dma_start3A_54 = tpu.memref_squeeze %dma_start3A_53 : memref<1x128xi32, #tpu.memory_space<vmem>> -> memref<128xi32, #tpu.memory_space<vmem>>
      %dma_start3A_55 = arith.constant 0 : i32
      %dma_start3A_56 = arith.constant 0 : i32
      %dma_start3A_57 = tpu.memref_slice %arg6[%dma_start3A_55, %dma_start3A_56] : memref<10240x128xf32, #tpu.memory_space<vmem_shared>> -> memref<10240x128xf32, #tpu.memory_space<vmem_shared>>
      tpu.enqueue_indirect_dma source(%arg9 : memref<128x128xf32, #tpu.memory_space<vmem>>) target(%dma_start3A_57 : memref<10240x128xf32, #tpu.memory_space<vmem_shared>>) offsets(%dma_start3A_54 : memref<128xi32, #tpu.memory_space<vmem>>) semaphore(%run_scoped3A_51 : memref<!tpu.dma_semaphore, #tpu.memory_space<semaphore_mem>>) {add = true}
      %dma_wait3A_58 = arith.constant 0 : i32
      %dma_wait3A_59 = tpu.memref_slice %arg8[%run_scoped3A, %dma_wait3A_58] : memref<40x128xi32, #tpu.memory_space<vmem>> -> memref<1x128xi32, #tpu.memory_space<vmem>>
      %dma_wait3A_60 = tpu.memref_squeeze %dma_wait3A_59 : memref<1x128xi32, #tpu.memory_space<vmem>> -> memref<128xi32, #tpu.memory_space<vmem>>
      %dma_wait3A_61 = arith.constant 0 : i32
      %dma_wait3A_62 = arith.constant 0 : i32
      %dma_wait3A_63 = tpu.memref_slice %arg6[%dma_wait3A_61, %dma_wait3A_62] : memref<10240x128xf32, #tpu.memory_space<vmem_shared>> -> memref<10240x128xf32, #tpu.memory_space<vmem_shared>>
      tpu.wait_indirect_dma semaphore(%run_scoped3A_51 : memref<!tpu.dma_semaphore, #tpu.memory_space<semaphore_mem>>) src(%arg9 : memref<128x128xf32, #tpu.memory_space<vmem>>) dst(%dma_wait3A_63 : memref<10240x128xf32, #tpu.memory_space<vmem_shared>>)
      tpu.yield
    }) : () -> ()
    %dma_wait3A_37 = arith.constant 39 : i32
    %dma_wait3A_38 = arith.constant 0 : i32
    %dma_wait3A_39 = tpu.memref_slice %arg7[%dma_wait3A_37, %dma_wait3A_38] : memref<40x128xi32, #tpu.memory_space<vmem>> -> memref<1x128xi32, #tpu.memory_space<vmem>>
    %dma_wait3A_40 = tpu.memref_squeeze %dma_wait3A_39 : memref<1x128xi32, #tpu.memory_space<vmem>> -> memref<128xi32, #tpu.memory_space<vmem>>
    %dma_wait3A_41 = arith.constant 0 : i32
    %dma_wait3A_42 = arith.constant 0 : i32
    %dma_wait3A_43 = tpu.memref_slice %arg4[%dma_wait3A_41, %dma_wait3A_42] : memref<10240x128xf32, #tpu.memory_space<hbm>> -> memref<10240x128xf32, #tpu.memory_space<hbm>>
    tpu.wait_indirect_dma semaphore(%arg12 : memref<!tpu.dma_semaphore, #tpu.memory_space<semaphore_mem>>) src(%dma_wait3A_43 : memref<10240x128xf32, #tpu.memory_space<hbm>>) dst(%arg10 : memref<128x128xf32, #tpu.memory_space<vmem>>)
    %run_scoped3A_44 = arith.constant 39 : i32
    "tpu.region"() ({
      %run_scoped3A_51 = tpu.sem_alloc : memref<!tpu.dma_semaphore, #tpu.memory_space<semaphore_mem>>
      %dma_start3A_52 = arith.constant 0 : i32
      %dma_start3A_53 = tpu.memref_slice %arg8[%run_scoped3A_44, %dma_start3A_52] : memref<40x128xi32, #tpu.memory_space<vmem>> -> memref<1x128xi32, #tpu.memory_space<vmem>>
      %dma_start3A_54 = tpu.memref_squeeze %dma_start3A_53 : memref<1x128xi32, #tpu.memory_space<vmem>> -> memref<128xi32, #tpu.memory_space<vmem>>
      %dma_start3A_55 = arith.constant 0 : i32
      %dma_start3A_56 = arith.constant 0 : i32
      %dma_start3A_57 = tpu.memref_slice %arg6[%dma_start3A_55, %dma_start3A_56] : memref<10240x128xf32, #tpu.memory_space<vmem_shared>> -> memref<10240x128xf32, #tpu.memory_space<vmem_shared>>
      tpu.enqueue_indirect_dma source(%arg10 : memref<128x128xf32, #tpu.memory_space<vmem>>) target(%dma_start3A_57 : memref<10240x128xf32, #tpu.memory_space<vmem_shared>>) offsets(%dma_start3A_54 : memref<128xi32, #tpu.memory_space<vmem>>) semaphore(%run_scoped3A_51 : memref<!tpu.dma_semaphore, #tpu.memory_space<semaphore_mem>>) {add = true}
      %dma_wait3A_58 = arith.constant 0 : i32
      %dma_wait3A_59 = tpu.memref_slice %arg8[%run_scoped3A_44, %dma_wait3A_58] : memref<40x128xi32, #tpu.memory_space<vmem>> -> memref<1x128xi32, #tpu.memory_space<vmem>>
      %dma_wait3A_60 = tpu.memref_squeeze %dma_wait3A_59 : memref<1x128xi32, #tpu.memory_space<vmem>> -> memref<128xi32, #tpu.memory_space<vmem>>
      %dma_wait3A_61 = arith.constant 0 : i32
      %dma_wait3A_62 = arith.constant 0 : i32
      %dma_wait3A_63 = tpu.memref_slice %arg6[%dma_wait3A_61, %dma_wait3A_62] : memref<10240x128xf32, #tpu.memory_space<vmem_shared>> -> memref<10240x128xf32, #tpu.memory_space<vmem_shared>>
      tpu.wait_indirect_dma semaphore(%run_scoped3A_51 : memref<!tpu.dma_semaphore, #tpu.memory_space<semaphore_mem>>) src(%arg10 : memref<128x128xf32, #tpu.memory_space<vmem>>) dst(%dma_wait3A_63 : memref<10240x128xf32, #tpu.memory_space<vmem_shared>>)
      tpu.yield
    }) : () -> ()
    %barrier3A_45 = arith.constant 0 : index
    tpu.barrier barrier_id(%barrier3A_45)
    %scan3A_46 = arith.constant 0 : i32
    %scan3A_47 = arith.constant 5 : i32
    %scan3A_48 = arith.addi %scan3A_46, %scan3A_47 : i32
    %scan3A_49 = arith.constant 1 : i32
    scf.for %scan3A_51 = %scan3A_46 to %scan3A_48 step %scan3A_49  : i32 {
      %mul3A_52 = arith.constant 1 : i32
      %mul3A_53 = arith.muli %scan3A_51, %mul3A_52 : i32
      %add3A_54 = arith.constant 0 : i32
      %add3A_55 = arith.addi %add3A_54, %mul3A_53 : i32
      %mul3A_56 = arith.constant 640 : i32
      %mul3A_57 = arith.muli %arg1, %mul3A_56 : i32
      %mul3A_58 = arith.constant 128 : i32
      %mul3A_59 = arith.muli %add3A_55, %mul3A_58 : i32
      %add3A_60 = arith.addi %mul3A_57, %mul3A_59 : i32
      "tpu.region"() ({
        %run_scoped3A_66 = tpu.sem_alloc : memref<!tpu.dma_semaphore, #tpu.memory_space<semaphore_mem>>
        %dma_start3A_67 = arith.constant 0 : i32
        %dma_start3A_68 = tpu.memref_slice %arg6[%add3A_60, %dma_start3A_67] : memref<10240x128xf32, #tpu.memory_space<vmem_shared>> -> memref<128x128xf32, #tpu.memory_space<vmem_shared>>
        %dma_start3A_69 = arith.constant 0 : i32
        %dma_start3A_70 = tpu.memref_slice %arg6[%add3A_60, %dma_start3A_69] : memref<10240x128xf32, #tpu.memory_space<vmem_shared>> -> memref<128x128xf32, #tpu.memory_space<vmem_shared>>
        tpu.enqueue_dma source(%dma_start3A_70 : memref<128x128xf32, #tpu.memory_space<vmem_shared>>) target(%arg9 : memref<128x128xf32, #tpu.memory_space<vmem>>) target_semaphore(%run_scoped3A_66 : memref<!tpu.dma_semaphore, #tpu.memory_space<semaphore_mem>>)
        %dma_wait3A_71 = arith.constant 0 : i32
        %dma_wait3A_72 = tpu.memref_slice %arg6[%add3A_60, %dma_wait3A_71] : memref<10240x128xf32, #tpu.memory_space<vmem_shared>> -> memref<128x128xf32, #tpu.memory_space<vmem_shared>>
        %dma_wait3A_73 = arith.constant 0 : i32
        %dma_wait3A_74 = tpu.memref_slice %arg6[%add3A_60, %dma_wait3A_73] : memref<10240x128xf32, #tpu.memory_space<vmem_shared>> -> memref<128x128xf32, #tpu.memory_space<vmem_shared>>
        tpu.wait_dma2 semaphore(%run_scoped3A_66 : memref<!tpu.dma_semaphore, #tpu.memory_space<semaphore_mem>>) src(%dma_wait3A_74 : memref<128x128xf32, #tpu.memory_space<vmem_shared>>) dst(%arg9 : memref<128x128xf32, #tpu.memory_space<vmem>>)
        tpu.yield
      }) : () -> ()
      %mul3A_61 = arith.constant 640 : i32
      %mul3A_62 = arith.muli %arg1, %mul3A_61 : i32
      %mul3A_63 = arith.constant 128 : i32
      %mul3A_64 = arith.muli %add3A_55, %mul3A_63 : i32
      %add3A_65 = arith.addi %mul3A_62, %mul3A_64 : i32
      "tpu.region"() ({
        %run_scoped3A_66 = tpu.sem_alloc : memref<!tpu.dma_semaphore, #tpu.memory_space<semaphore_mem>>
        %dma_start3A_67 = arith.constant 0 : i32
        %dma_start3A_68 = tpu.memref_slice %arg5[%arg0, %add3A_65, %dma_start3A_67] : memref<2x10240x128xf32, #tpu.memory_space<hbm>> -> memref<1x128x128xf32, #tpu.memory_space<hbm>>
        %dma_start3A_69 = tpu.memref_squeeze %dma_start3A_68 : memref<1x128x128xf32, #tpu.memory_space<hbm>> -> memref<128x128xf32, #tpu.memory_space<hbm>>
        %dma_start3A_70 = arith.constant 0 : i32
        %dma_start3A_71 = tpu.memref_slice %arg5[%arg0, %add3A_65, %dma_start3A_70] : memref<2x10240x128xf32, #tpu.memory_space<hbm>> -> memref<1x128x128xf32, #tpu.memory_space<hbm>>
        %dma_start3A_72 = tpu.memref_squeeze %dma_start3A_71 : memref<1x128x128xf32, #tpu.memory_space<hbm>> -> memref<128x128xf32, #tpu.memory_space<hbm>>
        tpu.enqueue_dma source(%arg9 : memref<128x128xf32, #tpu.memory_space<vmem>>) target(%dma_start3A_72 : memref<128x128xf32, #tpu.memory_space<hbm>>) target_semaphore(%run_scoped3A_66 : memref<!tpu.dma_semaphore, #tpu.memory_space<semaphore_mem>>)
        %dma_wait3A_73 = arith.constant 0 : i32
        %dma_wait3A_74 = tpu.memref_slice %arg5[%arg0, %add3A_65, %dma_wait3A_73] : memref<2x10240x128xf32, #tpu.memory_space<hbm>> -> memref<1x128x128xf32, #tpu.memory_space<hbm>>
        %dma_wait3A_75 = tpu.memref_squeeze %dma_wait3A_74 : memref<1x128x128xf32, #tpu.memory_space<hbm>> -> memref<128x128xf32, #tpu.memory_space<hbm>>
        %dma_wait3A_76 = arith.constant 0 : i32
        %dma_wait3A_77 = tpu.memref_slice %arg5[%arg0, %add3A_65, %dma_wait3A_76] : memref<2x10240x128xf32, #tpu.memory_space<hbm>> -> memref<1x128x128xf32, #tpu.memory_space<hbm>>
        %dma_wait3A_78 = tpu.memref_squeeze %dma_wait3A_77 : memref<1x128x128xf32, #tpu.memory_space<hbm>> -> memref<128x128xf32, #tpu.memory_space<hbm>>
        tpu.wait_dma2 semaphore(%run_scoped3A_66 : memref<!tpu.dma_semaphore, #tpu.memory_space<semaphore_mem>>) src(%arg9 : memref<128x128xf32, #tpu.memory_space<vmem>>) dst(%dma_wait3A_78 : memref<128x128xf32, #tpu.memory_space<hbm>>)
        tpu.yield
      }) : () -> ()
    }
    %scan3A_50 = arith.constant 5 : i32
    return
  }
}

#map = affine_map<(d0, d1) -> (0, 0, 0)>
#map1 = affine_map<(d0, d1) -> (0, 0)>
module attributes {stable_mosaic.version = 14 : i64} {
  func.func @_agg_call(%arg0: i32, %arg1: i32, %arg2: memref<8x1280x128xi32, #tpu.memory_space<hbm>>, %arg3: memref<1280x128xi32, #tpu.memory_space<hbm>>, %arg4: memref<81920x128xf32, #tpu.memory_space<hbm>>, %arg5: memref<8x10240x128xf32, #tpu.memory_space<hbm>>, %arg6: memref<10240x128xf32, #tpu.memory_space<vmem_shared>>, %arg7: memref<40x128xi32, #tpu.memory_space<vmem>>, %arg8: memref<40x128xi32, #tpu.memory_space<vmem>>, %arg9: memref<128x128xf32, #tpu.memory_space<vmem>>, %arg10: memref<128x128xf32, #tpu.memory_space<vmem>>, %arg11: memref<!tpu.dma_semaphore, #tpu.memory_space<semaphore_mem>>, %arg12: memref<!tpu.dma_semaphore, #tpu.memory_space<semaphore_mem>>, %arg13: memref<!tpu.dma_semaphore, #tpu.memory_space<semaphore_mem>>, %arg14: memref<!tpu.dma_semaphore, #tpu.memory_space<semaphore_mem>>) attributes {dimension_semantics = [#tpu.dimension_semantics<core_parallel>, #tpu.dimension_semantics<subcore_parallel>], iteration_bounds = array<i64: 2, 16>, scalar_prefetch = 0 : i64, scratch_operands = 9 : i64, tpu.core_type = #tpu.core_type<sc_vector_subcore>, window_params = [{transform_indices = #map}, {transform_indices = #map1}, {transform_indices = #map1}, {transform_indices = #map}]} {
    %scan3A = arith.constant 0 : i32
    %scan3A_0 = arith.constant 4 : i32
    %scan3A_1 = arith.addi %scan3A, %scan3A_0 : i32
    %scan3A_2 = arith.constant 1 : i32
    scf.for %scan3A_4 = %scan3A to %scan3A_1 step %scan3A_2  : i32 {
      %mul3A = arith.constant 1 : i32
      %mul3A_5 = arith.muli %scan3A_4, %mul3A : i32
      %add3A = arith.constant 0 : i32
      %add3A_6 = arith.addi %add3A, %mul3A_5 : i32
      %mul3A_7 = arith.constant 2 : i32
      %mul3A_8 = arith.muli %add3A_6, %mul3A_7 : i32
      %add3A_9 = arith.addi %mul3A_8, %arg0 : i32
      %broadcast_in_dim3A = arith.constant 0.000000e+00 : f32
      %broadcast_in_dim3A_10 = vector.broadcast %broadcast_in_dim3A : f32 to vector<16xf32>
      %scan3A_11 = arith.constant 0 : i32
      %scan3A_12 = arith.constant 128 : i32
      %scan3A_13 = arith.addi %scan3A_11, %scan3A_12 : i32
      %scan3A_14 = arith.constant 1 : i32
      scf.for %scan3A_103 = %scan3A_11 to %scan3A_13 step %scan3A_14  : i32 {
        %mul3A_104 = arith.constant 1 : i32
        %mul3A_105 = arith.muli %scan3A_103, %mul3A_104 : i32
        %add3A_106 = arith.constant 0 : i32
        %add3A_107 = arith.addi %add3A_106, %mul3A_105 : i32
        %swap3A = arith.index_cast %add3A_107 : i32 to index
        %swap3A_108 = arith.constant 0 : index
        %swap3A_109 = tpu.vector_load %arg9[%swap3A, %swap3A_108] {strides = array<i32>} : memref<128x128xf32, #tpu.memory_space<vmem>>, vector<1x16xf32>,
        %swap3A_110 = vector.shape_cast %swap3A_109 : vector<1x16xf32> to vector<16xf32>
        %swap3A_111 = vector.shape_cast %broadcast_in_dim3A_10 : vector<16xf32> to vector<1x16xf32>
        tpu.vector_store %arg9[%swap3A, %swap3A_108], %swap3A_111 {strides = array<i32>} : memref<128x128xf32, #tpu.memory_space<vmem>>, vector<1x16xf32>,
        %swap3A_112 = arith.index_cast %add3A_107 : i32 to index
        %swap3A_113 = arith.constant 16 : index
        %swap3A_114 = tpu.vector_load %arg9[%swap3A_112, %swap3A_113] {strides = array<i32>} : memref<128x128xf32, #tpu.memory_space<vmem>>, vector<1x16xf32>,
        %swap3A_115 = vector.shape_cast %swap3A_114 : vector<1x16xf32> to vector<16xf32>
        %swap3A_116 = vector.shape_cast %broadcast_in_dim3A_10 : vector<16xf32> to vector<1x16xf32>
        tpu.vector_store %arg9[%swap3A_112, %swap3A_113], %swap3A_116 {strides = array<i32>} : memref<128x128xf32, #tpu.memory_space<vmem>>, vector<1x16xf32>,
        %swap3A_117 = arith.index_cast %add3A_107 : i32 to index
        %swap3A_118 = arith.constant 32 : index
        %swap3A_119 = tpu.vector_load %arg9[%swap3A_117, %swap3A_118] {strides = array<i32>} : memref<128x128xf32, #tpu.memory_space<vmem>>, vector<1x16xf32>,
        %swap3A_120 = vector.shape_cast %swap3A_119 : vector<1x16xf32> to vector<16xf32>
        %swap3A_121 = vector.shape_cast %broadcast_in_dim3A_10 : vector<16xf32> to vector<1x16xf32>
        tpu.vector_store %arg9[%swap3A_117, %swap3A_118], %swap3A_121 {strides = array<i32>} : memref<128x128xf32, #tpu.memory_space<vmem>>, vector<1x16xf32>,
        %swap3A_122 = arith.index_cast %add3A_107 : i32 to index
        %swap3A_123 = arith.constant 48 : index
        %swap3A_124 = tpu.vector_load %arg9[%swap3A_122, %swap3A_123] {strides = array<i32>} : memref<128x128xf32, #tpu.memory_space<vmem>>, vector<1x16xf32>,
        %swap3A_125 = vector.shape_cast %swap3A_124 : vector<1x16xf32> to vector<16xf32>
        %swap3A_126 = vector.shape_cast %broadcast_in_dim3A_10 : vector<16xf32> to vector<1x16xf32>
        tpu.vector_store %arg9[%swap3A_122, %swap3A_123], %swap3A_126 {strides = array<i32>} : memref<128x128xf32, #tpu.memory_space<vmem>>, vector<1x16xf32>,
        %swap3A_127 = arith.index_cast %add3A_107 : i32 to index
        %swap3A_128 = arith.constant 64 : index
        %swap3A_129 = tpu.vector_load %arg9[%swap3A_127, %swap3A_128] {strides = array<i32>} : memref<128x128xf32, #tpu.memory_space<vmem>>, vector<1x16xf32>,
        %swap3A_130 = vector.shape_cast %swap3A_129 : vector<1x16xf32> to vector<16xf32>
        %swap3A_131 = vector.shape_cast %broadcast_in_dim3A_10 : vector<16xf32> to vector<1x16xf32>
        tpu.vector_store %arg9[%swap3A_127, %swap3A_128], %swap3A_131 {strides = array<i32>} : memref<128x128xf32, #tpu.memory_space<vmem>>, vector<1x16xf32>,
        %swap3A_132 = arith.index_cast %add3A_107 : i32 to index
        %swap3A_133 = arith.constant 80 : index
        %swap3A_134 = tpu.vector_load %arg9[%swap3A_132, %swap3A_133] {strides = array<i32>} : memref<128x128xf32, #tpu.memory_space<vmem>>, vector<1x16xf32>,
        %swap3A_135 = vector.shape_cast %swap3A_134 : vector<1x16xf32> to vector<16xf32>
        %swap3A_136 = vector.shape_cast %broadcast_in_dim3A_10 : vector<16xf32> to vector<1x16xf32>
        tpu.vector_store %arg9[%swap3A_132, %swap3A_133], %swap3A_136 {strides = array<i32>} : memref<128x128xf32, #tpu.memory_space<vmem>>, vector<1x16xf32>,
        %swap3A_137 = arith.index_cast %add3A_107 : i32 to index
        %swap3A_138 = arith.constant 96 : index
        %swap3A_139 = tpu.vector_load %arg9[%swap3A_137, %swap3A_138] {strides = array<i32>} : memref<128x128xf32, #tpu.memory_space<vmem>>, vector<1x16xf32>,
        %swap3A_140 = vector.shape_cast %swap3A_139 : vector<1x16xf32> to vector<16xf32>
        %swap3A_141 = vector.shape_cast %broadcast_in_dim3A_10 : vector<16xf32> to vector<1x16xf32>
        tpu.vector_store %arg9[%swap3A_137, %swap3A_138], %swap3A_141 {strides = array<i32>} : memref<128x128xf32, #tpu.memory_space<vmem>>, vector<1x16xf32>,
        %swap3A_142 = arith.index_cast %add3A_107 : i32 to index
        %swap3A_143 = arith.constant 112 : index
        %swap3A_144 = tpu.vector_load %arg9[%swap3A_142, %swap3A_143] {strides = array<i32>} : memref<128x128xf32, #tpu.memory_space<vmem>>, vector<1x16xf32>,
        %swap3A_145 = vector.shape_cast %swap3A_144 : vector<1x16xf32> to vector<16xf32>
        %swap3A_146 = vector.shape_cast %broadcast_in_dim3A_10 : vector<16xf32> to vector<1x16xf32>
        tpu.vector_store %arg9[%swap3A_142, %swap3A_143], %swap3A_146 {strides = array<i32>} : memref<128x128xf32, #tpu.memory_space<vmem>>, vector<1x16xf32>,
      }
      %scan3A_15 = arith.constant 128 : i32
      %scan3A_16 = arith.constant 0 : i32
      %scan3A_17 = arith.constant 5 : i32
      %scan3A_18 = arith.addi %scan3A_16, %scan3A_17 : i32
      %scan3A_19 = arith.constant 1 : i32
      scf.for %scan3A_103 = %scan3A_16 to %scan3A_18 step %scan3A_19  : i32 {
        %mul3A_104 = arith.constant 1 : i32
        %mul3A_105 = arith.muli %scan3A_103, %mul3A_104 : i32
        %add3A_106 = arith.constant 0 : i32
        %add3A_107 = arith.addi %add3A_106, %mul3A_105 : i32
        %mul3A_108 = arith.constant 640 : i32
        %mul3A_109 = arith.muli %arg1, %mul3A_108 : i32
        %mul3A_110 = arith.constant 128 : i32
        %mul3A_111 = arith.muli %add3A_107, %mul3A_110 : i32
        %add3A_112 = arith.addi %mul3A_109, %mul3A_111 : i32
        "tpu.region"() ({
          %run_scoped3A_113 = tpu.sem_alloc : memref<!tpu.dma_semaphore, #tpu.memory_space<semaphore_mem>>
          %dma_start3A_114 = arith.constant 0 : i32
          %dma_start3A_115 = tpu.memref_slice %arg6[%add3A_112, %dma_start3A_114] : memref<10240x128xf32, #tpu.memory_space<vmem_shared>> -> memref<128x128xf32, #tpu.memory_space<vmem_shared>>
          %dma_start3A_116 = arith.constant 0 : i32
          %dma_start3A_117 = tpu.memref_slice %arg6[%add3A_112, %dma_start3A_116] : memref<10240x128xf32, #tpu.memory_space<vmem_shared>> -> memref<128x128xf32, #tpu.memory_space<vmem_shared>>
          tpu.enqueue_dma source(%arg9 : memref<128x128xf32, #tpu.memory_space<vmem>>) target(%dma_start3A_117 : memref<128x128xf32, #tpu.memory_space<vmem_shared>>) target_semaphore(%run_scoped3A_113 : memref<!tpu.dma_semaphore, #tpu.memory_space<semaphore_mem>>)
          %dma_wait3A_118 = arith.constant 0 : i32
          %dma_wait3A_119 = tpu.memref_slice %arg6[%add3A_112, %dma_wait3A_118] : memref<10240x128xf32, #tpu.memory_space<vmem_shared>> -> memref<128x128xf32, #tpu.memory_space<vmem_shared>>
          %dma_wait3A_120 = arith.constant 0 : i32
          %dma_wait3A_121 = tpu.memref_slice %arg6[%add3A_112, %dma_wait3A_120] : memref<10240x128xf32, #tpu.memory_space<vmem_shared>> -> memref<128x128xf32, #tpu.memory_space<vmem_shared>>
          tpu.wait_dma2 semaphore(%run_scoped3A_113 : memref<!tpu.dma_semaphore, #tpu.memory_space<semaphore_mem>>) src(%arg9 : memref<128x128xf32, #tpu.memory_space<vmem>>) dst(%dma_wait3A_121 : memref<128x128xf32, #tpu.memory_space<vmem_shared>>)
          tpu.yield
        }) : () -> ()
      }
      %scan3A_20 = arith.constant 5 : i32
      %barrier3A = arith.constant 0 : index
      tpu.barrier barrier_id(%barrier3A)
      %mul3A_21 = arith.constant 80 : i32
      %mul3A_22 = arith.muli %arg1, %mul3A_21 : i32
      %add3A_23 = arith.constant 0 : i32
      %add3A_24 = arith.addi %mul3A_22, %add3A_23 : i32
      "tpu.region"() ({
        %run_scoped3A_103 = tpu.sem_alloc : memref<!tpu.dma_semaphore, #tpu.memory_space<semaphore_mem>>
        %dma_start3A_104 = arith.constant 0 : i32
        %dma_start3A_105 = tpu.memref_slice %arg2[%add3A_9, %add3A_24, %dma_start3A_104] : memref<8x1280x128xi32, #tpu.memory_space<hbm>> -> memref<1x40x128xi32, #tpu.memory_space<hbm>>
        %dma_start3A_106 = tpu.memref_squeeze %dma_start3A_105 : memref<1x40x128xi32, #tpu.memory_space<hbm>> -> memref<40x128xi32, #tpu.memory_space<hbm>>
        %dma_start3A_107 = arith.constant 0 : i32
        %dma_start3A_108 = tpu.memref_slice %arg2[%add3A_9, %add3A_24, %dma_start3A_107] : memref<8x1280x128xi32, #tpu.memory_space<hbm>> -> memref<1x40x128xi32, #tpu.memory_space<hbm>>
        %dma_start3A_109 = tpu.memref_squeeze %dma_start3A_108 : memref<1x40x128xi32, #tpu.memory_space<hbm>> -> memref<40x128xi32, #tpu.memory_space<hbm>>
        tpu.enqueue_dma source(%dma_start3A_109 : memref<40x128xi32, #tpu.memory_space<hbm>>) target(%arg7 : memref<40x128xi32, #tpu.memory_space<vmem>>) target_semaphore(%run_scoped3A_103 : memref<!tpu.dma_semaphore, #tpu.memory_space<semaphore_mem>>)
        %dma_wait3A_110 = arith.constant 0 : i32
        %dma_wait3A_111 = tpu.memref_slice %arg2[%add3A_9, %add3A_24, %dma_wait3A_110] : memref<8x1280x128xi32, #tpu.memory_space<hbm>> -> memref<1x40x128xi32, #tpu.memory_space<hbm>>
        %dma_wait3A_112 = tpu.memref_squeeze %dma_wait3A_111 : memref<1x40x128xi32, #tpu.memory_space<hbm>> -> memref<40x128xi32, #tpu.memory_space<hbm>>
        %dma_wait3A_113 = arith.constant 0 : i32
        %dma_wait3A_114 = tpu.memref_slice %arg2[%add3A_9, %add3A_24, %dma_wait3A_113] : memref<8x1280x128xi32, #tpu.memory_space<hbm>> -> memref<1x40x128xi32, #tpu.memory_space<hbm>>
        %dma_wait3A_115 = tpu.memref_squeeze %dma_wait3A_114 : memref<1x40x128xi32, #tpu.memory_space<hbm>> -> memref<40x128xi32, #tpu.memory_space<hbm>>
        tpu.wait_dma2 semaphore(%run_scoped3A_103 : memref<!tpu.dma_semaphore, #tpu.memory_space<semaphore_mem>>) src(%dma_wait3A_115 : memref<40x128xi32, #tpu.memory_space<hbm>>) dst(%arg7 : memref<40x128xi32, #tpu.memory_space<vmem>>)
        tpu.yield
      }) : () -> ()
      "tpu.region"() ({
        %run_scoped3A_103 = tpu.sem_alloc : memref<!tpu.dma_semaphore, #tpu.memory_space<semaphore_mem>>
        %dma_start3A_104 = arith.constant 0 : i32
        %dma_start3A_105 = tpu.memref_slice %arg3[%add3A_24, %dma_start3A_104] : memref<1280x128xi32, #tpu.memory_space<hbm>> -> memref<40x128xi32, #tpu.memory_space<hbm>>
        %dma_start3A_106 = arith.constant 0 : i32
        %dma_start3A_107 = tpu.memref_slice %arg3[%add3A_24, %dma_start3A_106] : memref<1280x128xi32, #tpu.memory_space<hbm>> -> memref<40x128xi32, #tpu.memory_space<hbm>>
        tpu.enqueue_dma source(%dma_start3A_107 : memref<40x128xi32, #tpu.memory_space<hbm>>) target(%arg8 : memref<40x128xi32, #tpu.memory_space<vmem>>) target_semaphore(%run_scoped3A_103 : memref<!tpu.dma_semaphore, #tpu.memory_space<semaphore_mem>>)
        %dma_wait3A_108 = arith.constant 0 : i32
        %dma_wait3A_109 = tpu.memref_slice %arg3[%add3A_24, %dma_wait3A_108] : memref<1280x128xi32, #tpu.memory_space<hbm>> -> memref<40x128xi32, #tpu.memory_space<hbm>>
        %dma_wait3A_110 = arith.constant 0 : i32
        %dma_wait3A_111 = tpu.memref_slice %arg3[%add3A_24, %dma_wait3A_110] : memref<1280x128xi32, #tpu.memory_space<hbm>> -> memref<40x128xi32, #tpu.memory_space<hbm>>
        tpu.wait_dma2 semaphore(%run_scoped3A_103 : memref<!tpu.dma_semaphore, #tpu.memory_space<semaphore_mem>>) src(%dma_wait3A_111 : memref<40x128xi32, #tpu.memory_space<hbm>>) dst(%arg8 : memref<40x128xi32, #tpu.memory_space<vmem>>)
        tpu.yield
      }) : () -> ()
      %dma_start3A = arith.constant 0 : i32
      %dma_start3A_25 = arith.constant 0 : i32
      %dma_start3A_26 = tpu.memref_slice %arg7[%dma_start3A, %dma_start3A_25] : memref<40x128xi32, #tpu.memory_space<vmem>> -> memref<1x128xi32, #tpu.memory_space<vmem>>
      %dma_start3A_27 = tpu.memref_squeeze %dma_start3A_26 : memref<1x128xi32, #tpu.memory_space<vmem>> -> memref<128xi32, #tpu.memory_space<vmem>>
      %dma_start3A_28 = arith.constant 0 : i32
      %dma_start3A_29 = arith.constant 0 : i32
      %dma_start3A_30 = tpu.memref_slice %arg4[%dma_start3A_28, %dma_start3A_29] : memref<81920x128xf32, #tpu.memory_space<hbm>> -> memref<81920x128xf32, #tpu.memory_space<hbm>>
      tpu.enqueue_indirect_dma source(%dma_start3A_30 : memref<81920x128xf32, #tpu.memory_space<hbm>>) target(%arg9 : memref<128x128xf32, #tpu.memory_space<vmem>>) offsets(%dma_start3A_27 : memref<128xi32, #tpu.memory_space<vmem>>) semaphore(%arg11 : memref<!tpu.dma_semaphore, #tpu.memory_space<semaphore_mem>>)
      %dma_start3A_31 = arith.constant 1 : i32
      %dma_start3A_32 = arith.constant 0 : i32
      %dma_start3A_33 = tpu.memref_slice %arg7[%dma_start3A_31, %dma_start3A_32] : memref<40x128xi32, #tpu.memory_space<vmem>> -> memref<1x128xi32, #tpu.memory_space<vmem>>
      %dma_start3A_34 = tpu.memref_squeeze %dma_start3A_33 : memref<1x128xi32, #tpu.memory_space<vmem>> -> memref<128xi32, #tpu.memory_space<vmem>>
      %dma_start3A_35 = arith.constant 0 : i32
      %dma_start3A_36 = arith.constant 0 : i32
      %dma_start3A_37 = tpu.memref_slice %arg4[%dma_start3A_35, %dma_start3A_36] : memref<81920x128xf32, #tpu.memory_space<hbm>> -> memref<81920x128xf32, #tpu.memory_space<hbm>>
      tpu.enqueue_indirect_dma source(%dma_start3A_37 : memref<81920x128xf32, #tpu.memory_space<hbm>>) target(%arg10 : memref<128x128xf32, #tpu.memory_space<vmem>>) offsets(%dma_start3A_34 : memref<128xi32, #tpu.memory_space<vmem>>) semaphore(%arg12 : memref<!tpu.dma_semaphore, #tpu.memory_space<semaphore_mem>>)
      %scan3A_38 = arith.constant 0 : i32
      %scan3A_39 = arith.constant 19 : i32
      %scan3A_40 = arith.addi %scan3A_38, %scan3A_39 : i32
      %scan3A_41 = arith.constant 1 : i32
      scf.for %scan3A_103 = %scan3A_38 to %scan3A_40 step %scan3A_41  : i32 {
        %mul3A_104 = arith.constant 1 : i32
        %mul3A_105 = arith.muli %scan3A_103, %mul3A_104 : i32
        %add3A_106 = arith.constant 0 : i32
        %add3A_107 = arith.addi %add3A_106, %mul3A_105 : i32
        %mul3A_108 = arith.constant 2 : i32
        %mul3A_109 = arith.muli %add3A_107, %mul3A_108 : i32
        %add3A_110 = arith.constant 0 : i32
        %add3A_111 = arith.addi %mul3A_109, %add3A_110 : i32
        %dma_wait3A_112 = arith.constant 0 : i32
        %dma_wait3A_113 = tpu.memref_slice %arg7[%add3A_111, %dma_wait3A_112] : memref<40x128xi32, #tpu.memory_space<vmem>> -> memref<1x128xi32, #tpu.memory_space<vmem>>
        %dma_wait3A_114 = tpu.memref_squeeze %dma_wait3A_113 : memref<1x128xi32, #tpu.memory_space<vmem>> -> memref<128xi32, #tpu.memory_space<vmem>>
        %dma_wait3A_115 = arith.constant 0 : i32
        %dma_wait3A_116 = arith.constant 0 : i32
        %dma_wait3A_117 = tpu.memref_slice %arg4[%dma_wait3A_115, %dma_wait3A_116] : memref<81920x128xf32, #tpu.memory_space<hbm>> -> memref<81920x128xf32, #tpu.memory_space<hbm>>
        tpu.wait_indirect_dma semaphore(%arg11 : memref<!tpu.dma_semaphore, #tpu.memory_space<semaphore_mem>>) src(%dma_wait3A_117 : memref<81920x128xf32, #tpu.memory_space<hbm>>) dst(%arg9 : memref<128x128xf32, #tpu.memory_space<vmem>>)
        "tpu.region"() ({
          %run_scoped3A_144 = tpu.sem_alloc : memref<!tpu.dma_semaphore, #tpu.memory_space<semaphore_mem>>
          %dma_start3A_145 = arith.constant 0 : i32
          %dma_start3A_146 = tpu.memref_slice %arg8[%add3A_111, %dma_start3A_145] : memref<40x128xi32, #tpu.memory_space<vmem>> -> memref<1x128xi32, #tpu.memory_space<vmem>>
          %dma_start3A_147 = tpu.memref_squeeze %dma_start3A_146 : memref<1x128xi32, #tpu.memory_space<vmem>> -> memref<128xi32, #tpu.memory_space<vmem>>
          %dma_start3A_148 = arith.constant 0 : i32
          %dma_start3A_149 = arith.constant 0 : i32
          %dma_start3A_150 = tpu.memref_slice %arg6[%dma_start3A_148, %dma_start3A_149] : memref<10240x128xf32, #tpu.memory_space<vmem_shared>> -> memref<10240x128xf32, #tpu.memory_space<vmem_shared>>
          tpu.enqueue_indirect_dma source(%arg9 : memref<128x128xf32, #tpu.memory_space<vmem>>) target(%dma_start3A_150 : memref<10240x128xf32, #tpu.memory_space<vmem_shared>>) offsets(%dma_start3A_147 : memref<128xi32, #tpu.memory_space<vmem>>) semaphore(%run_scoped3A_144 : memref<!tpu.dma_semaphore, #tpu.memory_space<semaphore_mem>>) {add = true}
          %dma_wait3A_151 = arith.constant 0 : i32
          %dma_wait3A_152 = tpu.memref_slice %arg8[%add3A_111, %dma_wait3A_151] : memref<40x128xi32, #tpu.memory_space<vmem>> -> memref<1x128xi32, #tpu.memory_space<vmem>>
          %dma_wait3A_153 = tpu.memref_squeeze %dma_wait3A_152 : memref<1x128xi32, #tpu.memory_space<vmem>> -> memref<128xi32, #tpu.memory_space<vmem>>
          %dma_wait3A_154 = arith.constant 0 : i32
          %dma_wait3A_155 = arith.constant 0 : i32
          %dma_wait3A_156 = tpu.memref_slice %arg6[%dma_wait3A_154, %dma_wait3A_155] : memref<10240x128xf32, #tpu.memory_space<vmem_shared>> -> memref<10240x128xf32, #tpu.memory_space<vmem_shared>>
          tpu.wait_indirect_dma semaphore(%run_scoped3A_144 : memref<!tpu.dma_semaphore, #tpu.memory_space<semaphore_mem>>) src(%arg9 : memref<128x128xf32, #tpu.memory_space<vmem>>) dst(%dma_wait3A_156 : memref<10240x128xf32, #tpu.memory_space<vmem_shared>>)
          tpu.yield
        }) : () -> ()
        %add3A_118 = arith.constant 2 : i32
        %add3A_119 = arith.addi %add3A_111, %add3A_118 : i32
        %dma_start3A_120 = arith.constant 0 : i32
        %dma_start3A_121 = tpu.memref_slice %arg7[%add3A_119, %dma_start3A_120] : memref<40x128xi32, #tpu.memory_space<vmem>> -> memref<1x128xi32, #tpu.memory_space<vmem>>
        %dma_start3A_122 = tpu.memref_squeeze %dma_start3A_121 : memref<1x128xi32, #tpu.memory_space<vmem>> -> memref<128xi32, #tpu.memory_space<vmem>>
        %dma_start3A_123 = arith.constant 0 : i32
        %dma_start3A_124 = arith.constant 0 : i32
        %dma_start3A_125 = tpu.memref_slice %arg4[%dma_start3A_123, %dma_start3A_124] : memref<81920x128xf32, #tpu.memory_space<hbm>> -> memref<81920x128xf32, #tpu.memory_space<hbm>>
        tpu.enqueue_indirect_dma source(%dma_start3A_125 : memref<81920x128xf32, #tpu.memory_space<hbm>>) target(%arg9 : memref<128x128xf32, #tpu.memory_space<vmem>>) offsets(%dma_start3A_122 : memref<128xi32, #tpu.memory_space<vmem>>) semaphore(%arg11 : memref<!tpu.dma_semaphore, #tpu.memory_space<semaphore_mem>>)
        %mul3A_126 = arith.constant 2 : i32
        %mul3A_127 = arith.muli %add3A_107, %mul3A_126 : i32
        %add3A_128 = arith.constant 1 : i32
        %add3A_129 = arith.addi %mul3A_127, %add3A_128 : i32
        %dma_wait3A_130 = arith.constant 0 : i32
        %dma_wait3A_131 = tpu.memref_slice %arg7[%add3A_129, %dma_wait3A_130] : memref<40x128xi32, #tpu.memory_space<vmem>> -> memref<1x128xi32, #tpu.memory_space<vmem>>
        %dma_wait3A_132 = tpu.memref_squeeze %dma_wait3A_131 : memref<1x128xi32, #tpu.memory_space<vmem>> -> memref<128xi32, #tpu.memory_space<vmem>>
        %dma_wait3A_133 = arith.constant 0 : i32
        %dma_wait3A_134 = arith.constant 0 : i32
        %dma_wait3A_135 = tpu.memref_slice %arg4[%dma_wait3A_133, %dma_wait3A_134] : memref<81920x128xf32, #tpu.memory_space<hbm>> -> memref<81920x128xf32, #tpu.memory_space<hbm>>
        tpu.wait_indirect_dma semaphore(%arg12 : memref<!tpu.dma_semaphore, #tpu.memory_space<semaphore_mem>>) src(%dma_wait3A_135 : memref<81920x128xf32, #tpu.memory_space<hbm>>) dst(%arg10 : memref<128x128xf32, #tpu.memory_space<vmem>>)
        "tpu.region"() ({
          %run_scoped3A_144 = tpu.sem_alloc : memref<!tpu.dma_semaphore, #tpu.memory_space<semaphore_mem>>
          %dma_start3A_145 = arith.constant 0 : i32
          %dma_start3A_146 = tpu.memref_slice %arg8[%add3A_129, %dma_start3A_145] : memref<40x128xi32, #tpu.memory_space<vmem>> -> memref<1x128xi32, #tpu.memory_space<vmem>>
          %dma_start3A_147 = tpu.memref_squeeze %dma_start3A_146 : memref<1x128xi32, #tpu.memory_space<vmem>> -> memref<128xi32, #tpu.memory_space<vmem>>
          %dma_start3A_148 = arith.constant 0 : i32
          %dma_start3A_149 = arith.constant 0 : i32
          %dma_start3A_150 = tpu.memref_slice %arg6[%dma_start3A_148, %dma_start3A_149] : memref<10240x128xf32, #tpu.memory_space<vmem_shared>> -> memref<10240x128xf32, #tpu.memory_space<vmem_shared>>
          tpu.enqueue_indirect_dma source(%arg10 : memref<128x128xf32, #tpu.memory_space<vmem>>) target(%dma_start3A_150 : memref<10240x128xf32, #tpu.memory_space<vmem_shared>>) offsets(%dma_start3A_147 : memref<128xi32, #tpu.memory_space<vmem>>) semaphore(%run_scoped3A_144 : memref<!tpu.dma_semaphore, #tpu.memory_space<semaphore_mem>>) {add = true}
          %dma_wait3A_151 = arith.constant 0 : i32
          %dma_wait3A_152 = tpu.memref_slice %arg8[%add3A_129, %dma_wait3A_151] : memref<40x128xi32, #tpu.memory_space<vmem>> -> memref<1x128xi32, #tpu.memory_space<vmem>>
          %dma_wait3A_153 = tpu.memref_squeeze %dma_wait3A_152 : memref<1x128xi32, #tpu.memory_space<vmem>> -> memref<128xi32, #tpu.memory_space<vmem>>
          %dma_wait3A_154 = arith.constant 0 : i32
          %dma_wait3A_155 = arith.constant 0 : i32
          %dma_wait3A_156 = tpu.memref_slice %arg6[%dma_wait3A_154, %dma_wait3A_155] : memref<10240x128xf32, #tpu.memory_space<vmem_shared>> -> memref<10240x128xf32, #tpu.memory_space<vmem_shared>>
          tpu.wait_indirect_dma semaphore(%run_scoped3A_144 : memref<!tpu.dma_semaphore, #tpu.memory_space<semaphore_mem>>) src(%arg10 : memref<128x128xf32, #tpu.memory_space<vmem>>) dst(%dma_wait3A_156 : memref<10240x128xf32, #tpu.memory_space<vmem_shared>>)
          tpu.yield
        }) : () -> ()
        %add3A_136 = arith.constant 2 : i32
        %add3A_137 = arith.addi %add3A_129, %add3A_136 : i32
        %dma_start3A_138 = arith.constant 0 : i32
        %dma_start3A_139 = tpu.memref_slice %arg7[%add3A_137, %dma_start3A_138] : memref<40x128xi32, #tpu.memory_space<vmem>> -> memref<1x128xi32, #tpu.memory_space<vmem>>
        %dma_start3A_140 = tpu.memref_squeeze %dma_start3A_139 : memref<1x128xi32, #tpu.memory_space<vmem>> -> memref<128xi32, #tpu.memory_space<vmem>>
        %dma_start3A_141 = arith.constant 0 : i32
        %dma_start3A_142 = arith.constant 0 : i32
        %dma_start3A_143 = tpu.memref_slice %arg4[%dma_start3A_141, %dma_start3A_142] : memref<81920x128xf32, #tpu.memory_space<hbm>> -> memref<81920x128xf32, #tpu.memory_space<hbm>>
        tpu.enqueue_indirect_dma source(%dma_start3A_143 : memref<81920x128xf32, #tpu.memory_space<hbm>>) target(%arg10 : memref<128x128xf32, #tpu.memory_space<vmem>>) offsets(%dma_start3A_140 : memref<128xi32, #tpu.memory_space<vmem>>) semaphore(%arg12 : memref<!tpu.dma_semaphore, #tpu.memory_space<semaphore_mem>>)
      }
      %scan3A_42 = arith.constant 19 : i32
      %dma_wait3A = arith.constant 38 : i32
      %dma_wait3A_43 = arith.constant 0 : i32
      %dma_wait3A_44 = tpu.memref_slice %arg7[%dma_wait3A, %dma_wait3A_43] : memref<40x128xi32, #tpu.memory_space<vmem>> -> memref<1x128xi32, #tpu.memory_space<vmem>>
      %dma_wait3A_45 = tpu.memref_squeeze %dma_wait3A_44 : memref<1x128xi32, #tpu.memory_space<vmem>> -> memref<128xi32, #tpu.memory_space<vmem>>
      %dma_wait3A_46 = arith.constant 0 : i32
      %dma_wait3A_47 = arith.constant 0 : i32
      %dma_wait3A_48 = tpu.memref_slice %arg4[%dma_wait3A_46, %dma_wait3A_47] : memref<81920x128xf32, #tpu.memory_space<hbm>> -> memref<81920x128xf32, #tpu.memory_space<hbm>>
      tpu.wait_indirect_dma semaphore(%arg11 : memref<!tpu.dma_semaphore, #tpu.memory_space<semaphore_mem>>) src(%dma_wait3A_48 : memref<81920x128xf32, #tpu.memory_space<hbm>>) dst(%arg9 : memref<128x128xf32, #tpu.memory_space<vmem>>)
      %run_scoped3A = arith.constant 38 : i32
      "tpu.region"() ({
        %run_scoped3A_103 = tpu.sem_alloc : memref<!tpu.dma_semaphore, #tpu.memory_space<semaphore_mem>>
        %dma_start3A_104 = arith.constant 0 : i32
        %dma_start3A_105 = tpu.memref_slice %arg8[%run_scoped3A, %dma_start3A_104] : memref<40x128xi32, #tpu.memory_space<vmem>> -> memref<1x128xi32, #tpu.memory_space<vmem>>
        %dma_start3A_106 = tpu.memref_squeeze %dma_start3A_105 : memref<1x128xi32, #tpu.memory_space<vmem>> -> memref<128xi32, #tpu.memory_space<vmem>>
        %dma_start3A_107 = arith.constant 0 : i32
        %dma_start3A_108 = arith.constant 0 : i32
        %dma_start3A_109 = tpu.memref_slice %arg6[%dma_start3A_107, %dma_start3A_108] : memref<10240x128xf32, #tpu.memory_space<vmem_shared>> -> memref<10240x128xf32, #tpu.memory_space<vmem_shared>>
        tpu.enqueue_indirect_dma source(%arg9 : memref<128x128xf32, #tpu.memory_space<vmem>>) target(%dma_start3A_109 : memref<10240x128xf32, #tpu.memory_space<vmem_shared>>) offsets(%dma_start3A_106 : memref<128xi32, #tpu.memory_space<vmem>>) semaphore(%run_scoped3A_103 : memref<!tpu.dma_semaphore, #tpu.memory_space<semaphore_mem>>) {add = true}
        %dma_wait3A_110 = arith.constant 0 : i32
        %dma_wait3A_111 = tpu.memref_slice %arg8[%run_scoped3A, %dma_wait3A_110] : memref<40x128xi32, #tpu.memory_space<vmem>> -> memref<1x128xi32, #tpu.memory_space<vmem>>
        %dma_wait3A_112 = tpu.memref_squeeze %dma_wait3A_111 : memref<1x128xi32, #tpu.memory_space<vmem>> -> memref<128xi32, #tpu.memory_space<vmem>>
        %dma_wait3A_113 = arith.constant 0 : i32
        %dma_wait3A_114 = arith.constant 0 : i32
        %dma_wait3A_115 = tpu.memref_slice %arg6[%dma_wait3A_113, %dma_wait3A_114] : memref<10240x128xf32, #tpu.memory_space<vmem_shared>> -> memref<10240x128xf32, #tpu.memory_space<vmem_shared>>
        tpu.wait_indirect_dma semaphore(%run_scoped3A_103 : memref<!tpu.dma_semaphore, #tpu.memory_space<semaphore_mem>>) src(%arg9 : memref<128x128xf32, #tpu.memory_space<vmem>>) dst(%dma_wait3A_115 : memref<10240x128xf32, #tpu.memory_space<vmem_shared>>)
        tpu.yield
      }) : () -> ()
      %dma_wait3A_49 = arith.constant 39 : i32
      %dma_wait3A_50 = arith.constant 0 : i32
      %dma_wait3A_51 = tpu.memref_slice %arg7[%dma_wait3A_49, %dma_wait3A_50] : memref<40x128xi32, #tpu.memory_space<vmem>> -> memref<1x128xi32, #tpu.memory_space<vmem>>
      %dma_wait3A_52 = tpu.memref_squeeze %dma_wait3A_51 : memref<1x128xi32, #tpu.memory_space<vmem>> -> memref<128xi32, #tpu.memory_space<vmem>>
      %dma_wait3A_53 = arith.constant 0 : i32
      %dma_wait3A_54 = arith.constant 0 : i32
      %dma_wait3A_55 = tpu.memref_slice %arg4[%dma_wait3A_53, %dma_wait3A_54] : memref<81920x128xf32, #tpu.memory_space<hbm>> -> memref<81920x128xf32, #tpu.memory_space<hbm>>
      tpu.wait_indirect_dma semaphore(%arg12 : memref<!tpu.dma_semaphore, #tpu.memory_space<semaphore_mem>>) src(%dma_wait3A_55 : memref<81920x128xf32, #tpu.memory_space<hbm>>) dst(%arg10 : memref<128x128xf32, #tpu.memory_space<vmem>>)
      %run_scoped3A_56 = arith.constant 39 : i32
      "tpu.region"() ({
        %run_scoped3A_103 = tpu.sem_alloc : memref<!tpu.dma_semaphore, #tpu.memory_space<semaphore_mem>>
        %dma_start3A_104 = arith.constant 0 : i32
        %dma_start3A_105 = tpu.memref_slice %arg8[%run_scoped3A_56, %dma_start3A_104] : memref<40x128xi32, #tpu.memory_space<vmem>> -> memref<1x128xi32, #tpu.memory_space<vmem>>
        %dma_start3A_106 = tpu.memref_squeeze %dma_start3A_105 : memref<1x128xi32, #tpu.memory_space<vmem>> -> memref<128xi32, #tpu.memory_space<vmem>>
        %dma_start3A_107 = arith.constant 0 : i32
        %dma_start3A_108 = arith.constant 0 : i32
        %dma_start3A_109 = tpu.memref_slice %arg6[%dma_start3A_107, %dma_start3A_108] : memref<10240x128xf32, #tpu.memory_space<vmem_shared>> -> memref<10240x128xf32, #tpu.memory_space<vmem_shared>>
        tpu.enqueue_indirect_dma source(%arg10 : memref<128x128xf32, #tpu.memory_space<vmem>>) target(%dma_start3A_109 : memref<10240x128xf32, #tpu.memory_space<vmem_shared>>) offsets(%dma_start3A_106 : memref<128xi32, #tpu.memory_space<vmem>>) semaphore(%run_scoped3A_103 : memref<!tpu.dma_semaphore, #tpu.memory_space<semaphore_mem>>) {add = true}
        %dma_wait3A_110 = arith.constant 0 : i32
        %dma_wait3A_111 = tpu.memref_slice %arg8[%run_scoped3A_56, %dma_wait3A_110] : memref<40x128xi32, #tpu.memory_space<vmem>> -> memref<1x128xi32, #tpu.memory_space<vmem>>
        %dma_wait3A_112 = tpu.memref_squeeze %dma_wait3A_111 : memref<1x128xi32, #tpu.memory_space<vmem>> -> memref<128xi32, #tpu.memory_space<vmem>>
        %dma_wait3A_113 = arith.constant 0 : i32
        %dma_wait3A_114 = arith.constant 0 : i32
        %dma_wait3A_115 = tpu.memref_slice %arg6[%dma_wait3A_113, %dma_wait3A_114] : memref<10240x128xf32, #tpu.memory_space<vmem_shared>> -> memref<10240x128xf32, #tpu.memory_space<vmem_shared>>
        tpu.wait_indirect_dma semaphore(%run_scoped3A_103 : memref<!tpu.dma_semaphore, #tpu.memory_space<semaphore_mem>>) src(%arg10 : memref<128x128xf32, #tpu.memory_space<vmem>>) dst(%dma_wait3A_115 : memref<10240x128xf32, #tpu.memory_space<vmem_shared>>)
        tpu.yield
      }) : () -> ()
      %mul3A_57 = arith.constant 80 : i32
      %mul3A_58 = arith.muli %arg1, %mul3A_57 : i32
      %add3A_59 = arith.constant 40 : i32
      %add3A_60 = arith.addi %mul3A_58, %add3A_59 : i32
      "tpu.region"() ({
        %run_scoped3A_103 = tpu.sem_alloc : memref<!tpu.dma_semaphore, #tpu.memory_space<semaphore_mem>>
        %dma_start3A_104 = arith.constant 0 : i32
        %dma_start3A_105 = tpu.memref_slice %arg2[%add3A_9, %add3A_60, %dma_start3A_104] : memref<8x1280x128xi32, #tpu.memory_space<hbm>> -> memref<1x40x128xi32, #tpu.memory_space<hbm>>
        %dma_start3A_106 = tpu.memref_squeeze %dma_start3A_105 : memref<1x40x128xi32, #tpu.memory_space<hbm>> -> memref<40x128xi32, #tpu.memory_space<hbm>>
        %dma_start3A_107 = arith.constant 0 : i32
        %dma_start3A_108 = tpu.memref_slice %arg2[%add3A_9, %add3A_60, %dma_start3A_107] : memref<8x1280x128xi32, #tpu.memory_space<hbm>> -> memref<1x40x128xi32, #tpu.memory_space<hbm>>
        %dma_start3A_109 = tpu.memref_squeeze %dma_start3A_108 : memref<1x40x128xi32, #tpu.memory_space<hbm>> -> memref<40x128xi32, #tpu.memory_space<hbm>>
        tpu.enqueue_dma source(%dma_start3A_109 : memref<40x128xi32, #tpu.memory_space<hbm>>) target(%arg7 : memref<40x128xi32, #tpu.memory_space<vmem>>) target_semaphore(%run_scoped3A_103 : memref<!tpu.dma_semaphore, #tpu.memory_space<semaphore_mem>>)
        %dma_wait3A_110 = arith.constant 0 : i32
        %dma_wait3A_111 = tpu.memref_slice %arg2[%add3A_9, %add3A_60, %dma_wait3A_110] : memref<8x1280x128xi32, #tpu.memory_space<hbm>> -> memref<1x40x128xi32, #tpu.memory_space<hbm>>
        %dma_wait3A_112 = tpu.memref_squeeze %dma_wait3A_111 : memref<1x40x128xi32, #tpu.memory_space<hbm>> -> memref<40x128xi32, #tpu.memory_space<hbm>>
        %dma_wait3A_113 = arith.constant 0 : i32
        %dma_wait3A_114 = tpu.memref_slice %arg2[%add3A_9, %add3A_60, %dma_wait3A_113] : memref<8x1280x128xi32, #tpu.memory_space<hbm>> -> memref<1x40x128xi32, #tpu.memory_space<hbm>>
        %dma_wait3A_115 = tpu.memref_squeeze %dma_wait3A_114 : memref<1x40x128xi32, #tpu.memory_space<hbm>> -> memref<40x128xi32, #tpu.memory_space<hbm>>
        tpu.wait_dma2 semaphore(%run_scoped3A_103 : memref<!tpu.dma_semaphore, #tpu.memory_space<semaphore_mem>>) src(%dma_wait3A_115 : memref<40x128xi32, #tpu.memory_space<hbm>>) dst(%arg7 : memref<40x128xi32, #tpu.memory_space<vmem>>)
        tpu.yield
      }) : () -> ()
      "tpu.region"() ({
        %run_scoped3A_103 = tpu.sem_alloc : memref<!tpu.dma_semaphore, #tpu.memory_space<semaphore_mem>>
        %dma_start3A_104 = arith.constant 0 : i32
        %dma_start3A_105 = tpu.memref_slice %arg3[%add3A_60, %dma_start3A_104] : memref<1280x128xi32, #tpu.memory_space<hbm>> -> memref<40x128xi32, #tpu.memory_space<hbm>>
        %dma_start3A_106 = arith.constant 0 : i32
        %dma_start3A_107 = tpu.memref_slice %arg3[%add3A_60, %dma_start3A_106] : memref<1280x128xi32, #tpu.memory_space<hbm>> -> memref<40x128xi32, #tpu.memory_space<hbm>>
        tpu.enqueue_dma source(%dma_start3A_107 : memref<40x128xi32, #tpu.memory_space<hbm>>) target(%arg8 : memref<40x128xi32, #tpu.memory_space<vmem>>) target_semaphore(%run_scoped3A_103 : memref<!tpu.dma_semaphore, #tpu.memory_space<semaphore_mem>>)
        %dma_wait3A_108 = arith.constant 0 : i32
        %dma_wait3A_109 = tpu.memref_slice %arg3[%add3A_60, %dma_wait3A_108] : memref<1280x128xi32, #tpu.memory_space<hbm>> -> memref<40x128xi32, #tpu.memory_space<hbm>>
        %dma_wait3A_110 = arith.constant 0 : i32
        %dma_wait3A_111 = tpu.memref_slice %arg3[%add3A_60, %dma_wait3A_110] : memref<1280x128xi32, #tpu.memory_space<hbm>> -> memref<40x128xi32, #tpu.memory_space<hbm>>
        tpu.wait_dma2 semaphore(%run_scoped3A_103 : memref<!tpu.dma_semaphore, #tpu.memory_space<semaphore_mem>>) src(%dma_wait3A_111 : memref<40x128xi32, #tpu.memory_space<hbm>>) dst(%arg8 : memref<40x128xi32, #tpu.memory_space<vmem>>)
        tpu.yield
      }) : () -> ()
      %dma_start3A_61 = arith.constant 0 : i32
      %dma_start3A_62 = arith.constant 0 : i32
      %dma_start3A_63 = tpu.memref_slice %arg7[%dma_start3A_61, %dma_start3A_62] : memref<40x128xi32, #tpu.memory_space<vmem>> -> memref<1x128xi32, #tpu.memory_space<vmem>>
      %dma_start3A_64 = tpu.memref_squeeze %dma_start3A_63 : memref<1x128xi32, #tpu.memory_space<vmem>> -> memref<128xi32, #tpu.memory_space<vmem>>
      %dma_start3A_65 = arith.constant 0 : i32
      %dma_start3A_66 = arith.constant 0 : i32
      %dma_start3A_67 = tpu.memref_slice %arg4[%dma_start3A_65, %dma_start3A_66] : memref<81920x128xf32, #tpu.memory_space<hbm>> -> memref<81920x128xf32, #tpu.memory_space<hbm>>
      tpu.enqueue_indirect_dma source(%dma_start3A_67 : memref<81920x128xf32, #tpu.memory_space<hbm>>) target(%arg9 : memref<128x128xf32, #tpu.memory_space<vmem>>) offsets(%dma_start3A_64 : memref<128xi32, #tpu.memory_space<vmem>>) semaphore(%arg11 : memref<!tpu.dma_semaphore, #tpu.memory_space<semaphore_mem>>)
      %dma_start3A_68 = arith.constant 1 : i32
      %dma_start3A_69 = arith.constant 0 : i32
      %dma_start3A_70 = tpu.memref_slice %arg7[%dma_start3A_68, %dma_start3A_69] : memref<40x128xi32, #tpu.memory_space<vmem>> -> memref<1x128xi32, #tpu.memory_space<vmem>>
      %dma_start3A_71 = tpu.memref_squeeze %dma_start3A_70 : memref<1x128xi32, #tpu.memory_space<vmem>> -> memref<128xi32, #tpu.memory_space<vmem>>
      %dma_start3A_72 = arith.constant 0 : i32
      %dma_start3A_73 = arith.constant 0 : i32
      %dma_start3A_74 = tpu.memref_slice %arg4[%dma_start3A_72, %dma_start3A_73] : memref<81920x128xf32, #tpu.memory_space<hbm>> -> memref<81920x128xf32, #tpu.memory_space<hbm>>
      tpu.enqueue_indirect_dma source(%dma_start3A_74 : memref<81920x128xf32, #tpu.memory_space<hbm>>) target(%arg10 : memref<128x128xf32, #tpu.memory_space<vmem>>) offsets(%dma_start3A_71 : memref<128xi32, #tpu.memory_space<vmem>>) semaphore(%arg12 : memref<!tpu.dma_semaphore, #tpu.memory_space<semaphore_mem>>)
      %scan3A_75 = arith.constant 0 : i32
      %scan3A_76 = arith.constant 19 : i32
      %scan3A_77 = arith.addi %scan3A_75, %scan3A_76 : i32
      %scan3A_78 = arith.constant 1 : i32
      scf.for %scan3A_103 = %scan3A_75 to %scan3A_77 step %scan3A_78  : i32 {
        %mul3A_104 = arith.constant 1 : i32
        %mul3A_105 = arith.muli %scan3A_103, %mul3A_104 : i32
        %add3A_106 = arith.constant 0 : i32
        %add3A_107 = arith.addi %add3A_106, %mul3A_105 : i32
        %mul3A_108 = arith.constant 2 : i32
        %mul3A_109 = arith.muli %add3A_107, %mul3A_108 : i32
        %add3A_110 = arith.constant 0 : i32
        %add3A_111 = arith.addi %mul3A_109, %add3A_110 : i32
        %dma_wait3A_112 = arith.constant 0 : i32
        %dma_wait3A_113 = tpu.memref_slice %arg7[%add3A_111, %dma_wait3A_112] : memref<40x128xi32, #tpu.memory_space<vmem>> -> memref<1x128xi32, #tpu.memory_space<vmem>>
        %dma_wait3A_114 = tpu.memref_squeeze %dma_wait3A_113 : memref<1x128xi32, #tpu.memory_space<vmem>> -> memref<128xi32, #tpu.memory_space<vmem>>
        %dma_wait3A_115 = arith.constant 0 : i32
        %dma_wait3A_116 = arith.constant 0 : i32
        %dma_wait3A_117 = tpu.memref_slice %arg4[%dma_wait3A_115, %dma_wait3A_116] : memref<81920x128xf32, #tpu.memory_space<hbm>> -> memref<81920x128xf32, #tpu.memory_space<hbm>>
        tpu.wait_indirect_dma semaphore(%arg11 : memref<!tpu.dma_semaphore, #tpu.memory_space<semaphore_mem>>) src(%dma_wait3A_117 : memref<81920x128xf32, #tpu.memory_space<hbm>>) dst(%arg9 : memref<128x128xf32, #tpu.memory_space<vmem>>)
        "tpu.region"() ({
          %run_scoped3A_144 = tpu.sem_alloc : memref<!tpu.dma_semaphore, #tpu.memory_space<semaphore_mem>>
          %dma_start3A_145 = arith.constant 0 : i32
          %dma_start3A_146 = tpu.memref_slice %arg8[%add3A_111, %dma_start3A_145] : memref<40x128xi32, #tpu.memory_space<vmem>> -> memref<1x128xi32, #tpu.memory_space<vmem>>
          %dma_start3A_147 = tpu.memref_squeeze %dma_start3A_146 : memref<1x128xi32, #tpu.memory_space<vmem>> -> memref<128xi32, #tpu.memory_space<vmem>>
          %dma_start3A_148 = arith.constant 0 : i32
          %dma_start3A_149 = arith.constant 0 : i32
          %dma_start3A_150 = tpu.memref_slice %arg6[%dma_start3A_148, %dma_start3A_149] : memref<10240x128xf32, #tpu.memory_space<vmem_shared>> -> memref<10240x128xf32, #tpu.memory_space<vmem_shared>>
          tpu.enqueue_indirect_dma source(%arg9 : memref<128x128xf32, #tpu.memory_space<vmem>>) target(%dma_start3A_150 : memref<10240x128xf32, #tpu.memory_space<vmem_shared>>) offsets(%dma_start3A_147 : memref<128xi32, #tpu.memory_space<vmem>>) semaphore(%run_scoped3A_144 : memref<!tpu.dma_semaphore, #tpu.memory_space<semaphore_mem>>) {add = true}
          %dma_wait3A_151 = arith.constant 0 : i32
          %dma_wait3A_152 = tpu.memref_slice %arg8[%add3A_111, %dma_wait3A_151] : memref<40x128xi32, #tpu.memory_space<vmem>> -> memref<1x128xi32, #tpu.memory_space<vmem>>
          %dma_wait3A_153 = tpu.memref_squeeze %dma_wait3A_152 : memref<1x128xi32, #tpu.memory_space<vmem>> -> memref<128xi32, #tpu.memory_space<vmem>>
          %dma_wait3A_154 = arith.constant 0 : i32
          %dma_wait3A_155 = arith.constant 0 : i32
          %dma_wait3A_156 = tpu.memref_slice %arg6[%dma_wait3A_154, %dma_wait3A_155] : memref<10240x128xf32, #tpu.memory_space<vmem_shared>> -> memref<10240x128xf32, #tpu.memory_space<vmem_shared>>
          tpu.wait_indirect_dma semaphore(%run_scoped3A_144 : memref<!tpu.dma_semaphore, #tpu.memory_space<semaphore_mem>>) src(%arg9 : memref<128x128xf32, #tpu.memory_space<vmem>>) dst(%dma_wait3A_156 : memref<10240x128xf32, #tpu.memory_space<vmem_shared>>)
          tpu.yield
        }) : () -> ()
        %add3A_118 = arith.constant 2 : i32
        %add3A_119 = arith.addi %add3A_111, %add3A_118 : i32
        %dma_start3A_120 = arith.constant 0 : i32
        %dma_start3A_121 = tpu.memref_slice %arg7[%add3A_119, %dma_start3A_120] : memref<40x128xi32, #tpu.memory_space<vmem>> -> memref<1x128xi32, #tpu.memory_space<vmem>>
        %dma_start3A_122 = tpu.memref_squeeze %dma_start3A_121 : memref<1x128xi32, #tpu.memory_space<vmem>> -> memref<128xi32, #tpu.memory_space<vmem>>
        %dma_start3A_123 = arith.constant 0 : i32
        %dma_start3A_124 = arith.constant 0 : i32
        %dma_start3A_125 = tpu.memref_slice %arg4[%dma_start3A_123, %dma_start3A_124] : memref<81920x128xf32, #tpu.memory_space<hbm>> -> memref<81920x128xf32, #tpu.memory_space<hbm>>
        tpu.enqueue_indirect_dma source(%dma_start3A_125 : memref<81920x128xf32, #tpu.memory_space<hbm>>) target(%arg9 : memref<128x128xf32, #tpu.memory_space<vmem>>) offsets(%dma_start3A_122 : memref<128xi32, #tpu.memory_space<vmem>>) semaphore(%arg11 : memref<!tpu.dma_semaphore, #tpu.memory_space<semaphore_mem>>)
        %mul3A_126 = arith.constant 2 : i32
        %mul3A_127 = arith.muli %add3A_107, %mul3A_126 : i32
        %add3A_128 = arith.constant 1 : i32
        %add3A_129 = arith.addi %mul3A_127, %add3A_128 : i32
        %dma_wait3A_130 = arith.constant 0 : i32
        %dma_wait3A_131 = tpu.memref_slice %arg7[%add3A_129, %dma_wait3A_130] : memref<40x128xi32, #tpu.memory_space<vmem>> -> memref<1x128xi32, #tpu.memory_space<vmem>>
        %dma_wait3A_132 = tpu.memref_squeeze %dma_wait3A_131 : memref<1x128xi32, #tpu.memory_space<vmem>> -> memref<128xi32, #tpu.memory_space<vmem>>
        %dma_wait3A_133 = arith.constant 0 : i32
        %dma_wait3A_134 = arith.constant 0 : i32
        %dma_wait3A_135 = tpu.memref_slice %arg4[%dma_wait3A_133, %dma_wait3A_134] : memref<81920x128xf32, #tpu.memory_space<hbm>> -> memref<81920x128xf32, #tpu.memory_space<hbm>>
        tpu.wait_indirect_dma semaphore(%arg12 : memref<!tpu.dma_semaphore, #tpu.memory_space<semaphore_mem>>) src(%dma_wait3A_135 : memref<81920x128xf32, #tpu.memory_space<hbm>>) dst(%arg10 : memref<128x128xf32, #tpu.memory_space<vmem>>)
        "tpu.region"() ({
          %run_scoped3A_144 = tpu.sem_alloc : memref<!tpu.dma_semaphore, #tpu.memory_space<semaphore_mem>>
          %dma_start3A_145 = arith.constant 0 : i32
          %dma_start3A_146 = tpu.memref_slice %arg8[%add3A_129, %dma_start3A_145] : memref<40x128xi32, #tpu.memory_space<vmem>> -> memref<1x128xi32, #tpu.memory_space<vmem>>
          %dma_start3A_147 = tpu.memref_squeeze %dma_start3A_146 : memref<1x128xi32, #tpu.memory_space<vmem>> -> memref<128xi32, #tpu.memory_space<vmem>>
          %dma_start3A_148 = arith.constant 0 : i32
          %dma_start3A_149 = arith.constant 0 : i32
          %dma_start3A_150 = tpu.memref_slice %arg6[%dma_start3A_148, %dma_start3A_149] : memref<10240x128xf32, #tpu.memory_space<vmem_shared>> -> memref<10240x128xf32, #tpu.memory_space<vmem_shared>>
          tpu.enqueue_indirect_dma source(%arg10 : memref<128x128xf32, #tpu.memory_space<vmem>>) target(%dma_start3A_150 : memref<10240x128xf32, #tpu.memory_space<vmem_shared>>) offsets(%dma_start3A_147 : memref<128xi32, #tpu.memory_space<vmem>>) semaphore(%run_scoped3A_144 : memref<!tpu.dma_semaphore, #tpu.memory_space<semaphore_mem>>) {add = true}
          %dma_wait3A_151 = arith.constant 0 : i32
          %dma_wait3A_152 = tpu.memref_slice %arg8[%add3A_129, %dma_wait3A_151] : memref<40x128xi32, #tpu.memory_space<vmem>> -> memref<1x128xi32, #tpu.memory_space<vmem>>
          %dma_wait3A_153 = tpu.memref_squeeze %dma_wait3A_152 : memref<1x128xi32, #tpu.memory_space<vmem>> -> memref<128xi32, #tpu.memory_space<vmem>>
          %dma_wait3A_154 = arith.constant 0 : i32
          %dma_wait3A_155 = arith.constant 0 : i32
          %dma_wait3A_156 = tpu.memref_slice %arg6[%dma_wait3A_154, %dma_wait3A_155] : memref<10240x128xf32, #tpu.memory_space<vmem_shared>> -> memref<10240x128xf32, #tpu.memory_space<vmem_shared>>
          tpu.wait_indirect_dma semaphore(%run_scoped3A_144 : memref<!tpu.dma_semaphore, #tpu.memory_space<semaphore_mem>>) src(%arg10 : memref<128x128xf32, #tpu.memory_space<vmem>>) dst(%dma_wait3A_156 : memref<10240x128xf32, #tpu.memory_space<vmem_shared>>)
          tpu.yield
        }) : () -> ()
        %add3A_136 = arith.constant 2 : i32
        %add3A_137 = arith.addi %add3A_129, %add3A_136 : i32
        %dma_start3A_138 = arith.constant 0 : i32
        %dma_start3A_139 = tpu.memref_slice %arg7[%add3A_137, %dma_start3A_138] : memref<40x128xi32, #tpu.memory_space<vmem>> -> memref<1x128xi32, #tpu.memory_space<vmem>>
        %dma_start3A_140 = tpu.memref_squeeze %dma_start3A_139 : memref<1x128xi32, #tpu.memory_space<vmem>> -> memref<128xi32, #tpu.memory_space<vmem>>
        %dma_start3A_141 = arith.constant 0 : i32
        %dma_start3A_142 = arith.constant 0 : i32
        %dma_start3A_143 = tpu.memref_slice %arg4[%dma_start3A_141, %dma_start3A_142] : memref<81920x128xf32, #tpu.memory_space<hbm>> -> memref<81920x128xf32, #tpu.memory_space<hbm>>
        tpu.enqueue_indirect_dma source(%dma_start3A_143 : memref<81920x128xf32, #tpu.memory_space<hbm>>) target(%arg10 : memref<128x128xf32, #tpu.memory_space<vmem>>) offsets(%dma_start3A_140 : memref<128xi32, #tpu.memory_space<vmem>>) semaphore(%arg12 : memref<!tpu.dma_semaphore, #tpu.memory_space<semaphore_mem>>)
      }
      %scan3A_79 = arith.constant 19 : i32
      %dma_wait3A_80 = arith.constant 38 : i32
      %dma_wait3A_81 = arith.constant 0 : i32
      %dma_wait3A_82 = tpu.memref_slice %arg7[%dma_wait3A_80, %dma_wait3A_81] : memref<40x128xi32, #tpu.memory_space<vmem>> -> memref<1x128xi32, #tpu.memory_space<vmem>>
      %dma_wait3A_83 = tpu.memref_squeeze %dma_wait3A_82 : memref<1x128xi32, #tpu.memory_space<vmem>> -> memref<128xi32, #tpu.memory_space<vmem>>
      %dma_wait3A_84 = arith.constant 0 : i32
      %dma_wait3A_85 = arith.constant 0 : i32
      %dma_wait3A_86 = tpu.memref_slice %arg4[%dma_wait3A_84, %dma_wait3A_85] : memref<81920x128xf32, #tpu.memory_space<hbm>> -> memref<81920x128xf32, #tpu.memory_space<hbm>>
      tpu.wait_indirect_dma semaphore(%arg11 : memref<!tpu.dma_semaphore, #tpu.memory_space<semaphore_mem>>) src(%dma_wait3A_86 : memref<81920x128xf32, #tpu.memory_space<hbm>>) dst(%arg9 : memref<128x128xf32, #tpu.memory_space<vmem>>)
      %run_scoped3A_87 = arith.constant 38 : i32
      "tpu.region"() ({
        %run_scoped3A_103 = tpu.sem_alloc : memref<!tpu.dma_semaphore, #tpu.memory_space<semaphore_mem>>
        %dma_start3A_104 = arith.constant 0 : i32
        %dma_start3A_105 = tpu.memref_slice %arg8[%run_scoped3A_87, %dma_start3A_104] : memref<40x128xi32, #tpu.memory_space<vmem>> -> memref<1x128xi32, #tpu.memory_space<vmem>>
        %dma_start3A_106 = tpu.memref_squeeze %dma_start3A_105 : memref<1x128xi32, #tpu.memory_space<vmem>> -> memref<128xi32, #tpu.memory_space<vmem>>
        %dma_start3A_107 = arith.constant 0 : i32
        %dma_start3A_108 = arith.constant 0 : i32
        %dma_start3A_109 = tpu.memref_slice %arg6[%dma_start3A_107, %dma_start3A_108] : memref<10240x128xf32, #tpu.memory_space<vmem_shared>> -> memref<10240x128xf32, #tpu.memory_space<vmem_shared>>
        tpu.enqueue_indirect_dma source(%arg9 : memref<128x128xf32, #tpu.memory_space<vmem>>) target(%dma_start3A_109 : memref<10240x128xf32, #tpu.memory_space<vmem_shared>>) offsets(%dma_start3A_106 : memref<128xi32, #tpu.memory_space<vmem>>) semaphore(%run_scoped3A_103 : memref<!tpu.dma_semaphore, #tpu.memory_space<semaphore_mem>>) {add = true}
        %dma_wait3A_110 = arith.constant 0 : i32
        %dma_wait3A_111 = tpu.memref_slice %arg8[%run_scoped3A_87, %dma_wait3A_110] : memref<40x128xi32, #tpu.memory_space<vmem>> -> memref<1x128xi32, #tpu.memory_space<vmem>>
        %dma_wait3A_112 = tpu.memref_squeeze %dma_wait3A_111 : memref<1x128xi32, #tpu.memory_space<vmem>> -> memref<128xi32, #tpu.memory_space<vmem>>
        %dma_wait3A_113 = arith.constant 0 : i32
        %dma_wait3A_114 = arith.constant 0 : i32
        %dma_wait3A_115 = tpu.memref_slice %arg6[%dma_wait3A_113, %dma_wait3A_114] : memref<10240x128xf32, #tpu.memory_space<vmem_shared>> -> memref<10240x128xf32, #tpu.memory_space<vmem_shared>>
        tpu.wait_indirect_dma semaphore(%run_scoped3A_103 : memref<!tpu.dma_semaphore, #tpu.memory_space<semaphore_mem>>) src(%arg9 : memref<128x128xf32, #tpu.memory_space<vmem>>) dst(%dma_wait3A_115 : memref<10240x128xf32, #tpu.memory_space<vmem_shared>>)
        tpu.yield
      }) : () -> ()
      %dma_wait3A_88 = arith.constant 39 : i32
      %dma_wait3A_89 = arith.constant 0 : i32
      %dma_wait3A_90 = tpu.memref_slice %arg7[%dma_wait3A_88, %dma_wait3A_89] : memref<40x128xi32, #tpu.memory_space<vmem>> -> memref<1x128xi32, #tpu.memory_space<vmem>>
      %dma_wait3A_91 = tpu.memref_squeeze %dma_wait3A_90 : memref<1x128xi32, #tpu.memory_space<vmem>> -> memref<128xi32, #tpu.memory_space<vmem>>
      %dma_wait3A_92 = arith.constant 0 : i32
      %dma_wait3A_93 = arith.constant 0 : i32
      %dma_wait3A_94 = tpu.memref_slice %arg4[%dma_wait3A_92, %dma_wait3A_93] : memref<81920x128xf32, #tpu.memory_space<hbm>> -> memref<81920x128xf32, #tpu.memory_space<hbm>>
      tpu.wait_indirect_dma semaphore(%arg12 : memref<!tpu.dma_semaphore, #tpu.memory_space<semaphore_mem>>) src(%dma_wait3A_94 : memref<81920x128xf32, #tpu.memory_space<hbm>>) dst(%arg10 : memref<128x128xf32, #tpu.memory_space<vmem>>)
      %run_scoped3A_95 = arith.constant 39 : i32
      "tpu.region"() ({
        %run_scoped3A_103 = tpu.sem_alloc : memref<!tpu.dma_semaphore, #tpu.memory_space<semaphore_mem>>
        %dma_start3A_104 = arith.constant 0 : i32
        %dma_start3A_105 = tpu.memref_slice %arg8[%run_scoped3A_95, %dma_start3A_104] : memref<40x128xi32, #tpu.memory_space<vmem>> -> memref<1x128xi32, #tpu.memory_space<vmem>>
        %dma_start3A_106 = tpu.memref_squeeze %dma_start3A_105 : memref<1x128xi32, #tpu.memory_space<vmem>> -> memref<128xi32, #tpu.memory_space<vmem>>
        %dma_start3A_107 = arith.constant 0 : i32
        %dma_start3A_108 = arith.constant 0 : i32
        %dma_start3A_109 = tpu.memref_slice %arg6[%dma_start3A_107, %dma_start3A_108] : memref<10240x128xf32, #tpu.memory_space<vmem_shared>> -> memref<10240x128xf32, #tpu.memory_space<vmem_shared>>
        tpu.enqueue_indirect_dma source(%arg10 : memref<128x128xf32, #tpu.memory_space<vmem>>) target(%dma_start3A_109 : memref<10240x128xf32, #tpu.memory_space<vmem_shared>>) offsets(%dma_start3A_106 : memref<128xi32, #tpu.memory_space<vmem>>) semaphore(%run_scoped3A_103 : memref<!tpu.dma_semaphore, #tpu.memory_space<semaphore_mem>>) {add = true}
        %dma_wait3A_110 = arith.constant 0 : i32
        %dma_wait3A_111 = tpu.memref_slice %arg8[%run_scoped3A_95, %dma_wait3A_110] : memref<40x128xi32, #tpu.memory_space<vmem>> -> memref<1x128xi32, #tpu.memory_space<vmem>>
        %dma_wait3A_112 = tpu.memref_squeeze %dma_wait3A_111 : memref<1x128xi32, #tpu.memory_space<vmem>> -> memref<128xi32, #tpu.memory_space<vmem>>
        %dma_wait3A_113 = arith.constant 0 : i32
        %dma_wait3A_114 = arith.constant 0 : i32
        %dma_wait3A_115 = tpu.memref_slice %arg6[%dma_wait3A_113, %dma_wait3A_114] : memref<10240x128xf32, #tpu.memory_space<vmem_shared>> -> memref<10240x128xf32, #tpu.memory_space<vmem_shared>>
        tpu.wait_indirect_dma semaphore(%run_scoped3A_103 : memref<!tpu.dma_semaphore, #tpu.memory_space<semaphore_mem>>) src(%arg10 : memref<128x128xf32, #tpu.memory_space<vmem>>) dst(%dma_wait3A_115 : memref<10240x128xf32, #tpu.memory_space<vmem_shared>>)
        tpu.yield
      }) : () -> ()
      %barrier3A_96 = arith.constant 0 : index
      tpu.barrier barrier_id(%barrier3A_96)
      %scan3A_97 = arith.constant 0 : i32
      %scan3A_98 = arith.constant 5 : i32
      %scan3A_99 = arith.addi %scan3A_97, %scan3A_98 : i32
      %scan3A_100 = arith.constant 1 : i32
      scf.for %scan3A_103 = %scan3A_97 to %scan3A_99 step %scan3A_100  : i32 {
        %mul3A_104 = arith.constant 1 : i32
        %mul3A_105 = arith.muli %scan3A_103, %mul3A_104 : i32
        %add3A_106 = arith.constant 0 : i32
        %add3A_107 = arith.addi %add3A_106, %mul3A_105 : i32
        %mul3A_108 = arith.constant 640 : i32
        %mul3A_109 = arith.muli %arg1, %mul3A_108 : i32
        %mul3A_110 = arith.constant 128 : i32
        %mul3A_111 = arith.muli %add3A_107, %mul3A_110 : i32
        %add3A_112 = arith.addi %mul3A_109, %mul3A_111 : i32
        "tpu.region"() ({
          %run_scoped3A_118 = tpu.sem_alloc : memref<!tpu.dma_semaphore, #tpu.memory_space<semaphore_mem>>
          %dma_start3A_119 = arith.constant 0 : i32
          %dma_start3A_120 = tpu.memref_slice %arg6[%add3A_112, %dma_start3A_119] : memref<10240x128xf32, #tpu.memory_space<vmem_shared>> -> memref<128x128xf32, #tpu.memory_space<vmem_shared>>
          %dma_start3A_121 = arith.constant 0 : i32
          %dma_start3A_122 = tpu.memref_slice %arg6[%add3A_112, %dma_start3A_121] : memref<10240x128xf32, #tpu.memory_space<vmem_shared>> -> memref<128x128xf32, #tpu.memory_space<vmem_shared>>
          tpu.enqueue_dma source(%dma_start3A_122 : memref<128x128xf32, #tpu.memory_space<vmem_shared>>) target(%arg9 : memref<128x128xf32, #tpu.memory_space<vmem>>) target_semaphore(%run_scoped3A_118 : memref<!tpu.dma_semaphore, #tpu.memory_space<semaphore_mem>>)
          %dma_wait3A_123 = arith.constant 0 : i32
          %dma_wait3A_124 = tpu.memref_slice %arg6[%add3A_112, %dma_wait3A_123] : memref<10240x128xf32, #tpu.memory_space<vmem_shared>> -> memref<128x128xf32, #tpu.memory_space<vmem_shared>>
          %dma_wait3A_125 = arith.constant 0 : i32
          %dma_wait3A_126 = tpu.memref_slice %arg6[%add3A_112, %dma_wait3A_125] : memref<10240x128xf32, #tpu.memory_space<vmem_shared>> -> memref<128x128xf32, #tpu.memory_space<vmem_shared>>
          tpu.wait_dma2 semaphore(%run_scoped3A_118 : memref<!tpu.dma_semaphore, #tpu.memory_space<semaphore_mem>>) src(%dma_wait3A_126 : memref<128x128xf32, #tpu.memory_space<vmem_shared>>) dst(%arg9 : memref<128x128xf32, #tpu.memory_space<vmem>>)
          tpu.yield
        }) : () -> ()
        %mul3A_113 = arith.constant 640 : i32
        %mul3A_114 = arith.muli %arg1, %mul3A_113 : i32
        %mul3A_115 = arith.constant 128 : i32
        %mul3A_116 = arith.muli %add3A_107, %mul3A_115 : i32
        %add3A_117 = arith.addi %mul3A_114, %mul3A_116 : i32
        "tpu.region"() ({
          %run_scoped3A_118 = tpu.sem_alloc : memref<!tpu.dma_semaphore, #tpu.memory_space<semaphore_mem>>
          %dma_start3A_119 = arith.constant 0 : i32
          %dma_start3A_120 = tpu.memref_slice %arg5[%add3A_9, %add3A_117, %dma_start3A_119] : memref<8x10240x128xf32, #tpu.memory_space<hbm>> -> memref<1x128x128xf32, #tpu.memory_space<hbm>>
          %dma_start3A_121 = tpu.memref_squeeze %dma_start3A_120 : memref<1x128x128xf32, #tpu.memory_space<hbm>> -> memref<128x128xf32, #tpu.memory_space<hbm>>
          %dma_start3A_122 = arith.constant 0 : i32
          %dma_start3A_123 = tpu.memref_slice %arg5[%add3A_9, %add3A_117, %dma_start3A_122] : memref<8x10240x128xf32, #tpu.memory_space<hbm>> -> memref<1x128x128xf32, #tpu.memory_space<hbm>>
          %dma_start3A_124 = tpu.memref_squeeze %dma_start3A_123 : memref<1x128x128xf32, #tpu.memory_space<hbm>> -> memref<128x128xf32, #tpu.memory_space<hbm>>
          tpu.enqueue_dma source(%arg9 : memref<128x128xf32, #tpu.memory_space<vmem>>) target(%dma_start3A_124 : memref<128x128xf32, #tpu.memory_space<hbm>>) target_semaphore(%run_scoped3A_118 : memref<!tpu.dma_semaphore, #tpu.memory_space<semaphore_mem>>)
          %dma_wait3A_125 = arith.constant 0 : i32
          %dma_wait3A_126 = tpu.memref_slice %arg5[%add3A_9, %add3A_117, %dma_wait3A_125] : memref<8x10240x128xf32, #tpu.memory_space<hbm>> -> memref<1x128x128xf32, #tpu.memory_space<hbm>>
          %dma_wait3A_127 = tpu.memref_squeeze %dma_wait3A_126 : memref<1x128x128xf32, #tpu.memory_space<hbm>> -> memref<128x128xf32, #tpu.memory_space<hbm>>
          %dma_wait3A_128 = arith.constant 0 : i32
          %dma_wait3A_129 = tpu.memref_slice %arg5[%add3A_9, %add3A_117, %dma_wait3A_128] : memref<8x10240x128xf32, #tpu.memory_space<hbm>> -> memref<1x128x128xf32, #tpu.memory_space<hbm>>
          %dma_wait3A_130 = tpu.memref_squeeze %dma_wait3A_129 : memref<1x128x128xf32, #tpu.memory_space<hbm>> -> memref<128x128xf32, #tpu.memory_space<hbm>>
          tpu.wait_dma2 semaphore(%run_scoped3A_118 : memref<!tpu.dma_semaphore, #tpu.memory_space<semaphore_mem>>) src(%arg9 : memref<128x128xf32, #tpu.memory_space<vmem>>) dst(%dma_wait3A_130 : memref<128x128xf32, #tpu.memory_space<hbm>>)
          tpu.yield
        }) : () -> ()
      }
      %scan3A_101 = arith.constant 5 : i32
      %barrier3A_102 = arith.constant 0 : index
      tpu.barrier barrier_id(%barrier3A_102)
    }
    %scan3A_3 = arith.constant 4 : i32
    return
  }
}

module attributes {stable_mosaic.version = 14 : i64} {
  func.func @_ab_body(%arg0: i32, %arg1: memref<4x512x128xf32, #tpu.memory_space<vmem>>, %arg2: memref<4x128x128xf32, #tpu.memory_space<vmem>>, %arg3: memref<4x128x128xf32, #tpu.memory_space<vmem>>, %arg4: memref<2x128xf32, #tpu.memory_space<vmem>>, %arg5: memref<8x512x128xf32, #tpu.memory_space<vmem>>, %arg6: memref<8x512xf32, #tpu.memory_space<vmem>>, %arg7: memref<8x512xf32, #tpu.memory_space<vmem>>) attributes {dimension_semantics = [#tpu.dimension_semantics<arbitrary>], iteration_bounds = array<i64: 20>, scalar_prefetch = 0 : i64, scratch_operands = 0 : i64, tpu.core_type = #tpu.core_type<tc>, window_params = [{transform_indices = @transform_0, window_bounds = array<i64: 4, 512, 128>}, {pipeline_mode = #tpu.pipeline_mode<synchronous>, transform_indices = @transform_1, window_bounds = array<i64: 4, 128, 128>}, {pipeline_mode = #tpu.pipeline_mode<synchronous>, transform_indices = @transform_2, window_bounds = array<i64: 4, 128, 128>}, {pipeline_mode = #tpu.pipeline_mode<synchronous>, transform_indices = @transform_3, window_bounds = array<i64: 2, 128>}, {transform_indices = @transform_4, window_bounds = array<i64: 8, 512, 128>}, {transform_indices = @transform_5, window_bounds = array<i64: 8, 512>}, {transform_indices = @transform_6, window_bounds = array<i64: 8, 512>}]} {
    %get3A = arith.constant 0 : index
    %get3A_0 = arith.constant 0 : index
    %get3A_1 = arith.constant 0 : index
    %get3A_2 = vector.load %arg1[%get3A, %get3A_0, %get3A_1] : memref<4x512x128xf32, #tpu.memory_space<vmem>>, vector<1x512x128xf32>
    %get3A_3 = vector.shape_cast %get3A_2 : vector<1x512x128xf32> to vector<512x128xf32>
    %get3A_4 = arith.constant 1 : index
    %get3A_5 = arith.constant 0 : index
    %get3A_6 = arith.constant 0 : index
    %get3A_7 = vector.load %arg1[%get3A_4, %get3A_5, %get3A_6] : memref<4x512x128xf32, #tpu.memory_space<vmem>>, vector<1x512x128xf32>
    %get3A_8 = vector.shape_cast %get3A_7 : vector<1x512x128xf32> to vector<512x128xf32>
    %get3A_9 = arith.constant 2 : index
    %get3A_10 = arith.constant 0 : index
    %get3A_11 = arith.constant 0 : index
    %get3A_12 = vector.load %arg1[%get3A_9, %get3A_10, %get3A_11] : memref<4x512x128xf32, #tpu.memory_space<vmem>>, vector<1x512x128xf32>
    %get3A_13 = vector.shape_cast %get3A_12 : vector<1x512x128xf32> to vector<512x128xf32>
    %get3A_14 = arith.constant 3 : index
    %get3A_15 = arith.constant 0 : index
    %get3A_16 = arith.constant 0 : index
    %get3A_17 = vector.load %arg1[%get3A_14, %get3A_15, %get3A_16] : memref<4x512x128xf32, #tpu.memory_space<vmem>>, vector<1x512x128xf32>
    %get3A_18 = vector.shape_cast %get3A_17 : vector<1x512x128xf32> to vector<512x128xf32>
    %get3A_19 = arith.constant 2 : index
    %get3A_20 = arith.constant 0 : index
    %get3A_21 = arith.constant 0 : index
    %get3A_22 = vector.load %arg2[%get3A_19, %get3A_20, %get3A_21] : memref<4x128x128xf32, #tpu.memory_space<vmem>>, vector<1x128x128xf32>
    %get3A_23 = vector.shape_cast %get3A_22 : vector<1x128x128xf32> to vector<128x128xf32>
    %dot_general3A = arith.constant dense<0.000000e+00> : vector<512x128xf32>
    %dot_general3A_24 = tpu.matmul %get3A_3, %get3A_23, %dot_general3A {dimension_numbers = #tpu.dot_dimension_numbers<[1], [0], [0], [1], [0, 0, 1, 1], [], []>, transpose_lhs_hint = false} : vector<512x128xf32>, vector<128x128xf32>, vector<512x128xf32> -> vector<512x128xf32>
    %get3A_25 = arith.constant 0 : index
    %get3A_26 = arith.constant 0 : index
    %get3A_27 = arith.constant 0 : index
    %get3A_28 = vector.load %arg3[%get3A_25, %get3A_26, %get3A_27] : memref<4x128x128xf32, #tpu.memory_space<vmem>>, vector<1x128x128xf32>
    %get3A_29 = vector.shape_cast %get3A_28 : vector<1x128x128xf32> to vector<128x128xf32>
    %dot_general3A_30 = arith.constant dense<0.000000e+00> : vector<512x128xf32>
    %dot_general3A_31 = tpu.matmul %get3A_13, %get3A_29, %dot_general3A_30 {dimension_numbers = #tpu.dot_dimension_numbers<[1], [0], [0], [1], [0, 0, 1, 1], [], []>, transpose_lhs_hint = false} : vector<512x128xf32>, vector<128x128xf32>, vector<512x128xf32> -> vector<512x128xf32>
    %add3A = arith.addf %dot_general3A_24, %dot_general3A_31 : vector<512x128xf32>
    %get3A_32 = arith.constant 3 : index
    %get3A_33 = arith.constant 0 : index
    %get3A_34 = arith.constant 0 : index
    %get3A_35 = vector.load %arg2[%get3A_32, %get3A_33, %get3A_34] : memref<4x128x128xf32, #tpu.memory_space<vmem>>, vector<1x128x128xf32>
    %get3A_36 = vector.shape_cast %get3A_35 : vector<1x128x128xf32> to vector<128x128xf32>
    %dot_general3A_37 = arith.constant dense<0.000000e+00> : vector<512x128xf32>
    %dot_general3A_38 = tpu.matmul %get3A_8, %get3A_36, %dot_general3A_37 {dimension_numbers = #tpu.dot_dimension_numbers<[1], [0], [0], [1], [0, 0, 1, 1], [], []>, transpose_lhs_hint = false} : vector<512x128xf32>, vector<128x128xf32>, vector<512x128xf32> -> vector<512x128xf32>
    %get3A_39 = arith.constant 1 : index
    %get3A_40 = arith.constant 0 : index
    %get3A_41 = arith.constant 0 : index
    %get3A_42 = vector.load %arg3[%get3A_39, %get3A_40, %get3A_41] : memref<4x128x128xf32, #tpu.memory_space<vmem>>, vector<1x128x128xf32>
    %get3A_43 = vector.shape_cast %get3A_42 : vector<1x128x128xf32> to vector<128x128xf32>
    %dot_general3A_44 = arith.constant dense<0.000000e+00> : vector<512x128xf32>
    %dot_general3A_45 = tpu.matmul %get3A_18, %get3A_43, %dot_general3A_44 {dimension_numbers = #tpu.dot_dimension_numbers<[1], [0], [0], [1], [0, 0, 1, 1], [], []>, transpose_lhs_hint = false} : vector<512x128xf32>, vector<128x128xf32>, vector<512x128xf32> -> vector<512x128xf32>
    %add3A_46 = arith.addf %dot_general3A_38, %dot_general3A_45 : vector<512x128xf32>
    %get3A_47 = arith.constant 0 : index
    %get3A_48 = arith.constant 0 : index
    %get3A_49 = arith.constant 0 : index
    %get3A_50 = vector.load %arg2[%get3A_47, %get3A_48, %get3A_49] : memref<4x128x128xf32, #tpu.memory_space<vmem>>, vector<1x128x128xf32>
    %get3A_51 = vector.shape_cast %get3A_50 : vector<1x128x128xf32> to vector<128x128xf32>
    %dot_general3A_52 = arith.constant dense<0.000000e+00> : vector<512x128xf32>
    %dot_general3A_53 = tpu.matmul %get3A_13, %get3A_51, %dot_general3A_52 {dimension_numbers = #tpu.dot_dimension_numbers<[1], [0], [0], [1], [0, 0, 1, 1], [], []>, transpose_lhs_hint = false} : vector<512x128xf32>, vector<128x128xf32>, vector<512x128xf32> -> vector<512x128xf32>
    %get3A_54 = arith.constant 2 : index
    %get3A_55 = arith.constant 0 : index
    %get3A_56 = arith.constant 0 : index
    %get3A_57 = vector.load %arg3[%get3A_54, %get3A_55, %get3A_56] : memref<4x128x128xf32, #tpu.memory_space<vmem>>, vector<1x128x128xf32>
    %get3A_58 = vector.shape_cast %get3A_57 : vector<1x128x128xf32> to vector<128x128xf32>
    %dot_general3A_59 = arith.constant dense<0.000000e+00> : vector<512x128xf32>
    %dot_general3A_60 = tpu.matmul %get3A_3, %get3A_58, %dot_general3A_59 {dimension_numbers = #tpu.dot_dimension_numbers<[1], [0], [0], [1], [0, 0, 1, 1], [], []>, transpose_lhs_hint = false} : vector<512x128xf32>, vector<128x128xf32>, vector<512x128xf32> -> vector<512x128xf32>
    %add3A_61 = arith.addf %dot_general3A_53, %dot_general3A_60 : vector<512x128xf32>
    %get3A_62 = arith.constant 1 : index
    %get3A_63 = arith.constant 0 : index
    %get3A_64 = arith.constant 0 : index
    %get3A_65 = vector.load %arg2[%get3A_62, %get3A_63, %get3A_64] : memref<4x128x128xf32, #tpu.memory_space<vmem>>, vector<1x128x128xf32>
    %get3A_66 = vector.shape_cast %get3A_65 : vector<1x128x128xf32> to vector<128x128xf32>
    %dot_general3A_67 = arith.constant dense<0.000000e+00> : vector<512x128xf32>
    %dot_general3A_68 = tpu.matmul %get3A_18, %get3A_66, %dot_general3A_67 {dimension_numbers = #tpu.dot_dimension_numbers<[1], [0], [0], [1], [0, 0, 1, 1], [], []>, transpose_lhs_hint = false} : vector<512x128xf32>, vector<128x128xf32>, vector<512x128xf32> -> vector<512x128xf32>
    %get3A_69 = arith.constant 3 : index
    %get3A_70 = arith.constant 0 : index
    %get3A_71 = arith.constant 0 : index
    %get3A_72 = vector.load %arg3[%get3A_69, %get3A_70, %get3A_71] : memref<4x128x128xf32, #tpu.memory_space<vmem>>, vector<1x128x128xf32>
    %get3A_73 = vector.shape_cast %get3A_72 : vector<1x128x128xf32> to vector<128x128xf32>
    %dot_general3A_74 = arith.constant dense<0.000000e+00> : vector<512x128xf32>
    %dot_general3A_75 = tpu.matmul %get3A_8, %get3A_73, %dot_general3A_74 {dimension_numbers = #tpu.dot_dimension_numbers<[1], [0], [0], [1], [0, 0, 1, 1], [], []>, transpose_lhs_hint = false} : vector<512x128xf32>, vector<128x128xf32>, vector<512x128xf32> -> vector<512x128xf32>
    %add3A_76 = arith.addf %dot_general3A_68, %dot_general3A_75 : vector<512x128xf32>
    %get3A_77 = arith.constant 3 : index
    %get3A_78 = arith.constant 0 : index
    %get3A_79 = arith.constant 0 : index
    %get3A_80 = vector.load %arg2[%get3A_77, %get3A_78, %get3A_79] : memref<4x128x128xf32, #tpu.memory_space<vmem>>, vector<1x128x128xf32>
    %get3A_81 = vector.shape_cast %get3A_80 : vector<1x128x128xf32> to vector<128x128xf32>
    %dot_general3A_82 = arith.constant dense<0.000000e+00> : vector<512x128xf32>
    %dot_general3A_83 = tpu.matmul %get3A_3, %get3A_81, %dot_general3A_82 {dimension_numbers = #tpu.dot_dimension_numbers<[1], [0], [0], [1], [0, 0, 1, 1], [], []>, transpose_lhs_hint = false} : vector<512x128xf32>, vector<128x128xf32>, vector<512x128xf32> -> vector<512x128xf32>
    %get3A_84 = arith.constant 0 : index
    %get3A_85 = arith.constant 0 : index
    %get3A_86 = arith.constant 0 : index
    %get3A_87 = vector.load %arg3[%get3A_84, %get3A_85, %get3A_86] : memref<4x128x128xf32, #tpu.memory_space<vmem>>, vector<1x128x128xf32>
    %get3A_88 = vector.shape_cast %get3A_87 : vector<1x128x128xf32> to vector<128x128xf32>
    %dot_general3A_89 = arith.constant dense<0.000000e+00> : vector<512x128xf32>
    %dot_general3A_90 = tpu.matmul %get3A_18, %get3A_88, %dot_general3A_89 {dimension_numbers = #tpu.dot_dimension_numbers<[1], [0], [0], [1], [0, 0, 1, 1], [], []>, transpose_lhs_hint = false} : vector<512x128xf32>, vector<128x128xf32>, vector<512x128xf32> -> vector<512x128xf32>
    %add3A_91 = arith.addf %dot_general3A_83, %dot_general3A_90 : vector<512x128xf32>
    %get3A_92 = arith.constant 2 : index
    %get3A_93 = arith.constant 0 : index
    %get3A_94 = arith.constant 0 : index
    %get3A_95 = vector.load %arg2[%get3A_92, %get3A_93, %get3A_94] : memref<4x128x128xf32, #tpu.memory_space<vmem>>, vector<1x128x128xf32>
    %get3A_96 = vector.shape_cast %get3A_95 : vector<1x128x128xf32> to vector<128x128xf32>
    %dot_general3A_97 = arith.constant dense<0.000000e+00> : vector<512x128xf32>
    %dot_general3A_98 = tpu.matmul %get3A_8, %get3A_96, %dot_general3A_97 {dimension_numbers = #tpu.dot_dimension_numbers<[1], [0], [0], [1], [0, 0, 1, 1], [], []>, transpose_lhs_hint = false} : vector<512x128xf32>, vector<128x128xf32>, vector<512x128xf32> -> vector<512x128xf32>
    %get3A_99 = arith.constant 1 : index
    %get3A_100 = arith.constant 0 : index
    %get3A_101 = arith.constant 0 : index
    %get3A_102 = vector.load %arg3[%get3A_99, %get3A_100, %get3A_101] : memref<4x128x128xf32, #tpu.memory_space<vmem>>, vector<1x128x128xf32>
    %get3A_103 = vector.shape_cast %get3A_102 : vector<1x128x128xf32> to vector<128x128xf32>
    %dot_general3A_104 = arith.constant dense<0.000000e+00> : vector<512x128xf32>
    %dot_general3A_105 = tpu.matmul %get3A_13, %get3A_103, %dot_general3A_104 {dimension_numbers = #tpu.dot_dimension_numbers<[1], [0], [0], [1], [0, 0, 1, 1], [], []>, transpose_lhs_hint = false} : vector<512x128xf32>, vector<128x128xf32>, vector<512x128xf32> -> vector<512x128xf32>
    %add3A_106 = arith.addf %dot_general3A_98, %dot_general3A_105 : vector<512x128xf32>
    %get3A_107 = arith.constant 1 : index
    %get3A_108 = arith.constant 0 : index
    %get3A_109 = arith.constant 0 : index
    %get3A_110 = vector.load %arg2[%get3A_107, %get3A_108, %get3A_109] : memref<4x128x128xf32, #tpu.memory_space<vmem>>, vector<1x128x128xf32>
    %get3A_111 = vector.shape_cast %get3A_110 : vector<1x128x128xf32> to vector<128x128xf32>
    %dot_general3A_112 = arith.constant dense<0.000000e+00> : vector<512x128xf32>
    %dot_general3A_113 = tpu.matmul %get3A_13, %get3A_111, %dot_general3A_112 {dimension_numbers = #tpu.dot_dimension_numbers<[1], [0], [0], [1], [0, 0, 1, 1], [], []>, transpose_lhs_hint = false} : vector<512x128xf32>, vector<128x128xf32>, vector<512x128xf32> -> vector<512x128xf32>
    %get3A_114 = arith.constant 2 : index
    %get3A_115 = arith.constant 0 : index
    %get3A_116 = arith.constant 0 : index
    %get3A_117 = vector.load %arg3[%get3A_114, %get3A_115, %get3A_116] : memref<4x128x128xf32, #tpu.memory_space<vmem>>, vector<1x128x128xf32>
    %get3A_118 = vector.shape_cast %get3A_117 : vector<1x128x128xf32> to vector<128x128xf32>
    %dot_general3A_119 = arith.constant dense<0.000000e+00> : vector<512x128xf32>
    %dot_general3A_120 = tpu.matmul %get3A_8, %get3A_118, %dot_general3A_119 {dimension_numbers = #tpu.dot_dimension_numbers<[1], [0], [0], [1], [0, 0, 1, 1], [], []>, transpose_lhs_hint = false} : vector<512x128xf32>, vector<128x128xf32>, vector<512x128xf32> -> vector<512x128xf32>
    %add3A_121 = arith.addf %dot_general3A_113, %dot_general3A_120 : vector<512x128xf32>
    %get3A_122 = arith.constant 0 : index
    %get3A_123 = arith.constant 0 : index
    %get3A_124 = arith.constant 0 : index
    %get3A_125 = vector.load %arg2[%get3A_122, %get3A_123, %get3A_124] : memref<4x128x128xf32, #tpu.memory_space<vmem>>, vector<1x128x128xf32>
    %get3A_126 = vector.shape_cast %get3A_125 : vector<1x128x128xf32> to vector<128x128xf32>
    %dot_general3A_127 = arith.constant dense<0.000000e+00> : vector<512x128xf32>
    %dot_general3A_128 = tpu.matmul %get3A_18, %get3A_126, %dot_general3A_127 {dimension_numbers = #tpu.dot_dimension_numbers<[1], [0], [0], [1], [0, 0, 1, 1], [], []>, transpose_lhs_hint = false} : vector<512x128xf32>, vector<128x128xf32>, vector<512x128xf32> -> vector<512x128xf32>
    %get3A_129 = arith.constant 3 : index
    %get3A_130 = arith.constant 0 : index
    %get3A_131 = arith.constant 0 : index
    %get3A_132 = vector.load %arg3[%get3A_129, %get3A_130, %get3A_131] : memref<4x128x128xf32, #tpu.memory_space<vmem>>, vector<1x128x128xf32>
    %get3A_133 = vector.shape_cast %get3A_132 : vector<1x128x128xf32> to vector<128x128xf32>
    %dot_general3A_134 = arith.constant dense<0.000000e+00> : vector<512x128xf32>
    %dot_general3A_135 = tpu.matmul %get3A_3, %get3A_133, %dot_general3A_134 {dimension_numbers = #tpu.dot_dimension_numbers<[1], [0], [0], [1], [0, 0, 1, 1], [], []>, transpose_lhs_hint = false} : vector<512x128xf32>, vector<128x128xf32>, vector<512x128xf32> -> vector<512x128xf32>
    %add3A_136 = arith.addf %dot_general3A_128, %dot_general3A_135 : vector<512x128xf32>
    %get3A_137 = arith.constant 0 : index
    %get3A_138 = arith.constant 0 : index
    %get3A_139 = vector.load %arg4[%get3A_137, %get3A_138] : memref<2x128xf32, #tpu.memory_space<vmem>>, vector<1x128xf32>
    %get3A_140 = vector.shape_cast %get3A_139 : vector<1x128xf32> to vector<128xf32>
    %get3A_141 = arith.constant 1 : index
    %get3A_142 = arith.constant 0 : index
    %get3A_143 = vector.load %arg4[%get3A_141, %get3A_142] : memref<2x128xf32, #tpu.memory_space<vmem>>, vector<1x128xf32>
    %get3A_144 = vector.shape_cast %get3A_143 : vector<1x128xf32> to vector<128xf32>
    %gt3A = arith.constant 0.000000e+00 : f32
    %gt3A_145 = vector.broadcast %gt3A : f32 to vector<512x128xf32>
    %gt3A_146 = arith.cmpf ogt, %add3A, %gt3A_145 : vector<512x128xf32>
    %mul3A = arith.constant 2.000000e-01 : f32
    %mul3A_147 = vector.broadcast %mul3A : f32 to vector<512x128xf32>
    %mul3A_148 = arith.mulf %mul3A_147, %add3A : vector<512x128xf32>
    %select_n3A = arith.select %gt3A_146, %add3A, %mul3A_148 : vector<512x128xi1>, vector<512x128xf32>
    %broadcast_in_dim3A = vector.shape_cast %get3A_140 : vector<128xf32> to vector<1x128xf32>
    %mul3A_149 = vector.broadcast %broadcast_in_dim3A : vector<1x128xf32> to vector<512x128xf32>
    %mul3A_150 = arith.mulf %select_n3A, %mul3A_149 : vector<512x128xf32>
    %reduce_sum3A = arith.constant dense<0.000000e+00> : vector<512xf32>
    %reduce_sum3A_151 = vector.multi_reduction <add>, %mul3A_150, %reduce_sum3A [1] : vector<512x128xf32> to vector<512xf32>
    %exp3A = math.exp %reduce_sum3A_151 : vector<512xf32>
    %swap3A = arith.constant 0 : index
    %swap3A_152 = arith.constant 0 : index
    %swap3A_153 = vector.load %arg6[%swap3A, %swap3A_152] : memref<8x512xf32, #tpu.memory_space<vmem>>, vector<1x512xf32>
    %swap3A_154 = vector.shape_cast %swap3A_153 : vector<1x512xf32> to vector<512xf32>
    %swap3A_155 = vector.shape_cast %exp3A : vector<512xf32> to vector<1x512xf32>
    tpu.vector_store %arg6[%swap3A, %swap3A_152], %swap3A_155 {strides = array<i32>} : memref<8x512xf32, #tpu.memory_space<vmem>>, vector<1x512xf32>,
    %broadcast_in_dim3A_156 = vector.shape_cast %get3A_144 : vector<128xf32> to vector<1x128xf32>
    %mul3A_157 = vector.broadcast %broadcast_in_dim3A_156 : vector<1x128xf32> to vector<512x128xf32>
    %mul3A_158 = arith.mulf %select_n3A, %mul3A_157 : vector<512x128xf32>
    %reduce_sum3A_159 = arith.constant dense<0.000000e+00> : vector<512xf32>
    %reduce_sum3A_160 = vector.multi_reduction <add>, %mul3A_158, %reduce_sum3A_159 [1] : vector<512x128xf32> to vector<512xf32>
    %exp3A_161 = math.exp %reduce_sum3A_160 : vector<512xf32>
    %swap3A_162 = arith.constant 0 : index
    %swap3A_163 = arith.constant 0 : index
    %swap3A_164 = vector.load %arg7[%swap3A_162, %swap3A_163] : memref<8x512xf32, #tpu.memory_space<vmem>>, vector<1x512xf32>
    %swap3A_165 = vector.shape_cast %swap3A_164 : vector<1x512xf32> to vector<512xf32>
    %swap3A_166 = vector.shape_cast %exp3A_161 : vector<512xf32> to vector<1x512xf32>
    tpu.vector_store %arg7[%swap3A_162, %swap3A_163], %swap3A_166 {strides = array<i32>} : memref<8x512xf32, #tpu.memory_space<vmem>>, vector<1x512xf32>,
    %broadcast_in_dim3A_167 = vector.shape_cast %exp3A : vector<512xf32> to vector<512x1xf32>
    %mul3A_168 = vector.broadcast %broadcast_in_dim3A_167 : vector<512x1xf32> to vector<512x128xf32>
    %mul3A_169 = arith.mulf %mul3A_168, %add3A : vector<512x128xf32>
    %swap3A_170 = arith.constant 0 : index
    %swap3A_171 = arith.constant 0 : index
    %swap3A_172 = arith.constant 0 : index
    %swap3A_173 = vector.load %arg5[%swap3A_170, %swap3A_171, %swap3A_172] : memref<8x512x128xf32, #tpu.memory_space<vmem>>, vector<1x512x128xf32>
    %swap3A_174 = vector.shape_cast %swap3A_173 : vector<1x512x128xf32> to vector<512x128xf32>
    %swap3A_175 = vector.shape_cast %mul3A_169 : vector<512x128xf32> to vector<1x512x128xf32>
    tpu.vector_store %arg5[%swap3A_170, %swap3A_171, %swap3A_172], %swap3A_175 {strides = array<i32>} : memref<8x512x128xf32, #tpu.memory_space<vmem>>, vector<1x512x128xf32>,
    %gt3A_176 = arith.constant 0.000000e+00 : f32
    %gt3A_177 = vector.broadcast %gt3A_176 : f32 to vector<512x128xf32>
    %gt3A_178 = arith.cmpf ogt, %add3A_46, %gt3A_177 : vector<512x128xf32>
    %mul3A_179 = arith.constant 2.000000e-01 : f32
    %mul3A_180 = vector.broadcast %mul3A_179 : f32 to vector<512x128xf32>
    %mul3A_181 = arith.mulf %mul3A_180, %add3A_46 : vector<512x128xf32>
    %select_n3A_182 = arith.select %gt3A_178, %add3A_46, %mul3A_181 : vector<512x128xi1>, vector<512x128xf32>
    %broadcast_in_dim3A_183 = vector.shape_cast %get3A_140 : vector<128xf32> to vector<1x128xf32>
    %mul3A_184 = vector.broadcast %broadcast_in_dim3A_183 : vector<1x128xf32> to vector<512x128xf32>
    %mul3A_185 = arith.mulf %select_n3A_182, %mul3A_184 : vector<512x128xf32>
    %reduce_sum3A_186 = arith.constant dense<0.000000e+00> : vector<512xf32>
    %reduce_sum3A_187 = vector.multi_reduction <add>, %mul3A_185, %reduce_sum3A_186 [1] : vector<512x128xf32> to vector<512xf32>
    %exp3A_188 = math.exp %reduce_sum3A_187 : vector<512xf32>
    %swap3A_189 = arith.constant 1 : index
    %swap3A_190 = arith.constant 0 : index
    %swap3A_191 = vector.load %arg6[%swap3A_189, %swap3A_190] : memref<8x512xf32, #tpu.memory_space<vmem>>, vector<1x512xf32>
    %swap3A_192 = vector.shape_cast %swap3A_191 : vector<1x512xf32> to vector<512xf32>
    %swap3A_193 = vector.shape_cast %exp3A_188 : vector<512xf32> to vector<1x512xf32>
    tpu.vector_store %arg6[%swap3A_189, %swap3A_190], %swap3A_193 {strides = array<i32>} : memref<8x512xf32, #tpu.memory_space<vmem>>, vector<1x512xf32>,
    %broadcast_in_dim3A_194 = vector.shape_cast %get3A_144 : vector<128xf32> to vector<1x128xf32>
    %mul3A_195 = vector.broadcast %broadcast_in_dim3A_194 : vector<1x128xf32> to vector<512x128xf32>
    %mul3A_196 = arith.mulf %select_n3A_182, %mul3A_195 : vector<512x128xf32>
    %reduce_sum3A_197 = arith.constant dense<0.000000e+00> : vector<512xf32>
    %reduce_sum3A_198 = vector.multi_reduction <add>, %mul3A_196, %reduce_sum3A_197 [1] : vector<512x128xf32> to vector<512xf32>
    %exp3A_199 = math.exp %reduce_sum3A_198 : vector<512xf32>
    %swap3A_200 = arith.constant 1 : index
    %swap3A_201 = arith.constant 0 : index
    %swap3A_202 = vector.load %arg7[%swap3A_200, %swap3A_201] : memref<8x512xf32, #tpu.memory_space<vmem>>, vector<1x512xf32>
    %swap3A_203 = vector.shape_cast %swap3A_202 : vector<1x512xf32> to vector<512xf32>
    %swap3A_204 = vector.shape_cast %exp3A_199 : vector<512xf32> to vector<1x512xf32>
    tpu.vector_store %arg7[%swap3A_200, %swap3A_201], %swap3A_204 {strides = array<i32>} : memref<8x512xf32, #tpu.memory_space<vmem>>, vector<1x512xf32>,
    %broadcast_in_dim3A_205 = vector.shape_cast %exp3A_188 : vector<512xf32> to vector<512x1xf32>
    %mul3A_206 = vector.broadcast %broadcast_in_dim3A_205 : vector<512x1xf32> to vector<512x128xf32>
    %mul3A_207 = arith.mulf %mul3A_206, %add3A_46 : vector<512x128xf32>
    %swap3A_208 = arith.constant 1 : index
    %swap3A_209 = arith.constant 0 : index
    %swap3A_210 = arith.constant 0 : index
    %swap3A_211 = vector.load %arg5[%swap3A_208, %swap3A_209, %swap3A_210] : memref<8x512x128xf32, #tpu.memory_space<vmem>>, vector<1x512x128xf32>
    %swap3A_212 = vector.shape_cast %swap3A_211 : vector<1x512x128xf32> to vector<512x128xf32>
    %swap3A_213 = vector.shape_cast %mul3A_207 : vector<512x128xf32> to vector<1x512x128xf32>
    tpu.vector_store %arg5[%swap3A_208, %swap3A_209, %swap3A_210], %swap3A_213 {strides = array<i32>} : memref<8x512x128xf32, #tpu.memory_space<vmem>>, vector<1x512x128xf32>,
    %gt3A_214 = arith.constant 0.000000e+00 : f32
    %gt3A_215 = vector.broadcast %gt3A_214 : f32 to vector<512x128xf32>
    %gt3A_216 = arith.cmpf ogt, %add3A_61, %gt3A_215 : vector<512x128xf32>
    %mul3A_217 = arith.constant 2.000000e-01 : f32
    %mul3A_218 = vector.broadcast %mul3A_217 : f32 to vector<512x128xf32>
    %mul3A_219 = arith.mulf %mul3A_218, %add3A_61 : vector<512x128xf32>
    %select_n3A_220 = arith.select %gt3A_216, %add3A_61, %mul3A_219 : vector<512x128xi1>, vector<512x128xf32>
    %broadcast_in_dim3A_221 = vector.shape_cast %get3A_140 : vector<128xf32> to vector<1x128xf32>
    %mul3A_222 = vector.broadcast %broadcast_in_dim3A_221 : vector<1x128xf32> to vector<512x128xf32>
    %mul3A_223 = arith.mulf %select_n3A_220, %mul3A_222 : vector<512x128xf32>
    %reduce_sum3A_224 = arith.constant dense<0.000000e+00> : vector<512xf32>
    %reduce_sum3A_225 = vector.multi_reduction <add>, %mul3A_223, %reduce_sum3A_224 [1] : vector<512x128xf32> to vector<512xf32>
    %exp3A_226 = math.exp %reduce_sum3A_225 : vector<512xf32>
    %swap3A_227 = arith.constant 2 : index
    %swap3A_228 = arith.constant 0 : index
    %swap3A_229 = vector.load %arg6[%swap3A_227, %swap3A_228] : memref<8x512xf32, #tpu.memory_space<vmem>>, vector<1x512xf32>
    %swap3A_230 = vector.shape_cast %swap3A_229 : vector<1x512xf32> to vector<512xf32>
    %swap3A_231 = vector.shape_cast %exp3A_226 : vector<512xf32> to vector<1x512xf32>
    tpu.vector_store %arg6[%swap3A_227, %swap3A_228], %swap3A_231 {strides = array<i32>} : memref<8x512xf32, #tpu.memory_space<vmem>>, vector<1x512xf32>,
    %broadcast_in_dim3A_232 = vector.shape_cast %get3A_144 : vector<128xf32> to vector<1x128xf32>
    %mul3A_233 = vector.broadcast %broadcast_in_dim3A_232 : vector<1x128xf32> to vector<512x128xf32>
    %mul3A_234 = arith.mulf %select_n3A_220, %mul3A_233 : vector<512x128xf32>
    %reduce_sum3A_235 = arith.constant dense<0.000000e+00> : vector<512xf32>
    %reduce_sum3A_236 = vector.multi_reduction <add>, %mul3A_234, %reduce_sum3A_235 [1] : vector<512x128xf32> to vector<512xf32>
    %exp3A_237 = math.exp %reduce_sum3A_236 : vector<512xf32>
    %swap3A_238 = arith.constant 2 : index
    %swap3A_239 = arith.constant 0 : index
    %swap3A_240 = vector.load %arg7[%swap3A_238, %swap3A_239] : memref<8x512xf32, #tpu.memory_space<vmem>>, vector<1x512xf32>
    %swap3A_241 = vector.shape_cast %swap3A_240 : vector<1x512xf32> to vector<512xf32>
    %swap3A_242 = vector.shape_cast %exp3A_237 : vector<512xf32> to vector<1x512xf32>
    tpu.vector_store %arg7[%swap3A_238, %swap3A_239], %swap3A_242 {strides = array<i32>} : memref<8x512xf32, #tpu.memory_space<vmem>>, vector<1x512xf32>,
    %broadcast_in_dim3A_243 = vector.shape_cast %exp3A_226 : vector<512xf32> to vector<512x1xf32>
    %mul3A_244 = vector.broadcast %broadcast_in_dim3A_243 : vector<512x1xf32> to vector<512x128xf32>
    %mul3A_245 = arith.mulf %mul3A_244, %add3A_61 : vector<512x128xf32>
    %swap3A_246 = arith.constant 2 : index
    %swap3A_247 = arith.constant 0 : index
    %swap3A_248 = arith.constant 0 : index
    %swap3A_249 = vector.load %arg5[%swap3A_246, %swap3A_247, %swap3A_248] : memref<8x512x128xf32, #tpu.memory_space<vmem>>, vector<1x512x128xf32>
    %swap3A_250 = vector.shape_cast %swap3A_249 : vector<1x512x128xf32> to vector<512x128xf32>
    %swap3A_251 = vector.shape_cast %mul3A_245 : vector<512x128xf32> to vector<1x512x128xf32>
    tpu.vector_store %arg5[%swap3A_246, %swap3A_247, %swap3A_248], %swap3A_251 {strides = array<i32>} : memref<8x512x128xf32, #tpu.memory_space<vmem>>, vector<1x512x128xf32>,
    %gt3A_252 = arith.constant 0.000000e+00 : f32
    %gt3A_253 = vector.broadcast %gt3A_252 : f32 to vector<512x128xf32>
    %gt3A_254 = arith.cmpf ogt, %add3A_76, %gt3A_253 : vector<512x128xf32>
    %mul3A_255 = arith.constant 2.000000e-01 : f32
    %mul3A_256 = vector.broadcast %mul3A_255 : f32 to vector<512x128xf32>
    %mul3A_257 = arith.mulf %mul3A_256, %add3A_76 : vector<512x128xf32>
    %select_n3A_258 = arith.select %gt3A_254, %add3A_76, %mul3A_257 : vector<512x128xi1>, vector<512x128xf32>
    %broadcast_in_dim3A_259 = vector.shape_cast %get3A_140 : vector<128xf32> to vector<1x128xf32>
    %mul3A_260 = vector.broadcast %broadcast_in_dim3A_259 : vector<1x128xf32> to vector<512x128xf32>
    %mul3A_261 = arith.mulf %select_n3A_258, %mul3A_260 : vector<512x128xf32>
    %reduce_sum3A_262 = arith.constant dense<0.000000e+00> : vector<512xf32>
    %reduce_sum3A_263 = vector.multi_reduction <add>, %mul3A_261, %reduce_sum3A_262 [1] : vector<512x128xf32> to vector<512xf32>
    %exp3A_264 = math.exp %reduce_sum3A_263 : vector<512xf32>
    %swap3A_265 = arith.constant 3 : index
    %swap3A_266 = arith.constant 0 : index
    %swap3A_267 = vector.load %arg6[%swap3A_265, %swap3A_266] : memref<8x512xf32, #tpu.memory_space<vmem>>, vector<1x512xf32>
    %swap3A_268 = vector.shape_cast %swap3A_267 : vector<1x512xf32> to vector<512xf32>
    %swap3A_269 = vector.shape_cast %exp3A_264 : vector<512xf32> to vector<1x512xf32>
    tpu.vector_store %arg6[%swap3A_265, %swap3A_266], %swap3A_269 {strides = array<i32>} : memref<8x512xf32, #tpu.memory_space<vmem>>, vector<1x512xf32>,
    %broadcast_in_dim3A_270 = vector.shape_cast %get3A_144 : vector<128xf32> to vector<1x128xf32>
    %mul3A_271 = vector.broadcast %broadcast_in_dim3A_270 : vector<1x128xf32> to vector<512x128xf32>
    %mul3A_272 = arith.mulf %select_n3A_258, %mul3A_271 : vector<512x128xf32>
    %reduce_sum3A_273 = arith.constant dense<0.000000e+00> : vector<512xf32>
    %reduce_sum3A_274 = vector.multi_reduction <add>, %mul3A_272, %reduce_sum3A_273 [1] : vector<512x128xf32> to vector<512xf32>
    %exp3A_275 = math.exp %reduce_sum3A_274 : vector<512xf32>
    %swap3A_276 = arith.constant 3 : index
    %swap3A_277 = arith.constant 0 : index
    %swap3A_278 = vector.load %arg7[%swap3A_276, %swap3A_277] : memref<8x512xf32, #tpu.memory_space<vmem>>, vector<1x512xf32>
    %swap3A_279 = vector.shape_cast %swap3A_278 : vector<1x512xf32> to vector<512xf32>
    %swap3A_280 = vector.shape_cast %exp3A_275 : vector<512xf32> to vector<1x512xf32>
    tpu.vector_store %arg7[%swap3A_276, %swap3A_277], %swap3A_280 {strides = array<i32>} : memref<8x512xf32, #tpu.memory_space<vmem>>, vector<1x512xf32>,
    %broadcast_in_dim3A_281 = vector.shape_cast %exp3A_264 : vector<512xf32> to vector<512x1xf32>
    %mul3A_282 = vector.broadcast %broadcast_in_dim3A_281 : vector<512x1xf32> to vector<512x128xf32>
    %mul3A_283 = arith.mulf %mul3A_282, %add3A_76 : vector<512x128xf32>
    %swap3A_284 = arith.constant 3 : index
    %swap3A_285 = arith.constant 0 : index
    %swap3A_286 = arith.constant 0 : index
    %swap3A_287 = vector.load %arg5[%swap3A_284, %swap3A_285, %swap3A_286] : memref<8x512x128xf32, #tpu.memory_space<vmem>>, vector<1x512x128xf32>
    %swap3A_288 = vector.shape_cast %swap3A_287 : vector<1x512x128xf32> to vector<512x128xf32>
    %swap3A_289 = vector.shape_cast %mul3A_283 : vector<512x128xf32> to vector<1x512x128xf32>
    tpu.vector_store %arg5[%swap3A_284, %swap3A_285, %swap3A_286], %swap3A_289 {strides = array<i32>} : memref<8x512x128xf32, #tpu.memory_space<vmem>>, vector<1x512x128xf32>,
    %gt3A_290 = arith.constant 0.000000e+00 : f32
    %gt3A_291 = vector.broadcast %gt3A_290 : f32 to vector<512x128xf32>
    %gt3A_292 = arith.cmpf ogt, %add3A_91, %gt3A_291 : vector<512x128xf32>
    %mul3A_293 = arith.constant 2.000000e-01 : f32
    %mul3A_294 = vector.broadcast %mul3A_293 : f32 to vector<512x128xf32>
    %mul3A_295 = arith.mulf %mul3A_294, %add3A_91 : vector<512x128xf32>
    %select_n3A_296 = arith.select %gt3A_292, %add3A_91, %mul3A_295 : vector<512x128xi1>, vector<512x128xf32>
    %broadcast_in_dim3A_297 = vector.shape_cast %get3A_140 : vector<128xf32> to vector<1x128xf32>
    %mul3A_298 = vector.broadcast %broadcast_in_dim3A_297 : vector<1x128xf32> to vector<512x128xf32>
    %mul3A_299 = arith.mulf %select_n3A_296, %mul3A_298 : vector<512x128xf32>
    %reduce_sum3A_300 = arith.constant dense<0.000000e+00> : vector<512xf32>
    %reduce_sum3A_301 = vector.multi_reduction <add>, %mul3A_299, %reduce_sum3A_300 [1] : vector<512x128xf32> to vector<512xf32>
    %exp3A_302 = math.exp %reduce_sum3A_301 : vector<512xf32>
    %swap3A_303 = arith.constant 4 : index
    %swap3A_304 = arith.constant 0 : index
    %swap3A_305 = vector.load %arg6[%swap3A_303, %swap3A_304] : memref<8x512xf32, #tpu.memory_space<vmem>>, vector<1x512xf32>
    %swap3A_306 = vector.shape_cast %swap3A_305 : vector<1x512xf32> to vector<512xf32>
    %swap3A_307 = vector.shape_cast %exp3A_302 : vector<512xf32> to vector<1x512xf32>
    tpu.vector_store %arg6[%swap3A_303, %swap3A_304], %swap3A_307 {strides = array<i32>} : memref<8x512xf32, #tpu.memory_space<vmem>>, vector<1x512xf32>,
    %broadcast_in_dim3A_308 = vector.shape_cast %get3A_144 : vector<128xf32> to vector<1x128xf32>
    %mul3A_309 = vector.broadcast %broadcast_in_dim3A_308 : vector<1x128xf32> to vector<512x128xf32>
    %mul3A_310 = arith.mulf %select_n3A_296, %mul3A_309 : vector<512x128xf32>
    %reduce_sum3A_311 = arith.constant dense<0.000000e+00> : vector<512xf32>
    %reduce_sum3A_312 = vector.multi_reduction <add>, %mul3A_310, %reduce_sum3A_311 [1] : vector<512x128xf32> to vector<512xf32>
    %exp3A_313 = math.exp %reduce_sum3A_312 : vector<512xf32>
    %swap3A_314 = arith.constant 4 : index
    %swap3A_315 = arith.constant 0 : index
    %swap3A_316 = vector.load %arg7[%swap3A_314, %swap3A_315] : memref<8x512xf32, #tpu.memory_space<vmem>>, vector<1x512xf32>
    %swap3A_317 = vector.shape_cast %swap3A_316 : vector<1x512xf32> to vector<512xf32>
    %swap3A_318 = vector.shape_cast %exp3A_313 : vector<512xf32> to vector<1x512xf32>
    tpu.vector_store %arg7[%swap3A_314, %swap3A_315], %swap3A_318 {strides = array<i32>} : memref<8x512xf32, #tpu.memory_space<vmem>>, vector<1x512xf32>,
    %broadcast_in_dim3A_319 = vector.shape_cast %exp3A_302 : vector<512xf32> to vector<512x1xf32>
    %mul3A_320 = vector.broadcast %broadcast_in_dim3A_319 : vector<512x1xf32> to vector<512x128xf32>
    %mul3A_321 = arith.mulf %mul3A_320, %add3A_91 : vector<512x128xf32>
    %swap3A_322 = arith.constant 4 : index
    %swap3A_323 = arith.constant 0 : index
    %swap3A_324 = arith.constant 0 : index
    %swap3A_325 = vector.load %arg5[%swap3A_322, %swap3A_323, %swap3A_324] : memref<8x512x128xf32, #tpu.memory_space<vmem>>, vector<1x512x128xf32>
    %swap3A_326 = vector.shape_cast %swap3A_325 : vector<1x512x128xf32> to vector<512x128xf32>
    %swap3A_327 = vector.shape_cast %mul3A_321 : vector<512x128xf32> to vector<1x512x128xf32>
    tpu.vector_store %arg5[%swap3A_322, %swap3A_323, %swap3A_324], %swap3A_327 {strides = array<i32>} : memref<8x512x128xf32, #tpu.memory_space<vmem>>, vector<1x512x128xf32>,
    %gt3A_328 = arith.constant 0.000000e+00 : f32
    %gt3A_329 = vector.broadcast %gt3A_328 : f32 to vector<512x128xf32>
    %gt3A_330 = arith.cmpf ogt, %add3A_106, %gt3A_329 : vector<512x128xf32>
    %mul3A_331 = arith.constant 2.000000e-01 : f32
    %mul3A_332 = vector.broadcast %mul3A_331 : f32 to vector<512x128xf32>
    %mul3A_333 = arith.mulf %mul3A_332, %add3A_106 : vector<512x128xf32>
    %select_n3A_334 = arith.select %gt3A_330, %add3A_106, %mul3A_333 : vector<512x128xi1>, vector<512x128xf32>
    %broadcast_in_dim3A_335 = vector.shape_cast %get3A_140 : vector<128xf32> to vector<1x128xf32>
    %mul3A_336 = vector.broadcast %broadcast_in_dim3A_335 : vector<1x128xf32> to vector<512x128xf32>
    %mul3A_337 = arith.mulf %select_n3A_334, %mul3A_336 : vector<512x128xf32>
    %reduce_sum3A_338 = arith.constant dense<0.000000e+00> : vector<512xf32>
    %reduce_sum3A_339 = vector.multi_reduction <add>, %mul3A_337, %reduce_sum3A_338 [1] : vector<512x128xf32> to vector<512xf32>
    %exp3A_340 = math.exp %reduce_sum3A_339 : vector<512xf32>
    %swap3A_341 = arith.constant 5 : index
    %swap3A_342 = arith.constant 0 : index
    %swap3A_343 = vector.load %arg6[%swap3A_341, %swap3A_342] : memref<8x512xf32, #tpu.memory_space<vmem>>, vector<1x512xf32>
    %swap3A_344 = vector.shape_cast %swap3A_343 : vector<1x512xf32> to vector<512xf32>
    %swap3A_345 = vector.shape_cast %exp3A_340 : vector<512xf32> to vector<1x512xf32>
    tpu.vector_store %arg6[%swap3A_341, %swap3A_342], %swap3A_345 {strides = array<i32>} : memref<8x512xf32, #tpu.memory_space<vmem>>, vector<1x512xf32>,
    %broadcast_in_dim3A_346 = vector.shape_cast %get3A_144 : vector<128xf32> to vector<1x128xf32>
    %mul3A_347 = vector.broadcast %broadcast_in_dim3A_346 : vector<1x128xf32> to vector<512x128xf32>
    %mul3A_348 = arith.mulf %select_n3A_334, %mul3A_347 : vector<512x128xf32>
    %reduce_sum3A_349 = arith.constant dense<0.000000e+00> : vector<512xf32>
    %reduce_sum3A_350 = vector.multi_reduction <add>, %mul3A_348, %reduce_sum3A_349 [1] : vector<512x128xf32> to vector<512xf32>
    %exp3A_351 = math.exp %reduce_sum3A_350 : vector<512xf32>
    %swap3A_352 = arith.constant 5 : index
    %swap3A_353 = arith.constant 0 : index
    %swap3A_354 = vector.load %arg7[%swap3A_352, %swap3A_353] : memref<8x512xf32, #tpu.memory_space<vmem>>, vector<1x512xf32>
    %swap3A_355 = vector.shape_cast %swap3A_354 : vector<1x512xf32> to vector<512xf32>
    %swap3A_356 = vector.shape_cast %exp3A_351 : vector<512xf32> to vector<1x512xf32>
    tpu.vector_store %arg7[%swap3A_352, %swap3A_353], %swap3A_356 {strides = array<i32>} : memref<8x512xf32, #tpu.memory_space<vmem>>, vector<1x512xf32>,
    %broadcast_in_dim3A_357 = vector.shape_cast %exp3A_340 : vector<512xf32> to vector<512x1xf32>
    %mul3A_358 = vector.broadcast %broadcast_in_dim3A_357 : vector<512x1xf32> to vector<512x128xf32>
    %mul3A_359 = arith.mulf %mul3A_358, %add3A_106 : vector<512x128xf32>
    %swap3A_360 = arith.constant 5 : index
    %swap3A_361 = arith.constant 0 : index
    %swap3A_362 = arith.constant 0 : index
    %swap3A_363 = vector.load %arg5[%swap3A_360, %swap3A_361, %swap3A_362] : memref<8x512x128xf32, #tpu.memory_space<vmem>>, vector<1x512x128xf32>
    %swap3A_364 = vector.shape_cast %swap3A_363 : vector<1x512x128xf32> to vector<512x128xf32>
    %swap3A_365 = vector.shape_cast %mul3A_359 : vector<512x128xf32> to vector<1x512x128xf32>
    tpu.vector_store %arg5[%swap3A_360, %swap3A_361, %swap3A_362], %swap3A_365 {strides = array<i32>} : memref<8x512x128xf32, #tpu.memory_space<vmem>>, vector<1x512x128xf32>,
    %gt3A_366 = arith.constant 0.000000e+00 : f32
    %gt3A_367 = vector.broadcast %gt3A_366 : f32 to vector<512x128xf32>
    %gt3A_368 = arith.cmpf ogt, %add3A_121, %gt3A_367 : vector<512x128xf32>
    %mul3A_369 = arith.constant 2.000000e-01 : f32
    %mul3A_370 = vector.broadcast %mul3A_369 : f32 to vector<512x128xf32>
    %mul3A_371 = arith.mulf %mul3A_370, %add3A_121 : vector<512x128xf32>
    %select_n3A_372 = arith.select %gt3A_368, %add3A_121, %mul3A_371 : vector<512x128xi1>, vector<512x128xf32>
    %broadcast_in_dim3A_373 = vector.shape_cast %get3A_140 : vector<128xf32> to vector<1x128xf32>
    %mul3A_374 = vector.broadcast %broadcast_in_dim3A_373 : vector<1x128xf32> to vector<512x128xf32>
    %mul3A_375 = arith.mulf %select_n3A_372, %mul3A_374 : vector<512x128xf32>
    %reduce_sum3A_376 = arith.constant dense<0.000000e+00> : vector<512xf32>
    %reduce_sum3A_377 = vector.multi_reduction <add>, %mul3A_375, %reduce_sum3A_376 [1] : vector<512x128xf32> to vector<512xf32>
    %exp3A_378 = math.exp %reduce_sum3A_377 : vector<512xf32>
    %swap3A_379 = arith.constant 6 : index
    %swap3A_380 = arith.constant 0 : index
    %swap3A_381 = vector.load %arg6[%swap3A_379, %swap3A_380] : memref<8x512xf32, #tpu.memory_space<vmem>>, vector<1x512xf32>
    %swap3A_382 = vector.shape_cast %swap3A_381 : vector<1x512xf32> to vector<512xf32>
    %swap3A_383 = vector.shape_cast %exp3A_378 : vector<512xf32> to vector<1x512xf32>
    tpu.vector_store %arg6[%swap3A_379, %swap3A_380], %swap3A_383 {strides = array<i32>} : memref<8x512xf32, #tpu.memory_space<vmem>>, vector<1x512xf32>,
    %broadcast_in_dim3A_384 = vector.shape_cast %get3A_144 : vector<128xf32> to vector<1x128xf32>
    %mul3A_385 = vector.broadcast %broadcast_in_dim3A_384 : vector<1x128xf32> to vector<512x128xf32>
    %mul3A_386 = arith.mulf %select_n3A_372, %mul3A_385 : vector<512x128xf32>
    %reduce_sum3A_387 = arith.constant dense<0.000000e+00> : vector<512xf32>
    %reduce_sum3A_388 = vector.multi_reduction <add>, %mul3A_386, %reduce_sum3A_387 [1] : vector<512x128xf32> to vector<512xf32>
    %exp3A_389 = math.exp %reduce_sum3A_388 : vector<512xf32>
    %swap3A_390 = arith.constant 6 : index
    %swap3A_391 = arith.constant 0 : index
    %swap3A_392 = vector.load %arg7[%swap3A_390, %swap3A_391] : memref<8x512xf32, #tpu.memory_space<vmem>>, vector<1x512xf32>
    %swap3A_393 = vector.shape_cast %swap3A_392 : vector<1x512xf32> to vector<512xf32>
    %swap3A_394 = vector.shape_cast %exp3A_389 : vector<512xf32> to vector<1x512xf32>
    tpu.vector_store %arg7[%swap3A_390, %swap3A_391], %swap3A_394 {strides = array<i32>} : memref<8x512xf32, #tpu.memory_space<vmem>>, vector<1x512xf32>,
    %broadcast_in_dim3A_395 = vector.shape_cast %exp3A_378 : vector<512xf32> to vector<512x1xf32>
    %mul3A_396 = vector.broadcast %broadcast_in_dim3A_395 : vector<512x1xf32> to vector<512x128xf32>
    %mul3A_397 = arith.mulf %mul3A_396, %add3A_121 : vector<512x128xf32>
    %swap3A_398 = arith.constant 6 : index
    %swap3A_399 = arith.constant 0 : index
    %swap3A_400 = arith.constant 0 : index
    %swap3A_401 = vector.load %arg5[%swap3A_398, %swap3A_399, %swap3A_400] : memref<8x512x128xf32, #tpu.memory_space<vmem>>, vector<1x512x128xf32>
    %swap3A_402 = vector.shape_cast %swap3A_401 : vector<1x512x128xf32> to vector<512x128xf32>
    %swap3A_403 = vector.shape_cast %mul3A_397 : vector<512x128xf32> to vector<1x512x128xf32>
    tpu.vector_store %arg5[%swap3A_398, %swap3A_399, %swap3A_400], %swap3A_403 {strides = array<i32>} : memref<8x512x128xf32, #tpu.memory_space<vmem>>, vector<1x512x128xf32>,
    %gt3A_404 = arith.constant 0.000000e+00 : f32
    %gt3A_405 = vector.broadcast %gt3A_404 : f32 to vector<512x128xf32>
    %gt3A_406 = arith.cmpf ogt, %add3A_136, %gt3A_405 : vector<512x128xf32>
    %mul3A_407 = arith.constant 2.000000e-01 : f32
    %mul3A_408 = vector.broadcast %mul3A_407 : f32 to vector<512x128xf32>
    %mul3A_409 = arith.mulf %mul3A_408, %add3A_136 : vector<512x128xf32>
    %select_n3A_410 = arith.select %gt3A_406, %add3A_136, %mul3A_409 : vector<512x128xi1>, vector<512x128xf32>
    %broadcast_in_dim3A_411 = vector.shape_cast %get3A_140 : vector<128xf32> to vector<1x128xf32>
    %mul3A_412 = vector.broadcast %broadcast_in_dim3A_411 : vector<1x128xf32> to vector<512x128xf32>
    %mul3A_413 = arith.mulf %select_n3A_410, %mul3A_412 : vector<512x128xf32>
    %reduce_sum3A_414 = arith.constant dense<0.000000e+00> : vector<512xf32>
    %reduce_sum3A_415 = vector.multi_reduction <add>, %mul3A_413, %reduce_sum3A_414 [1] : vector<512x128xf32> to vector<512xf32>
    %exp3A_416 = math.exp %reduce_sum3A_415 : vector<512xf32>
    %swap3A_417 = arith.constant 7 : index
    %swap3A_418 = arith.constant 0 : index
    %swap3A_419 = vector.load %arg6[%swap3A_417, %swap3A_418] : memref<8x512xf32, #tpu.memory_space<vmem>>, vector<1x512xf32>
    %swap3A_420 = vector.shape_cast %swap3A_419 : vector<1x512xf32> to vector<512xf32>
    %swap3A_421 = vector.shape_cast %exp3A_416 : vector<512xf32> to vector<1x512xf32>
    tpu.vector_store %arg6[%swap3A_417, %swap3A_418], %swap3A_421 {strides = array<i32>} : memref<8x512xf32, #tpu.memory_space<vmem>>, vector<1x512xf32>,
    %broadcast_in_dim3A_422 = vector.shape_cast %get3A_144 : vector<128xf32> to vector<1x128xf32>
    %mul3A_423 = vector.broadcast %broadcast_in_dim3A_422 : vector<1x128xf32> to vector<512x128xf32>
    %mul3A_424 = arith.mulf %select_n3A_410, %mul3A_423 : vector<512x128xf32>
    %reduce_sum3A_425 = arith.constant dense<0.000000e+00> : vector<512xf32>
    %reduce_sum3A_426 = vector.multi_reduction <add>, %mul3A_424, %reduce_sum3A_425 [1] : vector<512x128xf32> to vector<512xf32>
    %exp3A_427 = math.exp %reduce_sum3A_426 : vector<512xf32>
    %swap3A_428 = arith.constant 7 : index
    %swap3A_429 = arith.constant 0 : index
    %swap3A_430 = vector.load %arg7[%swap3A_428, %swap3A_429] : memref<8x512xf32, #tpu.memory_space<vmem>>, vector<1x512xf32>
    %swap3A_431 = vector.shape_cast %swap3A_430 : vector<1x512xf32> to vector<512xf32>
    %swap3A_432 = vector.shape_cast %exp3A_427 : vector<512xf32> to vector<1x512xf32>
    tpu.vector_store %arg7[%swap3A_428, %swap3A_429], %swap3A_432 {strides = array<i32>} : memref<8x512xf32, #tpu.memory_space<vmem>>, vector<1x512xf32>,
    %broadcast_in_dim3A_433 = vector.shape_cast %exp3A_416 : vector<512xf32> to vector<512x1xf32>
    %mul3A_434 = vector.broadcast %broadcast_in_dim3A_433 : vector<512x1xf32> to vector<512x128xf32>
    %mul3A_435 = arith.mulf %mul3A_434, %add3A_136 : vector<512x128xf32>
    %swap3A_436 = arith.constant 7 : index
    %swap3A_437 = arith.constant 0 : index
    %swap3A_438 = arith.constant 0 : index
    %swap3A_439 = vector.load %arg5[%swap3A_436, %swap3A_437, %swap3A_438] : memref<8x512x128xf32, #tpu.memory_space<vmem>>, vector<1x512x128xf32>
    %swap3A_440 = vector.shape_cast %swap3A_439 : vector<1x512x128xf32> to vector<512x128xf32>
    %swap3A_441 = vector.shape_cast %mul3A_435 : vector<512x128xf32> to vector<1x512x128xf32>
    tpu.vector_store %arg5[%swap3A_436, %swap3A_437, %swap3A_438], %swap3A_441 {strides = array<i32>} : memref<8x512x128xf32, #tpu.memory_space<vmem>>, vector<1x512x128xf32>,
    return
  }
  func.func @transform_0(%arg0: i32) -> (i32, i32, i32) {
    %c0_i32 = arith.constant 0 : i32
    %c0_i32_0 = arith.constant 0 : i32
    %c0_i32_1 = arith.constant 0 : i32
    return %c0_i32, %arg0, %c0_i32_0 : i32, i32, i32
  }
  func.func @transform_1(%arg0: i32) -> (i32, i32, i32) {
    %c0_i32 = arith.constant 0 : i32
    %c0_i32_0 = arith.constant 0 : i32
    %c0_i32_1 = arith.constant 0 : i32
    %c0_i32_2 = arith.constant 0 : i32
    return %c0_i32, %c0_i32_0, %c0_i32_1 : i32, i32, i32
  }
  func.func @transform_2(%arg0: i32) -> (i32, i32, i32) {
    %c0_i32 = arith.constant 0 : i32
    %c0_i32_0 = arith.constant 0 : i32
    %c0_i32_1 = arith.constant 0 : i32
    %c0_i32_2 = arith.constant 0 : i32
    return %c0_i32, %c0_i32_0, %c0_i32_1 : i32, i32, i32
  }
  func.func @transform_3(%arg0: i32) -> (i32, i32) {
    %c0_i32 = arith.constant 0 : i32
    %c0_i32_0 = arith.constant 0 : i32
    %c0_i32_1 = arith.constant 0 : i32
    return %c0_i32, %c0_i32_0 : i32, i32
  }
  func.func @transform_4(%arg0: i32) -> (i32, i32, i32) {
    %c0_i32 = arith.constant 0 : i32
    %c0_i32_0 = arith.constant 0 : i32
    %c0_i32_1 = arith.constant 0 : i32
    return %c0_i32, %arg0, %c0_i32_0 : i32, i32, i32
  }
  func.func @transform_5(%arg0: i32) -> (i32, i32) {
    %c0_i32 = arith.constant 0 : i32
    %c0_i32_0 = arith.constant 0 : i32
    return %c0_i32, %arg0 : i32, i32
  }
  func.func @transform_6(%arg0: i32) -> (i32, i32) {
    %c0_i32 = arith.constant 0 : i32
    %c0_i32_0 = arith.constant 0 : i32
    return %c0_i32, %arg0 : i32, i32
  }
}

module attributes {stable_mosaic.version = 14 : i64} {
  func.func @_ab_body(%arg0: i32, %arg1: memref<4x512x128xf32, #tpu.memory_space<vmem>>, %arg2: memref<4x128x128xf32, #tpu.memory_space<vmem>>, %arg3: memref<4x128x128xf32, #tpu.memory_space<vmem>>, %arg4: memref<2x128xf32, #tpu.memory_space<vmem>>, %arg5: memref<8x512x128xf32, #tpu.memory_space<vmem>>, %arg6: memref<8x512xf32, #tpu.memory_space<vmem>>, %arg7: memref<8x512xf32, #tpu.memory_space<vmem>>) attributes {dimension_semantics = [#tpu.dimension_semantics<arbitrary>], iteration_bounds = array<i64: 20>, scalar_prefetch = 0 : i64, scratch_operands = 0 : i64, tpu.core_type = #tpu.core_type<tc>, window_params = [{transform_indices = @transform_0, window_bounds = array<i64: 4, 512, 128>}, {pipeline_mode = #tpu.pipeline_mode<synchronous>, transform_indices = @transform_1, window_bounds = array<i64: 4, 128, 128>}, {pipeline_mode = #tpu.pipeline_mode<synchronous>, transform_indices = @transform_2, window_bounds = array<i64: 4, 128, 128>}, {pipeline_mode = #tpu.pipeline_mode<synchronous>, transform_indices = @transform_3, window_bounds = array<i64: 2, 128>}, {transform_indices = @transform_4, window_bounds = array<i64: 8, 512, 128>}, {transform_indices = @transform_5, window_bounds = array<i64: 8, 512>}, {transform_indices = @transform_6, window_bounds = array<i64: 8, 512>}]} {
    %get3A = arith.constant 0 : index
    %get3A_0 = arith.constant 0 : index
    %get3A_1 = arith.constant 0 : index
    %get3A_2 = vector.load %arg1[%get3A, %get3A_0, %get3A_1] : memref<4x512x128xf32, #tpu.memory_space<vmem>>, vector<1x512x128xf32>
    %get3A_3 = vector.shape_cast %get3A_2 : vector<1x512x128xf32> to vector<512x128xf32>
    %get3A_4 = arith.constant 1 : index
    %get3A_5 = arith.constant 0 : index
    %get3A_6 = arith.constant 0 : index
    %get3A_7 = vector.load %arg1[%get3A_4, %get3A_5, %get3A_6] : memref<4x512x128xf32, #tpu.memory_space<vmem>>, vector<1x512x128xf32>
    %get3A_8 = vector.shape_cast %get3A_7 : vector<1x512x128xf32> to vector<512x128xf32>
    %get3A_9 = arith.constant 2 : index
    %get3A_10 = arith.constant 0 : index
    %get3A_11 = arith.constant 0 : index
    %get3A_12 = vector.load %arg1[%get3A_9, %get3A_10, %get3A_11] : memref<4x512x128xf32, #tpu.memory_space<vmem>>, vector<1x512x128xf32>
    %get3A_13 = vector.shape_cast %get3A_12 : vector<1x512x128xf32> to vector<512x128xf32>
    %get3A_14 = arith.constant 3 : index
    %get3A_15 = arith.constant 0 : index
    %get3A_16 = arith.constant 0 : index
    %get3A_17 = vector.load %arg1[%get3A_14, %get3A_15, %get3A_16] : memref<4x512x128xf32, #tpu.memory_space<vmem>>, vector<1x512x128xf32>
    %get3A_18 = vector.shape_cast %get3A_17 : vector<1x512x128xf32> to vector<512x128xf32>
    %get3A_19 = arith.constant 0 : index
    %get3A_20 = arith.constant 0 : index
    %get3A_21 = arith.constant 0 : index
    %get3A_22 = vector.load %arg2[%get3A_19, %get3A_20, %get3A_21] : memref<4x128x128xf32, #tpu.memory_space<vmem>>, vector<1x128x128xf32>
    %get3A_23 = vector.shape_cast %get3A_22 : vector<1x128x128xf32> to vector<128x128xf32>
    %dot_general3A = arith.constant dense<0.000000e+00> : vector<512x128xf32>
    %dot_general3A_24 = tpu.matmul %get3A_3, %get3A_23, %dot_general3A {dimension_numbers = #tpu.dot_dimension_numbers<[1], [0], [0], [1], [0, 0, 1, 1], [], []>, transpose_lhs_hint = false} : vector<512x128xf32>, vector<128x128xf32>, vector<512x128xf32> -> vector<512x128xf32>
    %get3A_25 = arith.constant 0 : index
    %get3A_26 = arith.constant 0 : index
    %get3A_27 = arith.constant 0 : index
    %get3A_28 = vector.load %arg3[%get3A_25, %get3A_26, %get3A_27] : memref<4x128x128xf32, #tpu.memory_space<vmem>>, vector<1x128x128xf32>
    %get3A_29 = vector.shape_cast %get3A_28 : vector<1x128x128xf32> to vector<128x128xf32>
    %dot_general3A_30 = arith.constant dense<0.000000e+00> : vector<512x128xf32>
    %dot_general3A_31 = tpu.matmul %get3A_3, %get3A_29, %dot_general3A_30 {dimension_numbers = #tpu.dot_dimension_numbers<[1], [0], [0], [1], [0, 0, 1, 1], [], []>, transpose_lhs_hint = false} : vector<512x128xf32>, vector<128x128xf32>, vector<512x128xf32> -> vector<512x128xf32>
    %add3A = arith.addf %dot_general3A_24, %dot_general3A_31 : vector<512x128xf32>
    %get3A_32 = arith.constant 1 : index
    %get3A_33 = arith.constant 0 : index
    %get3A_34 = arith.constant 0 : index
    %get3A_35 = vector.load %arg2[%get3A_32, %get3A_33, %get3A_34] : memref<4x128x128xf32, #tpu.memory_space<vmem>>, vector<1x128x128xf32>
    %get3A_36 = vector.shape_cast %get3A_35 : vector<1x128x128xf32> to vector<128x128xf32>
    %dot_general3A_37 = arith.constant dense<0.000000e+00> : vector<512x128xf32>
    %dot_general3A_38 = tpu.matmul %get3A_8, %get3A_36, %dot_general3A_37 {dimension_numbers = #tpu.dot_dimension_numbers<[1], [0], [0], [1], [0, 0, 1, 1], [], []>, transpose_lhs_hint = false} : vector<512x128xf32>, vector<128x128xf32>, vector<512x128xf32> -> vector<512x128xf32>
    %get3A_39 = arith.constant 1 : index
    %get3A_40 = arith.constant 0 : index
    %get3A_41 = arith.constant 0 : index
    %get3A_42 = vector.load %arg3[%get3A_39, %get3A_40, %get3A_41] : memref<4x128x128xf32, #tpu.memory_space<vmem>>, vector<1x128x128xf32>
    %get3A_43 = vector.shape_cast %get3A_42 : vector<1x128x128xf32> to vector<128x128xf32>
    %dot_general3A_44 = arith.constant dense<0.000000e+00> : vector<512x128xf32>
    %dot_general3A_45 = tpu.matmul %get3A_8, %get3A_43, %dot_general3A_44 {dimension_numbers = #tpu.dot_dimension_numbers<[1], [0], [0], [1], [0, 0, 1, 1], [], []>, transpose_lhs_hint = false} : vector<512x128xf32>, vector<128x128xf32>, vector<512x128xf32> -> vector<512x128xf32>
    %add3A_46 = arith.addf %dot_general3A_38, %dot_general3A_45 : vector<512x128xf32>
    %get3A_47 = arith.constant 2 : index
    %get3A_48 = arith.constant 0 : index
    %get3A_49 = arith.constant 0 : index
    %get3A_50 = vector.load %arg2[%get3A_47, %get3A_48, %get3A_49] : memref<4x128x128xf32, #tpu.memory_space<vmem>>, vector<1x128x128xf32>
    %get3A_51 = vector.shape_cast %get3A_50 : vector<1x128x128xf32> to vector<128x128xf32>
    %dot_general3A_52 = arith.constant dense<0.000000e+00> : vector<512x128xf32>
    %dot_general3A_53 = tpu.matmul %get3A_13, %get3A_51, %dot_general3A_52 {dimension_numbers = #tpu.dot_dimension_numbers<[1], [0], [0], [1], [0, 0, 1, 1], [], []>, transpose_lhs_hint = false} : vector<512x128xf32>, vector<128x128xf32>, vector<512x128xf32> -> vector<512x128xf32>
    %get3A_54 = arith.constant 2 : index
    %get3A_55 = arith.constant 0 : index
    %get3A_56 = arith.constant 0 : index
    %get3A_57 = vector.load %arg3[%get3A_54, %get3A_55, %get3A_56] : memref<4x128x128xf32, #tpu.memory_space<vmem>>, vector<1x128x128xf32>
    %get3A_58 = vector.shape_cast %get3A_57 : vector<1x128x128xf32> to vector<128x128xf32>
    %dot_general3A_59 = arith.constant dense<0.000000e+00> : vector<512x128xf32>
    %dot_general3A_60 = tpu.matmul %get3A_13, %get3A_58, %dot_general3A_59 {dimension_numbers = #tpu.dot_dimension_numbers<[1], [0], [0], [1], [0, 0, 1, 1], [], []>, transpose_lhs_hint = false} : vector<512x128xf32>, vector<128x128xf32>, vector<512x128xf32> -> vector<512x128xf32>
    %add3A_61 = arith.addf %dot_general3A_53, %dot_general3A_60 : vector<512x128xf32>
    %get3A_62 = arith.constant 3 : index
    %get3A_63 = arith.constant 0 : index
    %get3A_64 = arith.constant 0 : index
    %get3A_65 = vector.load %arg2[%get3A_62, %get3A_63, %get3A_64] : memref<4x128x128xf32, #tpu.memory_space<vmem>>, vector<1x128x128xf32>
    %get3A_66 = vector.shape_cast %get3A_65 : vector<1x128x128xf32> to vector<128x128xf32>
    %dot_general3A_67 = arith.constant dense<0.000000e+00> : vector<512x128xf32>
    %dot_general3A_68 = tpu.matmul %get3A_18, %get3A_66, %dot_general3A_67 {dimension_numbers = #tpu.dot_dimension_numbers<[1], [0], [0], [1], [0, 0, 1, 1], [], []>, transpose_lhs_hint = false} : vector<512x128xf32>, vector<128x128xf32>, vector<512x128xf32> -> vector<512x128xf32>
    %get3A_69 = arith.constant 3 : index
    %get3A_70 = arith.constant 0 : index
    %get3A_71 = arith.constant 0 : index
    %get3A_72 = vector.load %arg3[%get3A_69, %get3A_70, %get3A_71] : memref<4x128x128xf32, #tpu.memory_space<vmem>>, vector<1x128x128xf32>
    %get3A_73 = vector.shape_cast %get3A_72 : vector<1x128x128xf32> to vector<128x128xf32>
    %dot_general3A_74 = arith.constant dense<0.000000e+00> : vector<512x128xf32>
    %dot_general3A_75 = tpu.matmul %get3A_18, %get3A_73, %dot_general3A_74 {dimension_numbers = #tpu.dot_dimension_numbers<[1], [0], [0], [1], [0, 0, 1, 1], [], []>, transpose_lhs_hint = false} : vector<512x128xf32>, vector<128x128xf32>, vector<512x128xf32> -> vector<512x128xf32>
    %add3A_76 = arith.addf %dot_general3A_68, %dot_general3A_75 : vector<512x128xf32>
    %get3A_77 = arith.constant 1 : index
    %get3A_78 = arith.constant 0 : index
    %get3A_79 = arith.constant 0 : index
    %get3A_80 = vector.load %arg2[%get3A_77, %get3A_78, %get3A_79] : memref<4x128x128xf32, #tpu.memory_space<vmem>>, vector<1x128x128xf32>
    %get3A_81 = vector.shape_cast %get3A_80 : vector<1x128x128xf32> to vector<128x128xf32>
    %dot_general3A_82 = arith.constant dense<0.000000e+00> : vector<512x128xf32>
    %dot_general3A_83 = tpu.matmul %get3A_3, %get3A_81, %dot_general3A_82 {dimension_numbers = #tpu.dot_dimension_numbers<[1], [0], [0], [1], [0, 0, 1, 1], [], []>, transpose_lhs_hint = false} : vector<512x128xf32>, vector<128x128xf32>, vector<512x128xf32> -> vector<512x128xf32>
    %get3A_84 = arith.constant 0 : index
    %get3A_85 = arith.constant 0 : index
    %get3A_86 = arith.constant 0 : index
    %get3A_87 = vector.load %arg3[%get3A_84, %get3A_85, %get3A_86] : memref<4x128x128xf32, #tpu.memory_space<vmem>>, vector<1x128x128xf32>
    %get3A_88 = vector.shape_cast %get3A_87 : vector<1x128x128xf32> to vector<128x128xf32>
    %dot_general3A_89 = arith.constant dense<0.000000e+00> : vector<512x128xf32>
    %dot_general3A_90 = tpu.matmul %get3A_8, %get3A_88, %dot_general3A_89 {dimension_numbers = #tpu.dot_dimension_numbers<[1], [0], [0], [1], [0, 0, 1, 1], [], []>, transpose_lhs_hint = false} : vector<512x128xf32>, vector<128x128xf32>, vector<512x128xf32> -> vector<512x128xf32>
    %add3A_91 = arith.addf %dot_general3A_83, %dot_general3A_90 : vector<512x128xf32>
    %get3A_92 = arith.constant 0 : index
    %get3A_93 = arith.constant 0 : index
    %get3A_94 = arith.constant 0 : index
    %get3A_95 = vector.load %arg2[%get3A_92, %get3A_93, %get3A_94] : memref<4x128x128xf32, #tpu.memory_space<vmem>>, vector<1x128x128xf32>
    %get3A_96 = vector.shape_cast %get3A_95 : vector<1x128x128xf32> to vector<128x128xf32>
    %dot_general3A_97 = arith.constant dense<0.000000e+00> : vector<512x128xf32>
    %dot_general3A_98 = tpu.matmul %get3A_8, %get3A_96, %dot_general3A_97 {dimension_numbers = #tpu.dot_dimension_numbers<[1], [0], [0], [1], [0, 0, 1, 1], [], []>, transpose_lhs_hint = false} : vector<512x128xf32>, vector<128x128xf32>, vector<512x128xf32> -> vector<512x128xf32>
    %get3A_99 = arith.constant 1 : index
    %get3A_100 = arith.constant 0 : index
    %get3A_101 = arith.constant 0 : index
    %get3A_102 = vector.load %arg3[%get3A_99, %get3A_100, %get3A_101] : memref<4x128x128xf32, #tpu.memory_space<vmem>>, vector<1x128x128xf32>
    %get3A_103 = vector.shape_cast %get3A_102 : vector<1x128x128xf32> to vector<128x128xf32>
    %dot_general3A_104 = arith.constant dense<0.000000e+00> : vector<512x128xf32>
    %dot_general3A_105 = tpu.matmul %get3A_3, %get3A_103, %dot_general3A_104 {dimension_numbers = #tpu.dot_dimension_numbers<[1], [0], [0], [1], [0, 0, 1, 1], [], []>, transpose_lhs_hint = false} : vector<512x128xf32>, vector<128x128xf32>, vector<512x128xf32> -> vector<512x128xf32>
    %add3A_106 = arith.addf %dot_general3A_98, %dot_general3A_105 : vector<512x128xf32>
    %get3A_107 = arith.constant 3 : index
    %get3A_108 = arith.constant 0 : index
    %get3A_109 = arith.constant 0 : index
    %get3A_110 = vector.load %arg2[%get3A_107, %get3A_108, %get3A_109] : memref<4x128x128xf32, #tpu.memory_space<vmem>>, vector<1x128x128xf32>
    %get3A_111 = vector.shape_cast %get3A_110 : vector<1x128x128xf32> to vector<128x128xf32>
    %dot_general3A_112 = arith.constant dense<0.000000e+00> : vector<512x128xf32>
    %dot_general3A_113 = tpu.matmul %get3A_13, %get3A_111, %dot_general3A_112 {dimension_numbers = #tpu.dot_dimension_numbers<[1], [0], [0], [1], [0, 0, 1, 1], [], []>, transpose_lhs_hint = false} : vector<512x128xf32>, vector<128x128xf32>, vector<512x128xf32> -> vector<512x128xf32>
    %get3A_114 = arith.constant 2 : index
    %get3A_115 = arith.constant 0 : index
    %get3A_116 = arith.constant 0 : index
    %get3A_117 = vector.load %arg3[%get3A_114, %get3A_115, %get3A_116] : memref<4x128x128xf32, #tpu.memory_space<vmem>>, vector<1x128x128xf32>
    %get3A_118 = vector.shape_cast %get3A_117 : vector<1x128x128xf32> to vector<128x128xf32>
    %dot_general3A_119 = arith.constant dense<0.000000e+00> : vector<512x128xf32>
    %dot_general3A_120 = tpu.matmul %get3A_18, %get3A_118, %dot_general3A_119 {dimension_numbers = #tpu.dot_dimension_numbers<[1], [0], [0], [1], [0, 0, 1, 1], [], []>, transpose_lhs_hint = false} : vector<512x128xf32>, vector<128x128xf32>, vector<512x128xf32> -> vector<512x128xf32>
    %add3A_121 = arith.addf %dot_general3A_113, %dot_general3A_120 : vector<512x128xf32>
    %get3A_122 = arith.constant 2 : index
    %get3A_123 = arith.constant 0 : index
    %get3A_124 = arith.constant 0 : index
    %get3A_125 = vector.load %arg2[%get3A_122, %get3A_123, %get3A_124] : memref<4x128x128xf32, #tpu.memory_space<vmem>>, vector<1x128x128xf32>
    %get3A_126 = vector.shape_cast %get3A_125 : vector<1x128x128xf32> to vector<128x128xf32>
    %dot_general3A_127 = arith.constant dense<0.000000e+00> : vector<512x128xf32>
    %dot_general3A_128 = tpu.matmul %get3A_18, %get3A_126, %dot_general3A_127 {dimension_numbers = #tpu.dot_dimension_numbers<[1], [0], [0], [1], [0, 0, 1, 1], [], []>, transpose_lhs_hint = false} : vector<512x128xf32>, vector<128x128xf32>, vector<512x128xf32> -> vector<512x128xf32>
    %get3A_129 = arith.constant 3 : index
    %get3A_130 = arith.constant 0 : index
    %get3A_131 = arith.constant 0 : index
    %get3A_132 = vector.load %arg3[%get3A_129, %get3A_130, %get3A_131] : memref<4x128x128xf32, #tpu.memory_space<vmem>>, vector<1x128x128xf32>
    %get3A_133 = vector.shape_cast %get3A_132 : vector<1x128x128xf32> to vector<128x128xf32>
    %dot_general3A_134 = arith.constant dense<0.000000e+00> : vector<512x128xf32>
    %dot_general3A_135 = tpu.matmul %get3A_13, %get3A_133, %dot_general3A_134 {dimension_numbers = #tpu.dot_dimension_numbers<[1], [0], [0], [1], [0, 0, 1, 1], [], []>, transpose_lhs_hint = false} : vector<512x128xf32>, vector<128x128xf32>, vector<512x128xf32> -> vector<512x128xf32>
    %add3A_136 = arith.addf %dot_general3A_128, %dot_general3A_135 : vector<512x128xf32>
    %get3A_137 = arith.constant 0 : index
    %get3A_138 = arith.constant 0 : index
    %get3A_139 = vector.load %arg4[%get3A_137, %get3A_138] : memref<2x128xf32, #tpu.memory_space<vmem>>, vector<1x128xf32>
    %get3A_140 = vector.shape_cast %get3A_139 : vector<1x128xf32> to vector<128xf32>
    %get3A_141 = arith.constant 1 : index
    %get3A_142 = arith.constant 0 : index
    %get3A_143 = vector.load %arg4[%get3A_141, %get3A_142] : memref<2x128xf32, #tpu.memory_space<vmem>>, vector<1x128xf32>
    %get3A_144 = vector.shape_cast %get3A_143 : vector<1x128xf32> to vector<128xf32>
    %gt3A = arith.constant 0.000000e+00 : f32
    %gt3A_145 = vector.broadcast %gt3A : f32 to vector<512x128xf32>
    %gt3A_146 = arith.cmpf ogt, %add3A, %gt3A_145 : vector<512x128xf32>
    %mul3A = arith.constant 2.000000e-01 : f32
    %mul3A_147 = vector.broadcast %mul3A : f32 to vector<512x128xf32>
    %mul3A_148 = arith.mulf %mul3A_147, %add3A : vector<512x128xf32>
    %select_n3A = arith.select %gt3A_146, %add3A, %mul3A_148 : vector<512x128xi1>, vector<512x128xf32>
    %broadcast_in_dim3A = vector.shape_cast %get3A_140 : vector<128xf32> to vector<1x128xf32>
    %mul3A_149 = vector.broadcast %broadcast_in_dim3A : vector<1x128xf32> to vector<512x128xf32>
    %mul3A_150 = arith.mulf %select_n3A, %mul3A_149 : vector<512x128xf32>
    %reduce_sum3A = arith.constant dense<0.000000e+00> : vector<512xf32>
    %reduce_sum3A_151 = vector.multi_reduction <add>, %mul3A_150, %reduce_sum3A [1] : vector<512x128xf32> to vector<512xf32>
    %exp3A = math.exp %reduce_sum3A_151 : vector<512xf32>
    %swap3A = arith.constant 0 : index
    %swap3A_152 = arith.constant 0 : index
    %swap3A_153 = vector.load %arg6[%swap3A, %swap3A_152] : memref<8x512xf32, #tpu.memory_space<vmem>>, vector<1x512xf32>
    %swap3A_154 = vector.shape_cast %swap3A_153 : vector<1x512xf32> to vector<512xf32>
    %swap3A_155 = vector.shape_cast %exp3A : vector<512xf32> to vector<1x512xf32>
    tpu.vector_store %arg6[%swap3A, %swap3A_152], %swap3A_155 {strides = array<i32>} : memref<8x512xf32, #tpu.memory_space<vmem>>, vector<1x512xf32>,
    %broadcast_in_dim3A_156 = vector.shape_cast %get3A_144 : vector<128xf32> to vector<1x128xf32>
    %mul3A_157 = vector.broadcast %broadcast_in_dim3A_156 : vector<1x128xf32> to vector<512x128xf32>
    %mul3A_158 = arith.mulf %select_n3A, %mul3A_157 : vector<512x128xf32>
    %reduce_sum3A_159 = arith.constant dense<0.000000e+00> : vector<512xf32>
    %reduce_sum3A_160 = vector.multi_reduction <add>, %mul3A_158, %reduce_sum3A_159 [1] : vector<512x128xf32> to vector<512xf32>
    %exp3A_161 = math.exp %reduce_sum3A_160 : vector<512xf32>
    %swap3A_162 = arith.constant 0 : index
    %swap3A_163 = arith.constant 0 : index
    %swap3A_164 = vector.load %arg7[%swap3A_162, %swap3A_163] : memref<8x512xf32, #tpu.memory_space<vmem>>, vector<1x512xf32>
    %swap3A_165 = vector.shape_cast %swap3A_164 : vector<1x512xf32> to vector<512xf32>
    %swap3A_166 = vector.shape_cast %exp3A_161 : vector<512xf32> to vector<1x512xf32>
    tpu.vector_store %arg7[%swap3A_162, %swap3A_163], %swap3A_166 {strides = array<i32>} : memref<8x512xf32, #tpu.memory_space<vmem>>, vector<1x512xf32>,
    %broadcast_in_dim3A_167 = vector.shape_cast %exp3A : vector<512xf32> to vector<512x1xf32>
    %mul3A_168 = vector.broadcast %broadcast_in_dim3A_167 : vector<512x1xf32> to vector<512x128xf32>
    %mul3A_169 = arith.mulf %mul3A_168, %add3A : vector<512x128xf32>
    %swap3A_170 = arith.constant 0 : index
    %swap3A_171 = arith.constant 0 : index
    %swap3A_172 = arith.constant 0 : index
    %swap3A_173 = vector.load %arg5[%swap3A_170, %swap3A_171, %swap3A_172] : memref<8x512x128xf32, #tpu.memory_space<vmem>>, vector<1x512x128xf32>
    %swap3A_174 = vector.shape_cast %swap3A_173 : vector<1x512x128xf32> to vector<512x128xf32>
    %swap3A_175 = vector.shape_cast %mul3A_169 : vector<512x128xf32> to vector<1x512x128xf32>
    tpu.vector_store %arg5[%swap3A_170, %swap3A_171, %swap3A_172], %swap3A_175 {strides = array<i32>} : memref<8x512x128xf32, #tpu.memory_space<vmem>>, vector<1x512x128xf32>,
    %gt3A_176 = arith.constant 0.000000e+00 : f32
    %gt3A_177 = vector.broadcast %gt3A_176 : f32 to vector<512x128xf32>
    %gt3A_178 = arith.cmpf ogt, %add3A_46, %gt3A_177 : vector<512x128xf32>
    %mul3A_179 = arith.constant 2.000000e-01 : f32
    %mul3A_180 = vector.broadcast %mul3A_179 : f32 to vector<512x128xf32>
    %mul3A_181 = arith.mulf %mul3A_180, %add3A_46 : vector<512x128xf32>
    %select_n3A_182 = arith.select %gt3A_178, %add3A_46, %mul3A_181 : vector<512x128xi1>, vector<512x128xf32>
    %broadcast_in_dim3A_183 = vector.shape_cast %get3A_140 : vector<128xf32> to vector<1x128xf32>
    %mul3A_184 = vector.broadcast %broadcast_in_dim3A_183 : vector<1x128xf32> to vector<512x128xf32>
    %mul3A_185 = arith.mulf %select_n3A_182, %mul3A_184 : vector<512x128xf32>
    %reduce_sum3A_186 = arith.constant dense<0.000000e+00> : vector<512xf32>
    %reduce_sum3A_187 = vector.multi_reduction <add>, %mul3A_185, %reduce_sum3A_186 [1] : vector<512x128xf32> to vector<512xf32>
    %exp3A_188 = math.exp %reduce_sum3A_187 : vector<512xf32>
    %swap3A_189 = arith.constant 1 : index
    %swap3A_190 = arith.constant 0 : index
    %swap3A_191 = vector.load %arg6[%swap3A_189, %swap3A_190] : memref<8x512xf32, #tpu.memory_space<vmem>>, vector<1x512xf32>
    %swap3A_192 = vector.shape_cast %swap3A_191 : vector<1x512xf32> to vector<512xf32>
    %swap3A_193 = vector.shape_cast %exp3A_188 : vector<512xf32> to vector<1x512xf32>
    tpu.vector_store %arg6[%swap3A_189, %swap3A_190], %swap3A_193 {strides = array<i32>} : memref<8x512xf32, #tpu.memory_space<vmem>>, vector<1x512xf32>,
    %broadcast_in_dim3A_194 = vector.shape_cast %get3A_144 : vector<128xf32> to vector<1x128xf32>
    %mul3A_195 = vector.broadcast %broadcast_in_dim3A_194 : vector<1x128xf32> to vector<512x128xf32>
    %mul3A_196 = arith.mulf %select_n3A_182, %mul3A_195 : vector<512x128xf32>
    %reduce_sum3A_197 = arith.constant dense<0.000000e+00> : vector<512xf32>
    %reduce_sum3A_198 = vector.multi_reduction <add>, %mul3A_196, %reduce_sum3A_197 [1] : vector<512x128xf32> to vector<512xf32>
    %exp3A_199 = math.exp %reduce_sum3A_198 : vector<512xf32>
    %swap3A_200 = arith.constant 1 : index
    %swap3A_201 = arith.constant 0 : index
    %swap3A_202 = vector.load %arg7[%swap3A_200, %swap3A_201] : memref<8x512xf32, #tpu.memory_space<vmem>>, vector<1x512xf32>
    %swap3A_203 = vector.shape_cast %swap3A_202 : vector<1x512xf32> to vector<512xf32>
    %swap3A_204 = vector.shape_cast %exp3A_199 : vector<512xf32> to vector<1x512xf32>
    tpu.vector_store %arg7[%swap3A_200, %swap3A_201], %swap3A_204 {strides = array<i32>} : memref<8x512xf32, #tpu.memory_space<vmem>>, vector<1x512xf32>,
    %broadcast_in_dim3A_205 = vector.shape_cast %exp3A_188 : vector<512xf32> to vector<512x1xf32>
    %mul3A_206 = vector.broadcast %broadcast_in_dim3A_205 : vector<512x1xf32> to vector<512x128xf32>
    %mul3A_207 = arith.mulf %mul3A_206, %add3A_46 : vector<512x128xf32>
    %swap3A_208 = arith.constant 1 : index
    %swap3A_209 = arith.constant 0 : index
    %swap3A_210 = arith.constant 0 : index
    %swap3A_211 = vector.load %arg5[%swap3A_208, %swap3A_209, %swap3A_210] : memref<8x512x128xf32, #tpu.memory_space<vmem>>, vector<1x512x128xf32>
    %swap3A_212 = vector.shape_cast %swap3A_211 : vector<1x512x128xf32> to vector<512x128xf32>
    %swap3A_213 = vector.shape_cast %mul3A_207 : vector<512x128xf32> to vector<1x512x128xf32>
    tpu.vector_store %arg5[%swap3A_208, %swap3A_209, %swap3A_210], %swap3A_213 {strides = array<i32>} : memref<8x512x128xf32, #tpu.memory_space<vmem>>, vector<1x512x128xf32>,
    %gt3A_214 = arith.constant 0.000000e+00 : f32
    %gt3A_215 = vector.broadcast %gt3A_214 : f32 to vector<512x128xf32>
    %gt3A_216 = arith.cmpf ogt, %add3A_61, %gt3A_215 : vector<512x128xf32>
    %mul3A_217 = arith.constant 2.000000e-01 : f32
    %mul3A_218 = vector.broadcast %mul3A_217 : f32 to vector<512x128xf32>
    %mul3A_219 = arith.mulf %mul3A_218, %add3A_61 : vector<512x128xf32>
    %select_n3A_220 = arith.select %gt3A_216, %add3A_61, %mul3A_219 : vector<512x128xi1>, vector<512x128xf32>
    %broadcast_in_dim3A_221 = vector.shape_cast %get3A_140 : vector<128xf32> to vector<1x128xf32>
    %mul3A_222 = vector.broadcast %broadcast_in_dim3A_221 : vector<1x128xf32> to vector<512x128xf32>
    %mul3A_223 = arith.mulf %select_n3A_220, %mul3A_222 : vector<512x128xf32>
    %reduce_sum3A_224 = arith.constant dense<0.000000e+00> : vector<512xf32>
    %reduce_sum3A_225 = vector.multi_reduction <add>, %mul3A_223, %reduce_sum3A_224 [1] : vector<512x128xf32> to vector<512xf32>
    %exp3A_226 = math.exp %reduce_sum3A_225 : vector<512xf32>
    %swap3A_227 = arith.constant 2 : index
    %swap3A_228 = arith.constant 0 : index
    %swap3A_229 = vector.load %arg6[%swap3A_227, %swap3A_228] : memref<8x512xf32, #tpu.memory_space<vmem>>, vector<1x512xf32>
    %swap3A_230 = vector.shape_cast %swap3A_229 : vector<1x512xf32> to vector<512xf32>
    %swap3A_231 = vector.shape_cast %exp3A_226 : vector<512xf32> to vector<1x512xf32>
    tpu.vector_store %arg6[%swap3A_227, %swap3A_228], %swap3A_231 {strides = array<i32>} : memref<8x512xf32, #tpu.memory_space<vmem>>, vector<1x512xf32>,
    %broadcast_in_dim3A_232 = vector.shape_cast %get3A_144 : vector<128xf32> to vector<1x128xf32>
    %mul3A_233 = vector.broadcast %broadcast_in_dim3A_232 : vector<1x128xf32> to vector<512x128xf32>
    %mul3A_234 = arith.mulf %select_n3A_220, %mul3A_233 : vector<512x128xf32>
    %reduce_sum3A_235 = arith.constant dense<0.000000e+00> : vector<512xf32>
    %reduce_sum3A_236 = vector.multi_reduction <add>, %mul3A_234, %reduce_sum3A_235 [1] : vector<512x128xf32> to vector<512xf32>
    %exp3A_237 = math.exp %reduce_sum3A_236 : vector<512xf32>
    %swap3A_238 = arith.constant 2 : index
    %swap3A_239 = arith.constant 0 : index
    %swap3A_240 = vector.load %arg7[%swap3A_238, %swap3A_239] : memref<8x512xf32, #tpu.memory_space<vmem>>, vector<1x512xf32>
    %swap3A_241 = vector.shape_cast %swap3A_240 : vector<1x512xf32> to vector<512xf32>
    %swap3A_242 = vector.shape_cast %exp3A_237 : vector<512xf32> to vector<1x512xf32>
    tpu.vector_store %arg7[%swap3A_238, %swap3A_239], %swap3A_242 {strides = array<i32>} : memref<8x512xf32, #tpu.memory_space<vmem>>, vector<1x512xf32>,
    %broadcast_in_dim3A_243 = vector.shape_cast %exp3A_226 : vector<512xf32> to vector<512x1xf32>
    %mul3A_244 = vector.broadcast %broadcast_in_dim3A_243 : vector<512x1xf32> to vector<512x128xf32>
    %mul3A_245 = arith.mulf %mul3A_244, %add3A_61 : vector<512x128xf32>
    %swap3A_246 = arith.constant 2 : index
    %swap3A_247 = arith.constant 0 : index
    %swap3A_248 = arith.constant 0 : index
    %swap3A_249 = vector.load %arg5[%swap3A_246, %swap3A_247, %swap3A_248] : memref<8x512x128xf32, #tpu.memory_space<vmem>>, vector<1x512x128xf32>
    %swap3A_250 = vector.shape_cast %swap3A_249 : vector<1x512x128xf32> to vector<512x128xf32>
    %swap3A_251 = vector.shape_cast %mul3A_245 : vector<512x128xf32> to vector<1x512x128xf32>
    tpu.vector_store %arg5[%swap3A_246, %swap3A_247, %swap3A_248], %swap3A_251 {strides = array<i32>} : memref<8x512x128xf32, #tpu.memory_space<vmem>>, vector<1x512x128xf32>,
    %gt3A_252 = arith.constant 0.000000e+00 : f32
    %gt3A_253 = vector.broadcast %gt3A_252 : f32 to vector<512x128xf32>
    %gt3A_254 = arith.cmpf ogt, %add3A_76, %gt3A_253 : vector<512x128xf32>
    %mul3A_255 = arith.constant 2.000000e-01 : f32
    %mul3A_256 = vector.broadcast %mul3A_255 : f32 to vector<512x128xf32>
    %mul3A_257 = arith.mulf %mul3A_256, %add3A_76 : vector<512x128xf32>
    %select_n3A_258 = arith.select %gt3A_254, %add3A_76, %mul3A_257 : vector<512x128xi1>, vector<512x128xf32>
    %broadcast_in_dim3A_259 = vector.shape_cast %get3A_140 : vector<128xf32> to vector<1x128xf32>
    %mul3A_260 = vector.broadcast %broadcast_in_dim3A_259 : vector<1x128xf32> to vector<512x128xf32>
    %mul3A_261 = arith.mulf %select_n3A_258, %mul3A_260 : vector<512x128xf32>
    %reduce_sum3A_262 = arith.constant dense<0.000000e+00> : vector<512xf32>
    %reduce_sum3A_263 = vector.multi_reduction <add>, %mul3A_261, %reduce_sum3A_262 [1] : vector<512x128xf32> to vector<512xf32>
    %exp3A_264 = math.exp %reduce_sum3A_263 : vector<512xf32>
    %swap3A_265 = arith.constant 3 : index
    %swap3A_266 = arith.constant 0 : index
    %swap3A_267 = vector.load %arg6[%swap3A_265, %swap3A_266] : memref<8x512xf32, #tpu.memory_space<vmem>>, vector<1x512xf32>
    %swap3A_268 = vector.shape_cast %swap3A_267 : vector<1x512xf32> to vector<512xf32>
    %swap3A_269 = vector.shape_cast %exp3A_264 : vector<512xf32> to vector<1x512xf32>
    tpu.vector_store %arg6[%swap3A_265, %swap3A_266], %swap3A_269 {strides = array<i32>} : memref<8x512xf32, #tpu.memory_space<vmem>>, vector<1x512xf32>,
    %broadcast_in_dim3A_270 = vector.shape_cast %get3A_144 : vector<128xf32> to vector<1x128xf32>
    %mul3A_271 = vector.broadcast %broadcast_in_dim3A_270 : vector<1x128xf32> to vector<512x128xf32>
    %mul3A_272 = arith.mulf %select_n3A_258, %mul3A_271 : vector<512x128xf32>
    %reduce_sum3A_273 = arith.constant dense<0.000000e+00> : vector<512xf32>
    %reduce_sum3A_274 = vector.multi_reduction <add>, %mul3A_272, %reduce_sum3A_273 [1] : vector<512x128xf32> to vector<512xf32>
    %exp3A_275 = math.exp %reduce_sum3A_274 : vector<512xf32>
    %swap3A_276 = arith.constant 3 : index
    %swap3A_277 = arith.constant 0 : index
    %swap3A_278 = vector.load %arg7[%swap3A_276, %swap3A_277] : memref<8x512xf32, #tpu.memory_space<vmem>>, vector<1x512xf32>
    %swap3A_279 = vector.shape_cast %swap3A_278 : vector<1x512xf32> to vector<512xf32>
    %swap3A_280 = vector.shape_cast %exp3A_275 : vector<512xf32> to vector<1x512xf32>
    tpu.vector_store %arg7[%swap3A_276, %swap3A_277], %swap3A_280 {strides = array<i32>} : memref<8x512xf32, #tpu.memory_space<vmem>>, vector<1x512xf32>,
    %broadcast_in_dim3A_281 = vector.shape_cast %exp3A_264 : vector<512xf32> to vector<512x1xf32>
    %mul3A_282 = vector.broadcast %broadcast_in_dim3A_281 : vector<512x1xf32> to vector<512x128xf32>
    %mul3A_283 = arith.mulf %mul3A_282, %add3A_76 : vector<512x128xf32>
    %swap3A_284 = arith.constant 3 : index
    %swap3A_285 = arith.constant 0 : index
    %swap3A_286 = arith.constant 0 : index
    %swap3A_287 = vector.load %arg5[%swap3A_284, %swap3A_285, %swap3A_286] : memref<8x512x128xf32, #tpu.memory_space<vmem>>, vector<1x512x128xf32>
    %swap3A_288 = vector.shape_cast %swap3A_287 : vector<1x512x128xf32> to vector<512x128xf32>
    %swap3A_289 = vector.shape_cast %mul3A_283 : vector<512x128xf32> to vector<1x512x128xf32>
    tpu.vector_store %arg5[%swap3A_284, %swap3A_285, %swap3A_286], %swap3A_289 {strides = array<i32>} : memref<8x512x128xf32, #tpu.memory_space<vmem>>, vector<1x512x128xf32>,
    %gt3A_290 = arith.constant 0.000000e+00 : f32
    %gt3A_291 = vector.broadcast %gt3A_290 : f32 to vector<512x128xf32>
    %gt3A_292 = arith.cmpf ogt, %add3A_91, %gt3A_291 : vector<512x128xf32>
    %mul3A_293 = arith.constant 2.000000e-01 : f32
    %mul3A_294 = vector.broadcast %mul3A_293 : f32 to vector<512x128xf32>
    %mul3A_295 = arith.mulf %mul3A_294, %add3A_91 : vector<512x128xf32>
    %select_n3A_296 = arith.select %gt3A_292, %add3A_91, %mul3A_295 : vector<512x128xi1>, vector<512x128xf32>
    %broadcast_in_dim3A_297 = vector.shape_cast %get3A_140 : vector<128xf32> to vector<1x128xf32>
    %mul3A_298 = vector.broadcast %broadcast_in_dim3A_297 : vector<1x128xf32> to vector<512x128xf32>
    %mul3A_299 = arith.mulf %select_n3A_296, %mul3A_298 : vector<512x128xf32>
    %reduce_sum3A_300 = arith.constant dense<0.000000e+00> : vector<512xf32>
    %reduce_sum3A_301 = vector.multi_reduction <add>, %mul3A_299, %reduce_sum3A_300 [1] : vector<512x128xf32> to vector<512xf32>
    %exp3A_302 = math.exp %reduce_sum3A_301 : vector<512xf32>
    %swap3A_303 = arith.constant 4 : index
    %swap3A_304 = arith.constant 0 : index
    %swap3A_305 = vector.load %arg6[%swap3A_303, %swap3A_304] : memref<8x512xf32, #tpu.memory_space<vmem>>, vector<1x512xf32>
    %swap3A_306 = vector.shape_cast %swap3A_305 : vector<1x512xf32> to vector<512xf32>
    %swap3A_307 = vector.shape_cast %exp3A_302 : vector<512xf32> to vector<1x512xf32>
    tpu.vector_store %arg6[%swap3A_303, %swap3A_304], %swap3A_307 {strides = array<i32>} : memref<8x512xf32, #tpu.memory_space<vmem>>, vector<1x512xf32>,
    %broadcast_in_dim3A_308 = vector.shape_cast %get3A_144 : vector<128xf32> to vector<1x128xf32>
    %mul3A_309 = vector.broadcast %broadcast_in_dim3A_308 : vector<1x128xf32> to vector<512x128xf32>
    %mul3A_310 = arith.mulf %select_n3A_296, %mul3A_309 : vector<512x128xf32>
    %reduce_sum3A_311 = arith.constant dense<0.000000e+00> : vector<512xf32>
    %reduce_sum3A_312 = vector.multi_reduction <add>, %mul3A_310, %reduce_sum3A_311 [1] : vector<512x128xf32> to vector<512xf32>
    %exp3A_313 = math.exp %reduce_sum3A_312 : vector<512xf32>
    %swap3A_314 = arith.constant 4 : index
    %swap3A_315 = arith.constant 0 : index
    %swap3A_316 = vector.load %arg7[%swap3A_314, %swap3A_315] : memref<8x512xf32, #tpu.memory_space<vmem>>, vector<1x512xf32>
    %swap3A_317 = vector.shape_cast %swap3A_316 : vector<1x512xf32> to vector<512xf32>
    %swap3A_318 = vector.shape_cast %exp3A_313 : vector<512xf32> to vector<1x512xf32>
    tpu.vector_store %arg7[%swap3A_314, %swap3A_315], %swap3A_318 {strides = array<i32>} : memref<8x512xf32, #tpu.memory_space<vmem>>, vector<1x512xf32>,
    %broadcast_in_dim3A_319 = vector.shape_cast %exp3A_302 : vector<512xf32> to vector<512x1xf32>
    %mul3A_320 = vector.broadcast %broadcast_in_dim3A_319 : vector<512x1xf32> to vector<512x128xf32>
    %mul3A_321 = arith.mulf %mul3A_320, %add3A_91 : vector<512x128xf32>
    %swap3A_322 = arith.constant 4 : index
    %swap3A_323 = arith.constant 0 : index
    %swap3A_324 = arith.constant 0 : index
    %swap3A_325 = vector.load %arg5[%swap3A_322, %swap3A_323, %swap3A_324] : memref<8x512x128xf32, #tpu.memory_space<vmem>>, vector<1x512x128xf32>
    %swap3A_326 = vector.shape_cast %swap3A_325 : vector<1x512x128xf32> to vector<512x128xf32>
    %swap3A_327 = vector.shape_cast %mul3A_321 : vector<512x128xf32> to vector<1x512x128xf32>
    tpu.vector_store %arg5[%swap3A_322, %swap3A_323, %swap3A_324], %swap3A_327 {strides = array<i32>} : memref<8x512x128xf32, #tpu.memory_space<vmem>>, vector<1x512x128xf32>,
    %gt3A_328 = arith.constant 0.000000e+00 : f32
    %gt3A_329 = vector.broadcast %gt3A_328 : f32 to vector<512x128xf32>
    %gt3A_330 = arith.cmpf ogt, %add3A_106, %gt3A_329 : vector<512x128xf32>
    %mul3A_331 = arith.constant 2.000000e-01 : f32
    %mul3A_332 = vector.broadcast %mul3A_331 : f32 to vector<512x128xf32>
    %mul3A_333 = arith.mulf %mul3A_332, %add3A_106 : vector<512x128xf32>
    %select_n3A_334 = arith.select %gt3A_330, %add3A_106, %mul3A_333 : vector<512x128xi1>, vector<512x128xf32>
    %broadcast_in_dim3A_335 = vector.shape_cast %get3A_140 : vector<128xf32> to vector<1x128xf32>
    %mul3A_336 = vector.broadcast %broadcast_in_dim3A_335 : vector<1x128xf32> to vector<512x128xf32>
    %mul3A_337 = arith.mulf %select_n3A_334, %mul3A_336 : vector<512x128xf32>
    %reduce_sum3A_338 = arith.constant dense<0.000000e+00> : vector<512xf32>
    %reduce_sum3A_339 = vector.multi_reduction <add>, %mul3A_337, %reduce_sum3A_338 [1] : vector<512x128xf32> to vector<512xf32>
    %exp3A_340 = math.exp %reduce_sum3A_339 : vector<512xf32>
    %swap3A_341 = arith.constant 5 : index
    %swap3A_342 = arith.constant 0 : index
    %swap3A_343 = vector.load %arg6[%swap3A_341, %swap3A_342] : memref<8x512xf32, #tpu.memory_space<vmem>>, vector<1x512xf32>
    %swap3A_344 = vector.shape_cast %swap3A_343 : vector<1x512xf32> to vector<512xf32>
    %swap3A_345 = vector.shape_cast %exp3A_340 : vector<512xf32> to vector<1x512xf32>
    tpu.vector_store %arg6[%swap3A_341, %swap3A_342], %swap3A_345 {strides = array<i32>} : memref<8x512xf32, #tpu.memory_space<vmem>>, vector<1x512xf32>,
    %broadcast_in_dim3A_346 = vector.shape_cast %get3A_144 : vector<128xf32> to vector<1x128xf32>
    %mul3A_347 = vector.broadcast %broadcast_in_dim3A_346 : vector<1x128xf32> to vector<512x128xf32>
    %mul3A_348 = arith.mulf %select_n3A_334, %mul3A_347 : vector<512x128xf32>
    %reduce_sum3A_349 = arith.constant dense<0.000000e+00> : vector<512xf32>
    %reduce_sum3A_350 = vector.multi_reduction <add>, %mul3A_348, %reduce_sum3A_349 [1] : vector<512x128xf32> to vector<512xf32>
    %exp3A_351 = math.exp %reduce_sum3A_350 : vector<512xf32>
    %swap3A_352 = arith.constant 5 : index
    %swap3A_353 = arith.constant 0 : index
    %swap3A_354 = vector.load %arg7[%swap3A_352, %swap3A_353] : memref<8x512xf32, #tpu.memory_space<vmem>>, vector<1x512xf32>
    %swap3A_355 = vector.shape_cast %swap3A_354 : vector<1x512xf32> to vector<512xf32>
    %swap3A_356 = vector.shape_cast %exp3A_351 : vector<512xf32> to vector<1x512xf32>
    tpu.vector_store %arg7[%swap3A_352, %swap3A_353], %swap3A_356 {strides = array<i32>} : memref<8x512xf32, #tpu.memory_space<vmem>>, vector<1x512xf32>,
    %broadcast_in_dim3A_357 = vector.shape_cast %exp3A_340 : vector<512xf32> to vector<512x1xf32>
    %mul3A_358 = vector.broadcast %broadcast_in_dim3A_357 : vector<512x1xf32> to vector<512x128xf32>
    %mul3A_359 = arith.mulf %mul3A_358, %add3A_106 : vector<512x128xf32>
    %swap3A_360 = arith.constant 5 : index
    %swap3A_361 = arith.constant 0 : index
    %swap3A_362 = arith.constant 0 : index
    %swap3A_363 = vector.load %arg5[%swap3A_360, %swap3A_361, %swap3A_362] : memref<8x512x128xf32, #tpu.memory_space<vmem>>, vector<1x512x128xf32>
    %swap3A_364 = vector.shape_cast %swap3A_363 : vector<1x512x128xf32> to vector<512x128xf32>
    %swap3A_365 = vector.shape_cast %mul3A_359 : vector<512x128xf32> to vector<1x512x128xf32>
    tpu.vector_store %arg5[%swap3A_360, %swap3A_361, %swap3A_362], %swap3A_365 {strides = array<i32>} : memref<8x512x128xf32, #tpu.memory_space<vmem>>, vector<1x512x128xf32>,
    %gt3A_366 = arith.constant 0.000000e+00 : f32
    %gt3A_367 = vector.broadcast %gt3A_366 : f32 to vector<512x128xf32>
    %gt3A_368 = arith.cmpf ogt, %add3A_121, %gt3A_367 : vector<512x128xf32>
    %mul3A_369 = arith.constant 2.000000e-01 : f32
    %mul3A_370 = vector.broadcast %mul3A_369 : f32 to vector<512x128xf32>
    %mul3A_371 = arith.mulf %mul3A_370, %add3A_121 : vector<512x128xf32>
    %select_n3A_372 = arith.select %gt3A_368, %add3A_121, %mul3A_371 : vector<512x128xi1>, vector<512x128xf32>
    %broadcast_in_dim3A_373 = vector.shape_cast %get3A_140 : vector<128xf32> to vector<1x128xf32>
    %mul3A_374 = vector.broadcast %broadcast_in_dim3A_373 : vector<1x128xf32> to vector<512x128xf32>
    %mul3A_375 = arith.mulf %select_n3A_372, %mul3A_374 : vector<512x128xf32>
    %reduce_sum3A_376 = arith.constant dense<0.000000e+00> : vector<512xf32>
    %reduce_sum3A_377 = vector.multi_reduction <add>, %mul3A_375, %reduce_sum3A_376 [1] : vector<512x128xf32> to vector<512xf32>
    %exp3A_378 = math.exp %reduce_sum3A_377 : vector<512xf32>
    %swap3A_379 = arith.constant 6 : index
    %swap3A_380 = arith.constant 0 : index
    %swap3A_381 = vector.load %arg6[%swap3A_379, %swap3A_380] : memref<8x512xf32, #tpu.memory_space<vmem>>, vector<1x512xf32>
    %swap3A_382 = vector.shape_cast %swap3A_381 : vector<1x512xf32> to vector<512xf32>
    %swap3A_383 = vector.shape_cast %exp3A_378 : vector<512xf32> to vector<1x512xf32>
    tpu.vector_store %arg6[%swap3A_379, %swap3A_380], %swap3A_383 {strides = array<i32>} : memref<8x512xf32, #tpu.memory_space<vmem>>, vector<1x512xf32>,
    %broadcast_in_dim3A_384 = vector.shape_cast %get3A_144 : vector<128xf32> to vector<1x128xf32>
    %mul3A_385 = vector.broadcast %broadcast_in_dim3A_384 : vector<1x128xf32> to vector<512x128xf32>
    %mul3A_386 = arith.mulf %select_n3A_372, %mul3A_385 : vector<512x128xf32>
    %reduce_sum3A_387 = arith.constant dense<0.000000e+00> : vector<512xf32>
    %reduce_sum3A_388 = vector.multi_reduction <add>, %mul3A_386, %reduce_sum3A_387 [1] : vector<512x128xf32> to vector<512xf32>
    %exp3A_389 = math.exp %reduce_sum3A_388 : vector<512xf32>
    %swap3A_390 = arith.constant 6 : index
    %swap3A_391 = arith.constant 0 : index
    %swap3A_392 = vector.load %arg7[%swap3A_390, %swap3A_391] : memref<8x512xf32, #tpu.memory_space<vmem>>, vector<1x512xf32>
    %swap3A_393 = vector.shape_cast %swap3A_392 : vector<1x512xf32> to vector<512xf32>
    %swap3A_394 = vector.shape_cast %exp3A_389 : vector<512xf32> to vector<1x512xf32>
    tpu.vector_store %arg7[%swap3A_390, %swap3A_391], %swap3A_394 {strides = array<i32>} : memref<8x512xf32, #tpu.memory_space<vmem>>, vector<1x512xf32>,
    %broadcast_in_dim3A_395 = vector.shape_cast %exp3A_378 : vector<512xf32> to vector<512x1xf32>
    %mul3A_396 = vector.broadcast %broadcast_in_dim3A_395 : vector<512x1xf32> to vector<512x128xf32>
    %mul3A_397 = arith.mulf %mul3A_396, %add3A_121 : vector<512x128xf32>
    %swap3A_398 = arith.constant 6 : index
    %swap3A_399 = arith.constant 0 : index
    %swap3A_400 = arith.constant 0 : index
    %swap3A_401 = vector.load %arg5[%swap3A_398, %swap3A_399, %swap3A_400] : memref<8x512x128xf32, #tpu.memory_space<vmem>>, vector<1x512x128xf32>
    %swap3A_402 = vector.shape_cast %swap3A_401 : vector<1x512x128xf32> to vector<512x128xf32>
    %swap3A_403 = vector.shape_cast %mul3A_397 : vector<512x128xf32> to vector<1x512x128xf32>
    tpu.vector_store %arg5[%swap3A_398, %swap3A_399, %swap3A_400], %swap3A_403 {strides = array<i32>} : memref<8x512x128xf32, #tpu.memory_space<vmem>>, vector<1x512x128xf32>,
    %gt3A_404 = arith.constant 0.000000e+00 : f32
    %gt3A_405 = vector.broadcast %gt3A_404 : f32 to vector<512x128xf32>
    %gt3A_406 = arith.cmpf ogt, %add3A_136, %gt3A_405 : vector<512x128xf32>
    %mul3A_407 = arith.constant 2.000000e-01 : f32
    %mul3A_408 = vector.broadcast %mul3A_407 : f32 to vector<512x128xf32>
    %mul3A_409 = arith.mulf %mul3A_408, %add3A_136 : vector<512x128xf32>
    %select_n3A_410 = arith.select %gt3A_406, %add3A_136, %mul3A_409 : vector<512x128xi1>, vector<512x128xf32>
    %broadcast_in_dim3A_411 = vector.shape_cast %get3A_140 : vector<128xf32> to vector<1x128xf32>
    %mul3A_412 = vector.broadcast %broadcast_in_dim3A_411 : vector<1x128xf32> to vector<512x128xf32>
    %mul3A_413 = arith.mulf %select_n3A_410, %mul3A_412 : vector<512x128xf32>
    %reduce_sum3A_414 = arith.constant dense<0.000000e+00> : vector<512xf32>
    %reduce_sum3A_415 = vector.multi_reduction <add>, %mul3A_413, %reduce_sum3A_414 [1] : vector<512x128xf32> to vector<512xf32>
    %exp3A_416 = math.exp %reduce_sum3A_415 : vector<512xf32>
    %swap3A_417 = arith.constant 7 : index
    %swap3A_418 = arith.constant 0 : index
    %swap3A_419 = vector.load %arg6[%swap3A_417, %swap3A_418] : memref<8x512xf32, #tpu.memory_space<vmem>>, vector<1x512xf32>
    %swap3A_420 = vector.shape_cast %swap3A_419 : vector<1x512xf32> to vector<512xf32>
    %swap3A_421 = vector.shape_cast %exp3A_416 : vector<512xf32> to vector<1x512xf32>
    tpu.vector_store %arg6[%swap3A_417, %swap3A_418], %swap3A_421 {strides = array<i32>} : memref<8x512xf32, #tpu.memory_space<vmem>>, vector<1x512xf32>,
    %broadcast_in_dim3A_422 = vector.shape_cast %get3A_144 : vector<128xf32> to vector<1x128xf32>
    %mul3A_423 = vector.broadcast %broadcast_in_dim3A_422 : vector<1x128xf32> to vector<512x128xf32>
    %mul3A_424 = arith.mulf %select_n3A_410, %mul3A_423 : vector<512x128xf32>
    %reduce_sum3A_425 = arith.constant dense<0.000000e+00> : vector<512xf32>
    %reduce_sum3A_426 = vector.multi_reduction <add>, %mul3A_424, %reduce_sum3A_425 [1] : vector<512x128xf32> to vector<512xf32>
    %exp3A_427 = math.exp %reduce_sum3A_426 : vector<512xf32>
    %swap3A_428 = arith.constant 7 : index
    %swap3A_429 = arith.constant 0 : index
    %swap3A_430 = vector.load %arg7[%swap3A_428, %swap3A_429] : memref<8x512xf32, #tpu.memory_space<vmem>>, vector<1x512xf32>
    %swap3A_431 = vector.shape_cast %swap3A_430 : vector<1x512xf32> to vector<512xf32>
    %swap3A_432 = vector.shape_cast %exp3A_427 : vector<512xf32> to vector<1x512xf32>
    tpu.vector_store %arg7[%swap3A_428, %swap3A_429], %swap3A_432 {strides = array<i32>} : memref<8x512xf32, #tpu.memory_space<vmem>>, vector<1x512xf32>,
    %broadcast_in_dim3A_433 = vector.shape_cast %exp3A_416 : vector<512xf32> to vector<512x1xf32>
    %mul3A_434 = vector.broadcast %broadcast_in_dim3A_433 : vector<512x1xf32> to vector<512x128xf32>
    %mul3A_435 = arith.mulf %mul3A_434, %add3A_136 : vector<512x128xf32>
    %swap3A_436 = arith.constant 7 : index
    %swap3A_437 = arith.constant 0 : index
    %swap3A_438 = arith.constant 0 : index
    %swap3A_439 = vector.load %arg5[%swap3A_436, %swap3A_437, %swap3A_438] : memref<8x512x128xf32, #tpu.memory_space<vmem>>, vector<1x512x128xf32>
    %swap3A_440 = vector.shape_cast %swap3A_439 : vector<1x512x128xf32> to vector<512x128xf32>
    %swap3A_441 = vector.shape_cast %mul3A_435 : vector<512x128xf32> to vector<1x512x128xf32>
    tpu.vector_store %arg5[%swap3A_436, %swap3A_437, %swap3A_438], %swap3A_441 {strides = array<i32>} : memref<8x512x128xf32, #tpu.memory_space<vmem>>, vector<1x512x128xf32>,
    return
  }
  func.func @transform_0(%arg0: i32) -> (i32, i32, i32) {
    %c0_i32 = arith.constant 0 : i32
    %c0_i32_0 = arith.constant 0 : i32
    %c0_i32_1 = arith.constant 0 : i32
    return %c0_i32, %arg0, %c0_i32_0 : i32, i32, i32
  }
  func.func @transform_1(%arg0: i32) -> (i32, i32, i32) {
    %c0_i32 = arith.constant 0 : i32
    %c0_i32_0 = arith.constant 0 : i32
    %c0_i32_1 = arith.constant 0 : i32
    %c0_i32_2 = arith.constant 0 : i32
    return %c0_i32, %c0_i32_0, %c0_i32_1 : i32, i32, i32
  }
  func.func @transform_2(%arg0: i32) -> (i32, i32, i32) {
    %c0_i32 = arith.constant 0 : i32
    %c0_i32_0 = arith.constant 0 : i32
    %c0_i32_1 = arith.constant 0 : i32
    %c0_i32_2 = arith.constant 0 : i32
    return %c0_i32, %c0_i32_0, %c0_i32_1 : i32, i32, i32
  }
  func.func @transform_3(%arg0: i32) -> (i32, i32) {
    %c0_i32 = arith.constant 0 : i32
    %c0_i32_0 = arith.constant 0 : i32
    %c0_i32_1 = arith.constant 0 : i32
    return %c0_i32, %c0_i32_0 : i32, i32
  }
  func.func @transform_4(%arg0: i32) -> (i32, i32, i32) {
    %c0_i32 = arith.constant 0 : i32
    %c0_i32_0 = arith.constant 0 : i32
    %c0_i32_1 = arith.constant 0 : i32
    return %c0_i32, %arg0, %c0_i32_0 : i32, i32, i32
  }
  func.func @transform_5(%arg0: i32) -> (i32, i32) {
    %c0_i32 = arith.constant 0 : i32
    %c0_i32_0 = arith.constant 0 : i32
    return %c0_i32, %arg0 : i32, i32
  }
  func.func @transform_6(%arg0: i32) -> (i32, i32) {
    %c0_i32 = arith.constant 0 : i32
    %c0_i32_0 = arith.constant 0 : i32
    return %c0_i32, %arg0 : i32, i32
  }
}

module attributes {stable_mosaic.version = 14 : i64} {
  func.func @_combine_half_body(%arg0: i32, %arg1: memref<8x512x128xf32, #tpu.memory_space<vmem>>, %arg2: memref<8x512x128xf32, #tpu.memory_space<vmem>>, %arg3: memref<8x512xf32, #tpu.memory_space<vmem>>, %arg4: memref<1x128xf32, #tpu.memory_space<vmem>>, %arg5: memref<2x512x128xf32, #tpu.memory_space<vmem>>) attributes {dimension_semantics = [#tpu.dimension_semantics<arbitrary>], iteration_bounds = array<i64: 20>, scalar_prefetch = 0 : i64, scratch_operands = 0 : i64, tpu.core_type = #tpu.core_type<tc>, window_params = [{transform_indices = @transform_0, window_bounds = array<i64: 8, 512, 128>}, {transform_indices = @transform_1, window_bounds = array<i64: 8, 512, 128>}, {transform_indices = @transform_2, window_bounds = array<i64: 8, 512>}, {pipeline_mode = #tpu.pipeline_mode<synchronous>, transform_indices = @transform_3, window_bounds = array<i64: 1, 128>}, {transform_indices = @transform_4, window_bounds = array<i64: 2, 512, 128>}]} {
    %get3A = arith.constant 0 : index
    %get3A_0 = arith.constant 0 : index
    %get3A_1 = vector.load %arg3[%get3A, %get3A_0] : memref<8x512xf32, #tpu.memory_space<vmem>>, vector<1x512xf32>
    %get3A_2 = vector.shape_cast %get3A_1 : vector<1x512xf32> to vector<512xf32>
    %broadcast_in_dim3A = vector.shape_cast %get3A_2 : vector<512xf32> to vector<512x1xf32>
    %get3A_3 = arith.constant 0 : index
    %get3A_4 = arith.constant 0 : index
    %get3A_5 = arith.constant 0 : index
    %get3A_6 = vector.load %arg1[%get3A_3, %get3A_4, %get3A_5] : memref<8x512x128xf32, #tpu.memory_space<vmem>>, vector<1x512x128xf32>
    %get3A_7 = vector.shape_cast %get3A_6 : vector<1x512x128xf32> to vector<512x128xf32>
    %get3A_8 = arith.constant 0 : index
    %get3A_9 = arith.constant 0 : index
    %get3A_10 = arith.constant 0 : index
    %get3A_11 = vector.load %arg2[%get3A_8, %get3A_9, %get3A_10] : memref<8x512x128xf32, #tpu.memory_space<vmem>>, vector<1x512x128xf32>
    %get3A_12 = vector.shape_cast %get3A_11 : vector<1x512x128xf32> to vector<512x128xf32>
    %add3A = arith.addf %get3A_7, %get3A_12 : vector<512x128xf32>
    %mul3A = vector.broadcast %broadcast_in_dim3A : vector<512x1xf32> to vector<512x128xf32>
    %mul3A_13 = arith.mulf %mul3A, %add3A : vector<512x128xf32>
    %get3A_14 = arith.constant 1 : index
    %get3A_15 = arith.constant 0 : index
    %get3A_16 = vector.load %arg3[%get3A_14, %get3A_15] : memref<8x512xf32, #tpu.memory_space<vmem>>, vector<1x512xf32>
    %get3A_17 = vector.shape_cast %get3A_16 : vector<1x512xf32> to vector<512xf32>
    %broadcast_in_dim3A_18 = vector.shape_cast %get3A_17 : vector<512xf32> to vector<512x1xf32>
    %get3A_19 = arith.constant 1 : index
    %get3A_20 = arith.constant 0 : index
    %get3A_21 = arith.constant 0 : index
    %get3A_22 = vector.load %arg1[%get3A_19, %get3A_20, %get3A_21] : memref<8x512x128xf32, #tpu.memory_space<vmem>>, vector<1x512x128xf32>
    %get3A_23 = vector.shape_cast %get3A_22 : vector<1x512x128xf32> to vector<512x128xf32>
    %get3A_24 = arith.constant 1 : index
    %get3A_25 = arith.constant 0 : index
    %get3A_26 = arith.constant 0 : index
    %get3A_27 = vector.load %arg2[%get3A_24, %get3A_25, %get3A_26] : memref<8x512x128xf32, #tpu.memory_space<vmem>>, vector<1x512x128xf32>
    %get3A_28 = vector.shape_cast %get3A_27 : vector<1x512x128xf32> to vector<512x128xf32>
    %add3A_29 = arith.addf %get3A_23, %get3A_28 : vector<512x128xf32>
    %mul3A_30 = vector.broadcast %broadcast_in_dim3A_18 : vector<512x1xf32> to vector<512x128xf32>
    %mul3A_31 = arith.mulf %mul3A_30, %add3A_29 : vector<512x128xf32>
    %add3A_32 = arith.addf %mul3A_13, %mul3A_31 : vector<512x128xf32>
    %get3A_33 = arith.constant 2 : index
    %get3A_34 = arith.constant 0 : index
    %get3A_35 = vector.load %arg3[%get3A_33, %get3A_34] : memref<8x512xf32, #tpu.memory_space<vmem>>, vector<1x512xf32>
    %get3A_36 = vector.shape_cast %get3A_35 : vector<1x512xf32> to vector<512xf32>
    %broadcast_in_dim3A_37 = vector.shape_cast %get3A_36 : vector<512xf32> to vector<512x1xf32>
    %get3A_38 = arith.constant 2 : index
    %get3A_39 = arith.constant 0 : index
    %get3A_40 = arith.constant 0 : index
    %get3A_41 = vector.load %arg1[%get3A_38, %get3A_39, %get3A_40] : memref<8x512x128xf32, #tpu.memory_space<vmem>>, vector<1x512x128xf32>
    %get3A_42 = vector.shape_cast %get3A_41 : vector<1x512x128xf32> to vector<512x128xf32>
    %get3A_43 = arith.constant 2 : index
    %get3A_44 = arith.constant 0 : index
    %get3A_45 = arith.constant 0 : index
    %get3A_46 = vector.load %arg2[%get3A_43, %get3A_44, %get3A_45] : memref<8x512x128xf32, #tpu.memory_space<vmem>>, vector<1x512x128xf32>
    %get3A_47 = vector.shape_cast %get3A_46 : vector<1x512x128xf32> to vector<512x128xf32>
    %add3A_48 = arith.addf %get3A_42, %get3A_47 : vector<512x128xf32>
    %mul3A_49 = vector.broadcast %broadcast_in_dim3A_37 : vector<512x1xf32> to vector<512x128xf32>
    %mul3A_50 = arith.mulf %mul3A_49, %add3A_48 : vector<512x128xf32>
    %add3A_51 = arith.addf %add3A_32, %mul3A_50 : vector<512x128xf32>
    %get3A_52 = arith.constant 3 : index
    %get3A_53 = arith.constant 0 : index
    %get3A_54 = vector.load %arg3[%get3A_52, %get3A_53] : memref<8x512xf32, #tpu.memory_space<vmem>>, vector<1x512xf32>
    %get3A_55 = vector.shape_cast %get3A_54 : vector<1x512xf32> to vector<512xf32>
    %broadcast_in_dim3A_56 = vector.shape_cast %get3A_55 : vector<512xf32> to vector<512x1xf32>
    %get3A_57 = arith.constant 3 : index
    %get3A_58 = arith.constant 0 : index
    %get3A_59 = arith.constant 0 : index
    %get3A_60 = vector.load %arg1[%get3A_57, %get3A_58, %get3A_59] : memref<8x512x128xf32, #tpu.memory_space<vmem>>, vector<1x512x128xf32>
    %get3A_61 = vector.shape_cast %get3A_60 : vector<1x512x128xf32> to vector<512x128xf32>
    %get3A_62 = arith.constant 3 : index
    %get3A_63 = arith.constant 0 : index
    %get3A_64 = arith.constant 0 : index
    %get3A_65 = vector.load %arg2[%get3A_62, %get3A_63, %get3A_64] : memref<8x512x128xf32, #tpu.memory_space<vmem>>, vector<1x512x128xf32>
    %get3A_66 = vector.shape_cast %get3A_65 : vector<1x512x128xf32> to vector<512x128xf32>
    %add3A_67 = arith.addf %get3A_61, %get3A_66 : vector<512x128xf32>
    %mul3A_68 = vector.broadcast %broadcast_in_dim3A_56 : vector<512x1xf32> to vector<512x128xf32>
    %mul3A_69 = arith.mulf %mul3A_68, %add3A_67 : vector<512x128xf32>
    %add3A_70 = arith.addf %add3A_51, %mul3A_69 : vector<512x128xf32>
    %get3A_71 = arith.constant 0 : index
    %get3A_72 = arith.constant 0 : index
    %get3A_73 = vector.load %arg4[%get3A_71, %get3A_72] : memref<1x128xf32, #tpu.memory_space<vmem>>, vector<1x128xf32>
    %get3A_74 = vector.shape_cast %get3A_73 : vector<1x128xf32> to vector<128xf32>
    %broadcast_in_dim3A_75 = vector.shape_cast %get3A_74 : vector<128xf32> to vector<1x128xf32>
    %add3A_76 = vector.broadcast %broadcast_in_dim3A_75 : vector<1x128xf32> to vector<512x128xf32>
    %add3A_77 = arith.addf %add3A_70, %add3A_76 : vector<512x128xf32>
    %swap3A = arith.constant 0 : index
    %swap3A_78 = arith.constant 0 : index
    %swap3A_79 = arith.constant 0 : index
    %swap3A_80 = vector.load %arg5[%swap3A, %swap3A_78, %swap3A_79] : memref<2x512x128xf32, #tpu.memory_space<vmem>>, vector<1x512x128xf32>
    %swap3A_81 = vector.shape_cast %swap3A_80 : vector<1x512x128xf32> to vector<512x128xf32>
    %swap3A_82 = vector.shape_cast %add3A_77 : vector<512x128xf32> to vector<1x512x128xf32>
    tpu.vector_store %arg5[%swap3A, %swap3A_78, %swap3A_79], %swap3A_82 {strides = array<i32>} : memref<2x512x128xf32, #tpu.memory_space<vmem>>, vector<1x512x128xf32>,
    %get3A_83 = arith.constant 4 : index
    %get3A_84 = arith.constant 0 : index
    %get3A_85 = vector.load %arg3[%get3A_83, %get3A_84] : memref<8x512xf32, #tpu.memory_space<vmem>>, vector<1x512xf32>
    %get3A_86 = vector.shape_cast %get3A_85 : vector<1x512xf32> to vector<512xf32>
    %broadcast_in_dim3A_87 = vector.shape_cast %get3A_86 : vector<512xf32> to vector<512x1xf32>
    %get3A_88 = arith.constant 4 : index
    %get3A_89 = arith.constant 0 : index
    %get3A_90 = arith.constant 0 : index
    %get3A_91 = vector.load %arg1[%get3A_88, %get3A_89, %get3A_90] : memref<8x512x128xf32, #tpu.memory_space<vmem>>, vector<1x512x128xf32>
    %get3A_92 = vector.shape_cast %get3A_91 : vector<1x512x128xf32> to vector<512x128xf32>
    %get3A_93 = arith.constant 4 : index
    %get3A_94 = arith.constant 0 : index
    %get3A_95 = arith.constant 0 : index
    %get3A_96 = vector.load %arg2[%get3A_93, %get3A_94, %get3A_95] : memref<8x512x128xf32, #tpu.memory_space<vmem>>, vector<1x512x128xf32>
    %get3A_97 = vector.shape_cast %get3A_96 : vector<1x512x128xf32> to vector<512x128xf32>
    %add3A_98 = arith.addf %get3A_92, %get3A_97 : vector<512x128xf32>
    %mul3A_99 = vector.broadcast %broadcast_in_dim3A_87 : vector<512x1xf32> to vector<512x128xf32>
    %mul3A_100 = arith.mulf %mul3A_99, %add3A_98 : vector<512x128xf32>
    %get3A_101 = arith.constant 5 : index
    %get3A_102 = arith.constant 0 : index
    %get3A_103 = vector.load %arg3[%get3A_101, %get3A_102] : memref<8x512xf32, #tpu.memory_space<vmem>>, vector<1x512xf32>
    %get3A_104 = vector.shape_cast %get3A_103 : vector<1x512xf32> to vector<512xf32>
    %broadcast_in_dim3A_105 = vector.shape_cast %get3A_104 : vector<512xf32> to vector<512x1xf32>
    %get3A_106 = arith.constant 5 : index
    %get3A_107 = arith.constant 0 : index
    %get3A_108 = arith.constant 0 : index
    %get3A_109 = vector.load %arg1[%get3A_106, %get3A_107, %get3A_108] : memref<8x512x128xf32, #tpu.memory_space<vmem>>, vector<1x512x128xf32>
    %get3A_110 = vector.shape_cast %get3A_109 : vector<1x512x128xf32> to vector<512x128xf32>
    %get3A_111 = arith.constant 5 : index
    %get3A_112 = arith.constant 0 : index
    %get3A_113 = arith.constant 0 : index
    %get3A_114 = vector.load %arg2[%get3A_111, %get3A_112, %get3A_113] : memref<8x512x128xf32, #tpu.memory_space<vmem>>, vector<1x512x128xf32>
    %get3A_115 = vector.shape_cast %get3A_114 : vector<1x512x128xf32> to vector<512x128xf32>
    %add3A_116 = arith.addf %get3A_110, %get3A_115 : vector<512x128xf32>
    %mul3A_117 = vector.broadcast %broadcast_in_dim3A_105 : vector<512x1xf32> to vector<512x128xf32>
    %mul3A_118 = arith.mulf %mul3A_117, %add3A_116 : vector<512x128xf32>
    %add3A_119 = arith.addf %mul3A_100, %mul3A_118 : vector<512x128xf32>
    %get3A_120 = arith.constant 6 : index
    %get3A_121 = arith.constant 0 : index
    %get3A_122 = vector.load %arg3[%get3A_120, %get3A_121] : memref<8x512xf32, #tpu.memory_space<vmem>>, vector<1x512xf32>
    %get3A_123 = vector.shape_cast %get3A_122 : vector<1x512xf32> to vector<512xf32>
    %broadcast_in_dim3A_124 = vector.shape_cast %get3A_123 : vector<512xf32> to vector<512x1xf32>
    %get3A_125 = arith.constant 6 : index
    %get3A_126 = arith.constant 0 : index
    %get3A_127 = arith.constant 0 : index
    %get3A_128 = vector.load %arg1[%get3A_125, %get3A_126, %get3A_127] : memref<8x512x128xf32, #tpu.memory_space<vmem>>, vector<1x512x128xf32>
    %get3A_129 = vector.shape_cast %get3A_128 : vector<1x512x128xf32> to vector<512x128xf32>
    %get3A_130 = arith.constant 6 : index
    %get3A_131 = arith.constant 0 : index
    %get3A_132 = arith.constant 0 : index
    %get3A_133 = vector.load %arg2[%get3A_130, %get3A_131, %get3A_132] : memref<8x512x128xf32, #tpu.memory_space<vmem>>, vector<1x512x128xf32>
    %get3A_134 = vector.shape_cast %get3A_133 : vector<1x512x128xf32> to vector<512x128xf32>
    %add3A_135 = arith.addf %get3A_129, %get3A_134 : vector<512x128xf32>
    %mul3A_136 = vector.broadcast %broadcast_in_dim3A_124 : vector<512x1xf32> to vector<512x128xf32>
    %mul3A_137 = arith.mulf %mul3A_136, %add3A_135 : vector<512x128xf32>
    %add3A_138 = arith.addf %add3A_119, %mul3A_137 : vector<512x128xf32>
    %get3A_139 = arith.constant 7 : index
    %get3A_140 = arith.constant 0 : index
    %get3A_141 = vector.load %arg3[%get3A_139, %get3A_140] : memref<8x512xf32, #tpu.memory_space<vmem>>, vector<1x512xf32>
    %get3A_142 = vector.shape_cast %get3A_141 : vector<1x512xf32> to vector<512xf32>
    %broadcast_in_dim3A_143 = vector.shape_cast %get3A_142 : vector<512xf32> to vector<512x1xf32>
    %get3A_144 = arith.constant 7 : index
    %get3A_145 = arith.constant 0 : index
    %get3A_146 = arith.constant 0 : index
    %get3A_147 = vector.load %arg1[%get3A_144, %get3A_145, %get3A_146] : memref<8x512x128xf32, #tpu.memory_space<vmem>>, vector<1x512x128xf32>
    %get3A_148 = vector.shape_cast %get3A_147 : vector<1x512x128xf32> to vector<512x128xf32>
    %get3A_149 = arith.constant 7 : index
    %get3A_150 = arith.constant 0 : index
    %get3A_151 = arith.constant 0 : index
    %get3A_152 = vector.load %arg2[%get3A_149, %get3A_150, %get3A_151] : memref<8x512x128xf32, #tpu.memory_space<vmem>>, vector<1x512x128xf32>
    %get3A_153 = vector.shape_cast %get3A_152 : vector<1x512x128xf32> to vector<512x128xf32>
    %add3A_154 = arith.addf %get3A_148, %get3A_153 : vector<512x128xf32>
    %mul3A_155 = vector.broadcast %broadcast_in_dim3A_143 : vector<512x1xf32> to vector<512x128xf32>
    %mul3A_156 = arith.mulf %mul3A_155, %add3A_154 : vector<512x128xf32>
    %add3A_157 = arith.addf %add3A_138, %mul3A_156 : vector<512x128xf32>
    %get3A_158 = arith.constant 0 : index
    %get3A_159 = arith.constant 0 : index
    %get3A_160 = vector.load %arg4[%get3A_158, %get3A_159] : memref<1x128xf32, #tpu.memory_space<vmem>>, vector<1x128xf32>
    %get3A_161 = vector.shape_cast %get3A_160 : vector<1x128xf32> to vector<128xf32>
    %broadcast_in_dim3A_162 = vector.shape_cast %get3A_161 : vector<128xf32> to vector<1x128xf32>
    %add3A_163 = vector.broadcast %broadcast_in_dim3A_162 : vector<1x128xf32> to vector<512x128xf32>
    %add3A_164 = arith.addf %add3A_157, %add3A_163 : vector<512x128xf32>
    %swap3A_165 = arith.constant 1 : index
    %swap3A_166 = arith.constant 0 : index
    %swap3A_167 = arith.constant 0 : index
    %swap3A_168 = vector.load %arg5[%swap3A_165, %swap3A_166, %swap3A_167] : memref<2x512x128xf32, #tpu.memory_space<vmem>>, vector<1x512x128xf32>
    %swap3A_169 = vector.shape_cast %swap3A_168 : vector<1x512x128xf32> to vector<512x128xf32>
    %swap3A_170 = vector.shape_cast %add3A_164 : vector<512x128xf32> to vector<1x512x128xf32>
    tpu.vector_store %arg5[%swap3A_165, %swap3A_166, %swap3A_167], %swap3A_170 {strides = array<i32>} : memref<2x512x128xf32, #tpu.memory_space<vmem>>, vector<1x512x128xf32>,
    return
  }
  func.func @transform_0(%arg0: i32) -> (i32, i32, i32) {
    %c0_i32 = arith.constant 0 : i32
    %c0_i32_0 = arith.constant 0 : i32
    %c0_i32_1 = arith.constant 0 : i32
    return %c0_i32, %arg0, %c0_i32_0 : i32, i32, i32
  }
  func.func @transform_1(%arg0: i32) -> (i32, i32, i32) {
    %c0_i32 = arith.constant 0 : i32
    %c0_i32_0 = arith.constant 0 : i32
    %c0_i32_1 = arith.constant 0 : i32
    return %c0_i32, %arg0, %c0_i32_0 : i32, i32, i32
  }
  func.func @transform_2(%arg0: i32) -> (i32, i32) {
    %c0_i32 = arith.constant 0 : i32
    %c0_i32_0 = arith.constant 0 : i32
    return %c0_i32, %arg0 : i32, i32
  }
  func.func @transform_3(%arg0: i32) -> (i32, i32) {
    %c0_i32 = arith.constant 0 : i32
    %c0_i32_0 = arith.constant 0 : i32
    %c0_i32_1 = arith.constant 0 : i32
    return %c0_i32, %c0_i32_0 : i32, i32
  }
  func.func @transform_4(%arg0: i32) -> (i32, i32, i32) {
    %c0_i32 = arith.constant 0 : i32
    %c0_i32_0 = arith.constant 0 : i32
    %c0_i32_1 = arith.constant 0 : i32
    return %c0_i32, %arg0, %c0_i32_0 : i32, i32, i32
  }
}

</mosaic_0001>

<sc_bundles>
// kernel: kernel.12.cloned.1.call-start
scs
__scs_entry_jumppad:
0x0: {  	(pc) =	sbr.rel $0x88, $3  }
0x1: {  	(tag) =	ssettag $0x0;
	lr =	simm.s32 $0x1  }
0x2: {  	[smem:$0x3F9C] =	sst lr;
	_ =	strace $0xD0000000  }
0x3: {  	_ = 	snop  }
0x4: {  	_ = 	snop  }
0x5: {  	_ = 	snop  }
0x6: {  	_ = 	snop  }
0x7: {  	_ = 	snop  }
__scs_overlays_trampoline_lowered:
0x8: {  	[smem:$0x3FAB] =	sst s0  }
0x9: {  	[smem:$0x3FAC] =	sst s1  }
0xa: {  	[smem:$0x3FAD] =	sst s2  }
0xb: {  	[smem:$0x3FAE] =	sst s3  }
0xc: {  	[smem:$0x3FAF] =	sst s4  }
0xd: {  	[smem:$0x3FB0] =	sst s5  }
0xe: {  	[smem:$0x3FB1] =	sst s6  }
0xf: {  	[smem:$0x3FB2] =	sst s7  }
0x10: {  	[smem:$0x3FB3] =	sst s8  }
0x11: {  	[smem:$0x3FB4] =	sst s9;
	s0 =	simm.s32 @!p0 $0x0  }
0x12: {  	s1 =	sld [smem:$0x3F9A];
	s0 =	simm.s32 @p0 $0x1  }
0x13: {  	[smem:$0x3FB5] =	sst s0;
	s0 =	simm.s32 @!p1 $0x0  }
0x14: {  	s2 =	sld [smem:$0x3F99];
	s0 =	simm.s32 @p1 $0x1  }
0x15: {  	[smem:$0x3FB6] =	sst s0;
	s0 =	simm.s32 @!p2 $0x0  }
0x16: {  	s3 =	sld [smem:$0x3FDB];
	s0 =	simm.s32 @p2 $0x1  }
0x17: {  	s4 =	simm.s32 $0x1BF5;
	[smem:$0x3FB8] =	sst s0  }
0x18: {  	s0 =	sld [smem:$0x3F9B];
	_ =	swait.ge [sflag:s4], $0x0  }
0x19: {  	s7 =	sld [smem:$0x3F9C]  }
0x1a: {  	s8 =	sadd.s32 $0xFFFFE003, lr  }
0x1b: {  	s9 =	sadd.s32 $0xFFFFFEF7, lr;
	s5 =	simm.s32 $0xFFFFFFFF;
	p2 =	slt.u32 s8, $0xFFFFF086  }
0x1c: {  	p1 =	slt.u32 s9, $0xF7A;
	s5 =	simm.s32 @!p2 $0x0  }
0x1d: {  	s5 =	simm.s32 @p1 $0x1;
	p0 =	seq.s32 s7, s2  }
0x1e: {  	s7 =	smul.u32 @!p0 $0xF7A, s2;
	p2 =	seq.s32 @!p0 s5, $0x0  }
0x1f: {  	s9 =	smul.u32 $0xF7A, s1;
	s8 =	simm.s32 @!p0 $0x1BF5;
	p2 =	por !p2, p0  }
0x20: {  	[sflag:s8] =	ssyncset.s32 @!p0 $0xFFFFF086;
	s6 =	sadd.s32 @!p0 s3, s7;
	s7 =	simm.s32 @!p0 $0x108  }
0x21: {  	s3 =	sadd.s32 s3, s9;
	s6 =	sadd.s32 @!p0 $0x88, s6;
	s7 =	simm.s32 @p2 $0x1082  }
0x22: {  	[simem:s7], [sflag:s8] =	dma.local @!p0 [hbm:s6], $0xF7A  }
0x23: {  	s9 =	sor.u32 $0xD0000000, s2;
	s6 =	simm.s32 $0x108;
	_ =	swait.ge @!p0 [sflag:s8], $0x0  }
0x24: {  	s3 =	sadd.s32 $0x88, s3;
	s6 =	simm.s32 @!p1 $0x1082;
	[sflag:s4] =	ssyncset.s32 $0xFFFFF086  }
0x25: {  	[simem:s6], [sflag:s4] =	dma.local [hbm:s3], $0xF7A  }
0x26: {  	[smem:$0x3F9C] =	sst s1;
	(tag) =	ssettag s2;
	_ =	strace s9  }
0x27: {  	s1 =	sld [smem:$0x3FAC]  }
0x28: {  	s2 =	sld [smem:$0x3FAD]  }
0x29: {  	s4 =	sld [smem:$0x3FAF]  }
0x2a: {  	p0 =	seq.s32 s5, $0x0;
	s5 =	sld [smem:$0x3FB0]  }
0x2b: {  	s6 =	sld [smem:$0x3FB1]  }
0x2c: {  	s7 =	sld [smem:$0x3FB2]  }
0x2d: {  	s3 =	simm.s32 $0x108;
	s8 =	sld [smem:$0x3FB3]  }
0x2e: {  	s3 =	simm.s32 @!p0 $0x1082;
	s9 =	sld [smem:$0x3FB4]  }
0x2f: {  	lr =	sadd.s32 s0, s3;
	s0 =	sld [smem:$0x3FAB]  }
0x30: {  	s3 =	sld [smem:$0x3FAE]  }
0x31: {  	[smem:$0x3FB7] =	sst s10  }
0x32: {  	s10 =	sld [smem:$0x3FB5];
	_ =	sdelay $0x3  }
0x33: {  	p0 =	seq.s32 s10, $0x1;
	s10 =	sld [smem:$0x3FB7];
	_ =	sdelay $0x3  }
0x34: {  	[smem:$0x3FB7] =	sst s10  }
0x35: {  	s10 =	sld [smem:$0x3FB6];
	_ =	sdelay $0x3  }
0x36: {  	p1 =	seq.s32 s10, $0x1;
	s10 =	sld [smem:$0x3FB7];
	_ =	sdelay $0x3  }
0x37: {  	[smem:$0x3FB7] =	sst s10  }
0x38: {  	s10 =	sld [smem:$0x3FB8]  }
0x39: {  	_ = 	snop;
	(pc) =	sbr.ind lr, $3  }
0x3a: {  	_ = 	snop  }
0x3b: {  	_ = 	snop  }
0x3c: {  	p2 =	seq.s32 s10, $0x1;
	s10 =	sld [smem:$0x3FB7]  }
0x3d: {  	_ =	shalt  }
0x3e: {  	_ =	shalt  }
0x3f: {  	_ =	shalt  }
0x40: {  	_ =	shalt  }
0x41: {  	_ =	shalt  }
0x42: {  	_ =	shalt  }
0x43: {  	_ =	shalt  }
0x44: {  	_ =	shalt  }
0x45: {  	_ =	shalt  }
0x46: {  	_ =	shalt  }
0x47: {  	_ =	shalt  }
0x48: {  	_ =	shalt  }
0x49: {  	_ =	shalt  }
0x4a: {  	_ =	shalt  }
0x4b: {  	_ =	shalt  }
0x4c: {  	_ =	shalt  }
0x4d: {  	_ =	shalt  }
0x4e: {  	_ =	shalt  }
0x4f: {  	_ =	shalt  }
0x50: {  	_ =	shalt  }
0x51: {  	_ =	shalt  }
0x52: {  	_ =	shalt  }
0x53: {  	_ =	shalt  }
0x54: {  	_ =	shalt  }
0x55: {  	_ =	shalt  }
0x56: {  	_ =	shalt  }
0x57: {  	_ =	shalt  }
0x58: {  	_ =	shalt  }
0x59: {  	_ =	shalt  }
0x5a: {  	_ =	shalt  }
0x5b: {  	_ =	shalt  }
0x5c: {  	_ =	shalt  }
0x5d: {  	_ =	shalt  }
0x5e: {  	_ =	shalt  }
0x5f: {  	_ =	shalt  }
0x60: {  	_ =	shalt  }
0x61: {  	_ =	shalt  }
0x62: {  	_ =	shalt  }
0x63: {  	_ =	shalt  }
0x64: {  	_ =	shalt  }
0x65: {  	_ =	shalt  }
0x66: {  	_ =	shalt  }
0x67: {  	_ =	shalt  }
0x68: {  	_ =	shalt  }
0x69: {  	_ =	shalt  }
0x6a: {  	_ =	shalt  }
0x6b: {  	_ =	shalt  }
0x6c: {  	_ =	shalt  }
0x6d: {  	_ =	shalt  }
0x6e: {  	_ =	shalt  }
0x6f: {  	_ =	shalt  }
0x70: {  	_ =	shalt  }
0x71: {  	_ =	shalt  }
0x72: {  	_ =	shalt  }
0x73: {  	_ =	shalt  }
0x74: {  	_ =	shalt  }
0x75: {  	_ =	shalt  }
0x76: {  	_ =	shalt  }
0x77: {  	_ =	shalt  }
0x78: {  	_ =	shalt  }
0x79: {  	_ =	shalt  }
0x7a: {  	_ =	shalt  }
0x7b: {  	_ =	shalt  }
0x7c: {  	_ =	shalt  }
0x7d: {  	_ =	shalt  }
0x7e: {  	_ =	shalt  }
0x7f: {  	_ =	shalt  }
0x80: {  	_ =	shalt  }
0x81: {  	_ =	shalt  }
0x82: {  	_ =	shalt  }
0x83: {  	_ =	shalt  }
0x84: {  	_ =	shalt  }
0x85: {  	_ =	shalt  }
0x86: {  	_ =	shalt  }
0x87: {  	_ =	shalt  }
.Lfunc_end0:
.L_simem_size_0:
called_computation.1_lowered:
.L_overlay_start_0:
0x88: {  	s2 =	sld [smem:$0x3FD9]  }
0x89: {  	s3 =	sld [smem:$0x3FFE];
	_ =	sdelay $0x1  }
0x8a: {  	s1 =	srdreg.scid  }
0x8b: {  	s0 =	sand.u32 $0x1, s1  }
0x8c: {  	s17 =	sshll.u32 s0, $0xA;
	s2 =	sadd.s32 s3, s2  }
0x8d: {  	s2 =	sadd.s32 s2, s17  }
0x8e: {  	[smem:$0x3FC3] =	sst s2  }
0x8f: {  	_ = 	snop  }
0x90: {  	(tm) =	ssettm $0x1  }
0x91: {  	s18 =	sld [smem:$0x3FFB];
	_ =	sdelay $0x3  }
0x92: {  	_ =	strace s18  }
0x93: {  	s2 =	sld [smem:$0x3FFC];
	_ =	sdelay $0x3  }
0x94: {  	_ =	strace s2  }
0x95: {  	s2 =	sld [smem:$0x3FFD];
	_ =	sdelay $0x3  }
0x96: {  	_ =	strace s2  }
0x97: {  	_ =	strace $0x8FFFFFFF  }
0x98: {  	s19 =	sld [smem:$0x3FDB];
	_ =	sdelay $0x1  }
0x99: {  	s20 =	simm.s32 $_scs_section_size  }
0x9a: {  	s4 =	simm.s32 $_size__tile_overlayer_lowered;
	s5 =	simm.s32 $_tile_overlayer_lowered  }
0x9b: {  	s6 =	simm.s32 $0x1BFF;
	s21 =	sshll.u32 s5, $0x1;
	s3 =	sadd.s32 s20, s19  }
0x9c: {  	s22 =	simm.s32 $0x0;
	s4 =	sshll.u32 s4, $0x1;
	s5 =	sadd.s32 s21, s3  }
0x9d: {  	[timem:s22], [sflag:s6] =	dma.local [hbm:s5], s4  }
0x9e: {  	_ =	swait.ge [sflag:s6], s4  }
0x9f: {  	s4 =	ssub.s32 $0x0, s4;
	[sflag:s6] =	ssyncset.done $0x0  }
0xa0: {  	[sflag:s6] =	ssyncadd.s32 s4;
	_ =	sdelay $0x1  }
0xa1: {  	s23 =	simm.s32 $0x1B8B  }
0xa2: {  	_ =	swait.ge [sflag:s23], $0x1  }
0xa3: {  	[sflag:s23] =	ssyncset.done $0x0  }
0xa4: {  	[sflag:s23] =	ssyncadd.s32 $0xFFFFFFFF  }
0xa5: {  	s4 =	sld [smem:$0x0]  }
0xa6: {  	s5 =	sand.u32 $0xFFFFFFFE, s1  }
0xa7: {  	p0 =	sne.s32 s1, s5  }
0xa8: {  	s5 =	sshll.u32 @p0 s5, $0xE  }
0xa9: {  	s5 =	sadd.s32 @p0 $0x11B8D, s5;
	s6 =	sshll.u32 @p0 s4, $0x11  }
0xaa: {  	s5 =	sor.u32 @p0 s6, s5  }
0xab: {  	[sflag:s5] =	ssyncadd.remote.s32 @p0 $0x1;
	_ =	sdelay $0x1  }
0xac: {  	s5 =	simm.s32 @p0 $0x1B8D  }
0xad: {  	_ =	swait.eq @p0 [sflag:s5], $0x1  }
0xae: {  	[sflag:s5] =	ssyncadd.s32 @p0 $0xFFFFFFFF  }
0xaf: {  	s6 =	sshll.u32 @!p0 s1, $0xE  }
0xb0: {  	s6 =	sor.u32 @!p0 $0x4000, s6;
	s5 =	simm.s32 @!p0 $0x1B8D  }
0xb1: {  	s4 =	sshll.u32 @!p0 s4, $0x11;
	s6 =	sadd.s32 @!p0 $0x11B8D, s6;
	_ =	swait.eq @!p0 [sflag:s5], $0x1  }
0xb2: {  	s4 =	sor.u32 @!p0 s4, s6;
	[sflag:s5] =	ssyncadd.s32 @!p0 $0xFFFFFFFF  }
0xb3: {  	s25 =	simm.s32 $0x1B8E;
	s24 =	sld [smem:$0x3FFE];
	[sflag:s4] =	ssyncadd.remote.s32 @!p0 $0x1  }
0xb4: {  	s26 =	simm.s32 $execute0_lowered;
	[smem:$0x3FD2] =	sst s25  }
0xb5: {  	s5 =	sshll.u32 s26, $0x1;
	_ =	strace $0x80000049;
	[dreg:$0x1] =	wrdreg $0xFFFFFFFF  }
0xb6: {  	s28 =	simm.s32 $_size_execute0_lowered;
	s3 =	sadd.s32 s3, s5;
	[dreg:$0x0] =	wrdreg $0x0  }
0xb7: {  	s5 =	sshll.u32 s28, $0x1;
	[dreg:$0x2] =	wrdreg s3  }
0xb8: {  	[dreg:$0x3] =	wrdreg s5  }
0xb9: {  	[dreg:$0x4] =	wrdreg $0xC0  }
0xba: {  	_ =	task [dreg:s22], $0x5FFFF  }
0xbb: {  	[dreg:$0x1] =	wrdreg $0xFFFFFFFF  }
0xbc: {  	[dreg:$0x0] =	wrdreg $0x60  }
0xbd: {  	[dreg:$0x2] =	wrdreg s24  }
0xbe: {  	[dreg:$0x3] =	wrdreg $0x0  }
0xbf: {  	[dreg:$0x4] =	wrdreg $0xA  }
0xc0: {  	_ =	task.clear_ibuf [dreg:s22], $0x5FFFF;
	_ =	strace $0x90000049  }
0xc1: {  	s29 =	simm.s32 $0xA;
	_ =	strace $0x8000004B  }
0xc2: {  	_ =	swait.ge [sflag:s29], $0x1  }
0xc3: {  	[sflag:s29] =	ssyncadd.s32 $0xFFFFFFFF  }
0xc4: {  	_ =	strace $0x9000004B  }
0xc5: {  	_ =	sfence  }
0xc6: {  	s30 =	sld [smem:$0x0];
	_ =	sdelay $0x2  }
0xc7: {  	s31 =	sshll.u32 s1, $0xD;
	s1 =	sshrl.u32 s1, $0x2  }
0xc8: {  	s4 =	sand.u32 $0x4000, s31;
	s1 =	sadd.s32 s1, s30  }
0xc9: {  	s0 =	sor.u32 s4, s0;
	s1 =	sshll.u32 s1, $0x11  }
0xca: {  	s0 =	sor.u32 s1, s0  }
0xcb: {  	s0 =	sadd.s32 $0x8F2B, s0  }
0xcc: {  	[sflag:s0] =	ssyncadd.remote.s32 $0x1  }
0xcd: {  	_ =	sfence.sel $0xFFFF  }
0xce: {  	[dreg:$0x0] =	wrdreg $0xFFFFFFFF;
	(pc) =	sbr.abs _section_cstart, $3  }
0xcf: {  	[dreg:$0x1] =	wrdreg $0xFFFFFFFF  }
0xd0: {  	_ =	task.clear_ibuf [dreg:s22], $0x2FFFF;
	_ =	strace $0x9FFFFFFF  }
0xd1: {  	(tm) =	ssettm $0x7FFFFFFF  }
tec
execute0_lowered:
.L_overlay_start_1:
0x0: {  	(tag) =	ssettag $0x1  }
0x1: {  	s0 =	rddreg [dreg:$0x0]  }
0x2: {  	s1 =	rddreg [dreg:$0x1];
	s2 =	simm.s32 $0x0  }
0x3: {  	s3 =	srdreg.scid;
	s10 =	stileid.u32;
	s28 =	simm.s32 $0x16800  }
0x4: {  	s29 =	simm.s32 $0x3;
	s30 =	simm.s32 $0x14000;
	s31 =	simm.s32 $0x15400  }
0x5: {  	s14 =	simm.s32 $0x1A800;
	s12 =	simm.s32 $0x16780;
	s4 =	sadd.s32 $0x2C0A00, s0  }
0x6: {  	[smem:$0x7FF] =	sst s2;
	s5 =	sadd.s32 $0x2BBA00, s0;
	s17 =	smul.u32 $0x50000, s10  }
0x7: {  	s7 =	sand.u32 $0x1, s3;
	s6 =	sadd.s32 $0x144A00, s0;
	s11 =	smul.u32 $0x2800, s10  }
0x8: {  	_ =	strace $0x8000004A;
	[dreg:$0x3] =	wrdreg s7;
	s7 =	ssub.s32 $0x2, s7  }
0x9: {  	s8 =	sadd.s32 $0x2E8A00, s0;
	s10 =	smul.u32 $0x14000, s10;
	s18 =	sshrl.u32 s7, $0x1  }
0xa: {  	s3 =	sshrl.u32 s17, $0x2;
	s19 =	sadd.s32 $0x1400, s11;
	[dreg:$0x4] =	wrdreg s11  }
0xb: {  	s20 =	sshrl.u32 s11, $0x3;
	s0 =	ssub.s32 s7, s18;
	s9 =	sadd.s32 s3, s1  }
0xc: {  	[dreg:$0x5] =	wrdreg s19;
	s7 =	sshrl.u32 s19, $0x3;
	s3 =	sadd.s32 s5, s20  }
0xd: {  	s13 =	simm.s32 $0x0;
	[dreg:$0x6] =	wrdreg s3;
	s21 =	sadd.s32 s5, s7  }
0xe: {  	s24 =	sadd.s32 $0x4000, s10;
	s0 =	smax.u32 s0, $0x1;
	[dreg:$0x7] =	wrdreg s21  }
0xf: {  	s20 =	smov.u32 s24;
	s22 =	sadd.s32 $0x4000, s9;
	[dreg:$0x8] =	wrdreg s0  }
0x10: {  	s19 =	smov.u32 s10;
	s23 =	sadd.s32 $0x8000, s9;
	[dreg:$0x9] =	wrdreg s22  }
0x11: {  	s25 =	sadd.s32 $0xC000, s9;
	s26 =	sadd.s32 $0x10000, s9;
	[dreg:$0xa] =	wrdreg s23  }
0x12: {  	s3 =	simm.s32 $0x14080;
	s5 =	simm.s32 $0x1;
	[dreg:$0xb] =	wrdreg s25  }
0x13: {  	s7 =	simm.s32 $0x2;
	[dreg:$0xc] =	wrdreg s26;
	s0 =	sadd.s32 s24, s1  }
0x14: {  	s21 =	sadd.s32 $0x8000, s10;
	s22 =	sadd.s32 $0xC000, s10;
	s23 =	sadd.s32 $0x10000, s10  }
0x15: {  	s10 =	simm.s32 $0x16700;
	[dreg:$0xd] =	wrdreg s0;
	s24 =	sadd.s32 s21, s1  }
0x16: {  	v0 =	vimm.f32 $0.0e+00;
	s25 =	sadd.s32 s22, s1;
	s26 =	sadd.s32 s23, s1;
	s0 =	simm.s32 $0x80  }
.LBB2_1:
0x17: {  	[dreg:$0xe] =	wrdreg s13;
	s11 =	simm.s32 $0x0  }
.LBB2_2:
0x18: {  	s13 =	simm.s32 $0x0;
	s15 =	simm.s32 $0x200  }
.LBB2_3:
0x19: {  	p0 =	sne.s32 s15, $0xFE00;
	[tilespmem:s13+$0x16870] =	vst v0  }
0x1a: {  	[tilespmem:s13+$0x16800] =	vst v0  }
0x1b: {  	[tilespmem:s13+$0x16810] =	vst v0  }
.Ltmp0:
0x1c: {  	[tilespmem:s13+$0x16820] =	vst v0;
	(pc) =	sbr.rel @p0 .LBB2_3-.Ltmp0, $4  }
0x1d: {  	[tilespmem:s13+$0x16830] =	vst v0  }
0x1e: {  	[tilespmem:s13+$0x16840] =	vst v0  }
0x1f: {  	[tilespmem:s13+$0x16850] =	vst v0  }
0x20: {  	[tilespmem:s13+$0x16860] =	vst v0;
	s13 =	sshra.s32 s15, $0x2;
	s15 =	sadd.s32 $0x200, s15  }
0x21: {  	[tilespmem:s13+$0x16870] =	vst v0  }
0x22: {  	[tilespmem:s13+$0x16800] =	vst v0  }
0x23: {  	[tilespmem:s13+$0x16810] =	vst v0  }
0x24: {  	[tilespmem:s13+$0x16820] =	vst v0  }
0x25: {  	[tilespmem:s13+$0x16830] =	vst v0  }
0x26: {  	[tilespmem:s13+$0x16840] =	vst v0  }
0x27: {  	[tilespmem:s13+$0x16850] =	vst v0  }
0x28: {  	[tilespmem:s13+$0x16860] =	vst v0  }
0x29: {  	[spmem:s9] =	stream.linear.scatter [tilespmem:s28], [sflag:$0x3], $0x4000, $0x38;
	[tilespmem:$0x1E800] =	vst v63  }
0x2a: {  	_ =	swait.ge [sflag:s29], $0x4000  }
0x2b: {  	[sflag:s29] =	ssyncset.done $0x0  }
0x2c: {  	s17 =	rddreg [dreg:$0x9];
	[sflag:s29] =	ssyncadd.s32 $0xFFFFC000  }
0x2d: {  	[spmem:s17] =	stream.linear.scatter [tilespmem:s28], [sflag:$0x3], $0x4000, $0x38;
	[tilespmem:$0x1E800] =	vst v63  }
0x2e: {  	_ =	swait.ge [sflag:s29], $0x4000  }
0x2f: {  	[sflag:s29] =	ssyncset.done $0x0  }
0x30: {  	s18 =	rddreg [dreg:$0xa];
	[sflag:s29] =	ssyncadd.s32 $0xFFFFC000  }
0x31: {  	[spmem:s18] =	stream.linear.scatter [tilespmem:s28], [sflag:$0x3], $0x4000, $0x38;
	[tilespmem:$0x1E800] =	vst v63  }
0x32: {  	_ =	swait.ge [sflag:s29], $0x4000  }
0x33: {  	[sflag:s29] =	ssyncset.done $0x0  }
0x34: {  	s15 =	rddreg [dreg:$0xb];
	[sflag:s29] =	ssyncadd.s32 $0xFFFFC000  }
0x35: {  	[spmem:s15] =	stream.linear.scatter [tilespmem:s28], [sflag:$0x3], $0x4000, $0x38;
	[tilespmem:$0x1E800] =	vst v63  }
0x36: {  	_ =	swait.ge [sflag:s29], $0x4000  }
0x37: {  	s17 =	sshll.u32 s11, $0x1;
	[sflag:s29] =	ssyncset.done $0x0;
	s15 =	rddreg [dreg:$0x3]  }
0x38: {  	s16 =	rddreg [dreg:$0xc];
	[sflag:s29] =	ssyncadd.s32 $0xFFFFC000;
	s13 =	sor.u32 s15, s17  }
0x39: {  	[spmem:s16] =	stream.linear.scatter [tilespmem:s28], [sflag:$0x3], $0x4000, $0x38;
	[tilespmem:$0x1E800] =	vst v63  }
0x3a: {  	s15 =	smul.u32 $0x28000, s13;
	_ =	swait.ge [sflag:s29], $0x4000  }
0x3b: {  	s16 =	rddreg [dreg:$0x4]  }
0x3c: {  	[sflag:s29] =	ssyncset.done $0x0;
	s16 =	sadd.s32 s16, s15  }
0x3d: {  	[sflag:s29] =	ssyncadd.s32 $0xFFFFC000;
	s16 =	sshrl.u32 s16, $0x3  }
0x3e: {  	s17 =	simm.s32 $0x0;
	[bflag:$0x0] =	sbarrier.arrive $0xFFFF;
	s16 =	sadd.s32 s4, s16  }
0x3f: {  	[tilespmem:s30], [sflag:$0x3] =	stream.linear.gather [hbm4b:s16+s17], $0x1400, $0x38;
	[tilespmem:$0x1E800] =	vst v63  }
0x40: {  	_ =	swait.ge [sflag:s29], $0x1400  }
0x41: {  	[sflag:s29] =	ssyncset.done $0x0  }
0x42: {  	s18 =	rddreg [dreg:$0x6];
	[sflag:s29] =	ssyncadd.s32 $0xFFFFEC00  }
0x43: {  	[tilespmem:s31], [sflag:$0x3] =	stream.linear.gather [hbm4b:s18+s17], $0x1400, $0x38;
	[tilespmem:$0x1E800] =	vst v63  }
0x44: {  	_ =	swait.ge [sflag:s29], $0x1400  }
0x45: {  	[sflag:s29] =	ssyncset.done $0x0  }
0x46: {  	[sflag:s29] =	ssyncadd.s32 $0xFFFFEC00  }
0x47: {  	[tilespmem:s28], [sflag:$0x1] =	stream.indirect.gather [hbm4b:s6+s0], $0x80, s30, s0, $0xb8;
	[tilespmem:$0x1E800] =	vst v63  }
0x48: {  	_ = 	snop  }
0x49: {  	[tilespmem:s14], [sflag:$0x2] =	stream.indirect.gather [hbm4b:s6+s0], $0x80, s3, s0, $0xb8;
	[tilespmem:$0x1E800] =	vst v63  }
0x4a: {  	_ =	swait.ge [sflag:s5], $0x4000  }
0x4b: {  	[sflag:s5] =	ssyncset.done $0x0  }
0x4c: {  	s18 =	simm.s32 $0x15400;
	[sflag:s5] =	ssyncadd.s32 $0xFFFFC000  }
0x4d: {  	[spmem:s1] =	stream.indirect.scatter.add.f32 [tilespmem:s28], [sflag:$0x3], $0x80, s18, s0, $0xb8;
	[tilespmem:$0x1E800] =	vst v63  }
0x4e: {  	_ =	swait.ge [sflag:s29], $0x4000  }
0x4f: {  	[sflag:s29] =	ssyncset.done $0x0  }
0x50: {  	s17 =	simm.s32 $0x14100;
	[sflag:s29] =	ssyncadd.s32 $0xFFFFC000  }
0x51: {  	[tilespmem:s28], [sflag:$0x1] =	stream.indirect.gather [hbm4b:s6+s0], $0x80, s17, s0, $0xb8;
	[tilespmem:$0x1E800] =	vst v63  }
0x52: {  	_ =	swait.ge [sflag:s7], $0x4000  }
0x53: {  	[sflag:s7] =	ssyncset.done $0x0  }
0x54: {  	s18 =	simm.s32 $0x15480;
	[sflag:s7] =	ssyncadd.s32 $0xFFFFC000  }
0x55: {  	[spmem:s1] =	stream.indirect.scatter.add.f32 [tilespmem:s14], [sflag:$0x3], $0x80, s18, s0, $0xb8;
	[tilespmem:$0x1E800] =	vst v63  }
0x56: {  	_ =	swait.ge [sflag:s29], $0x4000  }
0x57: {  	[sflag:s29] =	ssyncset.done $0x0  }
0x58: {  	s16 =	simm.s32 $0x400;
	s17 =	simm.s32 $0x14180;
	[sflag:s29] =	ssyncadd.s32 $0xFFFFC000  }
.LBB2_5:
0x59: {  	[tilespmem:s14], [sflag:$0x2] =	stream.indirect.gather [hbm4b:s6+s0], $0x80, s17, s0, $0xb8;
	[tilespmem:$0x1E800] =	vst v63  }
0x5a: {  	s17 =	smov.u32 s16  }
0x5b: {  	p0 =	sne.s32 s16, $0x4800;
	s16 =	sadd.s32 $0x400, s16;
	_ =	swait.ge [sflag:s5], $0x4000  }
0x5c: {  	s17 =	sshra.s32 s17, $0x2;
	[sflag:s5] =	ssyncset.done $0x0  }
0x5d: {  	s18 =	sadd.s32 $0x15400, s17;
	[sflag:s5] =	ssyncadd.s32 $0xFFFFC000  }
0x5e: {  	[spmem:s1] =	stream.indirect.scatter.add.f32 [tilespmem:s28], [sflag:$0x3], $0x80, s18, s0, $0xb8;
	[tilespmem:$0x1E800] =	vst v63  }
0x5f: {  	_ =	swait.ge [sflag:s29], $0x4000  }
0x60: {  	[sflag:s29] =	ssyncset.done $0x0  }
0x61: {  	s18 =	sadd.s32 $0x14100, s17;
	[sflag:s29] =	ssyncadd.s32 $0xFFFFC000  }
0x62: {  	[tilespmem:s28], [sflag:$0x1] =	stream.indirect.gather [hbm4b:s6+s0], $0x80, s18, s0, $0xb8;
	[tilespmem:$0x1E800] =	vst v63  }
0x63: {  	_ =	swait.ge [sflag:s7], $0x4000  }
0x64: {  	[sflag:s7] =	ssyncset.done $0x0  }
.Ltmp1:
0x65: {  	s18 =	sadd.s32 $0x15480, s17;
	[sflag:s7] =	ssyncadd.s32 $0xFFFFC000;
	(pc) =	sbr.rel @p0 .LBB2_5-.Ltmp1, $4  }
0x66: {  	[spmem:s1] =	stream.indirect.scatter.add.f32 [tilespmem:s14], [sflag:$0x3], $0x80, s18, s0, $0xb8;
	[tilespmem:$0x1E800] =	vst v63  }
0x67: {  	_ =	swait.ge [sflag:s29], $0x4000  }
0x68: {  	[sflag:s29] =	ssyncset.done $0x0  }
0x69: {  	s17 =	sadd.s32 $0x14180, s17;
	[sflag:s29] =	ssyncadd.s32 $0xFFFFC000  }
0x6a: {  	[tilespmem:s14], [sflag:$0x2] =	stream.indirect.gather [hbm4b:s6+s0], $0x80, s17, s0, $0xb8;
	[tilespmem:$0x1E800] =	vst v63  }
0x6b: {  	_ =	swait.ge [sflag:s5], $0x4000  }
0x6c: {  	[sflag:s5] =	ssyncset.done $0x0  }
0x6d: {  	[sflag:s5] =	ssyncadd.s32 $0xFFFFC000  }
0x6e: {  	[spmem:s1] =	stream.indirect.scatter.add.f32 [tilespmem:s28], [sflag:$0x3], $0x80, s10, s0, $0xb8;
	[tilespmem:$0x1E800] =	vst v63  }
0x6f: {  	_ =	swait.ge [sflag:s29], $0x4000  }
0x70: {  	[sflag:s29] =	ssyncset.done $0x0  }
0x71: {  	[sflag:s29] =	ssyncadd.s32 $0xFFFFC000  }
0x72: {  	_ =	swait.ge [sflag:s7], $0x4000  }
0x73: {  	[sflag:s7] =	ssyncset.done $0x0  }
0x74: {  	[sflag:s7] =	ssyncadd.s32 $0xFFFFC000  }
0x75: {  	[spmem:s1] =	stream.indirect.scatter.add.f32 [tilespmem:s14], [sflag:$0x3], $0x80, s12, s0, $0xb8;
	[tilespmem:$0x1E800] =	vst v63  }
0x76: {  	_ =	swait.ge [sflag:s29], $0x4000  }
0x77: {  	s16 =	rddreg [dreg:$0x5]  }
0x78: {  	s15 =	sadd.s32 s16, s15  }
0x79: {  	[sflag:s29] =	ssyncset.done $0x0;
	s15 =	sshrl.u32 s15, $0x3  }
0x7a: {  	s17 =	simm.s32 $0x0;
	[sflag:s29] =	ssyncadd.s32 $0xFFFFC000;
	s15 =	sadd.s32 s4, s15  }
0x7b: {  	[tilespmem:s30], [sflag:$0x3] =	stream.linear.gather [hbm4b:s15+s17], $0x1400, $0x38;
	[tilespmem:$0x1E800] =	vst v63  }
0x7c: {  	_ =	swait.ge [sflag:s29], $0x1400  }
0x7d: {  	[sflag:s29] =	ssyncset.done $0x0  }
0x7e: {  	s18 =	rddreg [dreg:$0x7];
	[sflag:s29] =	ssyncadd.s32 $0xFFFFEC00  }
0x7f: {  	[tilespmem:s31], [sflag:$0x3] =	stream.linear.gather [hbm4b:s18+s17], $0x1400, $0x38;
	[tilespmem:$0x1E800] =	vst v63  }
0x80: {  	_ =	swait.ge [sflag:s29], $0x1400  }
0x81: {  	[sflag:s29] =	ssyncset.done $0x0  }
0x82: {  	[sflag:s29] =	ssyncadd.s32 $0xFFFFEC00  }
0x83: {  	[tilespmem:s28], [sflag:$0x1] =	stream.indirect.gather [hbm4b:s6+s0], $0x80, s30, s0, $0xb8;
	[tilespmem:$0x1E800] =	vst v63  }
0x84: {  	_ = 	snop  }
0x85: {  	[tilespmem:s14], [sflag:$0x2] =	stream.indirect.gather [hbm4b:s6+s0], $0x80, s3, s0, $0xb8;
	[tilespmem:$0x1E800] =	vst v63  }
0x86: {  	_ =	swait.ge [sflag:s5], $0x4000  }
0x87: {  	[sflag:s5] =	ssyncset.done $0x0  }
0x88: {  	s16 =	simm.s32 $0x15400;
	[sflag:s5] =	ssyncadd.s32 $0xFFFFC000  }
0x89: {  	[spmem:s1] =	stream.indirect.scatter.add.f32 [tilespmem:s28], [sflag:$0x3], $0x80, s16, s0, $0xb8;
	[tilespmem:$0x1E800] =	vst v63  }
0x8a: {  	_ =	swait.ge [sflag:s29], $0x4000  }
0x8b: {  	[sflag:s29] =	ssyncset.done $0x0  }
0x8c: {  	s17 =	simm.s32 $0x14100;
	[sflag:s29] =	ssyncadd.s32 $0xFFFFC000  }
0x8d: {  	[tilespmem:s28], [sflag:$0x1] =	stream.indirect.gather [hbm4b:s6+s0], $0x80, s17, s0, $0xb8;
	[tilespmem:$0x1E800] =	vst v63  }
0x8e: {  	_ =	swait.ge [sflag:s7], $0x4000  }
0x8f: {  	[sflag:s7] =	ssyncset.done $0x0  }
0x90: {  	s18 =	simm.s32 $0x15480;
	[sflag:s7] =	ssyncadd.s32 $0xFFFFC000  }
0x91: {  	[spmem:s1] =	stream.indirect.scatter.add.f32 [tilespmem:s14], [sflag:$0x3], $0x80, s18, s0, $0xb8;
	[tilespmem:$0x1E800] =	vst v63  }
0x92: {  	_ =	swait.ge [sflag:s29], $0x4000  }
0x93: {  	[sflag:s29] =	ssyncset.done $0x0  }
0x94: {  	s15 =	simm.s32 $0x400;
	s16 =	simm.s32 $0x14180;
	[sflag:s29] =	ssyncadd.s32 $0xFFFFC000  }
.LBB2_7:
0x95: {  	[tilespmem:s14], [sflag:$0x2] =	stream.indirect.gather [hbm4b:s6+s0], $0x80, s16, s0, $0xb8;
	[tilespmem:$0x1E800] =	vst v63  }
0x96: {  	s16 =	smov.u32 s15  }
0x97: {  	p0 =	sne.s32 s15, $0x4800;
	s15 =	sadd.s32 $0x400, s15;
	_ =	swait.ge [sflag:s5], $0x4000  }
0x98: {  	s16 =	sshra.s32 s16, $0x2;
	[sflag:s5] =	ssyncset.done $0x0  }
0x99: {  	s17 =	sadd.s32 $0x15400, s16;
	[sflag:s5] =	ssyncadd.s32 $0xFFFFC000  }
0x9a: {  	[spmem:s1] =	stream.indirect.scatter.add.f32 [tilespmem:s28], [sflag:$0x3], $0x80, s17, s0, $0xb8;
	[tilespmem:$0x1E800] =	vst v63  }
0x9b: {  	_ =	swait.ge [sflag:s29], $0x4000  }
0x9c: {  	[sflag:s29] =	ssyncset.done $0x0  }
0x9d: {  	s17 =	sadd.s32 $0x14100, s16;
	[sflag:s29] =	ssyncadd.s32 $0xFFFFC000  }
0x9e: {  	[tilespmem:s28], [sflag:$0x1] =	stream.indirect.gather [hbm4b:s6+s0], $0x80, s17, s0, $0xb8;
	[tilespmem:$0x1E800] =	vst v63  }
0x9f: {  	_ =	swait.ge [sflag:s7], $0x4000  }
0xa0: {  	[sflag:s7] =	ssyncset.done $0x0  }
.Ltmp2:
0xa1: {  	s17 =	sadd.s32 $0x15480, s16;
	[sflag:s7] =	ssyncadd.s32 $0xFFFFC000;
	(pc) =	sbr.rel @p0 .LBB2_7-.Ltmp2, $4  }
0xa2: {  	[spmem:s1] =	stream.indirect.scatter.add.f32 [tilespmem:s14], [sflag:$0x3], $0x80, s17, s0, $0xb8;
	[tilespmem:$0x1E800] =	vst v63  }
0xa3: {  	_ =	swait.ge [sflag:s29], $0x4000  }
0xa4: {  	[sflag:s29] =	ssyncset.done $0x0  }
0xa5: {  	s16 =	sadd.s32 $0x14180, s16;
	[sflag:s29] =	ssyncadd.s32 $0xFFFFC000  }
0xa6: {  	[tilespmem:s14], [sflag:$0x2] =	stream.indirect.gather [hbm4b:s6+s0], $0x80, s16, s0, $0xb8;
	[tilespmem:$0x1E800] =	vst v63  }
0xa7: {  	_ =	swait.ge [sflag:s5], $0x4000  }
0xa8: {  	[sflag:s5] =	ssyncset.done $0x0  }
0xa9: {  	[sflag:s5] =	ssyncadd.s32 $0xFFFFC000  }
0xaa: {  	[spmem:s1] =	stream.indirect.scatter.add.f32 [tilespmem:s28], [sflag:$0x3], $0x80, s10, s0, $0xb8;
	[tilespmem:$0x1E800] =	vst v63  }
0xab: {  	_ =	swait.ge [sflag:s29], $0x4000  }
0xac: {  	[sflag:s29] =	ssyncset.done $0x0  }
0xad: {  	[sflag:s29] =	ssyncadd.s32 $0xFFFFC000  }
0xae: {  	_ =	swait.ge [sflag:s7], $0x4000  }
0xaf: {  	[sflag:s7] =	ssyncset.done $0x0  }
0xb0: {  	[sflag:s7] =	ssyncadd.s32 $0xFFFFC000  }
0xb1: {  	[spmem:s1] =	stream.indirect.scatter.add.f32 [tilespmem:s14], [sflag:$0x3], $0x80, s12, s0, $0xb8;
	[tilespmem:$0x1E800] =	vst v63  }
0xb2: {  	_ =	swait.ge [sflag:s29], $0x4000  }
0xb3: {  	[sflag:s29] =	ssyncset.done $0x0  }
0xb4: {  	[sflag:s29] =	ssyncadd.s32 $0xFFFFC000  }
0xb5: {  	s13 =	smul.u32 $0x140000, s13;
	[bflag:$0x0] =	sbarrier.arrive $0xFFFF  }
0xb6: {  	[tilespmem:s28], [sflag:$0x3] =	stream.linear.gather [spmem:s9], $0x4000, $0x38;
	[tilespmem:$0x1E800] =	vst v63  }
0xb7: {  	s15 =	sadd.s32 s13, s19;
	_ =	swait.ge [sflag:s29], $0x4000  }
0xb8: {  	s15 =	sshrl.u32 s15, $0x3;
	[sflag:s29] =	ssyncset.done $0x0  }
0xb9: {  	s15 =	sadd.s32 s8, s15;
	[sflag:s29] =	ssyncadd.s32 $0xFFFFC000  }
0xba: {  	[hbm4b:s15+s2] =	stream.linear.scatter [tilespmem:s28], [sflag:$0x3], $0x4000, $0x38;
	[tilespmem:$0x1E800] =	vst v63  }
0xbb: {  	_ =	swait.ge [sflag:s29], $0x4000  }
0xbc: {  	[sflag:s29] =	ssyncset.done $0x0  }
0xbd: {  	s18 =	rddreg [dreg:$0xd];
	[sflag:s29] =	ssyncadd.s32 $0xFFFFC000  }
0xbe: {  	[tilespmem:s28], [sflag:$0x3] =	stream.linear.gather [spmem:s18], $0x4000, $0x38;
	[tilespmem:$0x1E800] =	vst v63  }
0xbf: {  	s16 =	sadd.s32 s13, s20;
	_ =	swait.ge [sflag:s29], $0x4000  }
0xc0: {  	s15 =	sshrl.u32 s16, $0x3;
	[sflag:s29] =	ssyncset.done $0x0  }
0xc1: {  	s15 =	sadd.s32 s8, s15;
	[sflag:s29] =	ssyncadd.s32 $0xFFFFC000  }
0xc2: {  	[hbm4b:s15+s2] =	stream.linear.scatter [tilespmem:s28], [sflag:$0x3], $0x4000, $0x38;
	[tilespmem:$0x1E800] =	vst v63  }
0xc3: {  	_ =	swait.ge [sflag:s29], $0x4000  }
0xc4: {  	[sflag:s29] =	ssyncset.done $0x0  }
0xc5: {  	[sflag:s29] =	ssyncadd.s32 $0xFFFFC000  }
0xc6: {  	[tilespmem:s28], [sflag:$0x3] =	stream.linear.gather [spmem:s24], $0x4000, $0x38;
	[tilespmem:$0x1E800] =	vst v63  }
0xc7: {  	s17 =	sadd.s32 s13, s21;
	_ =	swait.ge [sflag:s29], $0x4000  }
0xc8: {  	s15 =	sshrl.u32 s17, $0x3;
	[sflag:s29] =	ssyncset.done $0x0  }
0xc9: {  	s15 =	sadd.s32 s8, s15;
	[sflag:s29] =	ssyncadd.s32 $0xFFFFC000  }
0xca: {  	[hbm4b:s15+s2] =	stream.linear.scatter [tilespmem:s28], [sflag:$0x3], $0x4000, $0x38;
	[tilespmem:$0x1E800] =	vst v63  }
0xcb: {  	_ =	swait.ge [sflag:s29], $0x4000  }
0xcc: {  	[sflag:s29] =	ssyncset.done $0x0  }
0xcd: {  	[sflag:s29] =	ssyncadd.s32 $0xFFFFC000  }
0xce: {  	[tilespmem:s28], [sflag:$0x3] =	stream.linear.gather [spmem:s25], $0x4000, $0x38;
	[tilespmem:$0x1E800] =	vst v63  }
0xcf: {  	s18 =	sadd.s32 s13, s22;
	_ =	swait.ge [sflag:s29], $0x4000  }
0xd0: {  	s15 =	sshrl.u32 s18, $0x3;
	[sflag:s29] =	ssyncset.done $0x0  }
0xd1: {  	s15 =	sadd.s32 s8, s15;
	[sflag:s29] =	ssyncadd.s32 $0xFFFFC000  }
0xd2: {  	[hbm4b:s15+s2] =	stream.linear.scatter [tilespmem:s28], [sflag:$0x3], $0x4000, $0x38;
	[tilespmem:$0x1E800] =	vst v63  }
0xd3: {  	_ =	swait.ge [sflag:s29], $0x4000  }
0xd4: {  	[sflag:s29] =	ssyncset.done $0x0  }
0xd5: {  	[sflag:s29] =	ssyncadd.s32 $0xFFFFC000  }
0xd6: {  	[tilespmem:s28], [sflag:$0x3] =	stream.linear.gather [spmem:s26], $0x4000, $0x38;
	[tilespmem:$0x1E800] =	vst v63  }
0xd7: {  	s13 =	sadd.s32 s13, s23;
	_ =	swait.ge [sflag:s29], $0x4000  }
0xd8: {  	s11 =	sadd.s32 $0x1, s11;
	s13 =	sshrl.u32 s13, $0x3;
	[sflag:s29] =	ssyncset.done $0x0  }
0xd9: {  	p0 =	sne.s32 s11, $0x4;
	s13 =	sadd.s32 s8, s13;
	[sflag:s29] =	ssyncadd.s32 $0xFFFFC000  }
0xda: {  	[hbm4b:s13+s2] =	stream.linear.scatter [tilespmem:s28], [sflag:$0x3], $0x4000, $0x38;
	[tilespmem:$0x1E800] =	vst v63  }
.Ltmp3:
0xdb: {  	_ =	swait.ge [sflag:s29], $0x4000;
	(pc) =	sbr.rel @p0 .LBB2_2-.Ltmp3, $3  }
0xdc: {  	[sflag:s29] =	ssyncset.done $0x0  }
0xdd: {  	[sflag:s29] =	ssyncadd.s32 $0xFFFFC000  }
0xde: {  	[bflag:$0x0] =	sbarrier.arrive $0xFFFF;
	_ =	sdelay $0x1  }
0xdf: {  	s13 =	rddreg [dreg:$0xe]  }
0xe0: {  	s11 =	rddreg [dreg:$0x8];
	s13 =	sadd.s32 $0x1, s13  }
0xe1: {  	p0 =	sne.s32 s13, s11  }
.Ltmp4:
0xe2: {  	_ = 	snop;
	(pc) =	sbr.rel @p0 .LBB2_1-.Ltmp4, $1  }
0xe3: {  	_ =	sdelay $0x3  }
0xe4: {  	_ =	sfence.sel $0x180000  }
0xe5: {  	[bflag:$0x0] =	sbarrier.arrive $0xFFFF  }
0xe6: {  	_ =	strace $0x9000004A  }
0xe7: {  	s0 =	stileid.u32;
	[bflag:$0x2] =	sbarrier.arrive $0xFFFF  }
0xe8: {  	p0 =	sne.s32 s0, $0x0;
	s0 =	rddreg [dreg:$0x2]  }
0xe9: {  	s0 =	sadd.s32 @!p0 $0x100000, s0  }
0xea: {  	[sflag:s0] =	ssyncadd.tile.s32 @!p0 $0x1;
	_ =	shalt  }
.Lfunc_end2:
_tile_overlayer_lowered:
.L_overlay_start_2:
0xeb: {  	(tag) =	ssettag $0x2  }
0xec: {  	s0 =	rddreg [dreg:$0x0];
	s2 =	stileid.u32  }
0xed: {  	s1 =	rddreg [dreg:$0x1];
	p0 =	sne.s32 s2, $0x0  }
0xee: {  	s3 =	rddreg [dreg:$0x2];
	[bflag:$0x3] =	sbarrier.arrive $0xFFFF;
	s2 =	simm.s32 @!p0 $0x1C03  }
0xef: {  	[timem:s3], [sflag:s2] =	dma.local @!p0 [hbm:s0], s1  }
0xf0: {  	s0 =	simm.s32 @!p0 $0x3  }
0xf1: {  	_ =	swait.ge @!p0 [sflag:s0], s1  }
0xf2: {  	s1 =	ssub.s32 @!p0 $0x0, s1;
	[sflag:s0] =	ssyncset.done @!p0 $0x0  }
0xf3: {  	[sflag:s0] =	ssyncadd.s32 @!p0 s1  }
0xf4: {  	[bflag:$0x3] =	sbarrier.arrive $0xFFFF  }
0xf5: {  	_ =	shalt  }

// kernel: kernel.15.cloned.1.call-start
scs
__scs_entry_jumppad:
0x0: {  	(pc) =	sbr.rel $0x88, $3  }
0x1: {  	(tag) =	ssettag $0x0;
	lr =	simm.s32 $0x1  }
0x2: {  	[smem:$0x3F9C] =	sst lr;
	_ =	strace $0xD0000000  }
0x3: {  	_ = 	snop  }
0x4: {  	_ = 	snop  }
0x5: {  	_ = 	snop  }
0x6: {  	_ = 	snop  }
0x7: {  	_ = 	snop  }
__scs_overlays_trampoline_lowered:
0x8: {  	[smem:$0x3FAB] =	sst s0  }
0x9: {  	[smem:$0x3FAC] =	sst s1  }
0xa: {  	[smem:$0x3FAD] =	sst s2  }
0xb: {  	[smem:$0x3FAE] =	sst s3  }
0xc: {  	[smem:$0x3FAF] =	sst s4  }
0xd: {  	[smem:$0x3FB0] =	sst s5  }
0xe: {  	[smem:$0x3FB1] =	sst s6  }
0xf: {  	[smem:$0x3FB2] =	sst s7  }
0x10: {  	[smem:$0x3FB3] =	sst s8  }
0x11: {  	[smem:$0x3FB4] =	sst s9;
	s0 =	simm.s32 @!p0 $0x0  }
0x12: {  	s1 =	sld [smem:$0x3F9A];
	s0 =	simm.s32 @p0 $0x1  }
0x13: {  	[smem:$0x3FB5] =	sst s0;
	s0 =	simm.s32 @!p1 $0x0  }
0x14: {  	s2 =	sld [smem:$0x3F99];
	s0 =	simm.s32 @p1 $0x1  }
0x15: {  	[smem:$0x3FB6] =	sst s0;
	s0 =	simm.s32 @!p2 $0x0  }
0x16: {  	s3 =	sld [smem:$0x3FDB];
	s0 =	simm.s32 @p2 $0x1  }
0x17: {  	s4 =	simm.s32 $0x1BF5;
	[smem:$0x3FB8] =	sst s0  }
0x18: {  	s0 =	sld [smem:$0x3F9B];
	_ =	swait.ge [sflag:s4], $0x0  }
0x19: {  	s7 =	sld [smem:$0x3F9C]  }
0x1a: {  	s8 =	sadd.s32 $0xFFFFE003, lr  }
0x1b: {  	s9 =	sadd.s32 $0xFFFFFEF7, lr;
	s5 =	simm.s32 $0xFFFFFFFF;
	p2 =	slt.u32 s8, $0xFFFFF086  }
0x1c: {  	p1 =	slt.u32 s9, $0xF7A;
	s5 =	simm.s32 @!p2 $0x0  }
0x1d: {  	s5 =	simm.s32 @p1 $0x1;
	p0 =	seq.s32 s7, s2  }
0x1e: {  	s7 =	smul.u32 @!p0 $0xF7A, s2;
	p2 =	seq.s32 @!p0 s5, $0x0  }
0x1f: {  	s9 =	smul.u32 $0xF7A, s1;
	s8 =	simm.s32 @!p0 $0x1BF5;
	p2 =	por !p2, p0  }
0x20: {  	[sflag:s8] =	ssyncset.s32 @!p0 $0xFFFFF086;
	s6 =	sadd.s32 @!p0 s3, s7;
	s7 =	simm.s32 @!p0 $0x108  }
0x21: {  	s3 =	sadd.s32 s3, s9;
	s6 =	sadd.s32 @!p0 $0x88, s6;
	s7 =	simm.s32 @p2 $0x1082  }
0x22: {  	[simem:s7], [sflag:s8] =	dma.local @!p0 [hbm:s6], $0xF7A  }
0x23: {  	s9 =	sor.u32 $0xD0000000, s2;
	s6 =	simm.s32 $0x108;
	_ =	swait.ge @!p0 [sflag:s8], $0x0  }
0x24: {  	s3 =	sadd.s32 $0x88, s3;
	s6 =	simm.s32 @!p1 $0x1082;
	[sflag:s4] =	ssyncset.s32 $0xFFFFF086  }
0x25: {  	[simem:s6], [sflag:s4] =	dma.local [hbm:s3], $0xF7A  }
0x26: {  	[smem:$0x3F9C] =	sst s1;
	(tag) =	ssettag s2;
	_ =	strace s9  }
0x27: {  	s1 =	sld [smem:$0x3FAC]  }
0x28: {  	s2 =	sld [smem:$0x3FAD]  }
0x29: {  	s4 =	sld [smem:$0x3FAF]  }
0x2a: {  	p0 =	seq.s32 s5, $0x0;
	s5 =	sld [smem:$0x3FB0]  }
0x2b: {  	s6 =	sld [smem:$0x3FB1]  }
0x2c: {  	s7 =	sld [smem:$0x3FB2]  }
0x2d: {  	s3 =	simm.s32 $0x108;
	s8 =	sld [smem:$0x3FB3]  }
0x2e: {  	s3 =	simm.s32 @!p0 $0x1082;
	s9 =	sld [smem:$0x3FB4]  }
0x2f: {  	lr =	sadd.s32 s0, s3;
	s0 =	sld [smem:$0x3FAB]  }
0x30: {  	s3 =	sld [smem:$0x3FAE]  }
0x31: {  	[smem:$0x3FB7] =	sst s10  }
0x32: {  	s10 =	sld [smem:$0x3FB5];
	_ =	sdelay $0x3  }
0x33: {  	p0 =	seq.s32 s10, $0x1;
	s10 =	sld [smem:$0x3FB7];
	_ =	sdelay $0x3  }
0x34: {  	[smem:$0x3FB7] =	sst s10  }
0x35: {  	s10 =	sld [smem:$0x3FB6];
	_ =	sdelay $0x3  }
0x36: {  	p1 =	seq.s32 s10, $0x1;
	s10 =	sld [smem:$0x3FB7];
	_ =	sdelay $0x3  }
0x37: {  	[smem:$0x3FB7] =	sst s10  }
0x38: {  	s10 =	sld [smem:$0x3FB8]  }
0x39: {  	_ = 	snop;
	(pc) =	sbr.ind lr, $3  }
0x3a: {  	_ = 	snop  }
0x3b: {  	_ = 	snop  }
0x3c: {  	p2 =	seq.s32 s10, $0x1;
	s10 =	sld [smem:$0x3FB7]  }
0x3d: {  	_ =	shalt  }
0x3e: {  	_ =	shalt  }
0x3f: {  	_ =	shalt  }
0x40: {  	_ =	shalt  }
0x41: {  	_ =	shalt  }
0x42: {  	_ =	shalt  }
0x43: {  	_ =	shalt  }
0x44: {  	_ =	shalt  }
0x45: {  	_ =	shalt  }
0x46: {  	_ =	shalt  }
0x47: {  	_ =	shalt  }
0x48: {  	_ =	shalt  }
0x49: {  	_ =	shalt  }
0x4a: {  	_ =	shalt  }
0x4b: {  	_ =	shalt  }
0x4c: {  	_ =	shalt  }
0x4d: {  	_ =	shalt  }
0x4e: {  	_ =	shalt  }
0x4f: {  	_ =	shalt  }
0x50: {  	_ =	shalt  }
0x51: {  	_ =	shalt  }
0x52: {  	_ =	shalt  }
0x53: {  	_ =	shalt  }
0x54: {  	_ =	shalt  }
0x55: {  	_ =	shalt  }
0x56: {  	_ =	shalt  }
0x57: {  	_ =	shalt  }
0x58: {  	_ =	shalt  }
0x59: {  	_ =	shalt  }
0x5a: {  	_ =	shalt  }
0x5b: {  	_ =	shalt  }
0x5c: {  	_ =	shalt  }
0x5d: {  	_ =	shalt  }
0x5e: {  	_ =	shalt  }
0x5f: {  	_ =	shalt  }
0x60: {  	_ =	shalt  }
0x61: {  	_ =	shalt  }
0x62: {  	_ =	shalt  }
0x63: {  	_ =	shalt  }
0x64: {  	_ =	shalt  }
0x65: {  	_ =	shalt  }
0x66: {  	_ =	shalt  }
0x67: {  	_ =	shalt  }
0x68: {  	_ =	shalt  }
0x69: {  	_ =	shalt  }
0x6a: {  	_ =	shalt  }
0x6b: {  	_ =	shalt  }
0x6c: {  	_ =	shalt  }
0x6d: {  	_ =	shalt  }
0x6e: {  	_ =	shalt  }
0x6f: {  	_ =	shalt  }
0x70: {  	_ =	shalt  }
0x71: {  	_ =	shalt  }
0x72: {  	_ =	shalt  }
0x73: {  	_ =	shalt  }
0x74: {  	_ =	shalt  }
0x75: {  	_ =	shalt  }
0x76: {  	_ =	shalt  }
0x77: {  	_ =	shalt  }
0x78: {  	_ =	shalt  }
0x79: {  	_ =	shalt  }
0x7a: {  	_ =	shalt  }
0x7b: {  	_ =	shalt  }
0x7c: {  	_ =	shalt  }
0x7d: {  	_ =	shalt  }
0x7e: {  	_ =	shalt  }
0x7f: {  	_ =	shalt  }
0x80: {  	_ =	shalt  }
0x81: {  	_ =	shalt  }
0x82: {  	_ =	shalt  }
0x83: {  	_ =	shalt  }
0x84: {  	_ =	shalt  }
0x85: {  	_ =	shalt  }
0x86: {  	_ =	shalt  }
0x87: {  	_ =	shalt  }
.Lfunc_end0:
.L_simem_size_0:
called_computation.2_lowered:
.L_overlay_start_0:
0x88: {  	s2 =	sld [smem:$0x3FD9]  }
0x89: {  	s3 =	sld [smem:$0x3FFE];
	_ =	sdelay $0x1  }
0x8a: {  	s1 =	srdreg.scid  }
0x8b: {  	s0 =	sand.u32 $0x1, s1  }
0x8c: {  	s17 =	sshll.u32 s0, $0xA;
	s2 =	sadd.s32 s3, s2  }
0x8d: {  	s2 =	sadd.s32 s2, s17  }
0x8e: {  	[smem:$0x3FC3] =	sst s2  }
0x8f: {  	_ = 	snop  }
0x90: {  	(tm) =	ssettm $0x1  }
0x91: {  	s18 =	sld [smem:$0x3FFB];
	_ =	sdelay $0x3  }
0x92: {  	_ =	strace s18  }
0x93: {  	s2 =	sld [smem:$0x3FFC];
	_ =	sdelay $0x3  }
0x94: {  	_ =	strace s2  }
0x95: {  	s2 =	sld [smem:$0x3FFD];
	_ =	sdelay $0x3  }
0x96: {  	_ =	strace s2  }
0x97: {  	_ =	strace $0x8FFFFFFF  }
0x98: {  	s19 =	sld [smem:$0x3FDB];
	_ =	sdelay $0x1  }
0x99: {  	s20 =	simm.s32 $_scs_section_size  }
0x9a: {  	s4 =	simm.s32 $_size__tile_overlayer_lowered;
	s5 =	simm.s32 $_tile_overlayer_lowered  }
0x9b: {  	s6 =	simm.s32 $0x1BFF;
	s21 =	sshll.u32 s5, $0x1;
	s3 =	sadd.s32 s20, s19  }
0x9c: {  	s22 =	simm.s32 $0x0;
	s4 =	sshll.u32 s4, $0x1;
	s5 =	sadd.s32 s21, s3  }
0x9d: {  	[timem:s22], [sflag:s6] =	dma.local [hbm:s5], s4  }
0x9e: {  	_ =	swait.ge [sflag:s6], s4  }
0x9f: {  	s4 =	ssub.s32 $0x0, s4;
	[sflag:s6] =	ssyncset.done $0x0  }
0xa0: {  	[sflag:s6] =	ssyncadd.s32 s4;
	_ =	sdelay $0x1  }
0xa1: {  	s23 =	simm.s32 $0x1B8B  }
0xa2: {  	_ =	swait.ge [sflag:s23], $0x1  }
0xa3: {  	[sflag:s23] =	ssyncset.done $0x0  }
0xa4: {  	[sflag:s23] =	ssyncadd.s32 $0xFFFFFFFF  }
0xa5: {  	s4 =	sld [smem:$0x0]  }
0xa6: {  	s5 =	sand.u32 $0xFFFFFFFE, s1  }
0xa7: {  	p0 =	sne.s32 s1, s5  }
0xa8: {  	s5 =	sshll.u32 @p0 s5, $0xE  }
0xa9: {  	s5 =	sadd.s32 @p0 $0x11B8D, s5;
	s6 =	sshll.u32 @p0 s4, $0x11  }
0xaa: {  	s5 =	sor.u32 @p0 s6, s5  }
0xab: {  	[sflag:s5] =	ssyncadd.remote.s32 @p0 $0x1;
	_ =	sdelay $0x1  }
0xac: {  	s5 =	simm.s32 @p0 $0x1B8D  }
0xad: {  	_ =	swait.eq @p0 [sflag:s5], $0x1  }
0xae: {  	[sflag:s5] =	ssyncadd.s32 @p0 $0xFFFFFFFF  }
0xaf: {  	s6 =	sshll.u32 @!p0 s1, $0xE  }
0xb0: {  	s6 =	sor.u32 @!p0 $0x4000, s6;
	s5 =	simm.s32 @!p0 $0x1B8D  }
0xb1: {  	s4 =	sshll.u32 @!p0 s4, $0x11;
	s6 =	sadd.s32 @!p0 $0x11B8D, s6;
	_ =	swait.eq @!p0 [sflag:s5], $0x1  }
0xb2: {  	s4 =	sor.u32 @!p0 s4, s6;
	[sflag:s5] =	ssyncadd.s32 @!p0 $0xFFFFFFFF  }
0xb3: {  	s25 =	simm.s32 $0x1B8E;
	s24 =	sld [smem:$0x3FFE];
	[sflag:s4] =	ssyncadd.remote.s32 @!p0 $0x1  }
0xb4: {  	s26 =	simm.s32 $execute0_lowered;
	[smem:$0x3FD2] =	sst s25  }
0xb5: {  	s5 =	sshll.u32 s26, $0x1;
	_ =	strace $0x8000004C;
	[dreg:$0x1] =	wrdreg $0xFFFFFFFF  }
0xb6: {  	s28 =	simm.s32 $_size_execute0_lowered;
	s3 =	sadd.s32 s3, s5;
	[dreg:$0x0] =	wrdreg $0x0  }
0xb7: {  	s5 =	sshll.u32 s28, $0x1;
	[dreg:$0x2] =	wrdreg s3  }
0xb8: {  	[dreg:$0x3] =	wrdreg s5  }
0xb9: {  	[dreg:$0x4] =	wrdreg $0xC0  }
0xba: {  	_ =	task [dreg:s22], $0x5FFFF  }
0xbb: {  	[dreg:$0x1] =	wrdreg $0xFFFFFFFF  }
0xbc: {  	[dreg:$0x0] =	wrdreg $0x60  }
0xbd: {  	[dreg:$0x2] =	wrdreg s24  }
0xbe: {  	[dreg:$0x3] =	wrdreg $0x0  }
0xbf: {  	[dreg:$0x4] =	wrdreg $0xB  }
0xc0: {  	_ =	task.clear_ibuf [dreg:s22], $0x5FFFF;
	_ =	strace $0x9000004C  }
0xc1: {  	s29 =	simm.s32 $0xB;
	_ =	strace $0x8000004E  }
0xc2: {  	_ =	swait.ge [sflag:s29], $0x1  }
0xc3: {  	[sflag:s29] =	ssyncadd.s32 $0xFFFFFFFF  }
0xc4: {  	_ =	strace $0x9000004E  }
0xc5: {  	_ =	sfence  }
0xc6: {  	s30 =	sld [smem:$0x0];
	_ =	sdelay $0x2  }
0xc7: {  	s31 =	sshll.u32 s1, $0xD;
	s1 =	sshrl.u32 s1, $0x2  }
0xc8: {  	s4 =	sand.u32 $0x4000, s31;
	s1 =	sadd.s32 s1, s30  }
0xc9: {  	s0 =	sor.u32 s4, s0;
	s1 =	sshll.u32 s1, $0x11  }
0xca: {  	s0 =	sor.u32 s1, s0  }
0xcb: {  	s0 =	sadd.s32 $0x8F2B, s0  }
0xcc: {  	[sflag:s0] =	ssyncadd.remote.s32 $0x1  }
0xcd: {  	_ =	sfence.sel $0xFFFF  }
0xce: {  	[dreg:$0x0] =	wrdreg $0xFFFFFFFF;
	(pc) =	sbr.abs _section_cstart, $3  }
0xcf: {  	[dreg:$0x1] =	wrdreg $0xFFFFFFFF  }
0xd0: {  	_ =	task.clear_ibuf [dreg:s22], $0x2FFFF;
	_ =	strace $0x9FFFFFFF  }
0xd1: {  	(tm) =	ssettm $0x7FFFFFFF  }
tec
execute0_lowered:
.L_overlay_start_1:
0x0: {  	(tag) =	ssettag $0x1  }
0x1: {  	s0 =	rddreg [dreg:$0x0]  }
0x2: {  	s1 =	rddreg [dreg:$0x1];
	s2 =	simm.s32 $0x0  }
0x3: {  	s3 =	srdreg.scid;
	s10 =	stileid.u32;
	s28 =	simm.s32 $0x16800  }
0x4: {  	s29 =	simm.s32 $0x3;
	s30 =	simm.s32 $0x14000;
	s31 =	simm.s32 $0x15400  }
0x5: {  	s14 =	simm.s32 $0x1A800;
	s12 =	simm.s32 $0x16780;
	s4 =	sadd.s32 $0x2C0A00, s0  }
0x6: {  	[smem:$0x7FF] =	sst s2;
	s5 =	sadd.s32 $0x2BBA00, s0;
	s17 =	smul.u32 $0x50000, s10  }
0x7: {  	s7 =	sand.u32 $0x1, s3;
	s6 =	sadd.s32 $0x2200, s0;
	s11 =	smul.u32 $0x2800, s10  }
0x8: {  	_ =	strace $0x8000004D;
	[dreg:$0x3] =	wrdreg s7;
	s7 =	ssub.s32 $0x2, s7  }
0x9: {  	s8 =	sadd.s32 $0x428A00, s0;
	s10 =	smul.u32 $0x14000, s10;
	s18 =	sshrl.u32 s7, $0x1  }
0xa: {  	s3 =	sshrl.u32 s17, $0x2;
	s19 =	sadd.s32 $0x1400, s11;
	[dreg:$0x4] =	wrdreg s11  }
0xb: {  	s20 =	sshrl.u32 s11, $0x3;
	s0 =	ssub.s32 s7, s18;
	s9 =	sadd.s32 s3, s1  }
0xc: {  	[dreg:$0x5] =	wrdreg s19;
	s7 =	sshrl.u32 s19, $0x3;
	s3 =	sadd.s32 s5, s20  }
0xd: {  	s13 =	simm.s32 $0x0;
	[dreg:$0x6] =	wrdreg s3;
	s21 =	sadd.s32 s5, s7  }
0xe: {  	s24 =	sadd.s32 $0x4000, s10;
	s0 =	smax.u32 s0, $0x1;
	[dreg:$0x7] =	wrdreg s21  }
0xf: {  	s20 =	smov.u32 s24;
	s22 =	sadd.s32 $0x4000, s9;
	[dreg:$0x8] =	wrdreg s0  }
0x10: {  	s19 =	smov.u32 s10;
	s23 =	sadd.s32 $0x8000, s9;
	[dreg:$0x9] =	wrdreg s22  }
0x11: {  	s25 =	sadd.s32 $0xC000, s9;
	s26 =	sadd.s32 $0x10000, s9;
	[dreg:$0xa] =	wrdreg s23  }
0x12: {  	s3 =	simm.s32 $0x14080;
	s5 =	simm.s32 $0x1;
	[dreg:$0xb] =	wrdreg s25  }
0x13: {  	s7 =	simm.s32 $0x2;
	[dreg:$0xc] =	wrdreg s26;
	s0 =	sadd.s32 s24, s1  }
0x14: {  	s21 =	sadd.s32 $0x8000, s10;
	s22 =	sadd.s32 $0xC000, s10;
	s23 =	sadd.s32 $0x10000, s10  }
0x15: {  	s10 =	simm.s32 $0x16700;
	[dreg:$0xd] =	wrdreg s0;
	s24 =	sadd.s32 s21, s1  }
0x16: {  	v0 =	vimm.f32 $0.0e+00;
	s25 =	sadd.s32 s22, s1;
	s26 =	sadd.s32 s23, s1;
	s0 =	simm.s32 $0x80  }
.LBB2_1:
0x17: {  	[dreg:$0xe] =	wrdreg s13;
	s11 =	simm.s32 $0x0  }
.LBB2_2:
0x18: {  	s13 =	simm.s32 $0x0;
	s15 =	simm.s32 $0x200  }
.LBB2_3:
0x19: {  	p0 =	sne.s32 s15, $0xFE00;
	[tilespmem:s13+$0x16870] =	vst v0  }
0x1a: {  	[tilespmem:s13+$0x16800] =	vst v0  }
0x1b: {  	[tilespmem:s13+$0x16810] =	vst v0  }
.Ltmp0:
0x1c: {  	[tilespmem:s13+$0x16820] =	vst v0;
	(pc) =	sbr.rel @p0 .LBB2_3-.Ltmp0, $4  }
0x1d: {  	[tilespmem:s13+$0x16830] =	vst v0  }
0x1e: {  	[tilespmem:s13+$0x16840] =	vst v0  }
0x1f: {  	[tilespmem:s13+$0x16850] =	vst v0  }
0x20: {  	[tilespmem:s13+$0x16860] =	vst v0;
	s13 =	sshra.s32 s15, $0x2;
	s15 =	sadd.s32 $0x200, s15  }
0x21: {  	[tilespmem:s13+$0x16870] =	vst v0  }
0x22: {  	[tilespmem:s13+$0x16800] =	vst v0  }
0x23: {  	[tilespmem:s13+$0x16810] =	vst v0  }
0x24: {  	[tilespmem:s13+$0x16820] =	vst v0  }
0x25: {  	[tilespmem:s13+$0x16830] =	vst v0  }
0x26: {  	[tilespmem:s13+$0x16840] =	vst v0  }
0x27: {  	[tilespmem:s13+$0x16850] =	vst v0  }
0x28: {  	[tilespmem:s13+$0x16860] =	vst v0  }
0x29: {  	[spmem:s9] =	stream.linear.scatter [tilespmem:s28], [sflag:$0x3], $0x4000, $0x38;
	[tilespmem:$0x1E800] =	vst v63  }
0x2a: {  	_ =	swait.ge [sflag:s29], $0x4000  }
0x2b: {  	[sflag:s29] =	ssyncset.done $0x0  }
0x2c: {  	s17 =	rddreg [dreg:$0x9];
	[sflag:s29] =	ssyncadd.s32 $0xFFFFC000  }
0x2d: {  	[spmem:s17] =	stream.linear.scatter [tilespmem:s28], [sflag:$0x3], $0x4000, $0x38;
	[tilespmem:$0x1E800] =	vst v63  }
0x2e: {  	_ =	swait.ge [sflag:s29], $0x4000  }
0x2f: {  	[sflag:s29] =	ssyncset.done $0x0  }
0x30: {  	s18 =	rddreg [dreg:$0xa];
	[sflag:s29] =	ssyncadd.s32 $0xFFFFC000  }
0x31: {  	[spmem:s18] =	stream.linear.scatter [tilespmem:s28], [sflag:$0x3], $0x4000, $0x38;
	[tilespmem:$0x1E800] =	vst v63  }
0x32: {  	_ =	swait.ge [sflag:s29], $0x4000  }
0x33: {  	[sflag:s29] =	ssyncset.done $0x0  }
0x34: {  	s15 =	rddreg [dreg:$0xb];
	[sflag:s29] =	ssyncadd.s32 $0xFFFFC000  }
0x35: {  	[spmem:s15] =	stream.linear.scatter [tilespmem:s28], [sflag:$0x3], $0x4000, $0x38;
	[tilespmem:$0x1E800] =	vst v63  }
0x36: {  	_ =	swait.ge [sflag:s29], $0x4000  }
0x37: {  	s17 =	sshll.u32 s11, $0x1;
	[sflag:s29] =	ssyncset.done $0x0;
	s15 =	rddreg [dreg:$0x3]  }
0x38: {  	s16 =	rddreg [dreg:$0xc];
	[sflag:s29] =	ssyncadd.s32 $0xFFFFC000;
	s13 =	sor.u32 s15, s17  }
0x39: {  	[spmem:s16] =	stream.linear.scatter [tilespmem:s28], [sflag:$0x3], $0x4000, $0x38;
	[tilespmem:$0x1E800] =	vst v63  }
0x3a: {  	s15 =	smul.u32 $0x28000, s13;
	_ =	swait.ge [sflag:s29], $0x4000  }
0x3b: {  	s16 =	rddreg [dreg:$0x4]  }
0x3c: {  	[sflag:s29] =	ssyncset.done $0x0;
	s16 =	sadd.s32 s16, s15  }
0x3d: {  	[sflag:s29] =	ssyncadd.s32 $0xFFFFC000;
	s16 =	sshrl.u32 s16, $0x3  }
0x3e: {  	s17 =	simm.s32 $0x0;
	[bflag:$0x0] =	sbarrier.arrive $0xFFFF;
	s16 =	sadd.s32 s4, s16  }
0x3f: {  	[tilespmem:s30], [sflag:$0x3] =	stream.linear.gather [hbm4b:s16+s17], $0x1400, $0x38;
	[tilespmem:$0x1E800] =	vst v63  }
0x40: {  	_ =	swait.ge [sflag:s29], $0x1400  }
0x41: {  	[sflag:s29] =	ssyncset.done $0x0  }
0x42: {  	s18 =	rddreg [dreg:$0x6];
	[sflag:s29] =	ssyncadd.s32 $0xFFFFEC00  }
0x43: {  	[tilespmem:s31], [sflag:$0x3] =	stream.linear.gather [hbm4b:s18+s17], $0x1400, $0x38;
	[tilespmem:$0x1E800] =	vst v63  }
0x44: {  	_ =	swait.ge [sflag:s29], $0x1400  }
0x45: {  	[sflag:s29] =	ssyncset.done $0x0  }
0x46: {  	[sflag:s29] =	ssyncadd.s32 $0xFFFFEC00  }
0x47: {  	[tilespmem:s28], [sflag:$0x1] =	stream.indirect.gather [hbm4b:s6+s0], $0x80, s30, s0, $0xb8;
	[tilespmem:$0x1E800] =	vst v63  }
0x48: {  	_ = 	snop  }
0x49: {  	[tilespmem:s14], [sflag:$0x2] =	stream.indirect.gather [hbm4b:s6+s0], $0x80, s3, s0, $0xb8;
	[tilespmem:$0x1E800] =	vst v63  }
0x4a: {  	_ =	swait.ge [sflag:s5], $0x4000  }
0x4b: {  	[sflag:s5] =	ssyncset.done $0x0  }
0x4c: {  	s18 =	simm.s32 $0x15400;
	[sflag:s5] =	ssyncadd.s32 $0xFFFFC000  }
0x4d: {  	[spmem:s1] =	stream.indirect.scatter.add.f32 [tilespmem:s28], [sflag:$0x3], $0x80, s18, s0, $0xb8;
	[tilespmem:$0x1E800] =	vst v63  }
0x4e: {  	_ =	swait.ge [sflag:s29], $0x4000  }
0x4f: {  	[sflag:s29] =	ssyncset.done $0x0  }
0x50: {  	s17 =	simm.s32 $0x14100;
	[sflag:s29] =	ssyncadd.s32 $0xFFFFC000  }
0x51: {  	[tilespmem:s28], [sflag:$0x1] =	stream.indirect.gather [hbm4b:s6+s0], $0x80, s17, s0, $0xb8;
	[tilespmem:$0x1E800] =	vst v63  }
0x52: {  	_ =	swait.ge [sflag:s7], $0x4000  }
0x53: {  	[sflag:s7] =	ssyncset.done $0x0  }
0x54: {  	s18 =	simm.s32 $0x15480;
	[sflag:s7] =	ssyncadd.s32 $0xFFFFC000  }
0x55: {  	[spmem:s1] =	stream.indirect.scatter.add.f32 [tilespmem:s14], [sflag:$0x3], $0x80, s18, s0, $0xb8;
	[tilespmem:$0x1E800] =	vst v63  }
0x56: {  	_ =	swait.ge [sflag:s29], $0x4000  }
0x57: {  	[sflag:s29] =	ssyncset.done $0x0  }
0x58: {  	s16 =	simm.s32 $0x400;
	s17 =	simm.s32 $0x14180;
	[sflag:s29] =	ssyncadd.s32 $0xFFFFC000  }
.LBB2_5:
0x59: {  	[tilespmem:s14], [sflag:$0x2] =	stream.indirect.gather [hbm4b:s6+s0], $0x80, s17, s0, $0xb8;
	[tilespmem:$0x1E800] =	vst v63  }
0x5a: {  	s17 =	smov.u32 s16  }
0x5b: {  	p0 =	sne.s32 s16, $0x4800;
	s16 =	sadd.s32 $0x400, s16;
	_ =	swait.ge [sflag:s5], $0x4000  }
0x5c: {  	s17 =	sshra.s32 s17, $0x2;
	[sflag:s5] =	ssyncset.done $0x0  }
0x5d: {  	s18 =	sadd.s32 $0x15400, s17;
	[sflag:s5] =	ssyncadd.s32 $0xFFFFC000  }
0x5e: {  	[spmem:s1] =	stream.indirect.scatter.add.f32 [tilespmem:s28], [sflag:$0x3], $0x80, s18, s0, $0xb8;
	[tilespmem:$0x1E800] =	vst v63  }
0x5f: {  	_ =	swait.ge [sflag:s29], $0x4000  }
0x60: {  	[sflag:s29] =	ssyncset.done $0x0  }
0x61: {  	s18 =	sadd.s32 $0x14100, s17;
	[sflag:s29] =	ssyncadd.s32 $0xFFFFC000  }
0x62: {  	[tilespmem:s28], [sflag:$0x1] =	stream.indirect.gather [hbm4b:s6+s0], $0x80, s18, s0, $0xb8;
	[tilespmem:$0x1E800] =	vst v63  }
0x63: {  	_ =	swait.ge [sflag:s7], $0x4000  }
0x64: {  	[sflag:s7] =	ssyncset.done $0x0  }
.Ltmp1:
0x65: {  	s18 =	sadd.s32 $0x15480, s17;
	[sflag:s7] =	ssyncadd.s32 $0xFFFFC000;
	(pc) =	sbr.rel @p0 .LBB2_5-.Ltmp1, $4  }
0x66: {  	[spmem:s1] =	stream.indirect.scatter.add.f32 [tilespmem:s14], [sflag:$0x3], $0x80, s18, s0, $0xb8;
	[tilespmem:$0x1E800] =	vst v63  }
0x67: {  	_ =	swait.ge [sflag:s29], $0x4000  }
0x68: {  	[sflag:s29] =	ssyncset.done $0x0  }
0x69: {  	s17 =	sadd.s32 $0x14180, s17;
	[sflag:s29] =	ssyncadd.s32 $0xFFFFC000  }
0x6a: {  	[tilespmem:s14], [sflag:$0x2] =	stream.indirect.gather [hbm4b:s6+s0], $0x80, s17, s0, $0xb8;
	[tilespmem:$0x1E800] =	vst v63  }
0x6b: {  	_ =	swait.ge [sflag:s5], $0x4000  }
0x6c: {  	[sflag:s5] =	ssyncset.done $0x0  }
0x6d: {  	[sflag:s5] =	ssyncadd.s32 $0xFFFFC000  }
0x6e: {  	[spmem:s1] =	stream.indirect.scatter.add.f32 [tilespmem:s28], [sflag:$0x3], $0x80, s10, s0, $0xb8;
	[tilespmem:$0x1E800] =	vst v63  }
0x6f: {  	_ =	swait.ge [sflag:s29], $0x4000  }
0x70: {  	[sflag:s29] =	ssyncset.done $0x0  }
0x71: {  	[sflag:s29] =	ssyncadd.s32 $0xFFFFC000  }
0x72: {  	_ =	swait.ge [sflag:s7], $0x4000  }
0x73: {  	[sflag:s7] =	ssyncset.done $0x0  }
0x74: {  	[sflag:s7] =	ssyncadd.s32 $0xFFFFC000  }
0x75: {  	[spmem:s1] =	stream.indirect.scatter.add.f32 [tilespmem:s14], [sflag:$0x3], $0x80, s12, s0, $0xb8;
	[tilespmem:$0x1E800] =	vst v63  }
0x76: {  	_ =	swait.ge [sflag:s29], $0x4000  }
0x77: {  	s16 =	rddreg [dreg:$0x5]  }
0x78: {  	s15 =	sadd.s32 s16, s15  }
0x79: {  	[sflag:s29] =	ssyncset.done $0x0;
	s15 =	sshrl.u32 s15, $0x3  }
0x7a: {  	s17 =	simm.s32 $0x0;
	[sflag:s29] =	ssyncadd.s32 $0xFFFFC000;
	s15 =	sadd.s32 s4, s15  }
0x7b: {  	[tilespmem:s30], [sflag:$0x3] =	stream.linear.gather [hbm4b:s15+s17], $0x1400, $0x38;
	[tilespmem:$0x1E800] =	vst v63  }
0x7c: {  	_ =	swait.ge [sflag:s29], $0x1400  }
0x7d: {  	[sflag:s29] =	ssyncset.done $0x0  }
0x7e: {  	s18 =	rddreg [dreg:$0x7];
	[sflag:s29] =	ssyncadd.s32 $0xFFFFEC00  }
0x7f: {  	[tilespmem:s31], [sflag:$0x3] =	stream.linear.gather [hbm4b:s18+s17], $0x1400, $0x38;
	[tilespmem:$0x1E800] =	vst v63  }
0x80: {  	_ =	swait.ge [sflag:s29], $0x1400  }
0x81: {  	[sflag:s29] =	ssyncset.done $0x0  }
0x82: {  	[sflag:s29] =	ssyncadd.s32 $0xFFFFEC00  }
0x83: {  	[tilespmem:s28], [sflag:$0x1] =	stream.indirect.gather [hbm4b:s6+s0], $0x80, s30, s0, $0xb8;
	[tilespmem:$0x1E800] =	vst v63  }
0x84: {  	_ = 	snop  }
0x85: {  	[tilespmem:s14], [sflag:$0x2] =	stream.indirect.gather [hbm4b:s6+s0], $0x80, s3, s0, $0xb8;
	[tilespmem:$0x1E800] =	vst v63  }
0x86: {  	_ =	swait.ge [sflag:s5], $0x4000  }
0x87: {  	[sflag:s5] =	ssyncset.done $0x0  }
0x88: {  	s16 =	simm.s32 $0x15400;
	[sflag:s5] =	ssyncadd.s32 $0xFFFFC000  }
0x89: {  	[spmem:s1] =	stream.indirect.scatter.add.f32 [tilespmem:s28], [sflag:$0x3], $0x80, s16, s0, $0xb8;
	[tilespmem:$0x1E800] =	vst v63  }
0x8a: {  	_ =	swait.ge [sflag:s29], $0x4000  }
0x8b: {  	[sflag:s29] =	ssyncset.done $0x0  }
0x8c: {  	s17 =	simm.s32 $0x14100;
	[sflag:s29] =	ssyncadd.s32 $0xFFFFC000  }
0x8d: {  	[tilespmem:s28], [sflag:$0x1] =	stream.indirect.gather [hbm4b:s6+s0], $0x80, s17, s0, $0xb8;
	[tilespmem:$0x1E800] =	vst v63  }
0x8e: {  	_ =	swait.ge [sflag:s7], $0x4000  }
0x8f: {  	[sflag:s7] =	ssyncset.done $0x0  }
0x90: {  	s18 =	simm.s32 $0x15480;
	[sflag:s7] =	ssyncadd.s32 $0xFFFFC000  }
0x91: {  	[spmem:s1] =	stream.indirect.scatter.add.f32 [tilespmem:s14], [sflag:$0x3], $0x80, s18, s0, $0xb8;
	[tilespmem:$0x1E800] =	vst v63  }
0x92: {  	_ =	swait.ge [sflag:s29], $0x4000  }
0x93: {  	[sflag:s29] =	ssyncset.done $0x0  }
0x94: {  	s15 =	simm.s32 $0x400;
	s16 =	simm.s32 $0x14180;
	[sflag:s29] =	ssyncadd.s32 $0xFFFFC000  }
.LBB2_7:
0x95: {  	[tilespmem:s14], [sflag:$0x2] =	stream.indirect.gather [hbm4b:s6+s0], $0x80, s16, s0, $0xb8;
	[tilespmem:$0x1E800] =	vst v63  }
0x96: {  	s16 =	smov.u32 s15  }
0x97: {  	p0 =	sne.s32 s15, $0x4800;
	s15 =	sadd.s32 $0x400, s15;
	_ =	swait.ge [sflag:s5], $0x4000  }
0x98: {  	s16 =	sshra.s32 s16, $0x2;
	[sflag:s5] =	ssyncset.done $0x0  }
0x99: {  	s17 =	sadd.s32 $0x15400, s16;
	[sflag:s5] =	ssyncadd.s32 $0xFFFFC000  }
0x9a: {  	[spmem:s1] =	stream.indirect.scatter.add.f32 [tilespmem:s28], [sflag:$0x3], $0x80, s17, s0, $0xb8;
	[tilespmem:$0x1E800] =	vst v63  }
0x9b: {  	_ =	swait.ge [sflag:s29], $0x4000  }
0x9c: {  	[sflag:s29] =	ssyncset.done $0x0  }
0x9d: {  	s17 =	sadd.s32 $0x14100, s16;
	[sflag:s29] =	ssyncadd.s32 $0xFFFFC000  }
0x9e: {  	[tilespmem:s28], [sflag:$0x1] =	stream.indirect.gather [hbm4b:s6+s0], $0x80, s17, s0, $0xb8;
	[tilespmem:$0x1E800] =	vst v63  }
0x9f: {  	_ =	swait.ge [sflag:s7], $0x4000  }
0xa0: {  	[sflag:s7] =	ssyncset.done $0x0  }
.Ltmp2:
0xa1: {  	s17 =	sadd.s32 $0x15480, s16;
	[sflag:s7] =	ssyncadd.s32 $0xFFFFC000;
	(pc) =	sbr.rel @p0 .LBB2_7-.Ltmp2, $4  }
0xa2: {  	[spmem:s1] =	stream.indirect.scatter.add.f32 [tilespmem:s14], [sflag:$0x3], $0x80, s17, s0, $0xb8;
	[tilespmem:$0x1E800] =	vst v63  }
0xa3: {  	_ =	swait.ge [sflag:s29], $0x4000  }
0xa4: {  	[sflag:s29] =	ssyncset.done $0x0  }
0xa5: {  	s16 =	sadd.s32 $0x14180, s16;
	[sflag:s29] =	ssyncadd.s32 $0xFFFFC000  }
0xa6: {  	[tilespmem:s14], [sflag:$0x2] =	stream.indirect.gather [hbm4b:s6+s0], $0x80, s16, s0, $0xb8;
	[tilespmem:$0x1E800] =	vst v63  }
0xa7: {  	_ =	swait.ge [sflag:s5], $0x4000  }
0xa8: {  	[sflag:s5] =	ssyncset.done $0x0  }
0xa9: {  	[sflag:s5] =	ssyncadd.s32 $0xFFFFC000  }
0xaa: {  	[spmem:s1] =	stream.indirect.scatter.add.f32 [tilespmem:s28], [sflag:$0x3], $0x80, s10, s0, $0xb8;
	[tilespmem:$0x1E800] =	vst v63  }
0xab: {  	_ =	swait.ge [sflag:s29], $0x4000  }
0xac: {  	[sflag:s29] =	ssyncset.done $0x0  }
0xad: {  	[sflag:s29] =	ssyncadd.s32 $0xFFFFC000  }
0xae: {  	_ =	swait.ge [sflag:s7], $0x4000  }
0xaf: {  	[sflag:s7] =	ssyncset.done $0x0  }
0xb0: {  	[sflag:s7] =	ssyncadd.s32 $0xFFFFC000  }
0xb1: {  	[spmem:s1] =	stream.indirect.scatter.add.f32 [tilespmem:s14], [sflag:$0x3], $0x80, s12, s0, $0xb8;
	[tilespmem:$0x1E800] =	vst v63  }
0xb2: {  	_ =	swait.ge [sflag:s29], $0x4000  }
0xb3: {  	[sflag:s29] =	ssyncset.done $0x0  }
0xb4: {  	[sflag:s29] =	ssyncadd.s32 $0xFFFFC000  }
0xb5: {  	s13 =	smul.u32 $0x140000, s13;
	[bflag:$0x0] =	sbarrier.arrive $0xFFFF  }
0xb6: {  	[tilespmem:s28], [sflag:$0x3] =	stream.linear.gather [spmem:s9], $0x4000, $0x38;
	[tilespmem:$0x1E800] =	vst v63  }
0xb7: {  	s15 =	sadd.s32 s13, s19;
	_ =	swait.ge [sflag:s29], $0x4000  }
0xb8: {  	s15 =	sshrl.u32 s15, $0x3;
	[sflag:s29] =	ssyncset.done $0x0  }
0xb9: {  	s15 =	sadd.s32 s8, s15;
	[sflag:s29] =	ssyncadd.s32 $0xFFFFC000  }
0xba: {  	[hbm4b:s15+s2] =	stream.linear.scatter [tilespmem:s28], [sflag:$0x3], $0x4000, $0x38;
	[tilespmem:$0x1E800] =	vst v63  }
0xbb: {  	_ =	swait.ge [sflag:s29], $0x4000  }
0xbc: {  	[sflag:s29] =	ssyncset.done $0x0  }
0xbd: {  	s18 =	rddreg [dreg:$0xd];
	[sflag:s29] =	ssyncadd.s32 $0xFFFFC000  }
0xbe: {  	[tilespmem:s28], [sflag:$0x3] =	stream.linear.gather [spmem:s18], $0x4000, $0x38;
	[tilespmem:$0x1E800] =	vst v63  }
0xbf: {  	s16 =	sadd.s32 s13, s20;
	_ =	swait.ge [sflag:s29], $0x4000  }
0xc0: {  	s15 =	sshrl.u32 s16, $0x3;
	[sflag:s29] =	ssyncset.done $0x0  }
0xc1: {  	s15 =	sadd.s32 s8, s15;
	[sflag:s29] =	ssyncadd.s32 $0xFFFFC000  }
0xc2: {  	[hbm4b:s15+s2] =	stream.linear.scatter [tilespmem:s28], [sflag:$0x3], $0x4000, $0x38;
	[tilespmem:$0x1E800] =	vst v63  }
0xc3: {  	_ =	swait.ge [sflag:s29], $0x4000  }
0xc4: {  	[sflag:s29] =	ssyncset.done $0x0  }
0xc5: {  	[sflag:s29] =	ssyncadd.s32 $0xFFFFC000  }
0xc6: {  	[tilespmem:s28], [sflag:$0x3] =	stream.linear.gather [spmem:s24], $0x4000, $0x38;
	[tilespmem:$0x1E800] =	vst v63  }
0xc7: {  	s17 =	sadd.s32 s13, s21;
	_ =	swait.ge [sflag:s29], $0x4000  }
0xc8: {  	s15 =	sshrl.u32 s17, $0x3;
	[sflag:s29] =	ssyncset.done $0x0  }
0xc9: {  	s15 =	sadd.s32 s8, s15;
	[sflag:s29] =	ssyncadd.s32 $0xFFFFC000  }
0xca: {  	[hbm4b:s15+s2] =	stream.linear.scatter [tilespmem:s28], [sflag:$0x3], $0x4000, $0x38;
	[tilespmem:$0x1E800] =	vst v63  }
0xcb: {  	_ =	swait.ge [sflag:s29], $0x4000  }
0xcc: {  	[sflag:s29] =	ssyncset.done $0x0  }
0xcd: {  	[sflag:s29] =	ssyncadd.s32 $0xFFFFC000  }
0xce: {  	[tilespmem:s28], [sflag:$0x3] =	stream.linear.gather [spmem:s25], $0x4000, $0x38;
	[tilespmem:$0x1E800] =	vst v63  }
0xcf: {  	s18 =	sadd.s32 s13, s22;
	_ =	swait.ge [sflag:s29], $0x4000  }
0xd0: {  	s15 =	sshrl.u32 s18, $0x3;
	[sflag:s29] =	ssyncset.done $0x0  }
0xd1: {  	s15 =	sadd.s32 s8, s15;
	[sflag:s29] =	ssyncadd.s32 $0xFFFFC000  }
0xd2: {  	[hbm4b:s15+s2] =	stream.linear.scatter [tilespmem:s28], [sflag:$0x3], $0x4000, $0x38;
	[tilespmem:$0x1E800] =	vst v63  }
0xd3: {  	_ =	swait.ge [sflag:s29], $0x4000  }
0xd4: {  	[sflag:s29] =	ssyncset.done $0x0  }
0xd5: {  	[sflag:s29] =	ssyncadd.s32 $0xFFFFC000  }
0xd6: {  	[tilespmem:s28], [sflag:$0x3] =	stream.linear.gather [spmem:s26], $0x4000, $0x38;
	[tilespmem:$0x1E800] =	vst v63  }
0xd7: {  	s13 =	sadd.s32 s13, s23;
	_ =	swait.ge [sflag:s29], $0x4000  }
0xd8: {  	s11 =	sadd.s32 $0x1, s11;
	s13 =	sshrl.u32 s13, $0x3;
	[sflag:s29] =	ssyncset.done $0x0  }
0xd9: {  	p0 =	sne.s32 s11, $0x4;
	s13 =	sadd.s32 s8, s13;
	[sflag:s29] =	ssyncadd.s32 $0xFFFFC000  }
0xda: {  	[hbm4b:s13+s2] =	stream.linear.scatter [tilespmem:s28], [sflag:$0x3], $0x4000, $0x38;
	[tilespmem:$0x1E800] =	vst v63  }
.Ltmp3:
0xdb: {  	_ =	swait.ge [sflag:s29], $0x4000;
	(pc) =	sbr.rel @p0 .LBB2_2-.Ltmp3, $3  }
0xdc: {  	[sflag:s29] =	ssyncset.done $0x0  }
0xdd: {  	[sflag:s29] =	ssyncadd.s32 $0xFFFFC000  }
0xde: {  	[bflag:$0x0] =	sbarrier.arrive $0xFFFF;
	_ =	sdelay $0x1  }
0xdf: {  	s13 =	rddreg [dreg:$0xe]  }
0xe0: {  	s11 =	rddreg [dreg:$0x8];
	s13 =	sadd.s32 $0x1, s13  }
0xe1: {  	p0 =	sne.s32 s13, s11  }
.Ltmp4:
0xe2: {  	_ = 	snop;
	(pc) =	sbr.rel @p0 .LBB2_1-.Ltmp4, $1  }
0xe3: {  	_ =	sdelay $0x3  }
0xe4: {  	_ =	sfence.sel $0x180000  }
0xe5: {  	[bflag:$0x0] =	sbarrier.arrive $0xFFFF  }
0xe6: {  	_ =	strace $0x9000004D  }
0xe7: {  	s0 =	stileid.u32;
	[bflag:$0x2] =	sbarrier.arrive $0xFFFF  }
0xe8: {  	p0 =	sne.s32 s0, $0x0;
	s0 =	rddreg [dreg:$0x2]  }
0xe9: {  	s0 =	sadd.s32 @!p0 $0x100000, s0  }
0xea: {  	[sflag:s0] =	ssyncadd.tile.s32 @!p0 $0x1;
	_ =	shalt  }
.Lfunc_end2:
_tile_overlayer_lowered:
.L_overlay_start_2:
0xeb: {  	(tag) =	ssettag $0x2  }
0xec: {  	s0 =	rddreg [dreg:$0x0];
	s2 =	stileid.u32  }
0xed: {  	s1 =	rddreg [dreg:$0x1];
	p0 =	sne.s32 s2, $0x0  }
0xee: {  	s3 =	rddreg [dreg:$0x2];
	[bflag:$0x3] =	sbarrier.arrive $0xFFFF;
	s2 =	simm.s32 @!p0 $0x1C03  }
0xef: {  	[timem:s3], [sflag:s2] =	dma.local @!p0 [hbm:s0], s1  }
0xf0: {  	s0 =	simm.s32 @!p0 $0x3  }
0xf1: {  	_ =	swait.ge @!p0 [sflag:s0], s1  }
0xf2: {  	s1 =	ssub.s32 @!p0 $0x0, s1;
	[sflag:s0] =	ssyncset.done @!p0 $0x0  }
0xf3: {  	[sflag:s0] =	ssyncadd.s32 @!p0 s1  }
0xf4: {  	[bflag:$0x3] =	sbarrier.arrive $0xFFFF  }
0xf5: {  	_ =	shalt  }

// kernel: kernel.9.cloned.1.call-start
scs
__scs_entry_jumppad:
0x0: {  	(pc) =	sbr.rel $0x88, $3  }
0x1: {  	(tag) =	ssettag $0x0;
	lr =	simm.s32 $0x1  }
0x2: {  	[smem:$0x3F9C] =	sst lr;
	_ =	strace $0xD0000000  }
0x3: {  	_ = 	snop  }
0x4: {  	_ = 	snop  }
0x5: {  	_ = 	snop  }
0x6: {  	_ = 	snop  }
0x7: {  	_ = 	snop  }
__scs_overlays_trampoline_lowered:
0x8: {  	[smem:$0x3FAB] =	sst s0  }
0x9: {  	[smem:$0x3FAC] =	sst s1  }
0xa: {  	[smem:$0x3FAD] =	sst s2  }
0xb: {  	[smem:$0x3FAE] =	sst s3  }
0xc: {  	[smem:$0x3FAF] =	sst s4  }
0xd: {  	[smem:$0x3FB0] =	sst s5  }
0xe: {  	[smem:$0x3FB1] =	sst s6  }
0xf: {  	[smem:$0x3FB2] =	sst s7  }
0x10: {  	[smem:$0x3FB3] =	sst s8  }
0x11: {  	[smem:$0x3FB4] =	sst s9;
	s0 =	simm.s32 @!p0 $0x0  }
0x12: {  	s1 =	sld [smem:$0x3F9A];
	s0 =	simm.s32 @p0 $0x1  }
0x13: {  	[smem:$0x3FB5] =	sst s0;
	s0 =	simm.s32 @!p1 $0x0  }
0x14: {  	s2 =	sld [smem:$0x3F99];
	s0 =	simm.s32 @p1 $0x1  }
0x15: {  	[smem:$0x3FB6] =	sst s0;
	s0 =	simm.s32 @!p2 $0x0  }
0x16: {  	s3 =	sld [smem:$0x3FDB];
	s0 =	simm.s32 @p2 $0x1  }
0x17: {  	s4 =	simm.s32 $0x1BF5;
	[smem:$0x3FB8] =	sst s0  }
0x18: {  	s0 =	sld [smem:$0x3F9B];
	_ =	swait.ge [sflag:s4], $0x0  }
0x19: {  	s7 =	sld [smem:$0x3F9C]  }
0x1a: {  	s8 =	sadd.s32 $0xFFFFE003, lr  }
0x1b: {  	s9 =	sadd.s32 $0xFFFFFEF7, lr;
	s5 =	simm.s32 $0xFFFFFFFF;
	p2 =	slt.u32 s8, $0xFFFFF086  }
0x1c: {  	p1 =	slt.u32 s9, $0xF7A;
	s5 =	simm.s32 @!p2 $0x0  }
0x1d: {  	s5 =	simm.s32 @p1 $0x1;
	p0 =	seq.s32 s7, s2  }
0x1e: {  	s7 =	smul.u32 @!p0 $0xF7A, s2;
	p2 =	seq.s32 @!p0 s5, $0x0  }
0x1f: {  	s9 =	smul.u32 $0xF7A, s1;
	s8 =	simm.s32 @!p0 $0x1BF5;
	p2 =	por !p2, p0  }
0x20: {  	[sflag:s8] =	ssyncset.s32 @!p0 $0xFFFFF086;
	s6 =	sadd.s32 @!p0 s3, s7;
	s7 =	simm.s32 @!p0 $0x108  }
0x21: {  	s3 =	sadd.s32 s3, s9;
	s6 =	sadd.s32 @!p0 $0x88, s6;
	s7 =	simm.s32 @p2 $0x1082  }
0x22: {  	[simem:s7], [sflag:s8] =	dma.local @!p0 [hbm:s6], $0xF7A  }
0x23: {  	s9 =	sor.u32 $0xD0000000, s2;
	s6 =	simm.s32 $0x108;
	_ =	swait.ge @!p0 [sflag:s8], $0x0  }
0x24: {  	s3 =	sadd.s32 $0x88, s3;
	s6 =	simm.s32 @!p1 $0x1082;
	[sflag:s4] =	ssyncset.s32 $0xFFFFF086  }
0x25: {  	[simem:s6], [sflag:s4] =	dma.local [hbm:s3], $0xF7A  }
0x26: {  	[smem:$0x3F9C] =	sst s1;
	(tag) =	ssettag s2;
	_ =	strace s9  }
0x27: {  	s1 =	sld [smem:$0x3FAC]  }
0x28: {  	s2 =	sld [smem:$0x3FAD]  }
0x29: {  	s4 =	sld [smem:$0x3FAF]  }
0x2a: {  	p0 =	seq.s32 s5, $0x0;
	s5 =	sld [smem:$0x3FB0]  }
0x2b: {  	s6 =	sld [smem:$0x3FB1]  }
0x2c: {  	s7 =	sld [smem:$0x3FB2]  }
0x2d: {  	s3 =	simm.s32 $0x108;
	s8 =	sld [smem:$0x3FB3]  }
0x2e: {  	s3 =	simm.s32 @!p0 $0x1082;
	s9 =	sld [smem:$0x3FB4]  }
0x2f: {  	lr =	sadd.s32 s0, s3;
	s0 =	sld [smem:$0x3FAB]  }
0x30: {  	s3 =	sld [smem:$0x3FAE]  }
0x31: {  	[smem:$0x3FB7] =	sst s10  }
0x32: {  	s10 =	sld [smem:$0x3FB5];
	_ =	sdelay $0x3  }
0x33: {  	p0 =	seq.s32 s10, $0x1;
	s10 =	sld [smem:$0x3FB7];
	_ =	sdelay $0x3  }
0x34: {  	[smem:$0x3FB7] =	sst s10  }
0x35: {  	s10 =	sld [smem:$0x3FB6];
	_ =	sdelay $0x3  }
0x36: {  	p1 =	seq.s32 s10, $0x1;
	s10 =	sld [smem:$0x3FB7];
	_ =	sdelay $0x3  }
0x37: {  	[smem:$0x3FB7] =	sst s10  }
0x38: {  	s10 =	sld [smem:$0x3FB8]  }
0x39: {  	_ = 	snop;
	(pc) =	sbr.ind lr, $3  }
0x3a: {  	_ = 	snop  }
0x3b: {  	_ = 	snop  }
0x3c: {  	p2 =	seq.s32 s10, $0x1;
	s10 =	sld [smem:$0x3FB7]  }
0x3d: {  	_ =	shalt  }
0x3e: {  	_ =	shalt  }
0x3f: {  	_ =	shalt  }
0x40: {  	_ =	shalt  }
0x41: {  	_ =	shalt  }
0x42: {  	_ =	shalt  }
0x43: {  	_ =	shalt  }
0x44: {  	_ =	shalt  }
0x45: {  	_ =	shalt  }
0x46: {  	_ =	shalt  }
0x47: {  	_ =	shalt  }
0x48: {  	_ =	shalt  }
0x49: {  	_ =	shalt  }
0x4a: {  	_ =	shalt  }
0x4b: {  	_ =	shalt  }
0x4c: {  	_ =	shalt  }
0x4d: {  	_ =	shalt  }
0x4e: {  	_ =	shalt  }
0x4f: {  	_ =	shalt  }
0x50: {  	_ =	shalt  }
0x51: {  	_ =	shalt  }
0x52: {  	_ =	shalt  }
0x53: {  	_ =	shalt  }
0x54: {  	_ =	shalt  }
0x55: {  	_ =	shalt  }
0x56: {  	_ =	shalt  }
0x57: {  	_ =	shalt  }
0x58: {  	_ =	shalt  }
0x59: {  	_ =	shalt  }
0x5a: {  	_ =	shalt  }
0x5b: {  	_ =	shalt  }
0x5c: {  	_ =	shalt  }
0x5d: {  	_ =	shalt  }
0x5e: {  	_ =	shalt  }
0x5f: {  	_ =	shalt  }
0x60: {  	_ =	shalt  }
0x61: {  	_ =	shalt  }
0x62: {  	_ =	shalt  }
0x63: {  	_ =	shalt  }
0x64: {  	_ =	shalt  }
0x65: {  	_ =	shalt  }
0x66: {  	_ =	shalt  }
0x67: {  	_ =	shalt  }
0x68: {  	_ =	shalt  }
0x69: {  	_ =	shalt  }
0x6a: {  	_ =	shalt  }
0x6b: {  	_ =	shalt  }
0x6c: {  	_ =	shalt  }
0x6d: {  	_ =	shalt  }
0x6e: {  	_ =	shalt  }
0x6f: {  	_ =	shalt  }
0x70: {  	_ =	shalt  }
0x71: {  	_ =	shalt  }
0x72: {  	_ =	shalt  }
0x73: {  	_ =	shalt  }
0x74: {  	_ =	shalt  }
0x75: {  	_ =	shalt  }
0x76: {  	_ =	shalt  }
0x77: {  	_ =	shalt  }
0x78: {  	_ =	shalt  }
0x79: {  	_ =	shalt  }
0x7a: {  	_ =	shalt  }
0x7b: {  	_ =	shalt  }
0x7c: {  	_ =	shalt  }
0x7d: {  	_ =	shalt  }
0x7e: {  	_ =	shalt  }
0x7f: {  	_ =	shalt  }
0x80: {  	_ =	shalt  }
0x81: {  	_ =	shalt  }
0x82: {  	_ =	shalt  }
0x83: {  	_ =	shalt  }
0x84: {  	_ =	shalt  }
0x85: {  	_ =	shalt  }
0x86: {  	_ =	shalt  }
0x87: {  	_ =	shalt  }
.Lfunc_end0:
.L_simem_size_0:
called_computation_lowered:
.L_overlay_start_0:
0x88: {  	s2 =	sld [smem:$0x3FD9]  }
0x89: {  	s3 =	sld [smem:$0x3FFE];
	_ =	sdelay $0x1  }
0x8a: {  	s1 =	srdreg.scid  }
0x8b: {  	s0 =	sand.u32 $0x1, s1  }
0x8c: {  	s17 =	sshll.u32 s0, $0xA;
	s2 =	sadd.s32 s3, s2  }
0x8d: {  	s2 =	sadd.s32 s2, s17  }
0x8e: {  	[smem:$0x3FC3] =	sst s2  }
0x8f: {  	_ = 	snop  }
0x90: {  	s2 =	sld [smem:$0x3FD0];
	(tm) =	ssettm $0x1  }
0x91: {  	s18 =	sld [smem:$0x3FFB];
	_ =	sdelay $0x3  }
0x92: {  	_ =	strace s18  }
0x93: {  	s3 =	sld [smem:$0x3FFC];
	_ =	sdelay $0x3  }
0x94: {  	_ =	strace s3  }
0x95: {  	s3 =	sld [smem:$0x3FFD];
	_ =	sdelay $0x3  }
0x96: {  	_ =	strace s3  }
0x97: {  	_ =	strace $0x8FFFFFFF  }
0x98: {  	s19 =	sld [smem:$0x3FDB];
	_ =	sdelay $0x1  }
0x99: {  	s4 =	simm.s32 $_scs_section_size  }
0x9a: {  	s5 =	simm.s32 $_size__tile_overlayer_lowered;
	s6 =	simm.s32 $_tile_overlayer_lowered  }
0x9b: {  	s22 =	simm.s32 $0x1BFF;
	s21 =	sshll.u32 s6, $0x1;
	s3 =	sadd.s32 s4, s19  }
0x9c: {  	s7 =	simm.s32 $0x0;
	s20 =	sshll.u32 s5, $0x1;
	s5 =	sadd.s32 s21, s3  }
0x9d: {  	[timem:s7], [sflag:s22] =	dma.local [hbm:s5], s20  }
0x9e: {  	_ =	swait.ge [sflag:s22], s20  }
0x9f: {  	s4 =	ssub.s32 $0x0, s20;
	[sflag:s22] =	ssyncset.done $0x0  }
0xa0: {  	[sflag:s22] =	ssyncadd.s32 s4;
	_ =	sdelay $0x1  }
0xa1: {  	s23 =	simm.s32 $0x1B8B  }
0xa2: {  	_ =	swait.ge [sflag:s23], $0x1  }
0xa3: {  	[sflag:s23] =	ssyncset.done $0x0  }
0xa4: {  	s25 =	simm.s32 $0x1B8E;
	s24 =	sld [smem:$0x3FFE];
	[sflag:s23] =	ssyncadd.s32 $0xFFFFFFFF  }
0xa5: {  	s26 =	simm.s32 $execute0_lowered;
	[smem:$0x3FD2] =	sst s25  }
0xa6: {  	s5 =	sshll.u32 s26, $0x1;
	_ =	strace $0x80000046;
	[dreg:$0x1] =	wrdreg $0xFFFFFFFF  }
0xa7: {  	s28 =	simm.s32 $_size_execute0_lowered;
	s3 =	sadd.s32 s3, s5;
	[dreg:$0x0] =	wrdreg $0x0  }
0xa8: {  	s5 =	sshll.u32 s28, $0x1;
	[dreg:$0x2] =	wrdreg s3  }
0xa9: {  	[dreg:$0x3] =	wrdreg s5  }
0xaa: {  	[dreg:$0x4] =	wrdreg $0xC0  }
0xab: {  	_ =	task [dreg:s7], $0x5FFFF  }
0xac: {  	[dreg:$0x1] =	wrdreg $0xFFFFFFFF  }
0xad: {  	[dreg:$0x0] =	wrdreg $0x60  }
0xae: {  	[dreg:$0x2] =	wrdreg s24  }
0xaf: {  	[dreg:$0x3] =	wrdreg s2  }
0xb0: {  	[dreg:$0x4] =	wrdreg $0x0  }
0xb1: {  	[dreg:$0x5] =	wrdreg $0x9  }
0xb2: {  	_ =	task.clear_ibuf [dreg:s7], $0x6FFFF;
	_ =	strace $0x90000046  }
0xb3: {  	s29 =	simm.s32 $0x9;
	_ =	strace $0x80000048  }
0xb4: {  	_ =	swait.ge [sflag:s29], $0x1  }
0xb5: {  	[sflag:s29] =	ssyncadd.s32 $0xFFFFFFFF  }
0xb6: {  	_ =	strace $0x90000048  }
0xb7: {  	_ =	sfence  }
0xb8: {  	s30 =	sld [smem:$0x0];
	_ =	sdelay $0x2  }
0xb9: {  	s31 =	sshll.u32 s1, $0xD;
	s1 =	sshrl.u32 s1, $0x2  }
0xba: {  	s3 =	sand.u32 $0x4000, s31;
	s1 =	sadd.s32 s1, s30  }
0xbb: {  	s0 =	sor.u32 s3, s0;
	s1 =	sshll.u32 s1, $0x11  }
0xbc: {  	s0 =	sor.u32 s1, s0  }
0xbd: {  	s0 =	sadd.s32 $0x8F2B, s0  }
0xbe: {  	[sflag:s0] =	ssyncadd.remote.s32 $0x1  }
0xbf: {  	_ =	sfence.sel $0xFFFF  }
0xc0: {  	[dreg:$0x0] =	wrdreg $0xFFFFFFFF;
	(pc) =	sbr.abs _section_cstart, $3  }
0xc1: {  	[dreg:$0x1] =	wrdreg $0xFFFFFFFF  }
0xc2: {  	_ =	task.clear_ibuf [dreg:s7], $0x2FFFF;
	_ =	strace $0x9FFFFFFF  }
0xc3: {  	(tm) =	ssettm $0x7FFFFFFF  }
tec
execute0_lowered:
.L_overlay_start_1:
0x0: {  	(tag) =	ssettag $0x1  }
0x1: {  	s0 =	rddreg [dreg:$0x0]  }
0x2: {  	s1 =	srdreg.scid;
	s21 =	rddreg [dreg:$0x1]  }
0x3: {  	s2 =	rddreg [dreg:$0x2];
	s8 =	stileid.u32;
	s3 =	simm.s32 $0x0  }
0x4: {  	s29 =	simm.s32 $0x1A800;
	s30 =	simm.s32 $0x1;
	s31 =	simm.s32 $0x2  }
0x5: {  	s1 =	sand.u32 $0x1, s1;
	[smem:$0x7FF] =	sst s3;
	s5 =	smul.u32 $0x50000, s8  }
0x6: {  	s17 =	smul.u32 $0x14000, s8;
	s4 =	sshll.u32 s1, $0x4;
	_ =	strace $0x80000047  }
0x7: {  	s22 =	ssub.s32 $0x2, s1;
	s1 =	smul.u32 $0x140000, s1;
	s4 =	sor.u32 s8, s4  }
0x8: {  	s6 =	sshrl.u32 s22, $0x1;
	s5 =	sshrl.u32 s5, $0x2;
	s14 =	sadd.s32 $0x4000, s17  }
0x9: {  	s18 =	sadd.s32 $0x8000, s17;
	s26 =	sadd.s32 $0xC000, s17;
	s20 =	sadd.s32 $0x10000, s17  }
0xa: {  	s4 =	smul.u32 $0x280, s4;
	s5 =	sadd.s32 s5, s2;
	s23 =	sadd.s32 s1, s17  }
0xb: {  	s24 =	sadd.s32 s1, s14;
	s14 =	sadd.s32 s14, s2;
	s16 =	sadd.s32 s18, s2  }
0xc: {  	s25 =	sadd.s32 s1, s18;
	s28 =	sadd.s32 s1, s26;
	s1 =	sadd.s32 s1, s20  }
0xd: {  	s18 =	sadd.s32 s26, s2;
	s20 =	sadd.s32 s20, s2;
	s26 =	simm.s32 $0x80  }
0xe: {  	s9 =	sadd.s32 $0x4000, s5;
	s10 =	sadd.s32 $0x8000, s5;
	s11 =	sadd.s32 $0xC000, s5  }
0xf: {  	s12 =	sadd.s32 $0x10000, s5;
	s1 =	sshrl.u32 s1, $0x3;
	s7 =	sadd.s32 s4, s0  }
0x10: {  	s4 =	sadd.s32 $0x28EA00, s0;
	s0 =	ssub.s32 s22, s6;
	s22 =	simm.s32 $0x16800  }
0x11: {  	s6 =	sadd.s32 $0x2B6A00, s7;
	s8 =	smax.u32 s0, $0x1;
	s0 =	sshrl.u32 s23, $0x3  }
0x12: {  	s7 =	sadd.s32 $0x2BBA00, s7;
	s13 =	sadd.s32 s21, s0;
	s0 =	sshrl.u32 s24, $0x3  }
0x13: {  	s23 =	simm.s32 $0x3;
	s15 =	sadd.s32 s21, s0;
	s0 =	sshrl.u32 s25, $0x3  }
0x14: {  	s24 =	simm.s32 $0x14000;
	s17 =	sadd.s32 s21, s0;
	s0 =	sshrl.u32 s28, $0x3  }
0x15: {  	v0 =	vimm.f32 $0.0e+00;
	s25 =	simm.s32 $0x0;
	s19 =	sadd.s32 s21, s0;
	s21 =	sadd.s32 s21, s1  }
.LBB2_1:
0x16: {  	s28 =	simm.s32 $0x0;
	s0 =	simm.s32 $0x200  }
.LBB2_2:
0x17: {  	p0 =	sne.s32 s0, $0xFE00;
	[tilespmem:s28+$0x16870] =	vst v0  }
0x18: {  	[tilespmem:s28+$0x16800] =	vst v0  }
0x19: {  	[tilespmem:s28+$0x16810] =	vst v0  }
.Ltmp0:
0x1a: {  	[tilespmem:s28+$0x16820] =	vst v0;
	(pc) =	sbr.rel @p0 .LBB2_2-.Ltmp0, $4  }
0x1b: {  	[tilespmem:s28+$0x16830] =	vst v0  }
0x1c: {  	[tilespmem:s28+$0x16840] =	vst v0  }
0x1d: {  	[tilespmem:s28+$0x16850] =	vst v0  }
0x1e: {  	[tilespmem:s28+$0x16860] =	vst v0;
	s28 =	sshra.s32 s0, $0x2;
	s0 =	sadd.s32 $0x200, s0  }
0x1f: {  	[tilespmem:s28+$0x16870] =	vst v0  }
0x20: {  	[tilespmem:s28+$0x16800] =	vst v0  }
0x21: {  	[tilespmem:s28+$0x16810] =	vst v0  }
0x22: {  	[tilespmem:s28+$0x16820] =	vst v0  }
0x23: {  	[tilespmem:s28+$0x16830] =	vst v0  }
0x24: {  	[tilespmem:s28+$0x16840] =	vst v0  }
0x25: {  	[tilespmem:s28+$0x16850] =	vst v0  }
0x26: {  	[tilespmem:s28+$0x16860] =	vst v0  }
0x27: {  	[spmem:s5] =	stream.linear.scatter [tilespmem:s22], [sflag:$0x3], $0x4000, $0x38;
	[tilespmem:$0x1E800] =	vst v63  }
0x28: {  	_ =	swait.ge [sflag:s23], $0x4000  }
0x29: {  	[sflag:s23] =	ssyncset.done $0x0  }
0x2a: {  	[sflag:s23] =	ssyncadd.s32 $0xFFFFC000  }
0x2b: {  	[spmem:s9] =	stream.linear.scatter [tilespmem:s22], [sflag:$0x3], $0x4000, $0x38;
	[tilespmem:$0x1E800] =	vst v63  }
0x2c: {  	_ =	swait.ge [sflag:s23], $0x4000  }
0x2d: {  	[sflag:s23] =	ssyncset.done $0x0  }
0x2e: {  	[sflag:s23] =	ssyncadd.s32 $0xFFFFC000  }
0x2f: {  	[spmem:s10] =	stream.linear.scatter [tilespmem:s22], [sflag:$0x3], $0x4000, $0x38;
	[tilespmem:$0x1E800] =	vst v63  }
0x30: {  	_ =	swait.ge [sflag:s23], $0x4000  }
0x31: {  	[sflag:s23] =	ssyncset.done $0x0  }
0x32: {  	[sflag:s23] =	ssyncadd.s32 $0xFFFFC000  }
0x33: {  	[spmem:s11] =	stream.linear.scatter [tilespmem:s22], [sflag:$0x3], $0x4000, $0x38;
	[tilespmem:$0x1E800] =	vst v63  }
0x34: {  	_ =	swait.ge [sflag:s23], $0x4000  }
0x35: {  	[sflag:s23] =	ssyncset.done $0x0  }
0x36: {  	[sflag:s23] =	ssyncadd.s32 $0xFFFFC000  }
0x37: {  	[spmem:s12] =	stream.linear.scatter [tilespmem:s22], [sflag:$0x3], $0x4000, $0x38;
	[tilespmem:$0x1E800] =	vst v63  }
0x38: {  	_ =	swait.ge [sflag:s23], $0x4000  }
0x39: {  	[sflag:s23] =	ssyncset.done $0x0  }
0x3a: {  	[sflag:s23] =	ssyncadd.s32 $0xFFFFC000  }
0x3b: {  	s0 =	simm.s32 $0x0;
	[bflag:$0x0] =	sbarrier.arrive $0xFFFF  }
0x3c: {  	[tilespmem:s24], [sflag:$0x3] =	stream.linear.gather [hbm4b:s6+s0], $0x1400, $0x38;
	[tilespmem:$0x1E800] =	vst v63  }
0x3d: {  	_ =	swait.ge [sflag:s23], $0x1400  }
0x3e: {  	[sflag:s23] =	ssyncset.done $0x0  }
0x3f: {  	s1 =	simm.s32 $0x15400;
	[sflag:s23] =	ssyncadd.s32 $0xFFFFEC00  }
0x40: {  	[tilespmem:s1], [sflag:$0x3] =	stream.linear.gather [hbm4b:s7+s0], $0x1400, $0x38;
	[tilespmem:$0x1E800] =	vst v63  }
0x41: {  	_ =	swait.ge [sflag:s23], $0x1400  }
0x42: {  	[sflag:s23] =	ssyncset.done $0x0  }
0x43: {  	[sflag:s23] =	ssyncadd.s32 $0xFFFFEC00  }
0x44: {  	[tilespmem:s22], [sflag:$0x1] =	stream.indirect.gather [hbm4b:s4+s26], $0x80, s24, s26, $0xb8;
	[tilespmem:$0x1E800] =	vst v63  }
0x45: {  	s1 =	simm.s32 $0x14080  }
0x46: {  	[tilespmem:s29], [sflag:$0x2] =	stream.indirect.gather [hbm4b:s4+s26], $0x80, s1, s26, $0xb8;
	[tilespmem:$0x1E800] =	vst v63  }
0x47: {  	_ =	swait.ge [sflag:s30], $0x4000  }
0x48: {  	[sflag:s30] =	ssyncset.done $0x0  }
0x49: {  	s1 =	simm.s32 $0x15400;
	[sflag:s30] =	ssyncadd.s32 $0xFFFFC000  }
0x4a: {  	[spmem:s2] =	stream.indirect.scatter.add.f32 [tilespmem:s22], [sflag:$0x3], $0x80, s1, s26, $0xb8;
	[tilespmem:$0x1E800] =	vst v63  }
0x4b: {  	_ =	swait.ge [sflag:s23], $0x4000  }
0x4c: {  	[sflag:s23] =	ssyncset.done $0x0  }
0x4d: {  	s1 =	simm.s32 $0x14100;
	[sflag:s23] =	ssyncadd.s32 $0xFFFFC000  }
0x4e: {  	[tilespmem:s22], [sflag:$0x1] =	stream.indirect.gather [hbm4b:s4+s26], $0x80, s1, s26, $0xb8;
	[tilespmem:$0x1E800] =	vst v63  }
0x4f: {  	_ =	swait.ge [sflag:s31], $0x4000  }
0x50: {  	[sflag:s31] =	ssyncset.done $0x0  }
0x51: {  	s1 =	simm.s32 $0x15480;
	[sflag:s31] =	ssyncadd.s32 $0xFFFFC000  }
0x52: {  	[spmem:s2] =	stream.indirect.scatter.add.f32 [tilespmem:s29], [sflag:$0x3], $0x80, s1, s26, $0xb8;
	[tilespmem:$0x1E800] =	vst v63  }
0x53: {  	_ =	swait.ge [sflag:s23], $0x4000  }
0x54: {  	[sflag:s23] =	ssyncset.done $0x0  }
0x55: {  	s28 =	simm.s32 $0x400;
	s0 =	simm.s32 $0x14180;
	[sflag:s23] =	ssyncadd.s32 $0xFFFFC000  }
.LBB2_4:
0x56: {  	[tilespmem:s29], [sflag:$0x2] =	stream.indirect.gather [hbm4b:s4+s26], $0x80, s0, s26, $0xb8;
	[tilespmem:$0x1E800] =	vst v63  }
0x57: {  	s0 =	smov.u32 s28  }
0x58: {  	p0 =	sne.s32 s28, $0x4800;
	s28 =	sadd.s32 $0x400, s28;
	_ =	swait.ge [sflag:s30], $0x4000  }
0x59: {  	s0 =	sshra.s32 s0, $0x2;
	[sflag:s30] =	ssyncset.done $0x0  }
0x5a: {  	s1 =	sadd.s32 $0x15400, s0;
	[sflag:s30] =	ssyncadd.s32 $0xFFFFC000  }
0x5b: {  	[spmem:s2] =	stream.indirect.scatter.add.f32 [tilespmem:s22], [sflag:$0x3], $0x80, s1, s26, $0xb8;
	[tilespmem:$0x1E800] =	vst v63  }
0x5c: {  	_ =	swait.ge [sflag:s23], $0x4000  }
0x5d: {  	[sflag:s23] =	ssyncset.done $0x0  }
0x5e: {  	s1 =	sadd.s32 $0x14100, s0;
	[sflag:s23] =	ssyncadd.s32 $0xFFFFC000  }
0x5f: {  	[tilespmem:s22], [sflag:$0x1] =	stream.indirect.gather [hbm4b:s4+s26], $0x80, s1, s26, $0xb8;
	[tilespmem:$0x1E800] =	vst v63  }
0x60: {  	_ =	swait.ge [sflag:s31], $0x4000  }
0x61: {  	[sflag:s31] =	ssyncset.done $0x0  }
.Ltmp1:
0x62: {  	s1 =	sadd.s32 $0x15480, s0;
	[sflag:s31] =	ssyncadd.s32 $0xFFFFC000;
	(pc) =	sbr.rel @p0 .LBB2_4-.Ltmp1, $4  }
0x63: {  	[spmem:s2] =	stream.indirect.scatter.add.f32 [tilespmem:s29], [sflag:$0x3], $0x80, s1, s26, $0xb8;
	[tilespmem:$0x1E800] =	vst v63  }
0x64: {  	_ =	swait.ge [sflag:s23], $0x4000  }
0x65: {  	[sflag:s23] =	ssyncset.done $0x0  }
0x66: {  	s0 =	sadd.s32 $0x14180, s0;
	[sflag:s23] =	ssyncadd.s32 $0xFFFFC000  }
0x67: {  	[tilespmem:s29], [sflag:$0x2] =	stream.indirect.gather [hbm4b:s4+s26], $0x80, s0, s26, $0xb8;
	[tilespmem:$0x1E800] =	vst v63  }
0x68: {  	_ =	swait.ge [sflag:s30], $0x4000  }
0x69: {  	[sflag:s30] =	ssyncset.done $0x0  }
0x6a: {  	s1 =	simm.s32 $0x16700;
	[sflag:s30] =	ssyncadd.s32 $0xFFFFC000  }
0x6b: {  	[spmem:s2] =	stream.indirect.scatter.add.f32 [tilespmem:s22], [sflag:$0x3], $0x80, s1, s26, $0xb8;
	[tilespmem:$0x1E800] =	vst v63  }
0x6c: {  	_ =	swait.ge [sflag:s23], $0x4000  }
0x6d: {  	[sflag:s23] =	ssyncset.done $0x0  }
0x6e: {  	[sflag:s23] =	ssyncadd.s32 $0xFFFFC000  }
0x6f: {  	_ =	swait.ge [sflag:s31], $0x4000  }
0x70: {  	[sflag:s31] =	ssyncset.done $0x0  }
0x71: {  	s28 =	simm.s32 $0x16780;
	[sflag:s31] =	ssyncadd.s32 $0xFFFFC000  }
0x72: {  	[spmem:s2] =	stream.indirect.scatter.add.f32 [tilespmem:s29], [sflag:$0x3], $0x80, s28, s26, $0xb8;
	[tilespmem:$0x1E800] =	vst v63  }
0x73: {  	_ =	swait.ge [sflag:s23], $0x4000  }
0x74: {  	[sflag:s23] =	ssyncset.done $0x0  }
0x75: {  	[sflag:s23] =	ssyncadd.s32 $0xFFFFC000  }
0x76: {  	[bflag:$0x0] =	sbarrier.arrive $0xFFFF  }
0x77: {  	[tilespmem:s22], [sflag:$0x3] =	stream.linear.gather [spmem:s5], $0x4000, $0x38;
	[tilespmem:$0x1E800] =	vst v63  }
0x78: {  	_ =	swait.ge [sflag:s23], $0x4000  }
0x79: {  	[sflag:s23] =	ssyncset.done $0x0  }
0x7a: {  	[sflag:s23] =	ssyncadd.s32 $0xFFFFC000  }
0x7b: {  	[hbm4b:s13+s3] =	stream.linear.scatter [tilespmem:s22], [sflag:$0x3], $0x4000, $0x38;
	[tilespmem:$0x1E800] =	vst v63  }
0x7c: {  	_ =	swait.ge [sflag:s23], $0x4000  }
0x7d: {  	[sflag:s23] =	ssyncset.done $0x0  }
0x7e: {  	[sflag:s23] =	ssyncadd.s32 $0xFFFFC000  }
0x7f: {  	[tilespmem:s22], [sflag:$0x3] =	stream.linear.gather [spmem:s14], $0x4000, $0x38;
	[tilespmem:$0x1E800] =	vst v63  }
0x80: {  	_ =	swait.ge [sflag:s23], $0x4000  }
0x81: {  	[sflag:s23] =	ssyncset.done $0x0  }
0x82: {  	[sflag:s23] =	ssyncadd.s32 $0xFFFFC000  }
0x83: {  	[hbm4b:s15+s3] =	stream.linear.scatter [tilespmem:s22], [sflag:$0x3], $0x4000, $0x38;
	[tilespmem:$0x1E800] =	vst v63  }
0x84: {  	_ =	swait.ge [sflag:s23], $0x4000  }
0x85: {  	[sflag:s23] =	ssyncset.done $0x0  }
0x86: {  	[sflag:s23] =	ssyncadd.s32 $0xFFFFC000  }
0x87: {  	[tilespmem:s22], [sflag:$0x3] =	stream.linear.gather [spmem:s16], $0x4000, $0x38;
	[tilespmem:$0x1E800] =	vst v63  }
0x88: {  	_ =	swait.ge [sflag:s23], $0x4000  }
0x89: {  	[sflag:s23] =	ssyncset.done $0x0  }
0x8a: {  	[sflag:s23] =	ssyncadd.s32 $0xFFFFC000  }
0x8b: {  	[hbm4b:s17+s3] =	stream.linear.scatter [tilespmem:s22], [sflag:$0x3], $0x4000, $0x38;
	[tilespmem:$0x1E800] =	vst v63  }
0x8c: {  	_ =	swait.ge [sflag:s23], $0x4000  }
0x8d: {  	[sflag:s23] =	ssyncset.done $0x0  }
0x8e: {  	[sflag:s23] =	ssyncadd.s32 $0xFFFFC000  }
0x8f: {  	[tilespmem:s22], [sflag:$0x3] =	stream.linear.gather [spmem:s18], $0x4000, $0x38;
	[tilespmem:$0x1E800] =	vst v63  }
0x90: {  	_ =	swait.ge [sflag:s23], $0x4000  }
0x91: {  	[sflag:s23] =	ssyncset.done $0x0  }
0x92: {  	[sflag:s23] =	ssyncadd.s32 $0xFFFFC000  }
0x93: {  	[hbm4b:s19+s3] =	stream.linear.scatter [tilespmem:s22], [sflag:$0x3], $0x4000, $0x38;
	[tilespmem:$0x1E800] =	vst v63  }
0x94: {  	_ =	swait.ge [sflag:s23], $0x4000  }
0x95: {  	[sflag:s23] =	ssyncset.done $0x0  }
0x96: {  	[sflag:s23] =	ssyncadd.s32 $0xFFFFC000  }
0x97: {  	[tilespmem:s22], [sflag:$0x3] =	stream.linear.gather [spmem:s20], $0x4000, $0x38;
	[tilespmem:$0x1E800] =	vst v63  }
0x98: {  	s25 =	sadd.s32 $0x1, s25;
	_ =	swait.ge [sflag:s23], $0x4000  }
0x99: {  	p0 =	sne.s32 s25, s8;
	[sflag:s23] =	ssyncset.done $0x0  }
.Ltmp2:
0x9a: {  	[sflag:s23] =	ssyncadd.s32 $0xFFFFC000;
	(pc) =	sbr.rel @p0 .LBB2_1-.Ltmp2, $4  }
0x9b: {  	[hbm4b:s21+s3] =	stream.linear.scatter [tilespmem:s22], [sflag:$0x3], $0x4000, $0x38;
	[tilespmem:$0x1E800] =	vst v63  }
0x9c: {  	_ =	swait.ge [sflag:s23], $0x4000  }
0x9d: {  	[sflag:s23] =	ssyncset.done $0x0  }
0x9e: {  	[sflag:s23] =	ssyncadd.s32 $0xFFFFC000  }
0x9f: {  	_ =	sfence.sel $0x180000  }
0xa0: {  	[bflag:$0x0] =	sbarrier.arrive $0xFFFF  }
0xa1: {  	_ =	strace $0x90000047  }
0xa2: {  	s0 =	stileid.u32;
	[bflag:$0x2] =	sbarrier.arrive $0xFFFF  }
0xa3: {  	p0 =	sne.s32 s0, $0x0;
	s0 =	rddreg [dreg:$0x3]  }
0xa4: {  	s0 =	sadd.s32 @!p0 $0x100000, s0  }
0xa5: {  	[sflag:s0] =	ssyncadd.tile.s32 @!p0 $0x1;
	_ =	shalt  }
.Lfunc_end2:
_tile_overlayer_lowered:
.L_overlay_start_2:
0xa6: {  	(tag) =	ssettag $0x2  }
0xa7: {  	s0 =	rddreg [dreg:$0x0];
	s2 =	stileid.u32  }
0xa8: {  	s1 =	rddreg [dreg:$0x1];
	p0 =	sne.s32 s2, $0x0  }
0xa9: {  	s3 =	rddreg [dreg:$0x2];
	[bflag:$0x3] =	sbarrier.arrive $0xFFFF;
	s2 =	simm.s32 @!p0 $0x1C03  }
0xaa: {  	[timem:s3], [sflag:s2] =	dma.local @!p0 [hbm:s0], s1  }
0xab: {  	s0 =	simm.s32 @!p0 $0x3  }
0xac: {  	_ =	swait.ge @!p0 [sflag:s0], s1  }
0xad: {  	s1 =	ssub.s32 @!p0 $0x0, s1;
	[sflag:s0] =	ssyncset.done @!p0 $0x0  }
0xae: {  	[sflag:s0] =	ssyncadd.s32 @!p0 s1  }
0xaf: {  	[bflag:$0x3] =	sbarrier.arrive $0xFFFF  }
0xb0: {  	_ =	shalt  }

</sc_bundles>
